<compile_context>
chip_gen: v7x
topology: tpu7x:2x2x1
jax: 0.10.2.dev20260603
libtpu: 0.0.44.dev20260713+nightly
codegen_flags: <defaults>
</compile_context>

<pallas_src>
import functools

import jax
import jax.numpy as jnp
from jax import lax
from jax.experimental import pallas as pl
from jax.experimental.pallas import tpu as pltpu
from jax.experimental.pallas import tpu_sc as plsc

N = 10000
E = 160000
HEADS = 8
HID = 64
FD = HEADS * HID
NCLS = 10

NC, NS, L = 2, 16, 16
EPT = E // NS
HALF = N // NC
NPAD = N + L
BB = 64
EB = 400
LCAP = EPT + BB
TW = 128
AW = TW + FD



def _proj_body(relu_bias, x_ref, w_ref, b_ref, ta_ref, ft_ref, t_ref):
    x = x_ref[...]
    if relu_bias:
        x = jnp.maximum(x + b_ref[...], 0.0)
    ft = jnp.dot(x, w_ref[...], preferred_element_type=jnp.float32,
                 precision=lax.Precision.HIGHEST)
    ft_ref[...] = ft
    t_ref[...] = jnp.dot(ft, ta_ref[...], preferred_element_type=jnp.float32,
                 precision=lax.Precision.HIGHEST)


def _proj(x, w, b, ta, relu_bias):
    rows = 200
    k = x.shape[1]
    return pl.pallas_call(
        functools.partial(_proj_body, relu_bias),
        grid=(N // rows,),
        in_specs=[
            pl.BlockSpec((rows, k), lambda i: (i, 0)),
            pl.BlockSpec((k, FD), lambda i: (0, 0)),
            pl.BlockSpec((1, k), lambda i: (0, 0)),
            pl.BlockSpec((FD, TW), lambda i: (0, 0)),
        ],
        out_specs=[
            pl.BlockSpec((rows, FD), lambda i: (i, 0)),
            pl.BlockSpec((rows, TW), lambda i: (i, 0)),
        ],
        out_shape=[
            jax.ShapeDtypeStruct((N, FD), jnp.float32),
            jax.ShapeDtypeStruct((N, TW), jnp.float32),
        ],
    )(x, w, b, ta)


def _den(a, srep_ref):
    den = jnp.dot(a[:, :L], srep_ref[...], preferred_element_type=jnp.float32,
                  precision=lax.Precision.HIGHEST) + 1e-9
    return a[:, TW:] / den


def _proj2_body(x_ref, w_ref, b_ref, ta_ref, srep_ref, ft_ref, t_ref,
                sum_ref):
    j = pl.program_id(1)

    @pl.when(j == 0)
    def _():
        sum_ref[...] = x_ref[0]

    @pl.when(j > 0)
    def _():
        sum_ref[...] += x_ref[0]

    @pl.when(j == pl.num_programs(1) - 1)
    def _():
        x = jnp.maximum(_den(sum_ref[...], srep_ref) + b_ref[...], 0.0)
        ft = jnp.dot(x, w_ref[...], preferred_element_type=jnp.float32,
                     precision=lax.Precision.HIGHEST)
        ft_ref[...] = ft
        t_ref[...] = jnp.dot(ft, ta_ref[...],
                             preferred_element_type=jnp.float32,
                             precision=lax.Precision.HIGHEST)


def _proj2(acc, w, b, ta, srep):
    rows = 200
    return pl.pallas_call(
        _proj2_body,
        grid=(N // rows, NS),
        in_specs=[
            pl.BlockSpec((1, rows, AW), lambda i, j: (j, i, 0)),
            pl.BlockSpec((FD, FD), lambda i, j: (0, 0)),
            pl.BlockSpec((1, FD), lambda i, j: (0, 0)),
            pl.BlockSpec((FD, TW), lambda i, j: (0, 0)),
            pl.BlockSpec((L, FD), lambda i, j: (0, 0)),
        ],
        out_specs=[
            pl.BlockSpec((rows, FD), lambda i, j: (i, 0)),
            pl.BlockSpec((rows, TW), lambda i, j: (i, 0)),
        ],
        out_shape=[
            jax.ShapeDtypeStruct((N, FD), jnp.float32),
            jax.ShapeDtypeStruct((N, TW), jnp.float32),
        ],
        scratch_shapes=[pltpu.VMEM((rows, AW), jnp.float32)],
    )(acc, w, b, ta, srep)


def _pool_body(g_ref, srep_ref, b_ref, wc_ref, bc_ref, out_ref, acc_ref,
               sum_ref):
    i = pl.program_id(0)
    j = pl.program_id(1)

    @pl.when(i == 0)
    def _():
        acc_ref[...] = jnp.where(j == 0, jnp.zeros_like(acc_ref),
                                 acc_ref[...])

    @pl.when(j == 0)
    def _():
        sum_ref[...] = g_ref[0]

    @pl.when(j > 0)
    def _():
        sum_ref[...] += g_ref[0]

    @pl.when(j == pl.num_programs(1) - 1)
    def _():
        y = jnp.maximum(_den(sum_ref[...], srep_ref) + b_ref[...], 0.0)
        acc_ref[...] += jnp.sum(y, axis=0, keepdims=True)

    @pl.when((i == pl.num_programs(0) - 1) & (j == pl.num_programs(1) - 1))
    def _():
        pooled = acc_ref[...] * (1.0 / N)
        logits = jnp.dot(pooled, wc_ref[...],
                         preferred_element_type=jnp.float32,
                 precision=lax.Precision.HIGHEST) + bc_ref[...]
        m = jnp.max(logits, axis=1, keepdims=True)
        z = logits - m
        out_ref[...] = z - jnp.log(jnp.sum(jnp.exp(z), axis=1, keepdims=True))


def _pool(g, srep, b, wc, bc):
    rows = 200
    return pl.pallas_call(
        _pool_body,
        grid=(N // rows, NS),
        in_specs=[
            pl.BlockSpec((1, rows, AW), lambda i, j: (j, i, 0)),
            pl.BlockSpec((L, FD), lambda i, j: (0, 0)),
            pl.BlockSpec((1, FD), lambda i, j: (0, 0)),
            pl.BlockSpec((FD, NCLS), lambda i, j: (0, 0)),
            pl.BlockSpec((1, NCLS), lambda i, j: (0, 0)),
        ],
        out_specs=pl.BlockSpec((1, NCLS), lambda i, j: (0, 0)),
        out_shape=jax.ShapeDtypeStruct((1, NCLS), jnp.float32),
        scratch_shapes=[pltpu.VMEM((1, FD), jnp.float32),
                        pltpu.VMEM((rows, AW), jnp.float32)],
    )(g, srep, b, wc, bc)





_GDIMS = lax.GatherDimensionNumbers(
    offset_dims=(), collapsed_slice_dims=(0,), start_index_map=(0,))


def _bcast_lane(v, h):
    idx = jnp.full((L, 1), h, jnp.int32)
    return lax.gather(v, idx, _GDIMS, (1,),
                      mode=lax.GatherScatterMode.PROMISE_IN_BOUNDS)


def _sc_msg_body(src_hbm, dst_hbm, t_hbm, ft_hbm, acc_hbm,
                 sblk, dblk, plist, srcbuf, dstbuf, dloc,
                 eltb, ertb, ftg, ftb, sem):
    c = lax.axis_index("c")
    s = lax.axis_index("s")
    base0 = c * HALF
    lanes = lax.iota(jnp.int32, L)
    zero16 = jnp.zeros((L,), jnp.float32)
    ebase = s * EPT

    def _fz(r, _):
        for q in range(AW // L):
            ftb[r, pl.ds(q * L, L)] = zero16
        return 0
    lax.fori_loop(0, BB, _fz, 0)

    myacc = acc_hbm.at[s]

    def _az(t, _):
        pltpu.sync_copy(ftb, myacc.at[pl.ds(base0 + t * BB, BB)])
        return 0
    lax.fori_loop(0, HALF // BB, _az, 0)
    @pl.when(c == NC - 1)
    def _():
        pltpu.sync_copy(ftb.at[pl.ds(0, L)], myacc.at[pl.ds(N, L)])

    def _p0(b, carry):
        pltpu.sync_copy(src_hbm.at[pl.ds(ebase + b * EB, EB)], sblk)
        pltpu.sync_copy(dst_hbm.at[pl.ds(ebase + b * EB, EB)], dblk)

        def inner(j, cnt):
            s16 = sblk[pl.ds(j * L, L)]
            d16 = dblk[pl.ds(j * L, L)]
            packed = (d16 << 14) | s16
            mk = (d16 >= base0) & (d16 < base0 + HALF)
            key = jnp.where(mk, lanes, lanes + L)
            _, vs = plsc.sort_key_val(key, packed)
            plist[pl.ds(cnt, L)] = vs
            return cnt + plsc.all_reduce_population_count(mk)[0]
        return lax.fori_loop(0, EB // L, inner, carry)

    cnt = lax.fori_loop(0, EPT // EB, _p0, jnp.int32(0))

    padv = (lanes + N) << 14
    for t in range(BB // L):
        plist[pl.ds(cnt + t * L, L)] = padv

    plsc.subcore_barrier()

    def _p1(b, _):
        off = b * BB
        for t in range(BB // L):
            v = plist[pl.ds(off + t * L, L)]
            sl = pl.ds(t * L, L)
            d = v >> 14
            srcbuf[sl] = v & 16383
            dstbuf[sl] = jnp.minimum(d, N - 1)
            dloc[sl] = d
        pltpu.async_copy(t_hbm.at[srcbuf], eltb, sem).wait()
        pltpu.async_copy(t_hbm.at[dstbuf], ertb, sem).wait()
        pltpu.async_copy(ft_hbm.at[srcbuf], ftg, sem).wait()

        def _scale(j, _):
            x = eltb[j, pl.ds(0, L)] + ertb[j, pl.ds(L, L)]
            p = jnp.exp(jnp.maximum(x, 0.2 * x))
            ftb[j, pl.ds(0, L)] = p
            for h in range(HEADS):
                ph = _bcast_lane(p, h)
                for q in range(HID // L):
                    sl = pl.ds(h * HID + q * L, L)
                    ftb[j, pl.ds(TW + h * HID + q * L, L)] = ftg[j, sl] * ph
            return 0
        lax.fori_loop(0, BB, _scale, 0)
        pltpu.sync_copy(ftb, myacc.at[dloc], add=True)
        return 0

    lax.fori_loop(0, (cnt + BB - 1) >> 6, _p1, 0)
    plsc.subcore_barrier()


_sc_msg_raw = functools.partial(
    pl.kernel,
    _sc_msg_body,
    out_type=jax.ShapeDtypeStruct((NS, NPAD, AW), jnp.float32),
    mesh=plsc.VectorSubcoreMesh(core_axis_name="c", subcore_axis_name="s",
                                num_cores=NC, num_subcores=NS),
    compiler_params=pltpu.CompilerParams(needs_layout_passes=False),
    scratch_types=[
        pltpu.VMEM((EB,), jnp.int32),
        pltpu.VMEM((EB,), jnp.int32),
        pltpu.VMEM((LCAP,), jnp.int32),
        pltpu.VMEM((BB,), jnp.int32),
        pltpu.VMEM((BB,), jnp.int32),
        pltpu.VMEM((BB,), jnp.int32),
        pltpu.VMEM((BB, TW), jnp.float32),
        pltpu.VMEM((BB, TW), jnp.float32),
        pltpu.VMEM((BB, FD), jnp.float32),
        pltpu.VMEM((BB, AW), jnp.float32),
        pltpu.SemaphoreType.DMA,
    ],
)()


def _sc_msg(src, dst, t, ft):
    return _sc_msg_raw(src, dst, t, ft)[:, :N]


def _att_table(al, ar):
    rows = jnp.arange(FD)
    cols = rows // HID
    bl = jnp.zeros((FD, HEADS), jnp.float32).at[rows, cols].set(al.reshape(-1))
    br = jnp.zeros((FD, HEADS), jnp.float32).at[rows, cols].set(ar.reshape(-1))
    return jnp.concatenate(
        [bl, bl, br, br, jnp.zeros((FD, TW - 4 * HEADS), jnp.float32)], axis=1)


def kernel(h, edge_index, W1, al1, ar1, b1, W2, al2, ar2, b2, Wc, bc):
    src = edge_index[0].astype(jnp.int32)
    dst = edge_index[1].astype(jnp.int32)
    zb = jnp.zeros((1, h.shape[1]), jnp.float32)
    srep = jnp.zeros((L, FD), jnp.float32).at[
        jnp.arange(FD) // HID, jnp.arange(FD)].set(1.0)

    ft1, t1 = _proj(h, W1, zb, _att_table(al1, ar1), relu_bias=False)
    acc1 = _sc_msg(src, dst, t1, ft1)[:N]
    ft2, t2 = _proj2(acc1, W2, b1.reshape(1, FD), _att_table(al2, ar2), srep)
    acc2 = _sc_msg(src, dst, t2, ft2)[:N]
    return _pool(acc2, srep, b2.reshape(1, FD), Wc, bc.reshape(1, NCLS))

# --- scband reference (transcript-rebuilt; emitter-appended) ---
"""Pipeline reference for scband-classifier-3702261809912 (READ-ONLY COPY).

The authoritative reference and input builder live on the scoring server;
editing this copy changes nothing except your own understanding.
"""

import jax, jax.numpy as jnp
import numpy as np

N_NODES = 10000
N_EDGES = 160000
IN_DIM = 256
HID = 64
HEADS = 8
N_CLASSES = 10


def setup_inputs(seed: int = 0) -> dict:
    key = jax.random.key(seed)
    ks = jax.random.split(key, 16)
    h = jax.random.normal(ks[0], (N_NODES, IN_DIM), dtype=jnp.float32)
    edge_index = jax.random.randint(ks[1], (2, N_EDGES), 0, N_NODES, dtype=jnp.int64)
    s1 = 1.0 / np.sqrt(IN_DIM)
    W1 = jax.random.uniform(ks[2], (IN_DIM, HEADS * HID), dtype=jnp.float32, minval=-s1, maxval=s1)
    al1 = jax.random.normal(ks[3], (HEADS, HID), dtype=jnp.float32) * 0.1
    ar1 = jax.random.normal(ks[4], (HEADS, HID), dtype=jnp.float32) * 0.1
    b1 = jnp.zeros((HEADS * HID,), dtype=jnp.float32)
    in2 = HEADS * HID
    s2 = 1.0 / np.sqrt(in2)
    W2 = jax.random.uniform(ks[5], (in2, HEADS * HID), dtype=jnp.float32, minval=-s2, maxval=s2)
    al2 = jax.random.normal(ks[6], (HEADS, HID), dtype=jnp.float32) * 0.1
    ar2 = jax.random.normal(ks[7], (HEADS, HID), dtype=jnp.float32) * 0.1
    b2 = jnp.zeros((HEADS * HID,), dtype=jnp.float32)
    sc = 1.0 / np.sqrt(in2)
    Wc = jax.random.uniform(ks[8], (in2, N_CLASSES), dtype=jnp.float32, minval=-sc, maxval=sc)
    bc = jnp.zeros((N_CLASSES,), dtype=jnp.float32)
    return {"h": h, "edge_index": edge_index, "W1": W1, "al1": al1, "ar1": ar1, "b1": b1,
            "W2": W2, "al2": al2, "ar2": ar2, "b2": b2, "Wc": Wc, "bc": bc}


def _gat_conv(x, src, dst, W, al, ar, b, n_nodes):
    H, D = al.shape
    ft = (x @ W).reshape(n_nodes, H, D)
    el = jnp.sum(ft * al[None, :, :], axis=-1)  # [N, H]
    er = jnp.sum(ft * ar[None, :, :], axis=-1)  # [N, H]
    e = el[src] + er[dst]                        # [E, H]
    e = jax.nn.leaky_relu(e, negative_slope=0.2)
    emax = jax.ops.segment_max(e, dst, num_segments=n_nodes)
    e = jnp.exp(e - emax[dst])
    esum = jax.ops.segment_sum(e, dst, num_segments=n_nodes)
    alpha = e / (esum[dst] + 1e-9)               # [E, H]
    msg = ft[src] * alpha[:, :, None]            # [E, H, D]
    out = jax.ops.segment_sum(msg, dst, num_segments=n_nodes)  # [N, H, D]
    return out + b.reshape(1, H, D)


def reference(h, edge_index, W1, al1, ar1, b1, W2, al2, ar2, b2, Wc, bc):
    n_nodes = h.shape[0]
    src = edge_index[0]
    dst = edge_index[1]
    x = _gat_conv(h, src, dst, W1, al1, ar1, b1, n_nodes)
    x = jax.nn.relu(x).reshape(n_nodes, -1)
    x = _gat_conv(x, src, dst, W2, al2, ar2, b2, n_nodes)
    x = jax.nn.relu(x).reshape(n_nodes, -1)
    pooled = jnp.mean(x, axis=0, keepdims=True)  # AvgPooling over single graph
    logits = pooled @ Wc + bc
    return jax.nn.log_softmax(logits, axis=1)

if __name__ == "__main__":
    import jax
    _d = setup_inputs()
    print(jax.jit(kernel)(*tuple(_d.values())))

</pallas_src>

<mosaic_0001>
#map = affine_map<(d0, d1) -> (0)>
#map1 = affine_map<(d0, d1) -> (0, 0)>
#map2 = affine_map<(d0, d1) -> (0, 0, 0)>
module attributes {stable_mosaic.version = 14 : i64} {
  func.func @_sc_msg_body(%arg0: i32, %arg1: i32, %arg2: memref<160000xi32, #tpu.memory_space<hbm>>, %arg3: memref<160000xi32, #tpu.memory_space<hbm>>, %arg4: memref<10000x128xf32, #tpu.memory_space<hbm>>, %arg5: memref<10000x512xf32, #tpu.memory_space<hbm>>, %arg6: memref<16x10016x640xf32, #tpu.memory_space<hbm>>, %arg7: memref<400xi32, #tpu.memory_space<vmem>>, %arg8: memref<400xi32, #tpu.memory_space<vmem>>, %arg9: memref<10064xi32, #tpu.memory_space<vmem>>, %arg10: memref<64xi32, #tpu.memory_space<vmem>>, %arg11: memref<64xi32, #tpu.memory_space<vmem>>, %arg12: memref<64xi32, #tpu.memory_space<vmem>>, %arg13: memref<64x128xf32, #tpu.memory_space<vmem>>, %arg14: memref<64x128xf32, #tpu.memory_space<vmem>>, %arg15: memref<64x512xf32, #tpu.memory_space<vmem>>, %arg16: memref<64x640xf32, #tpu.memory_space<vmem>>, %arg17: memref<!tpu.dma_semaphore, #tpu.memory_space<semaphore_mem>>) attributes {dimension_semantics = [#tpu.dimension_semantics<core_parallel>, #tpu.dimension_semantics<subcore_parallel>], iteration_bounds = array<i64: 2, 16>, scalar_prefetch = 0 : i64, scratch_operands = 11 : i64, tpu.core_type = #tpu.core_type<sc_vector_subcore>, window_params = [{transform_indices = #map}, {transform_indices = #map}, {transform_indices = #map1}, {transform_indices = #map1}, {transform_indices = #map2}]} {
    %mul3A = arith.constant 5000 : i32
    %mul3A_0 = arith.muli %arg0, %mul3A : i32
    %iota3A = tpu.iota {dimensions = array<i32: 0>} : vector<16xi32>
    %broadcast_in_dim3A = arith.constant 0.000000e+00 : f32
    %broadcast_in_dim3A_1 = vector.broadcast %broadcast_in_dim3A : f32 to vector<16xf32>
    %mul3A_2 = arith.constant 10000 : i32
    %mul3A_3 = arith.muli %arg1, %mul3A_2 : i32
    %scan3A = arith.constant 0 : i32
    %scan3A_4 = arith.constant 0 : i32
    %scan3A_5 = arith.constant 64 : i32
    %scan3A_6 = arith.addi %scan3A_4, %scan3A_5 : i32
    %scan3A_7 = arith.constant 1 : i32
    %scan3A_8 = scf.for %scan3A_61 = %scan3A_4 to %scan3A_6 step %scan3A_7 iter_args(%scan3A_62 = %scan3A) -> (i32)  : i32 {
      %swap3A_63 = arith.index_cast %scan3A_61 : i32 to index
      %swap3A_64 = arith.constant 0 : index
      %swap3A_65 = tpu.vector_load %arg16[%swap3A_63, %swap3A_64] {strides = array<i32>} : memref<64x640xf32, #tpu.memory_space<vmem>>, vector<16xf32>,
      tpu.vector_store %arg16[%swap3A_63, %swap3A_64], %broadcast_in_dim3A_1 {strides = array<i32>} : memref<64x640xf32, #tpu.memory_space<vmem>>, vector<16xf32>,
      %swap3A_66 = arith.index_cast %scan3A_61 : i32 to index
      %swap3A_67 = arith.constant 16 : index
      %swap3A_68 = tpu.vector_load %arg16[%swap3A_66, %swap3A_67] {strides = array<i32>} : memref<64x640xf32, #tpu.memory_space<vmem>>, vector<16xf32>,
      tpu.vector_store %arg16[%swap3A_66, %swap3A_67], %broadcast_in_dim3A_1 {strides = array<i32>} : memref<64x640xf32, #tpu.memory_space<vmem>>, vector<16xf32>,
      %swap3A_69 = arith.index_cast %scan3A_61 : i32 to index
      %swap3A_70 = arith.constant 32 : index
      %swap3A_71 = tpu.vector_load %arg16[%swap3A_69, %swap3A_70] {strides = array<i32>} : memref<64x640xf32, #tpu.memory_space<vmem>>, vector<16xf32>,
      tpu.vector_store %arg16[%swap3A_69, %swap3A_70], %broadcast_in_dim3A_1 {strides = array<i32>} : memref<64x640xf32, #tpu.memory_space<vmem>>, vector<16xf32>,
      %swap3A_72 = arith.index_cast %scan3A_61 : i32 to index
      %swap3A_73 = arith.constant 48 : index
      %swap3A_74 = tpu.vector_load %arg16[%swap3A_72, %swap3A_73] {strides = array<i32>} : memref<64x640xf32, #tpu.memory_space<vmem>>, vector<16xf32>,
      tpu.vector_store %arg16[%swap3A_72, %swap3A_73], %broadcast_in_dim3A_1 {strides = array<i32>} : memref<64x640xf32, #tpu.memory_space<vmem>>, vector<16xf32>,
      %swap3A_75 = arith.index_cast %scan3A_61 : i32 to index
      %swap3A_76 = arith.constant 64 : index
      %swap3A_77 = tpu.vector_load %arg16[%swap3A_75, %swap3A_76] {strides = array<i32>} : memref<64x640xf32, #tpu.memory_space<vmem>>, vector<16xf32>,
      tpu.vector_store %arg16[%swap3A_75, %swap3A_76], %broadcast_in_dim3A_1 {strides = array<i32>} : memref<64x640xf32, #tpu.memory_space<vmem>>, vector<16xf32>,
      %swap3A_78 = arith.index_cast %scan3A_61 : i32 to index
      %swap3A_79 = arith.constant 80 : index
      %swap3A_80 = tpu.vector_load %arg16[%swap3A_78, %swap3A_79] {strides = array<i32>} : memref<64x640xf32, #tpu.memory_space<vmem>>, vector<16xf32>,
      tpu.vector_store %arg16[%swap3A_78, %swap3A_79], %broadcast_in_dim3A_1 {strides = array<i32>} : memref<64x640xf32, #tpu.memory_space<vmem>>, vector<16xf32>,
      %swap3A_81 = arith.index_cast %scan3A_61 : i32 to index
      %swap3A_82 = arith.constant 96 : index
      %swap3A_83 = tpu.vector_load %arg16[%swap3A_81, %swap3A_82] {strides = array<i32>} : memref<64x640xf32, #tpu.memory_space<vmem>>, vector<16xf32>,
      tpu.vector_store %arg16[%swap3A_81, %swap3A_82], %broadcast_in_dim3A_1 {strides = array<i32>} : memref<64x640xf32, #tpu.memory_space<vmem>>, vector<16xf32>,
      %swap3A_84 = arith.index_cast %scan3A_61 : i32 to index
      %swap3A_85 = arith.constant 112 : index
      %swap3A_86 = tpu.vector_load %arg16[%swap3A_84, %swap3A_85] {strides = array<i32>} : memref<64x640xf32, #tpu.memory_space<vmem>>, vector<16xf32>,
      tpu.vector_store %arg16[%swap3A_84, %swap3A_85], %broadcast_in_dim3A_1 {strides = array<i32>} : memref<64x640xf32, #tpu.memory_space<vmem>>, vector<16xf32>,
      %swap3A_87 = arith.index_cast %scan3A_61 : i32 to index
      %swap3A_88 = arith.constant 128 : index
      %swap3A_89 = tpu.vector_load %arg16[%swap3A_87, %swap3A_88] {strides = array<i32>} : memref<64x640xf32, #tpu.memory_space<vmem>>, vector<16xf32>,
      tpu.vector_store %arg16[%swap3A_87, %swap3A_88], %broadcast_in_dim3A_1 {strides = array<i32>} : memref<64x640xf32, #tpu.memory_space<vmem>>, vector<16xf32>,
      %swap3A_90 = arith.index_cast %scan3A_61 : i32 to index
      %swap3A_91 = arith.constant 144 : index
      %swap3A_92 = tpu.vector_load %arg16[%swap3A_90, %swap3A_91] {strides = array<i32>} : memref<64x640xf32, #tpu.memory_space<vmem>>, vector<16xf32>,
      tpu.vector_store %arg16[%swap3A_90, %swap3A_91], %broadcast_in_dim3A_1 {strides = array<i32>} : memref<64x640xf32, #tpu.memory_space<vmem>>, vector<16xf32>,
      %swap3A_93 = arith.index_cast %scan3A_61 : i32 to index
      %swap3A_94 = arith.constant 160 : index
      %swap3A_95 = tpu.vector_load %arg16[%swap3A_93, %swap3A_94] {strides = array<i32>} : memref<64x640xf32, #tpu.memory_space<vmem>>, vector<16xf32>,
      tpu.vector_store %arg16[%swap3A_93, %swap3A_94], %broadcast_in_dim3A_1 {strides = array<i32>} : memref<64x640xf32, #tpu.memory_space<vmem>>, vector<16xf32>,
      %swap3A_96 = arith.index_cast %scan3A_61 : i32 to index
      %swap3A_97 = arith.constant 176 : index
      %swap3A_98 = tpu.vector_load %arg16[%swap3A_96, %swap3A_97] {strides = array<i32>} : memref<64x640xf32, #tpu.memory_space<vmem>>, vector<16xf32>,
      tpu.vector_store %arg16[%swap3A_96, %swap3A_97], %broadcast_in_dim3A_1 {strides = array<i32>} : memref<64x640xf32, #tpu.memory_space<vmem>>, vector<16xf32>,
      %swap3A_99 = arith.index_cast %scan3A_61 : i32 to index
      %swap3A_100 = arith.constant 192 : index
      %swap3A_101 = tpu.vector_load %arg16[%swap3A_99, %swap3A_100] {strides = array<i32>} : memref<64x640xf32, #tpu.memory_space<vmem>>, vector<16xf32>,
      tpu.vector_store %arg16[%swap3A_99, %swap3A_100], %broadcast_in_dim3A_1 {strides = array<i32>} : memref<64x640xf32, #tpu.memory_space<vmem>>, vector<16xf32>,
      %swap3A_102 = arith.index_cast %scan3A_61 : i32 to index
      %swap3A_103 = arith.constant 208 : index
      %swap3A_104 = tpu.vector_load %arg16[%swap3A_102, %swap3A_103] {strides = array<i32>} : memref<64x640xf32, #tpu.memory_space<vmem>>, vector<16xf32>,
      tpu.vector_store %arg16[%swap3A_102, %swap3A_103], %broadcast_in_dim3A_1 {strides = array<i32>} : memref<64x640xf32, #tpu.memory_space<vmem>>, vector<16xf32>,
      %swap3A_105 = arith.index_cast %scan3A_61 : i32 to index
      %swap3A_106 = arith.constant 224 : index
      %swap3A_107 = tpu.vector_load %arg16[%swap3A_105, %swap3A_106] {strides = array<i32>} : memref<64x640xf32, #tpu.memory_space<vmem>>, vector<16xf32>,
      tpu.vector_store %arg16[%swap3A_105, %swap3A_106], %broadcast_in_dim3A_1 {strides = array<i32>} : memref<64x640xf32, #tpu.memory_space<vmem>>, vector<16xf32>,
      %swap3A_108 = arith.index_cast %scan3A_61 : i32 to index
      %swap3A_109 = arith.constant 240 : index
      %swap3A_110 = tpu.vector_load %arg16[%swap3A_108, %swap3A_109] {strides = array<i32>} : memref<64x640xf32, #tpu.memory_space<vmem>>, vector<16xf32>,
      tpu.vector_store %arg16[%swap3A_108, %swap3A_109], %broadcast_in_dim3A_1 {strides = array<i32>} : memref<64x640xf32, #tpu.memory_space<vmem>>, vector<16xf32>,
      %swap3A_111 = arith.index_cast %scan3A_61 : i32 to index
      %swap3A_112 = arith.constant 256 : index
      %swap3A_113 = tpu.vector_load %arg16[%swap3A_111, %swap3A_112] {strides = array<i32>} : memref<64x640xf32, #tpu.memory_space<vmem>>, vector<16xf32>,
      tpu.vector_store %arg16[%swap3A_111, %swap3A_112], %broadcast_in_dim3A_1 {strides = array<i32>} : memref<64x640xf32, #tpu.memory_space<vmem>>, vector<16xf32>,
      %swap3A_114 = arith.index_cast %scan3A_61 : i32 to index
      %swap3A_115 = arith.constant 272 : index
      %swap3A_116 = tpu.vector_load %arg16[%swap3A_114, %swap3A_115] {strides = array<i32>} : memref<64x640xf32, #tpu.memory_space<vmem>>, vector<16xf32>,
      tpu.vector_store %arg16[%swap3A_114, %swap3A_115], %broadcast_in_dim3A_1 {strides = array<i32>} : memref<64x640xf32, #tpu.memory_space<vmem>>, vector<16xf32>,
      %swap3A_117 = arith.index_cast %scan3A_61 : i32 to index
      %swap3A_118 = arith.constant 288 : index
      %swap3A_119 = tpu.vector_load %arg16[%swap3A_117, %swap3A_118] {strides = array<i32>} : memref<64x640xf32, #tpu.memory_space<vmem>>, vector<16xf32>,
      tpu.vector_store %arg16[%swap3A_117, %swap3A_118], %broadcast_in_dim3A_1 {strides = array<i32>} : memref<64x640xf32, #tpu.memory_space<vmem>>, vector<16xf32>,
      %swap3A_120 = arith.index_cast %scan3A_61 : i32 to index
      %swap3A_121 = arith.constant 304 : index
      %swap3A_122 = tpu.vector_load %arg16[%swap3A_120, %swap3A_121] {strides = array<i32>} : memref<64x640xf32, #tpu.memory_space<vmem>>, vector<16xf32>,
      tpu.vector_store %arg16[%swap3A_120, %swap3A_121], %broadcast_in_dim3A_1 {strides = array<i32>} : memref<64x640xf32, #tpu.memory_space<vmem>>, vector<16xf32>,
      %swap3A_123 = arith.index_cast %scan3A_61 : i32 to index
      %swap3A_124 = arith.constant 320 : index
      %swap3A_125 = tpu.vector_load %arg16[%swap3A_123, %swap3A_124] {strides = array<i32>} : memref<64x640xf32, #tpu.memory_space<vmem>>, vector<16xf32>,
      tpu.vector_store %arg16[%swap3A_123, %swap3A_124], %broadcast_in_dim3A_1 {strides = array<i32>} : memref<64x640xf32, #tpu.memory_space<vmem>>, vector<16xf32>,
      %swap3A_126 = arith.index_cast %scan3A_61 : i32 to index
      %swap3A_127 = arith.constant 336 : index
      %swap3A_128 = tpu.vector_load %arg16[%swap3A_126, %swap3A_127] {strides = array<i32>} : memref<64x640xf32, #tpu.memory_space<vmem>>, vector<16xf32>,
      tpu.vector_store %arg16[%swap3A_126, %swap3A_127], %broadcast_in_dim3A_1 {strides = array<i32>} : memref<64x640xf32, #tpu.memory_space<vmem>>, vector<16xf32>,
      %swap3A_129 = arith.index_cast %scan3A_61 : i32 to index
      %swap3A_130 = arith.constant 352 : index
      %swap3A_131 = tpu.vector_load %arg16[%swap3A_129, %swap3A_130] {strides = array<i32>} : memref<64x640xf32, #tpu.memory_space<vmem>>, vector<16xf32>,
      tpu.vector_store %arg16[%swap3A_129, %swap3A_130], %broadcast_in_dim3A_1 {strides = array<i32>} : memref<64x640xf32, #tpu.memory_space<vmem>>, vector<16xf32>,
      %swap3A_132 = arith.index_cast %scan3A_61 : i32 to index
      %swap3A_133 = arith.constant 368 : index
      %swap3A_134 = tpu.vector_load %arg16[%swap3A_132, %swap3A_133] {strides = array<i32>} : memref<64x640xf32, #tpu.memory_space<vmem>>, vector<16xf32>,
      tpu.vector_store %arg16[%swap3A_132, %swap3A_133], %broadcast_in_dim3A_1 {strides = array<i32>} : memref<64x640xf32, #tpu.memory_space<vmem>>, vector<16xf32>,
      %swap3A_135 = arith.index_cast %scan3A_61 : i32 to index
      %swap3A_136 = arith.constant 384 : index
      %swap3A_137 = tpu.vector_load %arg16[%swap3A_135, %swap3A_136] {strides = array<i32>} : memref<64x640xf32, #tpu.memory_space<vmem>>, vector<16xf32>,
      tpu.vector_store %arg16[%swap3A_135, %swap3A_136], %broadcast_in_dim3A_1 {strides = array<i32>} : memref<64x640xf32, #tpu.memory_space<vmem>>, vector<16xf32>,
      %swap3A_138 = arith.index_cast %scan3A_61 : i32 to index
      %swap3A_139 = arith.constant 400 : index
      %swap3A_140 = tpu.vector_load %arg16[%swap3A_138, %swap3A_139] {strides = array<i32>} : memref<64x640xf32, #tpu.memory_space<vmem>>, vector<16xf32>,
      tpu.vector_store %arg16[%swap3A_138, %swap3A_139], %broadcast_in_dim3A_1 {strides = array<i32>} : memref<64x640xf32, #tpu.memory_space<vmem>>, vector<16xf32>,
      %swap3A_141 = arith.index_cast %scan3A_61 : i32 to index
      %swap3A_142 = arith.constant 416 : index
      %swap3A_143 = tpu.vector_load %arg16[%swap3A_141, %swap3A_142] {strides = array<i32>} : memref<64x640xf32, #tpu.memory_space<vmem>>, vector<16xf32>,
      tpu.vector_store %arg16[%swap3A_141, %swap3A_142], %broadcast_in_dim3A_1 {strides = array<i32>} : memref<64x640xf32, #tpu.memory_space<vmem>>, vector<16xf32>,
      %swap3A_144 = arith.index_cast %scan3A_61 : i32 to index
      %swap3A_145 = arith.constant 432 : index
      %swap3A_146 = tpu.vector_load %arg16[%swap3A_144, %swap3A_145] {strides = array<i32>} : memref<64x640xf32, #tpu.memory_space<vmem>>, vector<16xf32>,
      tpu.vector_store %arg16[%swap3A_144, %swap3A_145], %broadcast_in_dim3A_1 {strides = array<i32>} : memref<64x640xf32, #tpu.memory_space<vmem>>, vector<16xf32>,
      %swap3A_147 = arith.index_cast %scan3A_61 : i32 to index
      %swap3A_148 = arith.constant 448 : index
      %swap3A_149 = tpu.vector_load %arg16[%swap3A_147, %swap3A_148] {strides = array<i32>} : memref<64x640xf32, #tpu.memory_space<vmem>>, vector<16xf32>,
      tpu.vector_store %arg16[%swap3A_147, %swap3A_148], %broadcast_in_dim3A_1 {strides = array<i32>} : memref<64x640xf32, #tpu.memory_space<vmem>>, vector<16xf32>,
      %swap3A_150 = arith.index_cast %scan3A_61 : i32 to index
      %swap3A_151 = arith.constant 464 : index
      %swap3A_152 = tpu.vector_load %arg16[%swap3A_150, %swap3A_151] {strides = array<i32>} : memref<64x640xf32, #tpu.memory_space<vmem>>, vector<16xf32>,
      tpu.vector_store %arg16[%swap3A_150, %swap3A_151], %broadcast_in_dim3A_1 {strides = array<i32>} : memref<64x640xf32, #tpu.memory_space<vmem>>, vector<16xf32>,
      %swap3A_153 = arith.index_cast %scan3A_61 : i32 to index
      %swap3A_154 = arith.constant 480 : index
      %swap3A_155 = tpu.vector_load %arg16[%swap3A_153, %swap3A_154] {strides = array<i32>} : memref<64x640xf32, #tpu.memory_space<vmem>>, vector<16xf32>,
      tpu.vector_store %arg16[%swap3A_153, %swap3A_154], %broadcast_in_dim3A_1 {strides = array<i32>} : memref<64x640xf32, #tpu.memory_space<vmem>>, vector<16xf32>,
      %swap3A_156 = arith.index_cast %scan3A_61 : i32 to index
      %swap3A_157 = arith.constant 496 : index
      %swap3A_158 = tpu.vector_load %arg16[%swap3A_156, %swap3A_157] {strides = array<i32>} : memref<64x640xf32, #tpu.memory_space<vmem>>, vector<16xf32>,
      tpu.vector_store %arg16[%swap3A_156, %swap3A_157], %broadcast_in_dim3A_1 {strides = array<i32>} : memref<64x640xf32, #tpu.memory_space<vmem>>, vector<16xf32>,
      %swap3A_159 = arith.index_cast %scan3A_61 : i32 to index
      %swap3A_160 = arith.constant 512 : index
      %swap3A_161 = tpu.vector_load %arg16[%swap3A_159, %swap3A_160] {strides = array<i32>} : memref<64x640xf32, #tpu.memory_space<vmem>>, vector<16xf32>,
      tpu.vector_store %arg16[%swap3A_159, %swap3A_160], %broadcast_in_dim3A_1 {strides = array<i32>} : memref<64x640xf32, #tpu.memory_space<vmem>>, vector<16xf32>,
      %swap3A_162 = arith.index_cast %scan3A_61 : i32 to index
      %swap3A_163 = arith.constant 528 : index
      %swap3A_164 = tpu.vector_load %arg16[%swap3A_162, %swap3A_163] {strides = array<i32>} : memref<64x640xf32, #tpu.memory_space<vmem>>, vector<16xf32>,
      tpu.vector_store %arg16[%swap3A_162, %swap3A_163], %broadcast_in_dim3A_1 {strides = array<i32>} : memref<64x640xf32, #tpu.memory_space<vmem>>, vector<16xf32>,
      %swap3A_165 = arith.index_cast %scan3A_61 : i32 to index
      %swap3A_166 = arith.constant 544 : index
      %swap3A_167 = tpu.vector_load %arg16[%swap3A_165, %swap3A_166] {strides = array<i32>} : memref<64x640xf32, #tpu.memory_space<vmem>>, vector<16xf32>,
      tpu.vector_store %arg16[%swap3A_165, %swap3A_166], %broadcast_in_dim3A_1 {strides = array<i32>} : memref<64x640xf32, #tpu.memory_space<vmem>>, vector<16xf32>,
      %swap3A_168 = arith.index_cast %scan3A_61 : i32 to index
      %swap3A_169 = arith.constant 560 : index
      %swap3A_170 = tpu.vector_load %arg16[%swap3A_168, %swap3A_169] {strides = array<i32>} : memref<64x640xf32, #tpu.memory_space<vmem>>, vector<16xf32>,
      tpu.vector_store %arg16[%swap3A_168, %swap3A_169], %broadcast_in_dim3A_1 {strides = array<i32>} : memref<64x640xf32, #tpu.memory_space<vmem>>, vector<16xf32>,
      %swap3A_171 = arith.index_cast %scan3A_61 : i32 to index
      %swap3A_172 = arith.constant 576 : index
      %swap3A_173 = tpu.vector_load %arg16[%swap3A_171, %swap3A_172] {strides = array<i32>} : memref<64x640xf32, #tpu.memory_space<vmem>>, vector<16xf32>,
      tpu.vector_store %arg16[%swap3A_171, %swap3A_172], %broadcast_in_dim3A_1 {strides = array<i32>} : memref<64x640xf32, #tpu.memory_space<vmem>>, vector<16xf32>,
      %swap3A_174 = arith.index_cast %scan3A_61 : i32 to index
      %swap3A_175 = arith.constant 592 : index
      %swap3A_176 = tpu.vector_load %arg16[%swap3A_174, %swap3A_175] {strides = array<i32>} : memref<64x640xf32, #tpu.memory_space<vmem>>, vector<16xf32>,
      tpu.vector_store %arg16[%swap3A_174, %swap3A_175], %broadcast_in_dim3A_1 {strides = array<i32>} : memref<64x640xf32, #tpu.memory_space<vmem>>, vector<16xf32>,
      %swap3A_177 = arith.index_cast %scan3A_61 : i32 to index
      %swap3A_178 = arith.constant 608 : index
      %swap3A_179 = tpu.vector_load %arg16[%swap3A_177, %swap3A_178] {strides = array<i32>} : memref<64x640xf32, #tpu.memory_space<vmem>>, vector<16xf32>,
      tpu.vector_store %arg16[%swap3A_177, %swap3A_178], %broadcast_in_dim3A_1 {strides = array<i32>} : memref<64x640xf32, #tpu.memory_space<vmem>>, vector<16xf32>,
      %swap3A_180 = arith.index_cast %scan3A_61 : i32 to index
      %swap3A_181 = arith.constant 624 : index
      %swap3A_182 = tpu.vector_load %arg16[%swap3A_180, %swap3A_181] {strides = array<i32>} : memref<64x640xf32, #tpu.memory_space<vmem>>, vector<16xf32>,
      tpu.vector_store %arg16[%swap3A_180, %swap3A_181], %broadcast_in_dim3A_1 {strides = array<i32>} : memref<64x640xf32, #tpu.memory_space<vmem>>, vector<16xf32>,
      %scan3A_183 = arith.constant 0 : i32
      scf.yield %scan3A_183 : i32
    }
    %scan3A_9 = arith.constant 64 : i32
    %scan3A_10 = arith.constant 0 : i32
    %scan3A_11 = arith.constant 0 : i32
    %scan3A_12 = arith.constant 78 : i32
    %scan3A_13 = arith.addi %scan3A_11, %scan3A_12 : i32
    %scan3A_14 = arith.constant 1 : i32
    %scan3A_15 = scf.for %scan3A_61 = %scan3A_11 to %scan3A_13 step %scan3A_14 iter_args(%scan3A_62 = %scan3A_10) -> (i32)  : i32 {
      %mul3A_63 = arith.constant 64 : i32
      %mul3A_64 = arith.muli %scan3A_61, %mul3A_63 : i32
      %add3A_65 = arith.addi %mul3A_0, %mul3A_64 : i32
      "tpu.region"() ({
        %run_scoped3A = tpu.sem_alloc : memref<!tpu.dma_semaphore, #tpu.memory_space<semaphore_mem>>
        %dma_start3A = arith.constant 0 : i32
        %dma_start3A_67 = arith.constant 0 : i32
        %dma_start3A_68 = tpu.memref_slice %arg6[%arg1, %dma_start3A, %dma_start3A_67] : memref<16x10016x640xf32, #tpu.memory_space<hbm>> -> memref<1x10016x640xf32, #tpu.memory_space<hbm>>
        %dma_start3A_69 = tpu.memref_squeeze %dma_start3A_68 : memref<1x10016x640xf32, #tpu.memory_space<hbm>> -> memref<10016x640xf32, #tpu.memory_space<hbm>>
        %dma_start3A_70 = arith.constant 0 : i32
        %dma_start3A_71 = tpu.memref_slice %dma_start3A_69[%add3A_65, %dma_start3A_70] : memref<10016x640xf32, #tpu.memory_space<hbm>> -> memref<64x640xf32, #tpu.memory_space<hbm>>
        %dma_start3A_72 = arith.constant 0 : i32
        %dma_start3A_73 = arith.constant 0 : i32
        %dma_start3A_74 = tpu.memref_slice %arg6[%arg1, %dma_start3A_72, %dma_start3A_73] : memref<16x10016x640xf32, #tpu.memory_space<hbm>> -> memref<1x10016x640xf32, #tpu.memory_space<hbm>>
        %dma_start3A_75 = tpu.memref_squeeze %dma_start3A_74 : memref<1x10016x640xf32, #tpu.memory_space<hbm>> -> memref<10016x640xf32, #tpu.memory_space<hbm>>
        %dma_start3A_76 = arith.constant 0 : i32
        %dma_start3A_77 = tpu.memref_slice %dma_start3A_75[%add3A_65, %dma_start3A_76] : memref<10016x640xf32, #tpu.memory_space<hbm>> -> memref<64x640xf32, #tpu.memory_space<hbm>>
        tpu.enqueue_dma source(%arg16 : memref<64x640xf32, #tpu.memory_space<vmem>>) target(%dma_start3A_77 : memref<64x640xf32, #tpu.memory_space<hbm>>) target_semaphore(%run_scoped3A : memref<!tpu.dma_semaphore, #tpu.memory_space<semaphore_mem>>)
        %dma_wait3A = arith.constant 0 : i32
        %dma_wait3A_78 = arith.constant 0 : i32
        %dma_wait3A_79 = tpu.memref_slice %arg6[%arg1, %dma_wait3A, %dma_wait3A_78] : memref<16x10016x640xf32, #tpu.memory_space<hbm>> -> memref<1x10016x640xf32, #tpu.memory_space<hbm>>
        %dma_wait3A_80 = tpu.memref_squeeze %dma_wait3A_79 : memref<1x10016x640xf32, #tpu.memory_space<hbm>> -> memref<10016x640xf32, #tpu.memory_space<hbm>>
        %dma_wait3A_81 = arith.constant 0 : i32
        %dma_wait3A_82 = tpu.memref_slice %dma_wait3A_80[%add3A_65, %dma_wait3A_81] : memref<10016x640xf32, #tpu.memory_space<hbm>> -> memref<64x640xf32, #tpu.memory_space<hbm>>
        %dma_wait3A_83 = arith.constant 0 : i32
        %dma_wait3A_84 = arith.constant 0 : i32
        %dma_wait3A_85 = tpu.memref_slice %arg6[%arg1, %dma_wait3A_83, %dma_wait3A_84] : memref<16x10016x640xf32, #tpu.memory_space<hbm>> -> memref<1x10016x640xf32, #tpu.memory_space<hbm>>
        %dma_wait3A_86 = tpu.memref_squeeze %dma_wait3A_85 : memref<1x10016x640xf32, #tpu.memory_space<hbm>> -> memref<10016x640xf32, #tpu.memory_space<hbm>>
        %dma_wait3A_87 = arith.constant 0 : i32
        %dma_wait3A_88 = tpu.memref_slice %dma_wait3A_86[%add3A_65, %dma_wait3A_87] : memref<10016x640xf32, #tpu.memory_space<hbm>> -> memref<64x640xf32, #tpu.memory_space<hbm>>
        tpu.wait_dma2 semaphore(%run_scoped3A : memref<!tpu.dma_semaphore, #tpu.memory_space<semaphore_mem>>) src(%arg16 : memref<64x640xf32, #tpu.memory_space<vmem>>) dst(%dma_wait3A_88 : memref<64x640xf32, #tpu.memory_space<hbm>>)
        tpu.yield
      }) : () -> ()
      %scan3A_66 = arith.constant 0 : i32
      scf.yield %scan3A_66 : i32
    }
    %scan3A_16 = arith.constant 78 : i32
    %eq3A = arith.constant 1 : i32
    %eq3A_17 = arith.cmpi eq, %arg0, %eq3A : i32
    %convert_element_type3A = arith.extui %eq3A_17 : i1 to i32
    %cond3A = arith.constant 0 : i32
    %cond3A_18 = arith.cmpi ne, %convert_element_type3A, %cond3A : i32
    scf.if %cond3A_18 {
      "tpu.region"() ({
        %run_scoped3A = tpu.sem_alloc : memref<!tpu.dma_semaphore, #tpu.memory_space<semaphore_mem>>
        %dma_start3A = arith.constant 0 : i32
        %dma_start3A_61 = arith.constant 0 : i32
        %dma_start3A_62 = tpu.memref_slice %arg16[%dma_start3A, %dma_start3A_61] : memref<64x640xf32, #tpu.memory_space<vmem>> -> memref<16x640xf32, #tpu.memory_space<vmem>>
        %dma_start3A_63 = arith.constant 0 : i32
        %dma_start3A_64 = arith.constant 0 : i32
        %dma_start3A_65 = tpu.memref_slice %arg6[%arg1, %dma_start3A_63, %dma_start3A_64] : memref<16x10016x640xf32, #tpu.memory_space<hbm>> -> memref<1x10016x640xf32, #tpu.memory_space<hbm>>
        %dma_start3A_66 = tpu.memref_squeeze %dma_start3A_65 : memref<1x10016x640xf32, #tpu.memory_space<hbm>> -> memref<10016x640xf32, #tpu.memory_space<hbm>>
        %dma_start3A_67 = arith.constant 10000 : i32
        %dma_start3A_68 = arith.constant 0 : i32
        %dma_start3A_69 = tpu.memref_slice %dma_start3A_66[%dma_start3A_67, %dma_start3A_68] : memref<10016x640xf32, #tpu.memory_space<hbm>> -> memref<16x640xf32, #tpu.memory_space<hbm>>
        %dma_start3A_70 = arith.constant 0 : i32
        %dma_start3A_71 = arith.constant 0 : i32
        %dma_start3A_72 = tpu.memref_slice %arg6[%arg1, %dma_start3A_70, %dma_start3A_71] : memref<16x10016x640xf32, #tpu.memory_space<hbm>> -> memref<1x10016x640xf32, #tpu.memory_space<hbm>>
        %dma_start3A_73 = tpu.memref_squeeze %dma_start3A_72 : memref<1x10016x640xf32, #tpu.memory_space<hbm>> -> memref<10016x640xf32, #tpu.memory_space<hbm>>
        %dma_start3A_74 = arith.constant 10000 : i32
        %dma_start3A_75 = arith.constant 0 : i32
        %dma_start3A_76 = tpu.memref_slice %dma_start3A_73[%dma_start3A_74, %dma_start3A_75] : memref<10016x640xf32, #tpu.memory_space<hbm>> -> memref<16x640xf32, #tpu.memory_space<hbm>>
        %dma_start3A_77 = arith.constant 0 : i32
        %dma_start3A_78 = arith.constant 0 : i32
        %dma_start3A_79 = tpu.memref_slice %arg16[%dma_start3A_77, %dma_start3A_78] : memref<64x640xf32, #tpu.memory_space<vmem>> -> memref<16x640xf32, #tpu.memory_space<vmem>>
        tpu.enqueue_dma source(%dma_start3A_79 : memref<16x640xf32, #tpu.memory_space<vmem>>) target(%dma_start3A_76 : memref<16x640xf32, #tpu.memory_space<hbm>>) target_semaphore(%run_scoped3A : memref<!tpu.dma_semaphore, #tpu.memory_space<semaphore_mem>>)
        %dma_wait3A = arith.constant 0 : i32
        %dma_wait3A_80 = arith.constant 0 : i32
        %dma_wait3A_81 = tpu.memref_slice %arg16[%dma_wait3A, %dma_wait3A_80] : memref<64x640xf32, #tpu.memory_space<vmem>> -> memref<16x640xf32, #tpu.memory_space<vmem>>
        %dma_wait3A_82 = arith.constant 0 : i32
        %dma_wait3A_83 = arith.constant 0 : i32
        %dma_wait3A_84 = tpu.memref_slice %arg6[%arg1, %dma_wait3A_82, %dma_wait3A_83] : memref<16x10016x640xf32, #tpu.memory_space<hbm>> -> memref<1x10016x640xf32, #tpu.memory_space<hbm>>
        %dma_wait3A_85 = tpu.memref_squeeze %dma_wait3A_84 : memref<1x10016x640xf32, #tpu.memory_space<hbm>> -> memref<10016x640xf32, #tpu.memory_space<hbm>>
        %dma_wait3A_86 = arith.constant 10000 : i32
        %dma_wait3A_87 = arith.constant 0 : i32
        %dma_wait3A_88 = tpu.memref_slice %dma_wait3A_85[%dma_wait3A_86, %dma_wait3A_87] : memref<10016x640xf32, #tpu.memory_space<hbm>> -> memref<16x640xf32, #tpu.memory_space<hbm>>
        %dma_wait3A_89 = arith.constant 0 : i32
        %dma_wait3A_90 = arith.constant 0 : i32
        %dma_wait3A_91 = tpu.memref_slice %arg6[%arg1, %dma_wait3A_89, %dma_wait3A_90] : memref<16x10016x640xf32, #tpu.memory_space<hbm>> -> memref<1x10016x640xf32, #tpu.memory_space<hbm>>
        %dma_wait3A_92 = tpu.memref_squeeze %dma_wait3A_91 : memref<1x10016x640xf32, #tpu.memory_space<hbm>> -> memref<10016x640xf32, #tpu.memory_space<hbm>>
        %dma_wait3A_93 = arith.constant 10000 : i32
        %dma_wait3A_94 = arith.constant 0 : i32
        %dma_wait3A_95 = tpu.memref_slice %dma_wait3A_92[%dma_wait3A_93, %dma_wait3A_94] : memref<10016x640xf32, #tpu.memory_space<hbm>> -> memref<16x640xf32, #tpu.memory_space<hbm>>
        %dma_wait3A_96 = arith.constant 0 : i32
        %dma_wait3A_97 = arith.constant 0 : i32
        %dma_wait3A_98 = tpu.memref_slice %arg16[%dma_wait3A_96, %dma_wait3A_97] : memref<64x640xf32, #tpu.memory_space<vmem>> -> memref<16x640xf32, #tpu.memory_space<vmem>>
        tpu.wait_dma2 semaphore(%run_scoped3A : memref<!tpu.dma_semaphore, #tpu.memory_space<semaphore_mem>>) src(%dma_wait3A_98 : memref<16x640xf32, #tpu.memory_space<vmem>>) dst(%dma_wait3A_95 : memref<16x640xf32, #tpu.memory_space<hbm>>)
        tpu.yield
      }) : () -> ()
    } else {
    }
    %scan3A_19 = arith.constant 0 : i32
    %scan3A_20 = arith.constant 0 : i32
    %scan3A_21 = arith.constant 25 : i32
    %scan3A_22 = arith.addi %scan3A_20, %scan3A_21 : i32
    %scan3A_23 = arith.constant 1 : i32
    %scan3A_24 = scf.for %scan3A_61 = %scan3A_20 to %scan3A_22 step %scan3A_23 iter_args(%scan3A_62 = %scan3A_19) -> (i32)  : i32 {
      %mul3A_63 = arith.constant 400 : i32
      %mul3A_64 = arith.muli %scan3A_61, %mul3A_63 : i32
      %add3A_65 = arith.addi %mul3A_3, %mul3A_64 : i32
      "tpu.region"() ({
        %run_scoped3A = tpu.sem_alloc : memref<!tpu.dma_semaphore, #tpu.memory_space<semaphore_mem>>
        %dma_start3A = tpu.memref_slice %arg2[%add3A_65] : memref<160000xi32, #tpu.memory_space<hbm>> -> memref<400xi32, #tpu.memory_space<hbm>>
        %dma_start3A_75 = tpu.memref_slice %arg2[%add3A_65] : memref<160000xi32, #tpu.memory_space<hbm>> -> memref<400xi32, #tpu.memory_space<hbm>>
        tpu.enqueue_dma source(%dma_start3A_75 : memref<400xi32, #tpu.memory_space<hbm>>) target(%arg7 : memref<400xi32, #tpu.memory_space<vmem>>) target_semaphore(%run_scoped3A : memref<!tpu.dma_semaphore, #tpu.memory_space<semaphore_mem>>)
        %dma_wait3A = tpu.memref_slice %arg2[%add3A_65] : memref<160000xi32, #tpu.memory_space<hbm>> -> memref<400xi32, #tpu.memory_space<hbm>>
        %dma_wait3A_76 = tpu.memref_slice %arg2[%add3A_65] : memref<160000xi32, #tpu.memory_space<hbm>> -> memref<400xi32, #tpu.memory_space<hbm>>
        tpu.wait_dma2 semaphore(%run_scoped3A : memref<!tpu.dma_semaphore, #tpu.memory_space<semaphore_mem>>) src(%dma_wait3A_76 : memref<400xi32, #tpu.memory_space<hbm>>) dst(%arg7 : memref<400xi32, #tpu.memory_space<vmem>>)
        tpu.yield
      }) : () -> ()
      %mul3A_66 = arith.constant 400 : i32
      %mul3A_67 = arith.muli %scan3A_61, %mul3A_66 : i32
      %add3A_68 = arith.addi %mul3A_3, %mul3A_67 : i32
      "tpu.region"() ({
        %run_scoped3A = tpu.sem_alloc : memref<!tpu.dma_semaphore, #tpu.memory_space<semaphore_mem>>
        %dma_start3A = tpu.memref_slice %arg3[%add3A_68] : memref<160000xi32, #tpu.memory_space<hbm>> -> memref<400xi32, #tpu.memory_space<hbm>>
        %dma_start3A_75 = tpu.memref_slice %arg3[%add3A_68] : memref<160000xi32, #tpu.memory_space<hbm>> -> memref<400xi32, #tpu.memory_space<hbm>>
        tpu.enqueue_dma source(%dma_start3A_75 : memref<400xi32, #tpu.memory_space<hbm>>) target(%arg8 : memref<400xi32, #tpu.memory_space<vmem>>) target_semaphore(%run_scoped3A : memref<!tpu.dma_semaphore, #tpu.memory_space<semaphore_mem>>)
        %dma_wait3A = tpu.memref_slice %arg3[%add3A_68] : memref<160000xi32, #tpu.memory_space<hbm>> -> memref<400xi32, #tpu.memory_space<hbm>>
        %dma_wait3A_76 = tpu.memref_slice %arg3[%add3A_68] : memref<160000xi32, #tpu.memory_space<hbm>> -> memref<400xi32, #tpu.memory_space<hbm>>
        tpu.wait_dma2 semaphore(%run_scoped3A : memref<!tpu.dma_semaphore, #tpu.memory_space<semaphore_mem>>) src(%dma_wait3A_76 : memref<400xi32, #tpu.memory_space<hbm>>) dst(%arg8 : memref<400xi32, #tpu.memory_space<vmem>>)
        tpu.yield
      }) : () -> ()
      %scan3A_69 = arith.constant 0 : i32
      %scan3A_70 = arith.constant 25 : i32
      %scan3A_71 = arith.addi %scan3A_69, %scan3A_70 : i32
      %scan3A_72 = arith.constant 1 : i32
      %scan3A_73 = scf.for %scan3A_75 = %scan3A_69 to %scan3A_71 step %scan3A_72 iter_args(%scan3A_76 = %scan3A_62) -> (i32)  : i32 {
        %mul3A_77 = arith.constant 16 : i32
        %mul3A_78 = arith.muli %scan3A_75, %mul3A_77 : i32
        %get3A = arith.index_cast %mul3A_78 : i32 to index
        %get3A_79 = tpu.vector_load %arg7[%get3A] {strides = array<i32>} : memref<400xi32, #tpu.memory_space<vmem>>, vector<16xi32>,
        %mul3A_80 = arith.constant 16 : i32
        %mul3A_81 = arith.muli %scan3A_75, %mul3A_80 : i32
        %get3A_82 = arith.index_cast %mul3A_81 : i32 to index
        %get3A_83 = tpu.vector_load %arg8[%get3A_82] {strides = array<i32>} : memref<400xi32, #tpu.memory_space<vmem>>, vector<16xi32>,
        %shift_left3A_84 = arith.constant 14 : i32
        %shift_left3A_85 = vector.broadcast %shift_left3A_84 : i32 to vector<16xi32>
        %shift_left3A_86 = arith.shli %get3A_83, %shift_left3A_85 : vector<16xi32>
        %or3A = arith.ori %shift_left3A_86, %get3A_79 : vector<16xi32>
        %ge3A = vector.broadcast %mul3A_0 : i32 to vector<16xi32>
        %ge3A_87 = arith.cmpi sge, %get3A_83, %ge3A : vector<16xi32>
        %add3A_88 = arith.constant 5000 : i32
        %add3A_89 = arith.addi %mul3A_0, %add3A_88 : i32
        %lt3A = vector.broadcast %add3A_89 : i32 to vector<16xi32>
        %lt3A_90 = arith.cmpi slt, %get3A_83, %lt3A : vector<16xi32>
        %and3A = arith.andi %ge3A_87, %lt3A_90 : vector<16xi1>
        %add3A_91 = arith.constant 16 : i32
        %add3A_92 = vector.broadcast %add3A_91 : i32 to vector<16xi32>
        %add3A_93 = arith.addi %iota3A, %add3A_92 : vector<16xi32>
        %select_n3A = arith.select %and3A, %iota3A, %add3A_93 : vector<16xi1>, vector<16xi32>
        %masked_sort3A = arith.constant dense<true> : vector<16xi1>
        %masked_sort3A_94 = arith.constant -2147483648 : i32
        %masked_sort3A_95 = vector.broadcast %masked_sort3A_94 : i32 to vector<16xi32>
        %masked_sort3A_96 = arith.xori %select_n3A, %masked_sort3A_95 : vector<16xi32>
        %masked_sort3A_97, %masked_sort3A_98, %masked_sort3A_99 = tpu.sort %masked_sort3A_96, %or3A masked %masked_sort3A : (vector<16xi32>, vector<16xi32>, vector<16xi1>) -> (vector<16xi1>, vector<16xi32>, vector<16xi32>)
        %masked_sort3A_100 = arith.xori %masked_sort3A_98, %masked_sort3A_95 : vector<16xi32>
        %swap3A_101 = arith.index_cast %scan3A_76 : i32 to index
        %swap3A_102 = tpu.vector_load %arg9[%swap3A_101] {strides = array<i32>} : memref<10064xi32, #tpu.memory_space<vmem>>, vector<16xi32>,
        tpu.vector_store %arg9[%swap3A_101], %masked_sort3A_99 {strides = array<i32>} : memref<10064xi32, #tpu.memory_space<vmem>>, vector<16xi32>,
        %all_reduce_population_count3A = tpu.all_reduce %and3A {dim = 0 : i64, kind = #tpu.reduction_kind<sum>} : vector<16xi1> -> vector<16xi32>
        %slice3A = vector.extract_strided_slice %all_reduce_population_count3A {offsets = [0], sizes = [1], strides = [1]} : vector<16xi32> to vector<1xi32>
        %squeeze3A = vector.extract %slice3A[0] : i32 from vector<1xi32>
        %add3A_103 = arith.addi %scan3A_76, %squeeze3A : i32
        scf.yield %add3A_103 : i32
      }
      %scan3A_74 = arith.constant 25 : i32
      scf.yield %scan3A_73 : i32
    }
    %scan3A_25 = arith.constant 25 : i32
    %add3A = arith.constant 10000 : i32
    %add3A_26 = vector.broadcast %add3A : i32 to vector<16xi32>
    %add3A_27 = arith.addi %iota3A, %add3A_26 : vector<16xi32>
    %shift_left3A = arith.constant 14 : i32
    %shift_left3A_28 = vector.broadcast %shift_left3A : i32 to vector<16xi32>
    %shift_left3A_29 = arith.shli %add3A_27, %shift_left3A_28 : vector<16xi32>
    %add3A_30 = arith.constant 0 : i32
    %add3A_31 = arith.addi %scan3A_24, %add3A_30 : i32
    %swap3A = arith.index_cast %add3A_31 : i32 to index
    %swap3A_32 = tpu.vector_load %arg9[%swap3A] {strides = array<i32>} : memref<10064xi32, #tpu.memory_space<vmem>>, vector<16xi32>,
    tpu.vector_store %arg9[%swap3A], %shift_left3A_29 {strides = array<i32>} : memref<10064xi32, #tpu.memory_space<vmem>>, vector<16xi32>,
    %add3A_33 = arith.constant 16 : i32
    %add3A_34 = arith.addi %scan3A_24, %add3A_33 : i32
    %swap3A_35 = arith.index_cast %add3A_34 : i32 to index
    %swap3A_36 = tpu.vector_load %arg9[%swap3A_35] {strides = array<i32>} : memref<10064xi32, #tpu.memory_space<vmem>>, vector<16xi32>,
    tpu.vector_store %arg9[%swap3A_35], %shift_left3A_29 {strides = array<i32>} : memref<10064xi32, #tpu.memory_space<vmem>>, vector<16xi32>,
    %add3A_37 = arith.constant 32 : i32
    %add3A_38 = arith.addi %scan3A_24, %add3A_37 : i32
    %swap3A_39 = arith.index_cast %add3A_38 : i32 to index
    %swap3A_40 = tpu.vector_load %arg9[%swap3A_39] {strides = array<i32>} : memref<10064xi32, #tpu.memory_space<vmem>>, vector<16xi32>,
    tpu.vector_store %arg9[%swap3A_39], %shift_left3A_29 {strides = array<i32>} : memref<10064xi32, #tpu.memory_space<vmem>>, vector<16xi32>,
    %add3A_41 = arith.constant 48 : i32
    %add3A_42 = arith.addi %scan3A_24, %add3A_41 : i32
    %swap3A_43 = arith.index_cast %add3A_42 : i32 to index
    %swap3A_44 = tpu.vector_load %arg9[%swap3A_43] {strides = array<i32>} : memref<10064xi32, #tpu.memory_space<vmem>>, vector<16xi32>,
    tpu.vector_store %arg9[%swap3A_43], %shift_left3A_29 {strides = array<i32>} : memref<10064xi32, #tpu.memory_space<vmem>>, vector<16xi32>,
    %barrier3A = arith.constant 0 : index
    tpu.barrier barrier_id(%barrier3A)
    %add3A_45 = arith.constant 64 : i32
    %add3A_46 = arith.addi %scan3A_24, %add3A_45 : i32
    %sub3A = arith.constant 1 : i32
    %sub3A_47 = arith.subi %add3A_46, %sub3A : i32
    %shift_right_arithmetic3A = arith.constant 6 : i32
    %shift_right_arithmetic3A_48 = arith.shrsi %sub3A_47, %shift_right_arithmetic3A : i32
    %while3A = arith.constant 0 : i32
    %while3A_49 = arith.constant 0 : i32
    %while3A_50 = arith.subi %shift_right_arithmetic3A_48, %while3A : i32
    %while3A_51 = arith.addi %while3A, %while3A_50 : i32
    %while3A_52 = arith.constant 1 : i32
    %while3A_53 = arith.divsi %while3A_50, %while3A_52 : i32
    %while3A_54 = arith.muli %while3A_53, %while3A_52 : i32
    %while3A_55 = arith.addi %while3A, %while3A_54 : i32
    %while3A_56 = arith.constant 1 : i32
    %while3A_57 = scf.for %while3A_61 = %while3A to %while3A_55 step %while3A_56 iter_args(%while3A_62 = %while3A_49) -> (i32)  : i32 {
      %mul3A_63 = arith.constant 64 : i32
      %mul3A_64 = arith.muli %while3A_61, %mul3A_63 : i32
      %add3A_65 = arith.constant 0 : i32
      %add3A_66 = arith.addi %mul3A_64, %add3A_65 : i32
      %get3A = arith.index_cast %add3A_66 : i32 to index
      %get3A_67 = tpu.vector_load %arg9[%get3A] {strides = array<i32>} : memref<10064xi32, #tpu.memory_space<vmem>>, vector<16xi32>,
      %shift_right_arithmetic3A_68 = arith.constant 14 : i32
      %shift_right_arithmetic3A_69 = vector.broadcast %shift_right_arithmetic3A_68 : i32 to vector<16xi32>
      %shift_right_arithmetic3A_70 = arith.shrsi %get3A_67, %shift_right_arithmetic3A_69 : vector<16xi32>
      %and3A = arith.constant 16383 : i32
      %and3A_71 = vector.broadcast %and3A : i32 to vector<16xi32>
      %and3A_72 = arith.andi %get3A_67, %and3A_71 : vector<16xi32>
      %swap3A_73 = arith.constant 0 : index
      %swap3A_74 = tpu.vector_load %arg10[%swap3A_73] {strides = array<i32>} : memref<64xi32, #tpu.memory_space<vmem>>, vector<16xi32>,
      tpu.vector_store %arg10[%swap3A_73], %and3A_72 {strides = array<i32>} : memref<64xi32, #tpu.memory_space<vmem>>, vector<16xi32>,
      %min3A = arith.constant 9999 : i32
      %min3A_75 = vector.broadcast %min3A : i32 to vector<16xi32>
      %min3A_76 = arith.minsi %shift_right_arithmetic3A_70, %min3A_75 : vector<16xi32>
      %swap3A_77 = arith.constant 0 : index
      %swap3A_78 = tpu.vector_load %arg11[%swap3A_77] {strides = array<i32>} : memref<64xi32, #tpu.memory_space<vmem>>, vector<16xi32>,
      tpu.vector_store %arg11[%swap3A_77], %min3A_76 {strides = array<i32>} : memref<64xi32, #tpu.memory_space<vmem>>, vector<16xi32>,
      %swap3A_79 = arith.constant 0 : index
      %swap3A_80 = tpu.vector_load %arg12[%swap3A_79] {strides = array<i32>} : memref<64xi32, #tpu.memory_space<vmem>>, vector<16xi32>,
      tpu.vector_store %arg12[%swap3A_79], %shift_right_arithmetic3A_70 {strides = array<i32>} : memref<64xi32, #tpu.memory_space<vmem>>, vector<16xi32>,
      %add3A_81 = arith.constant 16 : i32
      %add3A_82 = arith.addi %mul3A_64, %add3A_81 : i32
      %get3A_83 = arith.index_cast %add3A_82 : i32 to index
      %get3A_84 = tpu.vector_load %arg9[%get3A_83] {strides = array<i32>} : memref<10064xi32, #tpu.memory_space<vmem>>, vector<16xi32>,
      %shift_right_arithmetic3A_85 = arith.constant 14 : i32
      %shift_right_arithmetic3A_86 = vector.broadcast %shift_right_arithmetic3A_85 : i32 to vector<16xi32>
      %shift_right_arithmetic3A_87 = arith.shrsi %get3A_84, %shift_right_arithmetic3A_86 : vector<16xi32>
      %and3A_88 = arith.constant 16383 : i32
      %and3A_89 = vector.broadcast %and3A_88 : i32 to vector<16xi32>
      %and3A_90 = arith.andi %get3A_84, %and3A_89 : vector<16xi32>
      %swap3A_91 = arith.constant 16 : index
      %swap3A_92 = tpu.vector_load %arg10[%swap3A_91] {strides = array<i32>} : memref<64xi32, #tpu.memory_space<vmem>>, vector<16xi32>,
      tpu.vector_store %arg10[%swap3A_91], %and3A_90 {strides = array<i32>} : memref<64xi32, #tpu.memory_space<vmem>>, vector<16xi32>,
      %min3A_93 = arith.constant 9999 : i32
      %min3A_94 = vector.broadcast %min3A_93 : i32 to vector<16xi32>
      %min3A_95 = arith.minsi %shift_right_arithmetic3A_87, %min3A_94 : vector<16xi32>
      %swap3A_96 = arith.constant 16 : index
      %swap3A_97 = tpu.vector_load %arg11[%swap3A_96] {strides = array<i32>} : memref<64xi32, #tpu.memory_space<vmem>>, vector<16xi32>,
      tpu.vector_store %arg11[%swap3A_96], %min3A_95 {strides = array<i32>} : memref<64xi32, #tpu.memory_space<vmem>>, vector<16xi32>,
      %swap3A_98 = arith.constant 16 : index
      %swap3A_99 = tpu.vector_load %arg12[%swap3A_98] {strides = array<i32>} : memref<64xi32, #tpu.memory_space<vmem>>, vector<16xi32>,
      tpu.vector_store %arg12[%swap3A_98], %shift_right_arithmetic3A_87 {strides = array<i32>} : memref<64xi32, #tpu.memory_space<vmem>>, vector<16xi32>,
      %add3A_100 = arith.constant 32 : i32
      %add3A_101 = arith.addi %mul3A_64, %add3A_100 : i32
      %get3A_102 = arith.index_cast %add3A_101 : i32 to index
      %get3A_103 = tpu.vector_load %arg9[%get3A_102] {strides = array<i32>} : memref<10064xi32, #tpu.memory_space<vmem>>, vector<16xi32>,
      %shift_right_arithmetic3A_104 = arith.constant 14 : i32
      %shift_right_arithmetic3A_105 = vector.broadcast %shift_right_arithmetic3A_104 : i32 to vector<16xi32>
      %shift_right_arithmetic3A_106 = arith.shrsi %get3A_103, %shift_right_arithmetic3A_105 : vector<16xi32>
      %and3A_107 = arith.constant 16383 : i32
      %and3A_108 = vector.broadcast %and3A_107 : i32 to vector<16xi32>
      %and3A_109 = arith.andi %get3A_103, %and3A_108 : vector<16xi32>
      %swap3A_110 = arith.constant 32 : index
      %swap3A_111 = tpu.vector_load %arg10[%swap3A_110] {strides = array<i32>} : memref<64xi32, #tpu.memory_space<vmem>>, vector<16xi32>,
      tpu.vector_store %arg10[%swap3A_110], %and3A_109 {strides = array<i32>} : memref<64xi32, #tpu.memory_space<vmem>>, vector<16xi32>,
      %min3A_112 = arith.constant 9999 : i32
      %min3A_113 = vector.broadcast %min3A_112 : i32 to vector<16xi32>
      %min3A_114 = arith.minsi %shift_right_arithmetic3A_106, %min3A_113 : vector<16xi32>
      %swap3A_115 = arith.constant 32 : index
      %swap3A_116 = tpu.vector_load %arg11[%swap3A_115] {strides = array<i32>} : memref<64xi32, #tpu.memory_space<vmem>>, vector<16xi32>,
      tpu.vector_store %arg11[%swap3A_115], %min3A_114 {strides = array<i32>} : memref<64xi32, #tpu.memory_space<vmem>>, vector<16xi32>,
      %swap3A_117 = arith.constant 32 : index
      %swap3A_118 = tpu.vector_load %arg12[%swap3A_117] {strides = array<i32>} : memref<64xi32, #tpu.memory_space<vmem>>, vector<16xi32>,
      tpu.vector_store %arg12[%swap3A_117], %shift_right_arithmetic3A_106 {strides = array<i32>} : memref<64xi32, #tpu.memory_space<vmem>>, vector<16xi32>,
      %add3A_119 = arith.constant 48 : i32
      %add3A_120 = arith.addi %mul3A_64, %add3A_119 : i32
      %get3A_121 = arith.index_cast %add3A_120 : i32 to index
      %get3A_122 = tpu.vector_load %arg9[%get3A_121] {strides = array<i32>} : memref<10064xi32, #tpu.memory_space<vmem>>, vector<16xi32>,
      %shift_right_arithmetic3A_123 = arith.constant 14 : i32
      %shift_right_arithmetic3A_124 = vector.broadcast %shift_right_arithmetic3A_123 : i32 to vector<16xi32>
      %shift_right_arithmetic3A_125 = arith.shrsi %get3A_122, %shift_right_arithmetic3A_124 : vector<16xi32>
      %and3A_126 = arith.constant 16383 : i32
      %and3A_127 = vector.broadcast %and3A_126 : i32 to vector<16xi32>
      %and3A_128 = arith.andi %get3A_122, %and3A_127 : vector<16xi32>
      %swap3A_129 = arith.constant 48 : index
      %swap3A_130 = tpu.vector_load %arg10[%swap3A_129] {strides = array<i32>} : memref<64xi32, #tpu.memory_space<vmem>>, vector<16xi32>,
      tpu.vector_store %arg10[%swap3A_129], %and3A_128 {strides = array<i32>} : memref<64xi32, #tpu.memory_space<vmem>>, vector<16xi32>,
      %min3A_131 = arith.constant 9999 : i32
      %min3A_132 = vector.broadcast %min3A_131 : i32 to vector<16xi32>
      %min3A_133 = arith.minsi %shift_right_arithmetic3A_125, %min3A_132 : vector<16xi32>
      %swap3A_134 = arith.constant 48 : index
      %swap3A_135 = tpu.vector_load %arg11[%swap3A_134] {strides = array<i32>} : memref<64xi32, #tpu.memory_space<vmem>>, vector<16xi32>,
      tpu.vector_store %arg11[%swap3A_134], %min3A_133 {strides = array<i32>} : memref<64xi32, #tpu.memory_space<vmem>>, vector<16xi32>,
      %swap3A_136 = arith.constant 48 : index
      %swap3A_137 = tpu.vector_load %arg12[%swap3A_136] {strides = array<i32>} : memref<64xi32, #tpu.memory_space<vmem>>, vector<16xi32>,
      tpu.vector_store %arg12[%swap3A_136], %shift_right_arithmetic3A_125 {strides = array<i32>} : memref<64xi32, #tpu.memory_space<vmem>>, vector<16xi32>,
      %dma_start3A = arith.constant 0 : i32
      %dma_start3A_138 = arith.constant 0 : i32
      %dma_start3A_139 = tpu.memref_slice %arg4[%dma_start3A, %dma_start3A_138] : memref<10000x128xf32, #tpu.memory_space<hbm>> -> memref<10000x128xf32, #tpu.memory_space<hbm>>
      tpu.enqueue_indirect_dma source(%dma_start3A_139 : memref<10000x128xf32, #tpu.memory_space<hbm>>) target(%arg13 : memref<64x128xf32, #tpu.memory_space<vmem>>) offsets(%arg10 : memref<64xi32, #tpu.memory_space<vmem>>) semaphore(%arg17 : memref<!tpu.dma_semaphore, #tpu.memory_space<semaphore_mem>>)
      %dma_wait3A = arith.constant 0 : i32
      %dma_wait3A_140 = arith.constant 0 : i32
      %dma_wait3A_141 = tpu.memref_slice %arg4[%dma_wait3A, %dma_wait3A_140] : memref<10000x128xf32, #tpu.memory_space<hbm>> -> memref<10000x128xf32, #tpu.memory_space<hbm>>
      tpu.wait_indirect_dma semaphore(%arg17 : memref<!tpu.dma_semaphore, #tpu.memory_space<semaphore_mem>>) src(%dma_wait3A_141 : memref<10000x128xf32, #tpu.memory_space<hbm>>) dst(%arg13 : memref<64x128xf32, #tpu.memory_space<vmem>>)
      %dma_start3A_142 = arith.constant 0 : i32
      %dma_start3A_143 = arith.constant 0 : i32
      %dma_start3A_144 = tpu.memref_slice %arg4[%dma_start3A_142, %dma_start3A_143] : memref<10000x128xf32, #tpu.memory_space<hbm>> -> memref<10000x128xf32, #tpu.memory_space<hbm>>
      tpu.enqueue_indirect_dma source(%dma_start3A_144 : memref<10000x128xf32, #tpu.memory_space<hbm>>) target(%arg14 : memref<64x128xf32, #tpu.memory_space<vmem>>) offsets(%arg11 : memref<64xi32, #tpu.memory_space<vmem>>) semaphore(%arg17 : memref<!tpu.dma_semaphore, #tpu.memory_space<semaphore_mem>>)
      %dma_wait3A_145 = arith.constant 0 : i32
      %dma_wait3A_146 = arith.constant 0 : i32
      %dma_wait3A_147 = tpu.memref_slice %arg4[%dma_wait3A_145, %dma_wait3A_146] : memref<10000x128xf32, #tpu.memory_space<hbm>> -> memref<10000x128xf32, #tpu.memory_space<hbm>>
      tpu.wait_indirect_dma semaphore(%arg17 : memref<!tpu.dma_semaphore, #tpu.memory_space<semaphore_mem>>) src(%dma_wait3A_147 : memref<10000x128xf32, #tpu.memory_space<hbm>>) dst(%arg14 : memref<64x128xf32, #tpu.memory_space<vmem>>)
      %dma_start3A_148 = arith.constant 0 : i32
      %dma_start3A_149 = arith.constant 0 : i32
      %dma_start3A_150 = tpu.memref_slice %arg5[%dma_start3A_148, %dma_start3A_149] : memref<10000x512xf32, #tpu.memory_space<hbm>> -> memref<10000x512xf32, #tpu.memory_space<hbm>>
      tpu.enqueue_indirect_dma source(%dma_start3A_150 : memref<10000x512xf32, #tpu.memory_space<hbm>>) target(%arg15 : memref<64x512xf32, #tpu.memory_space<vmem>>) offsets(%arg10 : memref<64xi32, #tpu.memory_space<vmem>>) semaphore(%arg17 : memref<!tpu.dma_semaphore, #tpu.memory_space<semaphore_mem>>)
      %dma_wait3A_151 = arith.constant 0 : i32
      %dma_wait3A_152 = arith.constant 0 : i32
      %dma_wait3A_153 = tpu.memref_slice %arg5[%dma_wait3A_151, %dma_wait3A_152] : memref<10000x512xf32, #tpu.memory_space<hbm>> -> memref<10000x512xf32, #tpu.memory_space<hbm>>
      tpu.wait_indirect_dma semaphore(%arg17 : memref<!tpu.dma_semaphore, #tpu.memory_space<semaphore_mem>>) src(%dma_wait3A_153 : memref<10000x512xf32, #tpu.memory_space<hbm>>) dst(%arg15 : memref<64x512xf32, #tpu.memory_space<vmem>>)
      %scan3A_154 = arith.constant 0 : i32
      %scan3A_155 = arith.constant 0 : i32
      %scan3A_156 = arith.constant 64 : i32
      %scan3A_157 = arith.addi %scan3A_155, %scan3A_156 : i32
      %scan3A_158 = arith.constant 1 : i32
      %scan3A_159 = scf.for %scan3A_162 = %scan3A_155 to %scan3A_157 step %scan3A_158 iter_args(%scan3A_163 = %scan3A_154) -> (i32)  : i32 {
        %get3A_164 = arith.index_cast %scan3A_162 : i32 to index
        %get3A_165 = arith.constant 0 : index
        %get3A_166 = tpu.vector_load %arg13[%get3A_164, %get3A_165] {strides = array<i32>} : memref<64x128xf32, #tpu.memory_space<vmem>>, vector<16xf32>,
        %get3A_167 = arith.index_cast %scan3A_162 : i32 to index
        %get3A_168 = arith.constant 16 : index
        %get3A_169 = tpu.vector_load %arg14[%get3A_167, %get3A_168] {strides = array<i32>} : memref<64x128xf32, #tpu.memory_space<vmem>>, vector<16xf32>,
        %add3A_170 = arith.addf %get3A_166, %get3A_169 : vector<16xf32>
        %mul3A_171 = arith.constant 2.000000e-01 : f32
        %mul3A_172 = vector.broadcast %mul3A_171 : f32 to vector<16xf32>
        %mul3A_173 = arith.mulf %mul3A_172, %add3A_170 : vector<16xf32>
        %max3A = arith.maximumf %add3A_170, %mul3A_173 : vector<16xf32>
        %exp3A = math.exp %max3A : vector<16xf32>
        %swap3A_174 = arith.index_cast %scan3A_162 : i32 to index
        %swap3A_175 = arith.constant 0 : index
        %swap3A_176 = tpu.vector_load %arg16[%swap3A_174, %swap3A_175] {strides = array<i32>} : memref<64x640xf32, #tpu.memory_space<vmem>>, vector<16xf32>,
        tpu.vector_store %arg16[%swap3A_174, %swap3A_175], %exp3A {strides = array<i32>} : memref<64x640xf32, #tpu.memory_space<vmem>>, vector<16xf32>,
        %broadcast_in_dim3A_177 = arith.constant 0 : i32
        %broadcast_in_dim3A_178 = vector.broadcast %broadcast_in_dim3A_177 : i32 to vector<16x1xi32>
        %gather3A = vector.shape_cast %broadcast_in_dim3A_178 : vector<16x1xi32> to vector<16xi32>
        %gather3A_179 = tpu.dynamic_gather %exp3A[%gather3A] in [0] : vector<16xf32>, vector<16xi32> -> vector<16xf32>
        %get3A_180 = arith.index_cast %scan3A_162 : i32 to index
        %get3A_181 = arith.constant 0 : index
        %get3A_182 = tpu.vector_load %arg15[%get3A_180, %get3A_181] {strides = array<i32>} : memref<64x512xf32, #tpu.memory_space<vmem>>, vector<16xf32>,
        %mul3A_183 = arith.mulf %get3A_182, %gather3A_179 : vector<16xf32>
        %swap3A_184 = arith.index_cast %scan3A_162 : i32 to index
        %swap3A_185 = arith.constant 128 : index
        %swap3A_186 = tpu.vector_load %arg16[%swap3A_184, %swap3A_185] {strides = array<i32>} : memref<64x640xf32, #tpu.memory_space<vmem>>, vector<16xf32>,
        tpu.vector_store %arg16[%swap3A_184, %swap3A_185], %mul3A_183 {strides = array<i32>} : memref<64x640xf32, #tpu.memory_space<vmem>>, vector<16xf32>,
        %get3A_187 = arith.index_cast %scan3A_162 : i32 to index
        %get3A_188 = arith.constant 16 : index
        %get3A_189 = tpu.vector_load %arg15[%get3A_187, %get3A_188] {strides = array<i32>} : memref<64x512xf32, #tpu.memory_space<vmem>>, vector<16xf32>,
        %mul3A_190 = arith.mulf %get3A_189, %gather3A_179 : vector<16xf32>
        %swap3A_191 = arith.index_cast %scan3A_162 : i32 to index
        %swap3A_192 = arith.constant 144 : index
        %swap3A_193 = tpu.vector_load %arg16[%swap3A_191, %swap3A_192] {strides = array<i32>} : memref<64x640xf32, #tpu.memory_space<vmem>>, vector<16xf32>,
        tpu.vector_store %arg16[%swap3A_191, %swap3A_192], %mul3A_190 {strides = array<i32>} : memref<64x640xf32, #tpu.memory_space<vmem>>, vector<16xf32>,
        %get3A_194 = arith.index_cast %scan3A_162 : i32 to index
        %get3A_195 = arith.constant 32 : index
        %get3A_196 = tpu.vector_load %arg15[%get3A_194, %get3A_195] {strides = array<i32>} : memref<64x512xf32, #tpu.memory_space<vmem>>, vector<16xf32>,
        %mul3A_197 = arith.mulf %get3A_196, %gather3A_179 : vector<16xf32>
        %swap3A_198 = arith.index_cast %scan3A_162 : i32 to index
        %swap3A_199 = arith.constant 160 : index
        %swap3A_200 = tpu.vector_load %arg16[%swap3A_198, %swap3A_199] {strides = array<i32>} : memref<64x640xf32, #tpu.memory_space<vmem>>, vector<16xf32>,
        tpu.vector_store %arg16[%swap3A_198, %swap3A_199], %mul3A_197 {strides = array<i32>} : memref<64x640xf32, #tpu.memory_space<vmem>>, vector<16xf32>,
        %get3A_201 = arith.index_cast %scan3A_162 : i32 to index
        %get3A_202 = arith.constant 48 : index
        %get3A_203 = tpu.vector_load %arg15[%get3A_201, %get3A_202] {strides = array<i32>} : memref<64x512xf32, #tpu.memory_space<vmem>>, vector<16xf32>,
        %mul3A_204 = arith.mulf %get3A_203, %gather3A_179 : vector<16xf32>
        %swap3A_205 = arith.index_cast %scan3A_162 : i32 to index
        %swap3A_206 = arith.constant 176 : index
        %swap3A_207 = tpu.vector_load %arg16[%swap3A_205, %swap3A_206] {strides = array<i32>} : memref<64x640xf32, #tpu.memory_space<vmem>>, vector<16xf32>,
        tpu.vector_store %arg16[%swap3A_205, %swap3A_206], %mul3A_204 {strides = array<i32>} : memref<64x640xf32, #tpu.memory_space<vmem>>, vector<16xf32>,
        %broadcast_in_dim3A_208 = arith.constant 1 : i32
        %broadcast_in_dim3A_209 = vector.broadcast %broadcast_in_dim3A_208 : i32 to vector<16x1xi32>
        %gather3A_210 = vector.shape_cast %broadcast_in_dim3A_209 : vector<16x1xi32> to vector<16xi32>
        %gather3A_211 = tpu.dynamic_gather %exp3A[%gather3A_210] in [0] : vector<16xf32>, vector<16xi32> -> vector<16xf32>
        %get3A_212 = arith.index_cast %scan3A_162 : i32 to index
        %get3A_213 = arith.constant 64 : index
        %get3A_214 = tpu.vector_load %arg15[%get3A_212, %get3A_213] {strides = array<i32>} : memref<64x512xf32, #tpu.memory_space<vmem>>, vector<16xf32>,
        %mul3A_215 = arith.mulf %get3A_214, %gather3A_211 : vector<16xf32>
        %swap3A_216 = arith.index_cast %scan3A_162 : i32 to index
        %swap3A_217 = arith.constant 192 : index
        %swap3A_218 = tpu.vector_load %arg16[%swap3A_216, %swap3A_217] {strides = array<i32>} : memref<64x640xf32, #tpu.memory_space<vmem>>, vector<16xf32>,
        tpu.vector_store %arg16[%swap3A_216, %swap3A_217], %mul3A_215 {strides = array<i32>} : memref<64x640xf32, #tpu.memory_space<vmem>>, vector<16xf32>,
        %get3A_219 = arith.index_cast %scan3A_162 : i32 to index
        %get3A_220 = arith.constant 80 : index
        %get3A_221 = tpu.vector_load %arg15[%get3A_219, %get3A_220] {strides = array<i32>} : memref<64x512xf32, #tpu.memory_space<vmem>>, vector<16xf32>,
        %mul3A_222 = arith.mulf %get3A_221, %gather3A_211 : vector<16xf32>
        %swap3A_223 = arith.index_cast %scan3A_162 : i32 to index
        %swap3A_224 = arith.constant 208 : index
        %swap3A_225 = tpu.vector_load %arg16[%swap3A_223, %swap3A_224] {strides = array<i32>} : memref<64x640xf32, #tpu.memory_space<vmem>>, vector<16xf32>,
        tpu.vector_store %arg16[%swap3A_223, %swap3A_224], %mul3A_222 {strides = array<i32>} : memref<64x640xf32, #tpu.memory_space<vmem>>, vector<16xf32>,
        %get3A_226 = arith.index_cast %scan3A_162 : i32 to index
        %get3A_227 = arith.constant 96 : index
        %get3A_228 = tpu.vector_load %arg15[%get3A_226, %get3A_227] {strides = array<i32>} : memref<64x512xf32, #tpu.memory_space<vmem>>, vector<16xf32>,
        %mul3A_229 = arith.mulf %get3A_228, %gather3A_211 : vector<16xf32>
        %swap3A_230 = arith.index_cast %scan3A_162 : i32 to index
        %swap3A_231 = arith.constant 224 : index
        %swap3A_232 = tpu.vector_load %arg16[%swap3A_230, %swap3A_231] {strides = array<i32>} : memref<64x640xf32, #tpu.memory_space<vmem>>, vector<16xf32>,
        tpu.vector_store %arg16[%swap3A_230, %swap3A_231], %mul3A_229 {strides = array<i32>} : memref<64x640xf32, #tpu.memory_space<vmem>>, vector<16xf32>,
        %get3A_233 = arith.index_cast %scan3A_162 : i32 to index
        %get3A_234 = arith.constant 112 : index
        %get3A_235 = tpu.vector_load %arg15[%get3A_233, %get3A_234] {strides = array<i32>} : memref<64x512xf32, #tpu.memory_space<vmem>>, vector<16xf32>,
        %mul3A_236 = arith.mulf %get3A_235, %gather3A_211 : vector<16xf32>
        %swap3A_237 = arith.index_cast %scan3A_162 : i32 to index
        %swap3A_238 = arith.constant 240 : index
        %swap3A_239 = tpu.vector_load %arg16[%swap3A_237, %swap3A_238] {strides = array<i32>} : memref<64x640xf32, #tpu.memory_space<vmem>>, vector<16xf32>,
        tpu.vector_store %arg16[%swap3A_237, %swap3A_238], %mul3A_236 {strides = array<i32>} : memref<64x640xf32, #tpu.memory_space<vmem>>, vector<16xf32>,
        %broadcast_in_dim3A_240 = arith.constant 2 : i32
        %broadcast_in_dim3A_241 = vector.broadcast %broadcast_in_dim3A_240 : i32 to vector<16x1xi32>
        %gather3A_242 = vector.shape_cast %broadcast_in_dim3A_241 : vector<16x1xi32> to vector<16xi32>
        %gather3A_243 = tpu.dynamic_gather %exp3A[%gather3A_242] in [0] : vector<16xf32>, vector<16xi32> -> vector<16xf32>
        %get3A_244 = arith.index_cast %scan3A_162 : i32 to index
        %get3A_245 = arith.constant 128 : index
        %get3A_246 = tpu.vector_load %arg15[%get3A_244, %get3A_245] {strides = array<i32>} : memref<64x512xf32, #tpu.memory_space<vmem>>, vector<16xf32>,
        %mul3A_247 = arith.mulf %get3A_246, %gather3A_243 : vector<16xf32>
        %swap3A_248 = arith.index_cast %scan3A_162 : i32 to index
        %swap3A_249 = arith.constant 256 : index
        %swap3A_250 = tpu.vector_load %arg16[%swap3A_248, %swap3A_249] {strides = array<i32>} : memref<64x640xf32, #tpu.memory_space<vmem>>, vector<16xf32>,
        tpu.vector_store %arg16[%swap3A_248, %swap3A_249], %mul3A_247 {strides = array<i32>} : memref<64x640xf32, #tpu.memory_space<vmem>>, vector<16xf32>,
        %get3A_251 = arith.index_cast %scan3A_162 : i32 to index
        %get3A_252 = arith.constant 144 : index
        %get3A_253 = tpu.vector_load %arg15[%get3A_251, %get3A_252] {strides = array<i32>} : memref<64x512xf32, #tpu.memory_space<vmem>>, vector<16xf32>,
        %mul3A_254 = arith.mulf %get3A_253, %gather3A_243 : vector<16xf32>
        %swap3A_255 = arith.index_cast %scan3A_162 : i32 to index
        %swap3A_256 = arith.constant 272 : index
        %swap3A_257 = tpu.vector_load %arg16[%swap3A_255, %swap3A_256] {strides = array<i32>} : memref<64x640xf32, #tpu.memory_space<vmem>>, vector<16xf32>,
        tpu.vector_store %arg16[%swap3A_255, %swap3A_256], %mul3A_254 {strides = array<i32>} : memref<64x640xf32, #tpu.memory_space<vmem>>, vector<16xf32>,
        %get3A_258 = arith.index_cast %scan3A_162 : i32 to index
        %get3A_259 = arith.constant 160 : index
        %get3A_260 = tpu.vector_load %arg15[%get3A_258, %get3A_259] {strides = array<i32>} : memref<64x512xf32, #tpu.memory_space<vmem>>, vector<16xf32>,
        %mul3A_261 = arith.mulf %get3A_260, %gather3A_243 : vector<16xf32>
        %swap3A_262 = arith.index_cast %scan3A_162 : i32 to index
        %swap3A_263 = arith.constant 288 : index
        %swap3A_264 = tpu.vector_load %arg16[%swap3A_262, %swap3A_263] {strides = array<i32>} : memref<64x640xf32, #tpu.memory_space<vmem>>, vector<16xf32>,
        tpu.vector_store %arg16[%swap3A_262, %swap3A_263], %mul3A_261 {strides = array<i32>} : memref<64x640xf32, #tpu.memory_space<vmem>>, vector<16xf32>,
        %get3A_265 = arith.index_cast %scan3A_162 : i32 to index
        %get3A_266 = arith.constant 176 : index
        %get3A_267 = tpu.vector_load %arg15[%get3A_265, %get3A_266] {strides = array<i32>} : memref<64x512xf32, #tpu.memory_space<vmem>>, vector<16xf32>,
        %mul3A_268 = arith.mulf %get3A_267, %gather3A_243 : vector<16xf32>
        %swap3A_269 = arith.index_cast %scan3A_162 : i32 to index
        %swap3A_270 = arith.constant 304 : index
        %swap3A_271 = tpu.vector_load %arg16[%swap3A_269, %swap3A_270] {strides = array<i32>} : memref<64x640xf32, #tpu.memory_space<vmem>>, vector<16xf32>,
        tpu.vector_store %arg16[%swap3A_269, %swap3A_270], %mul3A_268 {strides = array<i32>} : memref<64x640xf32, #tpu.memory_space<vmem>>, vector<16xf32>,
        %broadcast_in_dim3A_272 = arith.constant 3 : i32
        %broadcast_in_dim3A_273 = vector.broadcast %broadcast_in_dim3A_272 : i32 to vector<16x1xi32>
        %gather3A_274 = vector.shape_cast %broadcast_in_dim3A_273 : vector<16x1xi32> to vector<16xi32>
        %gather3A_275 = tpu.dynamic_gather %exp3A[%gather3A_274] in [0] : vector<16xf32>, vector<16xi32> -> vector<16xf32>
        %get3A_276 = arith.index_cast %scan3A_162 : i32 to index
        %get3A_277 = arith.constant 192 : index
        %get3A_278 = tpu.vector_load %arg15[%get3A_276, %get3A_277] {strides = array<i32>} : memref<64x512xf32, #tpu.memory_space<vmem>>, vector<16xf32>,
        %mul3A_279 = arith.mulf %get3A_278, %gather3A_275 : vector<16xf32>
        %swap3A_280 = arith.index_cast %scan3A_162 : i32 to index
        %swap3A_281 = arith.constant 320 : index
        %swap3A_282 = tpu.vector_load %arg16[%swap3A_280, %swap3A_281] {strides = array<i32>} : memref<64x640xf32, #tpu.memory_space<vmem>>, vector<16xf32>,
        tpu.vector_store %arg16[%swap3A_280, %swap3A_281], %mul3A_279 {strides = array<i32>} : memref<64x640xf32, #tpu.memory_space<vmem>>, vector<16xf32>,
        %get3A_283 = arith.index_cast %scan3A_162 : i32 to index
        %get3A_284 = arith.constant 208 : index
        %get3A_285 = tpu.vector_load %arg15[%get3A_283, %get3A_284] {strides = array<i32>} : memref<64x512xf32, #tpu.memory_space<vmem>>, vector<16xf32>,
        %mul3A_286 = arith.mulf %get3A_285, %gather3A_275 : vector<16xf32>
        %swap3A_287 = arith.index_cast %scan3A_162 : i32 to index
        %swap3A_288 = arith.constant 336 : index
        %swap3A_289 = tpu.vector_load %arg16[%swap3A_287, %swap3A_288] {strides = array<i32>} : memref<64x640xf32, #tpu.memory_space<vmem>>, vector<16xf32>,
        tpu.vector_store %arg16[%swap3A_287, %swap3A_288], %mul3A_286 {strides = array<i32>} : memref<64x640xf32, #tpu.memory_space<vmem>>, vector<16xf32>,
        %get3A_290 = arith.index_cast %scan3A_162 : i32 to index
        %get3A_291 = arith.constant 224 : index
        %get3A_292 = tpu.vector_load %arg15[%get3A_290, %get3A_291] {strides = array<i32>} : memref<64x512xf32, #tpu.memory_space<vmem>>, vector<16xf32>,
        %mul3A_293 = arith.mulf %get3A_292, %gather3A_275 : vector<16xf32>
        %swap3A_294 = arith.index_cast %scan3A_162 : i32 to index
        %swap3A_295 = arith.constant 352 : index
        %swap3A_296 = tpu.vector_load %arg16[%swap3A_294, %swap3A_295] {strides = array<i32>} : memref<64x640xf32, #tpu.memory_space<vmem>>, vector<16xf32>,
        tpu.vector_store %arg16[%swap3A_294, %swap3A_295], %mul3A_293 {strides = array<i32>} : memref<64x640xf32, #tpu.memory_space<vmem>>, vector<16xf32>,
        %get3A_297 = arith.index_cast %scan3A_162 : i32 to index
        %get3A_298 = arith.constant 240 : index
        %get3A_299 = tpu.vector_load %arg15[%get3A_297, %get3A_298] {strides = array<i32>} : memref<64x512xf32, #tpu.memory_space<vmem>>, vector<16xf32>,
        %mul3A_300 = arith.mulf %get3A_299, %gather3A_275 : vector<16xf32>
        %swap3A_301 = arith.index_cast %scan3A_162 : i32 to index
        %swap3A_302 = arith.constant 368 : index
        %swap3A_303 = tpu.vector_load %arg16[%swap3A_301, %swap3A_302] {strides = array<i32>} : memref<64x640xf32, #tpu.memory_space<vmem>>, vector<16xf32>,
        tpu.vector_store %arg16[%swap3A_301, %swap3A_302], %mul3A_300 {strides = array<i32>} : memref<64x640xf32, #tpu.memory_space<vmem>>, vector<16xf32>,
        %broadcast_in_dim3A_304 = arith.constant 4 : i32
        %broadcast_in_dim3A_305 = vector.broadcast %broadcast_in_dim3A_304 : i32 to vector<16x1xi32>
        %gather3A_306 = vector.shape_cast %broadcast_in_dim3A_305 : vector<16x1xi32> to vector<16xi32>
        %gather3A_307 = tpu.dynamic_gather %exp3A[%gather3A_306] in [0] : vector<16xf32>, vector<16xi32> -> vector<16xf32>
        %get3A_308 = arith.index_cast %scan3A_162 : i32 to index
        %get3A_309 = arith.constant 256 : index
        %get3A_310 = tpu.vector_load %arg15[%get3A_308, %get3A_309] {strides = array<i32>} : memref<64x512xf32, #tpu.memory_space<vmem>>, vector<16xf32>,
        %mul3A_311 = arith.mulf %get3A_310, %gather3A_307 : vector<16xf32>
        %swap3A_312 = arith.index_cast %scan3A_162 : i32 to index
        %swap3A_313 = arith.constant 384 : index
        %swap3A_314 = tpu.vector_load %arg16[%swap3A_312, %swap3A_313] {strides = array<i32>} : memref<64x640xf32, #tpu.memory_space<vmem>>, vector<16xf32>,
        tpu.vector_store %arg16[%swap3A_312, %swap3A_313], %mul3A_311 {strides = array<i32>} : memref<64x640xf32, #tpu.memory_space<vmem>>, vector<16xf32>,
        %get3A_315 = arith.index_cast %scan3A_162 : i32 to index
        %get3A_316 = arith.constant 272 : index
        %get3A_317 = tpu.vector_load %arg15[%get3A_315, %get3A_316] {strides = array<i32>} : memref<64x512xf32, #tpu.memory_space<vmem>>, vector<16xf32>,
        %mul3A_318 = arith.mulf %get3A_317, %gather3A_307 : vector<16xf32>
        %swap3A_319 = arith.index_cast %scan3A_162 : i32 to index
        %swap3A_320 = arith.constant 400 : index
        %swap3A_321 = tpu.vector_load %arg16[%swap3A_319, %swap3A_320] {strides = array<i32>} : memref<64x640xf32, #tpu.memory_space<vmem>>, vector<16xf32>,
        tpu.vector_store %arg16[%swap3A_319, %swap3A_320], %mul3A_318 {strides = array<i32>} : memref<64x640xf32, #tpu.memory_space<vmem>>, vector<16xf32>,
        %get3A_322 = arith.index_cast %scan3A_162 : i32 to index
        %get3A_323 = arith.constant 288 : index
        %get3A_324 = tpu.vector_load %arg15[%get3A_322, %get3A_323] {strides = array<i32>} : memref<64x512xf32, #tpu.memory_space<vmem>>, vector<16xf32>,
        %mul3A_325 = arith.mulf %get3A_324, %gather3A_307 : vector<16xf32>
        %swap3A_326 = arith.index_cast %scan3A_162 : i32 to index
        %swap3A_327 = arith.constant 416 : index
        %swap3A_328 = tpu.vector_load %arg16[%swap3A_326, %swap3A_327] {strides = array<i32>} : memref<64x640xf32, #tpu.memory_space<vmem>>, vector<16xf32>,
        tpu.vector_store %arg16[%swap3A_326, %swap3A_327], %mul3A_325 {strides = array<i32>} : memref<64x640xf32, #tpu.memory_space<vmem>>, vector<16xf32>,
        %get3A_329 = arith.index_cast %scan3A_162 : i32 to index
        %get3A_330 = arith.constant 304 : index
        %get3A_331 = tpu.vector_load %arg15[%get3A_329, %get3A_330] {strides = array<i32>} : memref<64x512xf32, #tpu.memory_space<vmem>>, vector<16xf32>,
        %mul3A_332 = arith.mulf %get3A_331, %gather3A_307 : vector<16xf32>
        %swap3A_333 = arith.index_cast %scan3A_162 : i32 to index
        %swap3A_334 = arith.constant 432 : index
        %swap3A_335 = tpu.vector_load %arg16[%swap3A_333, %swap3A_334] {strides = array<i32>} : memref<64x640xf32, #tpu.memory_space<vmem>>, vector<16xf32>,
        tpu.vector_store %arg16[%swap3A_333, %swap3A_334], %mul3A_332 {strides = array<i32>} : memref<64x640xf32, #tpu.memory_space<vmem>>, vector<16xf32>,
        %broadcast_in_dim3A_336 = arith.constant 5 : i32
        %broadcast_in_dim3A_337 = vector.broadcast %broadcast_in_dim3A_336 : i32 to vector<16x1xi32>
        %gather3A_338 = vector.shape_cast %broadcast_in_dim3A_337 : vector<16x1xi32> to vector<16xi32>
        %gather3A_339 = tpu.dynamic_gather %exp3A[%gather3A_338] in [0] : vector<16xf32>, vector<16xi32> -> vector<16xf32>
        %get3A_340 = arith.index_cast %scan3A_162 : i32 to index
        %get3A_341 = arith.constant 320 : index
        %get3A_342 = tpu.vector_load %arg15[%get3A_340, %get3A_341] {strides = array<i32>} : memref<64x512xf32, #tpu.memory_space<vmem>>, vector<16xf32>,
        %mul3A_343 = arith.mulf %get3A_342, %gather3A_339 : vector<16xf32>
        %swap3A_344 = arith.index_cast %scan3A_162 : i32 to index
        %swap3A_345 = arith.constant 448 : index
        %swap3A_346 = tpu.vector_load %arg16[%swap3A_344, %swap3A_345] {strides = array<i32>} : memref<64x640xf32, #tpu.memory_space<vmem>>, vector<16xf32>,
        tpu.vector_store %arg16[%swap3A_344, %swap3A_345], %mul3A_343 {strides = array<i32>} : memref<64x640xf32, #tpu.memory_space<vmem>>, vector<16xf32>,
        %get3A_347 = arith.index_cast %scan3A_162 : i32 to index
        %get3A_348 = arith.constant 336 : index
        %get3A_349 = tpu.vector_load %arg15[%get3A_347, %get3A_348] {strides = array<i32>} : memref<64x512xf32, #tpu.memory_space<vmem>>, vector<16xf32>,
        %mul3A_350 = arith.mulf %get3A_349, %gather3A_339 : vector<16xf32>
        %swap3A_351 = arith.index_cast %scan3A_162 : i32 to index
        %swap3A_352 = arith.constant 464 : index
        %swap3A_353 = tpu.vector_load %arg16[%swap3A_351, %swap3A_352] {strides = array<i32>} : memref<64x640xf32, #tpu.memory_space<vmem>>, vector<16xf32>,
        tpu.vector_store %arg16[%swap3A_351, %swap3A_352], %mul3A_350 {strides = array<i32>} : memref<64x640xf32, #tpu.memory_space<vmem>>, vector<16xf32>,
        %get3A_354 = arith.index_cast %scan3A_162 : i32 to index
        %get3A_355 = arith.constant 352 : index
        %get3A_356 = tpu.vector_load %arg15[%get3A_354, %get3A_355] {strides = array<i32>} : memref<64x512xf32, #tpu.memory_space<vmem>>, vector<16xf32>,
        %mul3A_357 = arith.mulf %get3A_356, %gather3A_339 : vector<16xf32>
        %swap3A_358 = arith.index_cast %scan3A_162 : i32 to index
        %swap3A_359 = arith.constant 480 : index
        %swap3A_360 = tpu.vector_load %arg16[%swap3A_358, %swap3A_359] {strides = array<i32>} : memref<64x640xf32, #tpu.memory_space<vmem>>, vector<16xf32>,
        tpu.vector_store %arg16[%swap3A_358, %swap3A_359], %mul3A_357 {strides = array<i32>} : memref<64x640xf32, #tpu.memory_space<vmem>>, vector<16xf32>,
        %get3A_361 = arith.index_cast %scan3A_162 : i32 to index
        %get3A_362 = arith.constant 368 : index
        %get3A_363 = tpu.vector_load %arg15[%get3A_361, %get3A_362] {strides = array<i32>} : memref<64x512xf32, #tpu.memory_space<vmem>>, vector<16xf32>,
        %mul3A_364 = arith.mulf %get3A_363, %gather3A_339 : vector<16xf32>
        %swap3A_365 = arith.index_cast %scan3A_162 : i32 to index
        %swap3A_366 = arith.constant 496 : index
        %swap3A_367 = tpu.vector_load %arg16[%swap3A_365, %swap3A_366] {strides = array<i32>} : memref<64x640xf32, #tpu.memory_space<vmem>>, vector<16xf32>,
        tpu.vector_store %arg16[%swap3A_365, %swap3A_366], %mul3A_364 {strides = array<i32>} : memref<64x640xf32, #tpu.memory_space<vmem>>, vector<16xf32>,
        %broadcast_in_dim3A_368 = arith.constant 6 : i32
        %broadcast_in_dim3A_369 = vector.broadcast %broadcast_in_dim3A_368 : i32 to vector<16x1xi32>
        %gather3A_370 = vector.shape_cast %broadcast_in_dim3A_369 : vector<16x1xi32> to vector<16xi32>
        %gather3A_371 = tpu.dynamic_gather %exp3A[%gather3A_370] in [0] : vector<16xf32>, vector<16xi32> -> vector<16xf32>
        %get3A_372 = arith.index_cast %scan3A_162 : i32 to index
        %get3A_373 = arith.constant 384 : index
        %get3A_374 = tpu.vector_load %arg15[%get3A_372, %get3A_373] {strides = array<i32>} : memref<64x512xf32, #tpu.memory_space<vmem>>, vector<16xf32>,
        %mul3A_375 = arith.mulf %get3A_374, %gather3A_371 : vector<16xf32>
        %swap3A_376 = arith.index_cast %scan3A_162 : i32 to index
        %swap3A_377 = arith.constant 512 : index
        %swap3A_378 = tpu.vector_load %arg16[%swap3A_376, %swap3A_377] {strides = array<i32>} : memref<64x640xf32, #tpu.memory_space<vmem>>, vector<16xf32>,
        tpu.vector_store %arg16[%swap3A_376, %swap3A_377], %mul3A_375 {strides = array<i32>} : memref<64x640xf32, #tpu.memory_space<vmem>>, vector<16xf32>,
        %get3A_379 = arith.index_cast %scan3A_162 : i32 to index
        %get3A_380 = arith.constant 400 : index
        %get3A_381 = tpu.vector_load %arg15[%get3A_379, %get3A_380] {strides = array<i32>} : memref<64x512xf32, #tpu.memory_space<vmem>>, vector<16xf32>,
        %mul3A_382 = arith.mulf %get3A_381, %gather3A_371 : vector<16xf32>
        %swap3A_383 = arith.index_cast %scan3A_162 : i32 to index
        %swap3A_384 = arith.constant 528 : index
        %swap3A_385 = tpu.vector_load %arg16[%swap3A_383, %swap3A_384] {strides = array<i32>} : memref<64x640xf32, #tpu.memory_space<vmem>>, vector<16xf32>,
        tpu.vector_store %arg16[%swap3A_383, %swap3A_384], %mul3A_382 {strides = array<i32>} : memref<64x640xf32, #tpu.memory_space<vmem>>, vector<16xf32>,
        %get3A_386 = arith.index_cast %scan3A_162 : i32 to index
        %get3A_387 = arith.constant 416 : index
        %get3A_388 = tpu.vector_load %arg15[%get3A_386, %get3A_387] {strides = array<i32>} : memref<64x512xf32, #tpu.memory_space<vmem>>, vector<16xf32>,
        %mul3A_389 = arith.mulf %get3A_388, %gather3A_371 : vector<16xf32>
        %swap3A_390 = arith.index_cast %scan3A_162 : i32 to index
        %swap3A_391 = arith.constant 544 : index
        %swap3A_392 = tpu.vector_load %arg16[%swap3A_390, %swap3A_391] {strides = array<i32>} : memref<64x640xf32, #tpu.memory_space<vmem>>, vector<16xf32>,
        tpu.vector_store %arg16[%swap3A_390, %swap3A_391], %mul3A_389 {strides = array<i32>} : memref<64x640xf32, #tpu.memory_space<vmem>>, vector<16xf32>,
        %get3A_393 = arith.index_cast %scan3A_162 : i32 to index
        %get3A_394 = arith.constant 432 : index
        %get3A_395 = tpu.vector_load %arg15[%get3A_393, %get3A_394] {strides = array<i32>} : memref<64x512xf32, #tpu.memory_space<vmem>>, vector<16xf32>,
        %mul3A_396 = arith.mulf %get3A_395, %gather3A_371 : vector<16xf32>
        %swap3A_397 = arith.index_cast %scan3A_162 : i32 to index
        %swap3A_398 = arith.constant 560 : index
        %swap3A_399 = tpu.vector_load %arg16[%swap3A_397, %swap3A_398] {strides = array<i32>} : memref<64x640xf32, #tpu.memory_space<vmem>>, vector<16xf32>,
        tpu.vector_store %arg16[%swap3A_397, %swap3A_398], %mul3A_396 {strides = array<i32>} : memref<64x640xf32, #tpu.memory_space<vmem>>, vector<16xf32>,
        %broadcast_in_dim3A_400 = arith.constant 7 : i32
        %broadcast_in_dim3A_401 = vector.broadcast %broadcast_in_dim3A_400 : i32 to vector<16x1xi32>
        %gather3A_402 = vector.shape_cast %broadcast_in_dim3A_401 : vector<16x1xi32> to vector<16xi32>
        %gather3A_403 = tpu.dynamic_gather %exp3A[%gather3A_402] in [0] : vector<16xf32>, vector<16xi32> -> vector<16xf32>
        %get3A_404 = arith.index_cast %scan3A_162 : i32 to index
        %get3A_405 = arith.constant 448 : index
        %get3A_406 = tpu.vector_load %arg15[%get3A_404, %get3A_405] {strides = array<i32>} : memref<64x512xf32, #tpu.memory_space<vmem>>, vector<16xf32>,
        %mul3A_407 = arith.mulf %get3A_406, %gather3A_403 : vector<16xf32>
        %swap3A_408 = arith.index_cast %scan3A_162 : i32 to index
        %swap3A_409 = arith.constant 576 : index
        %swap3A_410 = tpu.vector_load %arg16[%swap3A_408, %swap3A_409] {strides = array<i32>} : memref<64x640xf32, #tpu.memory_space<vmem>>, vector<16xf32>,
        tpu.vector_store %arg16[%swap3A_408, %swap3A_409], %mul3A_407 {strides = array<i32>} : memref<64x640xf32, #tpu.memory_space<vmem>>, vector<16xf32>,
        %get3A_411 = arith.index_cast %scan3A_162 : i32 to index
        %get3A_412 = arith.constant 464 : index
        %get3A_413 = tpu.vector_load %arg15[%get3A_411, %get3A_412] {strides = array<i32>} : memref<64x512xf32, #tpu.memory_space<vmem>>, vector<16xf32>,
        %mul3A_414 = arith.mulf %get3A_413, %gather3A_403 : vector<16xf32>
        %swap3A_415 = arith.index_cast %scan3A_162 : i32 to index
        %swap3A_416 = arith.constant 592 : index
        %swap3A_417 = tpu.vector_load %arg16[%swap3A_415, %swap3A_416] {strides = array<i32>} : memref<64x640xf32, #tpu.memory_space<vmem>>, vector<16xf32>,
        tpu.vector_store %arg16[%swap3A_415, %swap3A_416], %mul3A_414 {strides = array<i32>} : memref<64x640xf32, #tpu.memory_space<vmem>>, vector<16xf32>,
        %get3A_418 = arith.index_cast %scan3A_162 : i32 to index
        %get3A_419 = arith.constant 480 : index
        %get3A_420 = tpu.vector_load %arg15[%get3A_418, %get3A_419] {strides = array<i32>} : memref<64x512xf32, #tpu.memory_space<vmem>>, vector<16xf32>,
        %mul3A_421 = arith.mulf %get3A_420, %gather3A_403 : vector<16xf32>
        %swap3A_422 = arith.index_cast %scan3A_162 : i32 to index
        %swap3A_423 = arith.constant 608 : index
        %swap3A_424 = tpu.vector_load %arg16[%swap3A_422, %swap3A_423] {strides = array<i32>} : memref<64x640xf32, #tpu.memory_space<vmem>>, vector<16xf32>,
        tpu.vector_store %arg16[%swap3A_422, %swap3A_423], %mul3A_421 {strides = array<i32>} : memref<64x640xf32, #tpu.memory_space<vmem>>, vector<16xf32>,
        %get3A_425 = arith.index_cast %scan3A_162 : i32 to index
        %get3A_426 = arith.constant 496 : index
        %get3A_427 = tpu.vector_load %arg15[%get3A_425, %get3A_426] {strides = array<i32>} : memref<64x512xf32, #tpu.memory_space<vmem>>, vector<16xf32>,
        %mul3A_428 = arith.mulf %get3A_427, %gather3A_403 : vector<16xf32>
        %swap3A_429 = arith.index_cast %scan3A_162 : i32 to index
        %swap3A_430 = arith.constant 624 : index
        %swap3A_431 = tpu.vector_load %arg16[%swap3A_429, %swap3A_430] {strides = array<i32>} : memref<64x640xf32, #tpu.memory_space<vmem>>, vector<16xf32>,
        tpu.vector_store %arg16[%swap3A_429, %swap3A_430], %mul3A_428 {strides = array<i32>} : memref<64x640xf32, #tpu.memory_space<vmem>>, vector<16xf32>,
        %scan3A_432 = arith.constant 0 : i32
        scf.yield %scan3A_432 : i32
      }
      %scan3A_160 = arith.constant 64 : i32
      "tpu.region"() ({
        %run_scoped3A = tpu.sem_alloc : memref<!tpu.dma_semaphore, #tpu.memory_space<semaphore_mem>>
        %dma_start3A_162 = arith.constant 0 : i32
        %dma_start3A_163 = arith.constant 0 : i32
        %dma_start3A_164 = tpu.memref_slice %arg6[%arg1, %dma_start3A_162, %dma_start3A_163] : memref<16x10016x640xf32, #tpu.memory_space<hbm>> -> memref<1x10016x640xf32, #tpu.memory_space<hbm>>
        %dma_start3A_165 = tpu.memref_squeeze %dma_start3A_164 : memref<1x10016x640xf32, #tpu.memory_space<hbm>> -> memref<10016x640xf32, #tpu.memory_space<hbm>>
        %dma_start3A_166 = arith.constant 0 : i32
        %dma_start3A_167 = arith.constant 0 : i32
        %dma_start3A_168 = tpu.memref_slice %dma_start3A_165[%dma_start3A_166, %dma_start3A_167] : memref<10016x640xf32, #tpu.memory_space<hbm>> -> memref<10016x640xf32, #tpu.memory_space<hbm>>
        tpu.enqueue_indirect_dma source(%arg16 : memref<64x640xf32, #tpu.memory_space<vmem>>) target(%dma_start3A_168 : memref<10016x640xf32, #tpu.memory_space<hbm>>) offsets(%arg12 : memref<64xi32, #tpu.memory_space<vmem>>) semaphore(%run_scoped3A : memref<!tpu.dma_semaphore, #tpu.memory_space<semaphore_mem>>) {add = true}
        %dma_wait3A_169 = arith.constant 0 : i32
        %dma_wait3A_170 = arith.constant 0 : i32
        %dma_wait3A_171 = tpu.memref_slice %arg6[%arg1, %dma_wait3A_169, %dma_wait3A_170] : memref<16x10016x640xf32, #tpu.memory_space<hbm>> -> memref<1x10016x640xf32, #tpu.memory_space<hbm>>
        %dma_wait3A_172 = tpu.memref_squeeze %dma_wait3A_171 : memref<1x10016x640xf32, #tpu.memory_space<hbm>> -> memref<10016x640xf32, #tpu.memory_space<hbm>>
        %dma_wait3A_173 = arith.constant 0 : i32
        %dma_wait3A_174 = arith.constant 0 : i32
        %dma_wait3A_175 = tpu.memref_slice %dma_wait3A_172[%dma_wait3A_173, %dma_wait3A_174] : memref<10016x640xf32, #tpu.memory_space<hbm>> -> memref<10016x640xf32, #tpu.memory_space<hbm>>
        tpu.wait_indirect_dma semaphore(%run_scoped3A : memref<!tpu.dma_semaphore, #tpu.memory_space<semaphore_mem>>) src(%arg16 : memref<64x640xf32, #tpu.memory_space<vmem>>) dst(%dma_wait3A_175 : memref<10016x640xf32, #tpu.memory_space<hbm>>)
        tpu.yield
      }) : () -> ()
      %while3A_161 = arith.constant 0 : i32
      scf.yield %while3A_161 : i32
    }
    %while3A_58 = arith.constant 1 : i32
    %while3A_59 = scf.for %while3A_61 = %while3A_55 to %while3A_51 step %while3A_58 iter_args(%while3A_62 = %while3A_57) -> (i32)  : i32 {
      %mul3A_63 = arith.constant 64 : i32
      %mul3A_64 = arith.muli %while3A_61, %mul3A_63 : i32
      %add3A_65 = arith.constant 0 : i32
      %add3A_66 = arith.addi %mul3A_64, %add3A_65 : i32
      %get3A = arith.index_cast %add3A_66 : i32 to index
      %get3A_67 = tpu.vector_load %arg9[%get3A] {strides = array<i32>} : memref<10064xi32, #tpu.memory_space<vmem>>, vector<16xi32>,
      %shift_right_arithmetic3A_68 = arith.constant 14 : i32
      %shift_right_arithmetic3A_69 = vector.broadcast %shift_right_arithmetic3A_68 : i32 to vector<16xi32>
      %shift_right_arithmetic3A_70 = arith.shrsi %get3A_67, %shift_right_arithmetic3A_69 : vector<16xi32>
      %and3A = arith.constant 16383 : i32
      %and3A_71 = vector.broadcast %and3A : i32 to vector<16xi32>
      %and3A_72 = arith.andi %get3A_67, %and3A_71 : vector<16xi32>
      %swap3A_73 = arith.constant 0 : index
      %swap3A_74 = tpu.vector_load %arg10[%swap3A_73] {strides = array<i32>} : memref<64xi32, #tpu.memory_space<vmem>>, vector<16xi32>,
      tpu.vector_store %arg10[%swap3A_73], %and3A_72 {strides = array<i32>} : memref<64xi32, #tpu.memory_space<vmem>>, vector<16xi32>,
      %min3A = arith.constant 9999 : i32
      %min3A_75 = vector.broadcast %min3A : i32 to vector<16xi32>
      %min3A_76 = arith.minsi %shift_right_arithmetic3A_70, %min3A_75 : vector<16xi32>
      %swap3A_77 = arith.constant 0 : index
      %swap3A_78 = tpu.vector_load %arg11[%swap3A_77] {strides = array<i32>} : memref<64xi32, #tpu.memory_space<vmem>>, vector<16xi32>,
      tpu.vector_store %arg11[%swap3A_77], %min3A_76 {strides = array<i32>} : memref<64xi32, #tpu.memory_space<vmem>>, vector<16xi32>,
      %swap3A_79 = arith.constant 0 : index
      %swap3A_80 = tpu.vector_load %arg12[%swap3A_79] {strides = array<i32>} : memref<64xi32, #tpu.memory_space<vmem>>, vector<16xi32>,
      tpu.vector_store %arg12[%swap3A_79], %shift_right_arithmetic3A_70 {strides = array<i32>} : memref<64xi32, #tpu.memory_space<vmem>>, vector<16xi32>,
      %add3A_81 = arith.constant 16 : i32
      %add3A_82 = arith.addi %mul3A_64, %add3A_81 : i32
      %get3A_83 = arith.index_cast %add3A_82 : i32 to index
      %get3A_84 = tpu.vector_load %arg9[%get3A_83] {strides = array<i32>} : memref<10064xi32, #tpu.memory_space<vmem>>, vector<16xi32>,
      %shift_right_arithmetic3A_85 = arith.constant 14 : i32
      %shift_right_arithmetic3A_86 = vector.broadcast %shift_right_arithmetic3A_85 : i32 to vector<16xi32>
      %shift_right_arithmetic3A_87 = arith.shrsi %get3A_84, %shift_right_arithmetic3A_86 : vector<16xi32>
      %and3A_88 = arith.constant 16383 : i32
      %and3A_89 = vector.broadcast %and3A_88 : i32 to vector<16xi32>
      %and3A_90 = arith.andi %get3A_84, %and3A_89 : vector<16xi32>
      %swap3A_91 = arith.constant 16 : index
      %swap3A_92 = tpu.vector_load %arg10[%swap3A_91] {strides = array<i32>} : memref<64xi32, #tpu.memory_space<vmem>>, vector<16xi32>,
      tpu.vector_store %arg10[%swap3A_91], %and3A_90 {strides = array<i32>} : memref<64xi32, #tpu.memory_space<vmem>>, vector<16xi32>,
      %min3A_93 = arith.constant 9999 : i32
      %min3A_94 = vector.broadcast %min3A_93 : i32 to vector<16xi32>
      %min3A_95 = arith.minsi %shift_right_arithmetic3A_87, %min3A_94 : vector<16xi32>
      %swap3A_96 = arith.constant 16 : index
      %swap3A_97 = tpu.vector_load %arg11[%swap3A_96] {strides = array<i32>} : memref<64xi32, #tpu.memory_space<vmem>>, vector<16xi32>,
      tpu.vector_store %arg11[%swap3A_96], %min3A_95 {strides = array<i32>} : memref<64xi32, #tpu.memory_space<vmem>>, vector<16xi32>,
      %swap3A_98 = arith.constant 16 : index
      %swap3A_99 = tpu.vector_load %arg12[%swap3A_98] {strides = array<i32>} : memref<64xi32, #tpu.memory_space<vmem>>, vector<16xi32>,
      tpu.vector_store %arg12[%swap3A_98], %shift_right_arithmetic3A_87 {strides = array<i32>} : memref<64xi32, #tpu.memory_space<vmem>>, vector<16xi32>,
      %add3A_100 = arith.constant 32 : i32
      %add3A_101 = arith.addi %mul3A_64, %add3A_100 : i32
      %get3A_102 = arith.index_cast %add3A_101 : i32 to index
      %get3A_103 = tpu.vector_load %arg9[%get3A_102] {strides = array<i32>} : memref<10064xi32, #tpu.memory_space<vmem>>, vector<16xi32>,
      %shift_right_arithmetic3A_104 = arith.constant 14 : i32
      %shift_right_arithmetic3A_105 = vector.broadcast %shift_right_arithmetic3A_104 : i32 to vector<16xi32>
      %shift_right_arithmetic3A_106 = arith.shrsi %get3A_103, %shift_right_arithmetic3A_105 : vector<16xi32>
      %and3A_107 = arith.constant 16383 : i32
      %and3A_108 = vector.broadcast %and3A_107 : i32 to vector<16xi32>
      %and3A_109 = arith.andi %get3A_103, %and3A_108 : vector<16xi32>
      %swap3A_110 = arith.constant 32 : index
      %swap3A_111 = tpu.vector_load %arg10[%swap3A_110] {strides = array<i32>} : memref<64xi32, #tpu.memory_space<vmem>>, vector<16xi32>,
      tpu.vector_store %arg10[%swap3A_110], %and3A_109 {strides = array<i32>} : memref<64xi32, #tpu.memory_space<vmem>>, vector<16xi32>,
      %min3A_112 = arith.constant 9999 : i32
      %min3A_113 = vector.broadcast %min3A_112 : i32 to vector<16xi32>
      %min3A_114 = arith.minsi %shift_right_arithmetic3A_106, %min3A_113 : vector<16xi32>
      %swap3A_115 = arith.constant 32 : index
      %swap3A_116 = tpu.vector_load %arg11[%swap3A_115] {strides = array<i32>} : memref<64xi32, #tpu.memory_space<vmem>>, vector<16xi32>,
      tpu.vector_store %arg11[%swap3A_115], %min3A_114 {strides = array<i32>} : memref<64xi32, #tpu.memory_space<vmem>>, vector<16xi32>,
      %swap3A_117 = arith.constant 32 : index
      %swap3A_118 = tpu.vector_load %arg12[%swap3A_117] {strides = array<i32>} : memref<64xi32, #tpu.memory_space<vmem>>, vector<16xi32>,
      tpu.vector_store %arg12[%swap3A_117], %shift_right_arithmetic3A_106 {strides = array<i32>} : memref<64xi32, #tpu.memory_space<vmem>>, vector<16xi32>,
      %add3A_119 = arith.constant 48 : i32
      %add3A_120 = arith.addi %mul3A_64, %add3A_119 : i32
      %get3A_121 = arith.index_cast %add3A_120 : i32 to index
      %get3A_122 = tpu.vector_load %arg9[%get3A_121] {strides = array<i32>} : memref<10064xi32, #tpu.memory_space<vmem>>, vector<16xi32>,
      %shift_right_arithmetic3A_123 = arith.constant 14 : i32
      %shift_right_arithmetic3A_124 = vector.broadcast %shift_right_arithmetic3A_123 : i32 to vector<16xi32>
      %shift_right_arithmetic3A_125 = arith.shrsi %get3A_122, %shift_right_arithmetic3A_124 : vector<16xi32>
      %and3A_126 = arith.constant 16383 : i32
      %and3A_127 = vector.broadcast %and3A_126 : i32 to vector<16xi32>
      %and3A_128 = arith.andi %get3A_122, %and3A_127 : vector<16xi32>
      %swap3A_129 = arith.constant 48 : index
      %swap3A_130 = tpu.vector_load %arg10[%swap3A_129] {strides = array<i32>} : memref<64xi32, #tpu.memory_space<vmem>>, vector<16xi32>,
      tpu.vector_store %arg10[%swap3A_129], %and3A_128 {strides = array<i32>} : memref<64xi32, #tpu.memory_space<vmem>>, vector<16xi32>,
      %min3A_131 = arith.constant 9999 : i32
      %min3A_132 = vector.broadcast %min3A_131 : i32 to vector<16xi32>
      %min3A_133 = arith.minsi %shift_right_arithmetic3A_125, %min3A_132 : vector<16xi32>
      %swap3A_134 = arith.constant 48 : index
      %swap3A_135 = tpu.vector_load %arg11[%swap3A_134] {strides = array<i32>} : memref<64xi32, #tpu.memory_space<vmem>>, vector<16xi32>,
      tpu.vector_store %arg11[%swap3A_134], %min3A_133 {strides = array<i32>} : memref<64xi32, #tpu.memory_space<vmem>>, vector<16xi32>,
      %swap3A_136 = arith.constant 48 : index
      %swap3A_137 = tpu.vector_load %arg12[%swap3A_136] {strides = array<i32>} : memref<64xi32, #tpu.memory_space<vmem>>, vector<16xi32>,
      tpu.vector_store %arg12[%swap3A_136], %shift_right_arithmetic3A_125 {strides = array<i32>} : memref<64xi32, #tpu.memory_space<vmem>>, vector<16xi32>,
      %dma_start3A = arith.constant 0 : i32
      %dma_start3A_138 = arith.constant 0 : i32
      %dma_start3A_139 = tpu.memref_slice %arg4[%dma_start3A, %dma_start3A_138] : memref<10000x128xf32, #tpu.memory_space<hbm>> -> memref<10000x128xf32, #tpu.memory_space<hbm>>
      tpu.enqueue_indirect_dma source(%dma_start3A_139 : memref<10000x128xf32, #tpu.memory_space<hbm>>) target(%arg13 : memref<64x128xf32, #tpu.memory_space<vmem>>) offsets(%arg10 : memref<64xi32, #tpu.memory_space<vmem>>) semaphore(%arg17 : memref<!tpu.dma_semaphore, #tpu.memory_space<semaphore_mem>>)
      %dma_wait3A = arith.constant 0 : i32
      %dma_wait3A_140 = arith.constant 0 : i32
      %dma_wait3A_141 = tpu.memref_slice %arg4[%dma_wait3A, %dma_wait3A_140] : memref<10000x128xf32, #tpu.memory_space<hbm>> -> memref<10000x128xf32, #tpu.memory_space<hbm>>
      tpu.wait_indirect_dma semaphore(%arg17 : memref<!tpu.dma_semaphore, #tpu.memory_space<semaphore_mem>>) src(%dma_wait3A_141 : memref<10000x128xf32, #tpu.memory_space<hbm>>) dst(%arg13 : memref<64x128xf32, #tpu.memory_space<vmem>>)
      %dma_start3A_142 = arith.constant 0 : i32
      %dma_start3A_143 = arith.constant 0 : i32
      %dma_start3A_144 = tpu.memref_slice %arg4[%dma_start3A_142, %dma_start3A_143] : memref<10000x128xf32, #tpu.memory_space<hbm>> -> memref<10000x128xf32, #tpu.memory_space<hbm>>
      tpu.enqueue_indirect_dma source(%dma_start3A_144 : memref<10000x128xf32, #tpu.memory_space<hbm>>) target(%arg14 : memref<64x128xf32, #tpu.memory_space<vmem>>) offsets(%arg11 : memref<64xi32, #tpu.memory_space<vmem>>) semaphore(%arg17 : memref<!tpu.dma_semaphore, #tpu.memory_space<semaphore_mem>>)
      %dma_wait3A_145 = arith.constant 0 : i32
      %dma_wait3A_146 = arith.constant 0 : i32
      %dma_wait3A_147 = tpu.memref_slice %arg4[%dma_wait3A_145, %dma_wait3A_146] : memref<10000x128xf32, #tpu.memory_space<hbm>> -> memref<10000x128xf32, #tpu.memory_space<hbm>>
      tpu.wait_indirect_dma semaphore(%arg17 : memref<!tpu.dma_semaphore, #tpu.memory_space<semaphore_mem>>) src(%dma_wait3A_147 : memref<10000x128xf32, #tpu.memory_space<hbm>>) dst(%arg14 : memref<64x128xf32, #tpu.memory_space<vmem>>)
      %dma_start3A_148 = arith.constant 0 : i32
      %dma_start3A_149 = arith.constant 0 : i32
      %dma_start3A_150 = tpu.memref_slice %arg5[%dma_start3A_148, %dma_start3A_149] : memref<10000x512xf32, #tpu.memory_space<hbm>> -> memref<10000x512xf32, #tpu.memory_space<hbm>>
      tpu.enqueue_indirect_dma source(%dma_start3A_150 : memref<10000x512xf32, #tpu.memory_space<hbm>>) target(%arg15 : memref<64x512xf32, #tpu.memory_space<vmem>>) offsets(%arg10 : memref<64xi32, #tpu.memory_space<vmem>>) semaphore(%arg17 : memref<!tpu.dma_semaphore, #tpu.memory_space<semaphore_mem>>)
      %dma_wait3A_151 = arith.constant 0 : i32
      %dma_wait3A_152 = arith.constant 0 : i32
      %dma_wait3A_153 = tpu.memref_slice %arg5[%dma_wait3A_151, %dma_wait3A_152] : memref<10000x512xf32, #tpu.memory_space<hbm>> -> memref<10000x512xf32, #tpu.memory_space<hbm>>
      tpu.wait_indirect_dma semaphore(%arg17 : memref<!tpu.dma_semaphore, #tpu.memory_space<semaphore_mem>>) src(%dma_wait3A_153 : memref<10000x512xf32, #tpu.memory_space<hbm>>) dst(%arg15 : memref<64x512xf32, #tpu.memory_space<vmem>>)
      %scan3A_154 = arith.constant 0 : i32
      %scan3A_155 = arith.constant 0 : i32
      %scan3A_156 = arith.constant 64 : i32
      %scan3A_157 = arith.addi %scan3A_155, %scan3A_156 : i32
      %scan3A_158 = arith.constant 1 : i32
      %scan3A_159 = scf.for %scan3A_162 = %scan3A_155 to %scan3A_157 step %scan3A_158 iter_args(%scan3A_163 = %scan3A_154) -> (i32)  : i32 {
        %get3A_164 = arith.index_cast %scan3A_162 : i32 to index
        %get3A_165 = arith.constant 0 : index
        %get3A_166 = tpu.vector_load %arg13[%get3A_164, %get3A_165] {strides = array<i32>} : memref<64x128xf32, #tpu.memory_space<vmem>>, vector<16xf32>,
        %get3A_167 = arith.index_cast %scan3A_162 : i32 to index
        %get3A_168 = arith.constant 16 : index
        %get3A_169 = tpu.vector_load %arg14[%get3A_167, %get3A_168] {strides = array<i32>} : memref<64x128xf32, #tpu.memory_space<vmem>>, vector<16xf32>,
        %add3A_170 = arith.addf %get3A_166, %get3A_169 : vector<16xf32>
        %mul3A_171 = arith.constant 2.000000e-01 : f32
        %mul3A_172 = vector.broadcast %mul3A_171 : f32 to vector<16xf32>
        %mul3A_173 = arith.mulf %mul3A_172, %add3A_170 : vector<16xf32>
        %max3A = arith.maximumf %add3A_170, %mul3A_173 : vector<16xf32>
        %exp3A = math.exp %max3A : vector<16xf32>
        %swap3A_174 = arith.index_cast %scan3A_162 : i32 to index
        %swap3A_175 = arith.constant 0 : index
        %swap3A_176 = tpu.vector_load %arg16[%swap3A_174, %swap3A_175] {strides = array<i32>} : memref<64x640xf32, #tpu.memory_space<vmem>>, vector<16xf32>,
        tpu.vector_store %arg16[%swap3A_174, %swap3A_175], %exp3A {strides = array<i32>} : memref<64x640xf32, #tpu.memory_space<vmem>>, vector<16xf32>,
        %broadcast_in_dim3A_177 = arith.constant 0 : i32
        %broadcast_in_dim3A_178 = vector.broadcast %broadcast_in_dim3A_177 : i32 to vector<16x1xi32>
        %gather3A = vector.shape_cast %broadcast_in_dim3A_178 : vector<16x1xi32> to vector<16xi32>
        %gather3A_179 = tpu.dynamic_gather %exp3A[%gather3A] in [0] : vector<16xf32>, vector<16xi32> -> vector<16xf32>
        %get3A_180 = arith.index_cast %scan3A_162 : i32 to index
        %get3A_181 = arith.constant 0 : index
        %get3A_182 = tpu.vector_load %arg15[%get3A_180, %get3A_181] {strides = array<i32>} : memref<64x512xf32, #tpu.memory_space<vmem>>, vector<16xf32>,
        %mul3A_183 = arith.mulf %get3A_182, %gather3A_179 : vector<16xf32>
        %swap3A_184 = arith.index_cast %scan3A_162 : i32 to index
        %swap3A_185 = arith.constant 128 : index
        %swap3A_186 = tpu.vector_load %arg16[%swap3A_184, %swap3A_185] {strides = array<i32>} : memref<64x640xf32, #tpu.memory_space<vmem>>, vector<16xf32>,
        tpu.vector_store %arg16[%swap3A_184, %swap3A_185], %mul3A_183 {strides = array<i32>} : memref<64x640xf32, #tpu.memory_space<vmem>>, vector<16xf32>,
        %get3A_187 = arith.index_cast %scan3A_162 : i32 to index
        %get3A_188 = arith.constant 16 : index
        %get3A_189 = tpu.vector_load %arg15[%get3A_187, %get3A_188] {strides = array<i32>} : memref<64x512xf32, #tpu.memory_space<vmem>>, vector<16xf32>,
        %mul3A_190 = arith.mulf %get3A_189, %gather3A_179 : vector<16xf32>
        %swap3A_191 = arith.index_cast %scan3A_162 : i32 to index
        %swap3A_192 = arith.constant 144 : index
        %swap3A_193 = tpu.vector_load %arg16[%swap3A_191, %swap3A_192] {strides = array<i32>} : memref<64x640xf32, #tpu.memory_space<vmem>>, vector<16xf32>,
        tpu.vector_store %arg16[%swap3A_191, %swap3A_192], %mul3A_190 {strides = array<i32>} : memref<64x640xf32, #tpu.memory_space<vmem>>, vector<16xf32>,
        %get3A_194 = arith.index_cast %scan3A_162 : i32 to index
        %get3A_195 = arith.constant 32 : index
        %get3A_196 = tpu.vector_load %arg15[%get3A_194, %get3A_195] {strides = array<i32>} : memref<64x512xf32, #tpu.memory_space<vmem>>, vector<16xf32>,
        %mul3A_197 = arith.mulf %get3A_196, %gather3A_179 : vector<16xf32>
        %swap3A_198 = arith.index_cast %scan3A_162 : i32 to index
        %swap3A_199 = arith.constant 160 : index
        %swap3A_200 = tpu.vector_load %arg16[%swap3A_198, %swap3A_199] {strides = array<i32>} : memref<64x640xf32, #tpu.memory_space<vmem>>, vector<16xf32>,
        tpu.vector_store %arg16[%swap3A_198, %swap3A_199], %mul3A_197 {strides = array<i32>} : memref<64x640xf32, #tpu.memory_space<vmem>>, vector<16xf32>,
        %get3A_201 = arith.index_cast %scan3A_162 : i32 to index
        %get3A_202 = arith.constant 48 : index
        %get3A_203 = tpu.vector_load %arg15[%get3A_201, %get3A_202] {strides = array<i32>} : memref<64x512xf32, #tpu.memory_space<vmem>>, vector<16xf32>,
        %mul3A_204 = arith.mulf %get3A_203, %gather3A_179 : vector<16xf32>
        %swap3A_205 = arith.index_cast %scan3A_162 : i32 to index
        %swap3A_206 = arith.constant 176 : index
        %swap3A_207 = tpu.vector_load %arg16[%swap3A_205, %swap3A_206] {strides = array<i32>} : memref<64x640xf32, #tpu.memory_space<vmem>>, vector<16xf32>,
        tpu.vector_store %arg16[%swap3A_205, %swap3A_206], %mul3A_204 {strides = array<i32>} : memref<64x640xf32, #tpu.memory_space<vmem>>, vector<16xf32>,
        %broadcast_in_dim3A_208 = arith.constant 1 : i32
        %broadcast_in_dim3A_209 = vector.broadcast %broadcast_in_dim3A_208 : i32 to vector<16x1xi32>
        %gather3A_210 = vector.shape_cast %broadcast_in_dim3A_209 : vector<16x1xi32> to vector<16xi32>
        %gather3A_211 = tpu.dynamic_gather %exp3A[%gather3A_210] in [0] : vector<16xf32>, vector<16xi32> -> vector<16xf32>
        %get3A_212 = arith.index_cast %scan3A_162 : i32 to index
        %get3A_213 = arith.constant 64 : index
        %get3A_214 = tpu.vector_load %arg15[%get3A_212, %get3A_213] {strides = array<i32>} : memref<64x512xf32, #tpu.memory_space<vmem>>, vector<16xf32>,
        %mul3A_215 = arith.mulf %get3A_214, %gather3A_211 : vector<16xf32>
        %swap3A_216 = arith.index_cast %scan3A_162 : i32 to index
        %swap3A_217 = arith.constant 192 : index
        %swap3A_218 = tpu.vector_load %arg16[%swap3A_216, %swap3A_217] {strides = array<i32>} : memref<64x640xf32, #tpu.memory_space<vmem>>, vector<16xf32>,
        tpu.vector_store %arg16[%swap3A_216, %swap3A_217], %mul3A_215 {strides = array<i32>} : memref<64x640xf32, #tpu.memory_space<vmem>>, vector<16xf32>,
        %get3A_219 = arith.index_cast %scan3A_162 : i32 to index
        %get3A_220 = arith.constant 80 : index
        %get3A_221 = tpu.vector_load %arg15[%get3A_219, %get3A_220] {strides = array<i32>} : memref<64x512xf32, #tpu.memory_space<vmem>>, vector<16xf32>,
        %mul3A_222 = arith.mulf %get3A_221, %gather3A_211 : vector<16xf32>
        %swap3A_223 = arith.index_cast %scan3A_162 : i32 to index
        %swap3A_224 = arith.constant 208 : index
        %swap3A_225 = tpu.vector_load %arg16[%swap3A_223, %swap3A_224] {strides = array<i32>} : memref<64x640xf32, #tpu.memory_space<vmem>>, vector<16xf32>,
        tpu.vector_store %arg16[%swap3A_223, %swap3A_224], %mul3A_222 {strides = array<i32>} : memref<64x640xf32, #tpu.memory_space<vmem>>, vector<16xf32>,
        %get3A_226 = arith.index_cast %scan3A_162 : i32 to index
        %get3A_227 = arith.constant 96 : index
        %get3A_228 = tpu.vector_load %arg15[%get3A_226, %get3A_227] {strides = array<i32>} : memref<64x512xf32, #tpu.memory_space<vmem>>, vector<16xf32>,
        %mul3A_229 = arith.mulf %get3A_228, %gather3A_211 : vector<16xf32>
        %swap3A_230 = arith.index_cast %scan3A_162 : i32 to index
        %swap3A_231 = arith.constant 224 : index
        %swap3A_232 = tpu.vector_load %arg16[%swap3A_230, %swap3A_231] {strides = array<i32>} : memref<64x640xf32, #tpu.memory_space<vmem>>, vector<16xf32>,
        tpu.vector_store %arg16[%swap3A_230, %swap3A_231], %mul3A_229 {strides = array<i32>} : memref<64x640xf32, #tpu.memory_space<vmem>>, vector<16xf32>,
        %get3A_233 = arith.index_cast %scan3A_162 : i32 to index
        %get3A_234 = arith.constant 112 : index
        %get3A_235 = tpu.vector_load %arg15[%get3A_233, %get3A_234] {strides = array<i32>} : memref<64x512xf32, #tpu.memory_space<vmem>>, vector<16xf32>,
        %mul3A_236 = arith.mulf %get3A_235, %gather3A_211 : vector<16xf32>
        %swap3A_237 = arith.index_cast %scan3A_162 : i32 to index
        %swap3A_238 = arith.constant 240 : index
        %swap3A_239 = tpu.vector_load %arg16[%swap3A_237, %swap3A_238] {strides = array<i32>} : memref<64x640xf32, #tpu.memory_space<vmem>>, vector<16xf32>,
        tpu.vector_store %arg16[%swap3A_237, %swap3A_238], %mul3A_236 {strides = array<i32>} : memref<64x640xf32, #tpu.memory_space<vmem>>, vector<16xf32>,
        %broadcast_in_dim3A_240 = arith.constant 2 : i32
        %broadcast_in_dim3A_241 = vector.broadcast %broadcast_in_dim3A_240 : i32 to vector<16x1xi32>
        %gather3A_242 = vector.shape_cast %broadcast_in_dim3A_241 : vector<16x1xi32> to vector<16xi32>
        %gather3A_243 = tpu.dynamic_gather %exp3A[%gather3A_242] in [0] : vector<16xf32>, vector<16xi32> -> vector<16xf32>
        %get3A_244 = arith.index_cast %scan3A_162 : i32 to index
        %get3A_245 = arith.constant 128 : index
        %get3A_246 = tpu.vector_load %arg15[%get3A_244, %get3A_245] {strides = array<i32>} : memref<64x512xf32, #tpu.memory_space<vmem>>, vector<16xf32>,
        %mul3A_247 = arith.mulf %get3A_246, %gather3A_243 : vector<16xf32>
        %swap3A_248 = arith.index_cast %scan3A_162 : i32 to index
        %swap3A_249 = arith.constant 256 : index
        %swap3A_250 = tpu.vector_load %arg16[%swap3A_248, %swap3A_249] {strides = array<i32>} : memref<64x640xf32, #tpu.memory_space<vmem>>, vector<16xf32>,
        tpu.vector_store %arg16[%swap3A_248, %swap3A_249], %mul3A_247 {strides = array<i32>} : memref<64x640xf32, #tpu.memory_space<vmem>>, vector<16xf32>,
        %get3A_251 = arith.index_cast %scan3A_162 : i32 to index
        %get3A_252 = arith.constant 144 : index
        %get3A_253 = tpu.vector_load %arg15[%get3A_251, %get3A_252] {strides = array<i32>} : memref<64x512xf32, #tpu.memory_space<vmem>>, vector<16xf32>,
        %mul3A_254 = arith.mulf %get3A_253, %gather3A_243 : vector<16xf32>
        %swap3A_255 = arith.index_cast %scan3A_162 : i32 to index
        %swap3A_256 = arith.constant 272 : index
        %swap3A_257 = tpu.vector_load %arg16[%swap3A_255, %swap3A_256] {strides = array<i32>} : memref<64x640xf32, #tpu.memory_space<vmem>>, vector<16xf32>,
        tpu.vector_store %arg16[%swap3A_255, %swap3A_256], %mul3A_254 {strides = array<i32>} : memref<64x640xf32, #tpu.memory_space<vmem>>, vector<16xf32>,
        %get3A_258 = arith.index_cast %scan3A_162 : i32 to index
        %get3A_259 = arith.constant 160 : index
        %get3A_260 = tpu.vector_load %arg15[%get3A_258, %get3A_259] {strides = array<i32>} : memref<64x512xf32, #tpu.memory_space<vmem>>, vector<16xf32>,
        %mul3A_261 = arith.mulf %get3A_260, %gather3A_243 : vector<16xf32>
        %swap3A_262 = arith.index_cast %scan3A_162 : i32 to index
        %swap3A_263 = arith.constant 288 : index
        %swap3A_264 = tpu.vector_load %arg16[%swap3A_262, %swap3A_263] {strides = array<i32>} : memref<64x640xf32, #tpu.memory_space<vmem>>, vector<16xf32>,
        tpu.vector_store %arg16[%swap3A_262, %swap3A_263], %mul3A_261 {strides = array<i32>} : memref<64x640xf32, #tpu.memory_space<vmem>>, vector<16xf32>,
        %get3A_265 = arith.index_cast %scan3A_162 : i32 to index
        %get3A_266 = arith.constant 176 : index
        %get3A_267 = tpu.vector_load %arg15[%get3A_265, %get3A_266] {strides = array<i32>} : memref<64x512xf32, #tpu.memory_space<vmem>>, vector<16xf32>,
        %mul3A_268 = arith.mulf %get3A_267, %gather3A_243 : vector<16xf32>
        %swap3A_269 = arith.index_cast %scan3A_162 : i32 to index
        %swap3A_270 = arith.constant 304 : index
        %swap3A_271 = tpu.vector_load %arg16[%swap3A_269, %swap3A_270] {strides = array<i32>} : memref<64x640xf32, #tpu.memory_space<vmem>>, vector<16xf32>,
        tpu.vector_store %arg16[%swap3A_269, %swap3A_270], %mul3A_268 {strides = array<i32>} : memref<64x640xf32, #tpu.memory_space<vmem>>, vector<16xf32>,
        %broadcast_in_dim3A_272 = arith.constant 3 : i32
        %broadcast_in_dim3A_273 = vector.broadcast %broadcast_in_dim3A_272 : i32 to vector<16x1xi32>
        %gather3A_274 = vector.shape_cast %broadcast_in_dim3A_273 : vector<16x1xi32> to vector<16xi32>
        %gather3A_275 = tpu.dynamic_gather %exp3A[%gather3A_274] in [0] : vector<16xf32>, vector<16xi32> -> vector<16xf32>
        %get3A_276 = arith.index_cast %scan3A_162 : i32 to index
        %get3A_277 = arith.constant 192 : index
        %get3A_278 = tpu.vector_load %arg15[%get3A_276, %get3A_277] {strides = array<i32>} : memref<64x512xf32, #tpu.memory_space<vmem>>, vector<16xf32>,
        %mul3A_279 = arith.mulf %get3A_278, %gather3A_275 : vector<16xf32>
        %swap3A_280 = arith.index_cast %scan3A_162 : i32 to index
        %swap3A_281 = arith.constant 320 : index
        %swap3A_282 = tpu.vector_load %arg16[%swap3A_280, %swap3A_281] {strides = array<i32>} : memref<64x640xf32, #tpu.memory_space<vmem>>, vector<16xf32>,
        tpu.vector_store %arg16[%swap3A_280, %swap3A_281], %mul3A_279 {strides = array<i32>} : memref<64x640xf32, #tpu.memory_space<vmem>>, vector<16xf32>,
        %get3A_283 = arith.index_cast %scan3A_162 : i32 to index
        %get3A_284 = arith.constant 208 : index
        %get3A_285 = tpu.vector_load %arg15[%get3A_283, %get3A_284] {strides = array<i32>} : memref<64x512xf32, #tpu.memory_space<vmem>>, vector<16xf32>,
        %mul3A_286 = arith.mulf %get3A_285, %gather3A_275 : vector<16xf32>
        %swap3A_287 = arith.index_cast %scan3A_162 : i32 to index
        %swap3A_288 = arith.constant 336 : index
        %swap3A_289 = tpu.vector_load %arg16[%swap3A_287, %swap3A_288] {strides = array<i32>} : memref<64x640xf32, #tpu.memory_space<vmem>>, vector<16xf32>,
        tpu.vector_store %arg16[%swap3A_287, %swap3A_288], %mul3A_286 {strides = array<i32>} : memref<64x640xf32, #tpu.memory_space<vmem>>, vector<16xf32>,
        %get3A_290 = arith.index_cast %scan3A_162 : i32 to index
        %get3A_291 = arith.constant 224 : index
        %get3A_292 = tpu.vector_load %arg15[%get3A_290, %get3A_291] {strides = array<i32>} : memref<64x512xf32, #tpu.memory_space<vmem>>, vector<16xf32>,
        %mul3A_293 = arith.mulf %get3A_292, %gather3A_275 : vector<16xf32>
        %swap3A_294 = arith.index_cast %scan3A_162 : i32 to index
        %swap3A_295 = arith.constant 352 : index
        %swap3A_296 = tpu.vector_load %arg16[%swap3A_294, %swap3A_295] {strides = array<i32>} : memref<64x640xf32, #tpu.memory_space<vmem>>, vector<16xf32>,
        tpu.vector_store %arg16[%swap3A_294, %swap3A_295], %mul3A_293 {strides = array<i32>} : memref<64x640xf32, #tpu.memory_space<vmem>>, vector<16xf32>,
        %get3A_297 = arith.index_cast %scan3A_162 : i32 to index
        %get3A_298 = arith.constant 240 : index
        %get3A_299 = tpu.vector_load %arg15[%get3A_297, %get3A_298] {strides = array<i32>} : memref<64x512xf32, #tpu.memory_space<vmem>>, vector<16xf32>,
        %mul3A_300 = arith.mulf %get3A_299, %gather3A_275 : vector<16xf32>
        %swap3A_301 = arith.index_cast %scan3A_162 : i32 to index
        %swap3A_302 = arith.constant 368 : index
        %swap3A_303 = tpu.vector_load %arg16[%swap3A_301, %swap3A_302] {strides = array<i32>} : memref<64x640xf32, #tpu.memory_space<vmem>>, vector<16xf32>,
        tpu.vector_store %arg16[%swap3A_301, %swap3A_302], %mul3A_300 {strides = array<i32>} : memref<64x640xf32, #tpu.memory_space<vmem>>, vector<16xf32>,
        %broadcast_in_dim3A_304 = arith.constant 4 : i32
        %broadcast_in_dim3A_305 = vector.broadcast %broadcast_in_dim3A_304 : i32 to vector<16x1xi32>
        %gather3A_306 = vector.shape_cast %broadcast_in_dim3A_305 : vector<16x1xi32> to vector<16xi32>
        %gather3A_307 = tpu.dynamic_gather %exp3A[%gather3A_306] in [0] : vector<16xf32>, vector<16xi32> -> vector<16xf32>
        %get3A_308 = arith.index_cast %scan3A_162 : i32 to index
        %get3A_309 = arith.constant 256 : index
        %get3A_310 = tpu.vector_load %arg15[%get3A_308, %get3A_309] {strides = array<i32>} : memref<64x512xf32, #tpu.memory_space<vmem>>, vector<16xf32>,
        %mul3A_311 = arith.mulf %get3A_310, %gather3A_307 : vector<16xf32>
        %swap3A_312 = arith.index_cast %scan3A_162 : i32 to index
        %swap3A_313 = arith.constant 384 : index
        %swap3A_314 = tpu.vector_load %arg16[%swap3A_312, %swap3A_313] {strides = array<i32>} : memref<64x640xf32, #tpu.memory_space<vmem>>, vector<16xf32>,
        tpu.vector_store %arg16[%swap3A_312, %swap3A_313], %mul3A_311 {strides = array<i32>} : memref<64x640xf32, #tpu.memory_space<vmem>>, vector<16xf32>,
        %get3A_315 = arith.index_cast %scan3A_162 : i32 to index
        %get3A_316 = arith.constant 272 : index
        %get3A_317 = tpu.vector_load %arg15[%get3A_315, %get3A_316] {strides = array<i32>} : memref<64x512xf32, #tpu.memory_space<vmem>>, vector<16xf32>,
        %mul3A_318 = arith.mulf %get3A_317, %gather3A_307 : vector<16xf32>
        %swap3A_319 = arith.index_cast %scan3A_162 : i32 to index
        %swap3A_320 = arith.constant 400 : index
        %swap3A_321 = tpu.vector_load %arg16[%swap3A_319, %swap3A_320] {strides = array<i32>} : memref<64x640xf32, #tpu.memory_space<vmem>>, vector<16xf32>,
        tpu.vector_store %arg16[%swap3A_319, %swap3A_320], %mul3A_318 {strides = array<i32>} : memref<64x640xf32, #tpu.memory_space<vmem>>, vector<16xf32>,
        %get3A_322 = arith.index_cast %scan3A_162 : i32 to index
        %get3A_323 = arith.constant 288 : index
        %get3A_324 = tpu.vector_load %arg15[%get3A_322, %get3A_323] {strides = array<i32>} : memref<64x512xf32, #tpu.memory_space<vmem>>, vector<16xf32>,
        %mul3A_325 = arith.mulf %get3A_324, %gather3A_307 : vector<16xf32>
        %swap3A_326 = arith.index_cast %scan3A_162 : i32 to index
        %swap3A_327 = arith.constant 416 : index
        %swap3A_328 = tpu.vector_load %arg16[%swap3A_326, %swap3A_327] {strides = array<i32>} : memref<64x640xf32, #tpu.memory_space<vmem>>, vector<16xf32>,
        tpu.vector_store %arg16[%swap3A_326, %swap3A_327], %mul3A_325 {strides = array<i32>} : memref<64x640xf32, #tpu.memory_space<vmem>>, vector<16xf32>,
        %get3A_329 = arith.index_cast %scan3A_162 : i32 to index
        %get3A_330 = arith.constant 304 : index
        %get3A_331 = tpu.vector_load %arg15[%get3A_329, %get3A_330] {strides = array<i32>} : memref<64x512xf32, #tpu.memory_space<vmem>>, vector<16xf32>,
        %mul3A_332 = arith.mulf %get3A_331, %gather3A_307 : vector<16xf32>
        %swap3A_333 = arith.index_cast %scan3A_162 : i32 to index
        %swap3A_334 = arith.constant 432 : index
        %swap3A_335 = tpu.vector_load %arg16[%swap3A_333, %swap3A_334] {strides = array<i32>} : memref<64x640xf32, #tpu.memory_space<vmem>>, vector<16xf32>,
        tpu.vector_store %arg16[%swap3A_333, %swap3A_334], %mul3A_332 {strides = array<i32>} : memref<64x640xf32, #tpu.memory_space<vmem>>, vector<16xf32>,
        %broadcast_in_dim3A_336 = arith.constant 5 : i32
        %broadcast_in_dim3A_337 = vector.broadcast %broadcast_in_dim3A_336 : i32 to vector<16x1xi32>
        %gather3A_338 = vector.shape_cast %broadcast_in_dim3A_337 : vector<16x1xi32> to vector<16xi32>
        %gather3A_339 = tpu.dynamic_gather %exp3A[%gather3A_338] in [0] : vector<16xf32>, vector<16xi32> -> vector<16xf32>
        %get3A_340 = arith.index_cast %scan3A_162 : i32 to index
        %get3A_341 = arith.constant 320 : index
        %get3A_342 = tpu.vector_load %arg15[%get3A_340, %get3A_341] {strides = array<i32>} : memref<64x512xf32, #tpu.memory_space<vmem>>, vector<16xf32>,
        %mul3A_343 = arith.mulf %get3A_342, %gather3A_339 : vector<16xf32>
        %swap3A_344 = arith.index_cast %scan3A_162 : i32 to index
        %swap3A_345 = arith.constant 448 : index
        %swap3A_346 = tpu.vector_load %arg16[%swap3A_344, %swap3A_345] {strides = array<i32>} : memref<64x640xf32, #tpu.memory_space<vmem>>, vector<16xf32>,
        tpu.vector_store %arg16[%swap3A_344, %swap3A_345], %mul3A_343 {strides = array<i32>} : memref<64x640xf32, #tpu.memory_space<vmem>>, vector<16xf32>,
        %get3A_347 = arith.index_cast %scan3A_162 : i32 to index
        %get3A_348 = arith.constant 336 : index
        %get3A_349 = tpu.vector_load %arg15[%get3A_347, %get3A_348] {strides = array<i32>} : memref<64x512xf32, #tpu.memory_space<vmem>>, vector<16xf32>,
        %mul3A_350 = arith.mulf %get3A_349, %gather3A_339 : vector<16xf32>
        %swap3A_351 = arith.index_cast %scan3A_162 : i32 to index
        %swap3A_352 = arith.constant 464 : index
        %swap3A_353 = tpu.vector_load %arg16[%swap3A_351, %swap3A_352] {strides = array<i32>} : memref<64x640xf32, #tpu.memory_space<vmem>>, vector<16xf32>,
        tpu.vector_store %arg16[%swap3A_351, %swap3A_352], %mul3A_350 {strides = array<i32>} : memref<64x640xf32, #tpu.memory_space<vmem>>, vector<16xf32>,
        %get3A_354 = arith.index_cast %scan3A_162 : i32 to index
        %get3A_355 = arith.constant 352 : index
        %get3A_356 = tpu.vector_load %arg15[%get3A_354, %get3A_355] {strides = array<i32>} : memref<64x512xf32, #tpu.memory_space<vmem>>, vector<16xf32>,
        %mul3A_357 = arith.mulf %get3A_356, %gather3A_339 : vector<16xf32>
        %swap3A_358 = arith.index_cast %scan3A_162 : i32 to index
        %swap3A_359 = arith.constant 480 : index
        %swap3A_360 = tpu.vector_load %arg16[%swap3A_358, %swap3A_359] {strides = array<i32>} : memref<64x640xf32, #tpu.memory_space<vmem>>, vector<16xf32>,
        tpu.vector_store %arg16[%swap3A_358, %swap3A_359], %mul3A_357 {strides = array<i32>} : memref<64x640xf32, #tpu.memory_space<vmem>>, vector<16xf32>,
        %get3A_361 = arith.index_cast %scan3A_162 : i32 to index
        %get3A_362 = arith.constant 368 : index
        %get3A_363 = tpu.vector_load %arg15[%get3A_361, %get3A_362] {strides = array<i32>} : memref<64x512xf32, #tpu.memory_space<vmem>>, vector<16xf32>,
        %mul3A_364 = arith.mulf %get3A_363, %gather3A_339 : vector<16xf32>
        %swap3A_365 = arith.index_cast %scan3A_162 : i32 to index
        %swap3A_366 = arith.constant 496 : index
        %swap3A_367 = tpu.vector_load %arg16[%swap3A_365, %swap3A_366] {strides = array<i32>} : memref<64x640xf32, #tpu.memory_space<vmem>>, vector<16xf32>,
        tpu.vector_store %arg16[%swap3A_365, %swap3A_366], %mul3A_364 {strides = array<i32>} : memref<64x640xf32, #tpu.memory_space<vmem>>, vector<16xf32>,
        %broadcast_in_dim3A_368 = arith.constant 6 : i32
        %broadcast_in_dim3A_369 = vector.broadcast %broadcast_in_dim3A_368 : i32 to vector<16x1xi32>
        %gather3A_370 = vector.shape_cast %broadcast_in_dim3A_369 : vector<16x1xi32> to vector<16xi32>
        %gather3A_371 = tpu.dynamic_gather %exp3A[%gather3A_370] in [0] : vector<16xf32>, vector<16xi32> -> vector<16xf32>
        %get3A_372 = arith.index_cast %scan3A_162 : i32 to index
        %get3A_373 = arith.constant 384 : index
        %get3A_374 = tpu.vector_load %arg15[%get3A_372, %get3A_373] {strides = array<i32>} : memref<64x512xf32, #tpu.memory_space<vmem>>, vector<16xf32>,
        %mul3A_375 = arith.mulf %get3A_374, %gather3A_371 : vector<16xf32>
        %swap3A_376 = arith.index_cast %scan3A_162 : i32 to index
        %swap3A_377 = arith.constant 512 : index
        %swap3A_378 = tpu.vector_load %arg16[%swap3A_376, %swap3A_377] {strides = array<i32>} : memref<64x640xf32, #tpu.memory_space<vmem>>, vector<16xf32>,
        tpu.vector_store %arg16[%swap3A_376, %swap3A_377], %mul3A_375 {strides = array<i32>} : memref<64x640xf32, #tpu.memory_space<vmem>>, vector<16xf32>,
        %get3A_379 = arith.index_cast %scan3A_162 : i32 to index
        %get3A_380 = arith.constant 400 : index
        %get3A_381 = tpu.vector_load %arg15[%get3A_379, %get3A_380] {strides = array<i32>} : memref<64x512xf32, #tpu.memory_space<vmem>>, vector<16xf32>,
        %mul3A_382 = arith.mulf %get3A_381, %gather3A_371 : vector<16xf32>
        %swap3A_383 = arith.index_cast %scan3A_162 : i32 to index
        %swap3A_384 = arith.constant 528 : index
        %swap3A_385 = tpu.vector_load %arg16[%swap3A_383, %swap3A_384] {strides = array<i32>} : memref<64x640xf32, #tpu.memory_space<vmem>>, vector<16xf32>,
        tpu.vector_store %arg16[%swap3A_383, %swap3A_384], %mul3A_382 {strides = array<i32>} : memref<64x640xf32, #tpu.memory_space<vmem>>, vector<16xf32>,
        %get3A_386 = arith.index_cast %scan3A_162 : i32 to index
        %get3A_387 = arith.constant 416 : index
        %get3A_388 = tpu.vector_load %arg15[%get3A_386, %get3A_387] {strides = array<i32>} : memref<64x512xf32, #tpu.memory_space<vmem>>, vector<16xf32>,
        %mul3A_389 = arith.mulf %get3A_388, %gather3A_371 : vector<16xf32>
        %swap3A_390 = arith.index_cast %scan3A_162 : i32 to index
        %swap3A_391 = arith.constant 544 : index
        %swap3A_392 = tpu.vector_load %arg16[%swap3A_390, %swap3A_391] {strides = array<i32>} : memref<64x640xf32, #tpu.memory_space<vmem>>, vector<16xf32>,
        tpu.vector_store %arg16[%swap3A_390, %swap3A_391], %mul3A_389 {strides = array<i32>} : memref<64x640xf32, #tpu.memory_space<vmem>>, vector<16xf32>,
        %get3A_393 = arith.index_cast %scan3A_162 : i32 to index
        %get3A_394 = arith.constant 432 : index
        %get3A_395 = tpu.vector_load %arg15[%get3A_393, %get3A_394] {strides = array<i32>} : memref<64x512xf32, #tpu.memory_space<vmem>>, vector<16xf32>,
        %mul3A_396 = arith.mulf %get3A_395, %gather3A_371 : vector<16xf32>
        %swap3A_397 = arith.index_cast %scan3A_162 : i32 to index
        %swap3A_398 = arith.constant 560 : index
        %swap3A_399 = tpu.vector_load %arg16[%swap3A_397, %swap3A_398] {strides = array<i32>} : memref<64x640xf32, #tpu.memory_space<vmem>>, vector<16xf32>,
        tpu.vector_store %arg16[%swap3A_397, %swap3A_398], %mul3A_396 {strides = array<i32>} : memref<64x640xf32, #tpu.memory_space<vmem>>, vector<16xf32>,
        %broadcast_in_dim3A_400 = arith.constant 7 : i32
        %broadcast_in_dim3A_401 = vector.broadcast %broadcast_in_dim3A_400 : i32 to vector<16x1xi32>
        %gather3A_402 = vector.shape_cast %broadcast_in_dim3A_401 : vector<16x1xi32> to vector<16xi32>
        %gather3A_403 = tpu.dynamic_gather %exp3A[%gather3A_402] in [0] : vector<16xf32>, vector<16xi32> -> vector<16xf32>
        %get3A_404 = arith.index_cast %scan3A_162 : i32 to index
        %get3A_405 = arith.constant 448 : index
        %get3A_406 = tpu.vector_load %arg15[%get3A_404, %get3A_405] {strides = array<i32>} : memref<64x512xf32, #tpu.memory_space<vmem>>, vector<16xf32>,
        %mul3A_407 = arith.mulf %get3A_406, %gather3A_403 : vector<16xf32>
        %swap3A_408 = arith.index_cast %scan3A_162 : i32 to index
        %swap3A_409 = arith.constant 576 : index
        %swap3A_410 = tpu.vector_load %arg16[%swap3A_408, %swap3A_409] {strides = array<i32>} : memref<64x640xf32, #tpu.memory_space<vmem>>, vector<16xf32>,
        tpu.vector_store %arg16[%swap3A_408, %swap3A_409], %mul3A_407 {strides = array<i32>} : memref<64x640xf32, #tpu.memory_space<vmem>>, vector<16xf32>,
        %get3A_411 = arith.index_cast %scan3A_162 : i32 to index
        %get3A_412 = arith.constant 464 : index
        %get3A_413 = tpu.vector_load %arg15[%get3A_411, %get3A_412] {strides = array<i32>} : memref<64x512xf32, #tpu.memory_space<vmem>>, vector<16xf32>,
        %mul3A_414 = arith.mulf %get3A_413, %gather3A_403 : vector<16xf32>
        %swap3A_415 = arith.index_cast %scan3A_162 : i32 to index
        %swap3A_416 = arith.constant 592 : index
        %swap3A_417 = tpu.vector_load %arg16[%swap3A_415, %swap3A_416] {strides = array<i32>} : memref<64x640xf32, #tpu.memory_space<vmem>>, vector<16xf32>,
        tpu.vector_store %arg16[%swap3A_415, %swap3A_416], %mul3A_414 {strides = array<i32>} : memref<64x640xf32, #tpu.memory_space<vmem>>, vector<16xf32>,
        %get3A_418 = arith.index_cast %scan3A_162 : i32 to index
        %get3A_419 = arith.constant 480 : index
        %get3A_420 = tpu.vector_load %arg15[%get3A_418, %get3A_419] {strides = array<i32>} : memref<64x512xf32, #tpu.memory_space<vmem>>, vector<16xf32>,
        %mul3A_421 = arith.mulf %get3A_420, %gather3A_403 : vector<16xf32>
        %swap3A_422 = arith.index_cast %scan3A_162 : i32 to index
        %swap3A_423 = arith.constant 608 : index
        %swap3A_424 = tpu.vector_load %arg16[%swap3A_422, %swap3A_423] {strides = array<i32>} : memref<64x640xf32, #tpu.memory_space<vmem>>, vector<16xf32>,
        tpu.vector_store %arg16[%swap3A_422, %swap3A_423], %mul3A_421 {strides = array<i32>} : memref<64x640xf32, #tpu.memory_space<vmem>>, vector<16xf32>,
        %get3A_425 = arith.index_cast %scan3A_162 : i32 to index
        %get3A_426 = arith.constant 496 : index
        %get3A_427 = tpu.vector_load %arg15[%get3A_425, %get3A_426] {strides = array<i32>} : memref<64x512xf32, #tpu.memory_space<vmem>>, vector<16xf32>,
        %mul3A_428 = arith.mulf %get3A_427, %gather3A_403 : vector<16xf32>
        %swap3A_429 = arith.index_cast %scan3A_162 : i32 to index
        %swap3A_430 = arith.constant 624 : index
        %swap3A_431 = tpu.vector_load %arg16[%swap3A_429, %swap3A_430] {strides = array<i32>} : memref<64x640xf32, #tpu.memory_space<vmem>>, vector<16xf32>,
        tpu.vector_store %arg16[%swap3A_429, %swap3A_430], %mul3A_428 {strides = array<i32>} : memref<64x640xf32, #tpu.memory_space<vmem>>, vector<16xf32>,
        %scan3A_432 = arith.constant 0 : i32
        scf.yield %scan3A_432 : i32
      }
      %scan3A_160 = arith.constant 64 : i32
      "tpu.region"() ({
        %run_scoped3A = tpu.sem_alloc : memref<!tpu.dma_semaphore, #tpu.memory_space<semaphore_mem>>
        %dma_start3A_162 = arith.constant 0 : i32
        %dma_start3A_163 = arith.constant 0 : i32
        %dma_start3A_164 = tpu.memref_slice %arg6[%arg1, %dma_start3A_162, %dma_start3A_163] : memref<16x10016x640xf32, #tpu.memory_space<hbm>> -> memref<1x10016x640xf32, #tpu.memory_space<hbm>>
        %dma_start3A_165 = tpu.memref_squeeze %dma_start3A_164 : memref<1x10016x640xf32, #tpu.memory_space<hbm>> -> memref<10016x640xf32, #tpu.memory_space<hbm>>
        %dma_start3A_166 = arith.constant 0 : i32
        %dma_start3A_167 = arith.constant 0 : i32
        %dma_start3A_168 = tpu.memref_slice %dma_start3A_165[%dma_start3A_166, %dma_start3A_167] : memref<10016x640xf32, #tpu.memory_space<hbm>> -> memref<10016x640xf32, #tpu.memory_space<hbm>>
        tpu.enqueue_indirect_dma source(%arg16 : memref<64x640xf32, #tpu.memory_space<vmem>>) target(%dma_start3A_168 : memref<10016x640xf32, #tpu.memory_space<hbm>>) offsets(%arg12 : memref<64xi32, #tpu.memory_space<vmem>>) semaphore(%run_scoped3A : memref<!tpu.dma_semaphore, #tpu.memory_space<semaphore_mem>>) {add = true}
        %dma_wait3A_169 = arith.constant 0 : i32
        %dma_wait3A_170 = arith.constant 0 : i32
        %dma_wait3A_171 = tpu.memref_slice %arg6[%arg1, %dma_wait3A_169, %dma_wait3A_170] : memref<16x10016x640xf32, #tpu.memory_space<hbm>> -> memref<1x10016x640xf32, #tpu.memory_space<hbm>>
        %dma_wait3A_172 = tpu.memref_squeeze %dma_wait3A_171 : memref<1x10016x640xf32, #tpu.memory_space<hbm>> -> memref<10016x640xf32, #tpu.memory_space<hbm>>
        %dma_wait3A_173 = arith.constant 0 : i32
        %dma_wait3A_174 = arith.constant 0 : i32
        %dma_wait3A_175 = tpu.memref_slice %dma_wait3A_172[%dma_wait3A_173, %dma_wait3A_174] : memref<10016x640xf32, #tpu.memory_space<hbm>> -> memref<10016x640xf32, #tpu.memory_space<hbm>>
        tpu.wait_indirect_dma semaphore(%run_scoped3A : memref<!tpu.dma_semaphore, #tpu.memory_space<semaphore_mem>>) src(%arg16 : memref<64x640xf32, #tpu.memory_space<vmem>>) dst(%dma_wait3A_175 : memref<10016x640xf32, #tpu.memory_space<hbm>>)
        tpu.yield
      }) : () -> ()
      %while3A_161 = arith.constant 0 : i32
      scf.yield %while3A_161 : i32
    }
    %barrier3A_60 = arith.constant 0 : index
    tpu.barrier barrier_id(%barrier3A_60)
    return
  }
}

#map = affine_map<(d0, d1) -> (0)>
#map1 = affine_map<(d0, d1) -> (0, 0)>
#map2 = affine_map<(d0, d1) -> (0, 0, 0)>
module attributes {stable_mosaic.version = 14 : i64} {
  func.func @_sc_msg_body(%arg0: i32, %arg1: i32, %arg2: memref<160000xi32, #tpu.memory_space<hbm>>, %arg3: memref<160000xi32, #tpu.memory_space<hbm>>, %arg4: memref<10000x128xf32, #tpu.memory_space<hbm>>, %arg5: memref<10000x512xf32, #tpu.memory_space<hbm>>, %arg6: memref<16x10016x640xf32, #tpu.memory_space<hbm>>, %arg7: memref<400xi32, #tpu.memory_space<vmem>>, %arg8: memref<400xi32, #tpu.memory_space<vmem>>, %arg9: memref<10064xi32, #tpu.memory_space<vmem>>, %arg10: memref<64xi32, #tpu.memory_space<vmem>>, %arg11: memref<64xi32, #tpu.memory_space<vmem>>, %arg12: memref<64xi32, #tpu.memory_space<vmem>>, %arg13: memref<64x128xf32, #tpu.memory_space<vmem>>, %arg14: memref<64x128xf32, #tpu.memory_space<vmem>>, %arg15: memref<64x512xf32, #tpu.memory_space<vmem>>, %arg16: memref<64x640xf32, #tpu.memory_space<vmem>>, %arg17: memref<!tpu.dma_semaphore, #tpu.memory_space<semaphore_mem>>) attributes {dimension_semantics = [#tpu.dimension_semantics<core_parallel>, #tpu.dimension_semantics<subcore_parallel>], iteration_bounds = array<i64: 2, 16>, scalar_prefetch = 0 : i64, scratch_operands = 11 : i64, tpu.core_type = #tpu.core_type<sc_vector_subcore>, window_params = [{transform_indices = #map}, {transform_indices = #map}, {transform_indices = #map1}, {transform_indices = #map1}, {transform_indices = #map2}]} {
    %mul3A = arith.constant 5000 : i32
    %mul3A_0 = arith.muli %arg0, %mul3A : i32
    %iota3A = tpu.iota {dimensions = array<i32: 0>} : vector<16xi32>
    %broadcast_in_dim3A = arith.constant 0.000000e+00 : f32
    %broadcast_in_dim3A_1 = vector.broadcast %broadcast_in_dim3A : f32 to vector<16xf32>
    %mul3A_2 = arith.constant 10000 : i32
    %mul3A_3 = arith.muli %arg1, %mul3A_2 : i32
    %scan3A = arith.constant 0 : i32
    %scan3A_4 = arith.constant 0 : i32
    %scan3A_5 = arith.constant 64 : i32
    %scan3A_6 = arith.addi %scan3A_4, %scan3A_5 : i32
    %scan3A_7 = arith.constant 1 : i32
    %scan3A_8 = scf.for %scan3A_61 = %scan3A_4 to %scan3A_6 step %scan3A_7 iter_args(%scan3A_62 = %scan3A) -> (i32)  : i32 {
      %swap3A_63 = arith.index_cast %scan3A_61 : i32 to index
      %swap3A_64 = arith.constant 0 : index
      %swap3A_65 = tpu.vector_load %arg16[%swap3A_63, %swap3A_64] {strides = array<i32>} : memref<64x640xf32, #tpu.memory_space<vmem>>, vector<16xf32>,
      tpu.vector_store %arg16[%swap3A_63, %swap3A_64], %broadcast_in_dim3A_1 {strides = array<i32>} : memref<64x640xf32, #tpu.memory_space<vmem>>, vector<16xf32>,
      %swap3A_66 = arith.index_cast %scan3A_61 : i32 to index
      %swap3A_67 = arith.constant 16 : index
      %swap3A_68 = tpu.vector_load %arg16[%swap3A_66, %swap3A_67] {strides = array<i32>} : memref<64x640xf32, #tpu.memory_space<vmem>>, vector<16xf32>,
      tpu.vector_store %arg16[%swap3A_66, %swap3A_67], %broadcast_in_dim3A_1 {strides = array<i32>} : memref<64x640xf32, #tpu.memory_space<vmem>>, vector<16xf32>,
      %swap3A_69 = arith.index_cast %scan3A_61 : i32 to index
      %swap3A_70 = arith.constant 32 : index
      %swap3A_71 = tpu.vector_load %arg16[%swap3A_69, %swap3A_70] {strides = array<i32>} : memref<64x640xf32, #tpu.memory_space<vmem>>, vector<16xf32>,
      tpu.vector_store %arg16[%swap3A_69, %swap3A_70], %broadcast_in_dim3A_1 {strides = array<i32>} : memref<64x640xf32, #tpu.memory_space<vmem>>, vector<16xf32>,
      %swap3A_72 = arith.index_cast %scan3A_61 : i32 to index
      %swap3A_73 = arith.constant 48 : index
      %swap3A_74 = tpu.vector_load %arg16[%swap3A_72, %swap3A_73] {strides = array<i32>} : memref<64x640xf32, #tpu.memory_space<vmem>>, vector<16xf32>,
      tpu.vector_store %arg16[%swap3A_72, %swap3A_73], %broadcast_in_dim3A_1 {strides = array<i32>} : memref<64x640xf32, #tpu.memory_space<vmem>>, vector<16xf32>,
      %swap3A_75 = arith.index_cast %scan3A_61 : i32 to index
      %swap3A_76 = arith.constant 64 : index
      %swap3A_77 = tpu.vector_load %arg16[%swap3A_75, %swap3A_76] {strides = array<i32>} : memref<64x640xf32, #tpu.memory_space<vmem>>, vector<16xf32>,
      tpu.vector_store %arg16[%swap3A_75, %swap3A_76], %broadcast_in_dim3A_1 {strides = array<i32>} : memref<64x640xf32, #tpu.memory_space<vmem>>, vector<16xf32>,
      %swap3A_78 = arith.index_cast %scan3A_61 : i32 to index
      %swap3A_79 = arith.constant 80 : index
      %swap3A_80 = tpu.vector_load %arg16[%swap3A_78, %swap3A_79] {strides = array<i32>} : memref<64x640xf32, #tpu.memory_space<vmem>>, vector<16xf32>,
      tpu.vector_store %arg16[%swap3A_78, %swap3A_79], %broadcast_in_dim3A_1 {strides = array<i32>} : memref<64x640xf32, #tpu.memory_space<vmem>>, vector<16xf32>,
      %swap3A_81 = arith.index_cast %scan3A_61 : i32 to index
      %swap3A_82 = arith.constant 96 : index
      %swap3A_83 = tpu.vector_load %arg16[%swap3A_81, %swap3A_82] {strides = array<i32>} : memref<64x640xf32, #tpu.memory_space<vmem>>, vector<16xf32>,
      tpu.vector_store %arg16[%swap3A_81, %swap3A_82], %broadcast_in_dim3A_1 {strides = array<i32>} : memref<64x640xf32, #tpu.memory_space<vmem>>, vector<16xf32>,
      %swap3A_84 = arith.index_cast %scan3A_61 : i32 to index
      %swap3A_85 = arith.constant 112 : index
      %swap3A_86 = tpu.vector_load %arg16[%swap3A_84, %swap3A_85] {strides = array<i32>} : memref<64x640xf32, #tpu.memory_space<vmem>>, vector<16xf32>,
      tpu.vector_store %arg16[%swap3A_84, %swap3A_85], %broadcast_in_dim3A_1 {strides = array<i32>} : memref<64x640xf32, #tpu.memory_space<vmem>>, vector<16xf32>,
      %swap3A_87 = arith.index_cast %scan3A_61 : i32 to index
      %swap3A_88 = arith.constant 128 : index
      %swap3A_89 = tpu.vector_load %arg16[%swap3A_87, %swap3A_88] {strides = array<i32>} : memref<64x640xf32, #tpu.memory_space<vmem>>, vector<16xf32>,
      tpu.vector_store %arg16[%swap3A_87, %swap3A_88], %broadcast_in_dim3A_1 {strides = array<i32>} : memref<64x640xf32, #tpu.memory_space<vmem>>, vector<16xf32>,
      %swap3A_90 = arith.index_cast %scan3A_61 : i32 to index
      %swap3A_91 = arith.constant 144 : index
      %swap3A_92 = tpu.vector_load %arg16[%swap3A_90, %swap3A_91] {strides = array<i32>} : memref<64x640xf32, #tpu.memory_space<vmem>>, vector<16xf32>,
      tpu.vector_store %arg16[%swap3A_90, %swap3A_91], %broadcast_in_dim3A_1 {strides = array<i32>} : memref<64x640xf32, #tpu.memory_space<vmem>>, vector<16xf32>,
      %swap3A_93 = arith.index_cast %scan3A_61 : i32 to index
      %swap3A_94 = arith.constant 160 : index
      %swap3A_95 = tpu.vector_load %arg16[%swap3A_93, %swap3A_94] {strides = array<i32>} : memref<64x640xf32, #tpu.memory_space<vmem>>, vector<16xf32>,
      tpu.vector_store %arg16[%swap3A_93, %swap3A_94], %broadcast_in_dim3A_1 {strides = array<i32>} : memref<64x640xf32, #tpu.memory_space<vmem>>, vector<16xf32>,
      %swap3A_96 = arith.index_cast %scan3A_61 : i32 to index
      %swap3A_97 = arith.constant 176 : index
      %swap3A_98 = tpu.vector_load %arg16[%swap3A_96, %swap3A_97] {strides = array<i32>} : memref<64x640xf32, #tpu.memory_space<vmem>>, vector<16xf32>,
      tpu.vector_store %arg16[%swap3A_96, %swap3A_97], %broadcast_in_dim3A_1 {strides = array<i32>} : memref<64x640xf32, #tpu.memory_space<vmem>>, vector<16xf32>,
      %swap3A_99 = arith.index_cast %scan3A_61 : i32 to index
      %swap3A_100 = arith.constant 192 : index
      %swap3A_101 = tpu.vector_load %arg16[%swap3A_99, %swap3A_100] {strides = array<i32>} : memref<64x640xf32, #tpu.memory_space<vmem>>, vector<16xf32>,
      tpu.vector_store %arg16[%swap3A_99, %swap3A_100], %broadcast_in_dim3A_1 {strides = array<i32>} : memref<64x640xf32, #tpu.memory_space<vmem>>, vector<16xf32>,
      %swap3A_102 = arith.index_cast %scan3A_61 : i32 to index
      %swap3A_103 = arith.constant 208 : index
      %swap3A_104 = tpu.vector_load %arg16[%swap3A_102, %swap3A_103] {strides = array<i32>} : memref<64x640xf32, #tpu.memory_space<vmem>>, vector<16xf32>,
      tpu.vector_store %arg16[%swap3A_102, %swap3A_103], %broadcast_in_dim3A_1 {strides = array<i32>} : memref<64x640xf32, #tpu.memory_space<vmem>>, vector<16xf32>,
      %swap3A_105 = arith.index_cast %scan3A_61 : i32 to index
      %swap3A_106 = arith.constant 224 : index
      %swap3A_107 = tpu.vector_load %arg16[%swap3A_105, %swap3A_106] {strides = array<i32>} : memref<64x640xf32, #tpu.memory_space<vmem>>, vector<16xf32>,
      tpu.vector_store %arg16[%swap3A_105, %swap3A_106], %broadcast_in_dim3A_1 {strides = array<i32>} : memref<64x640xf32, #tpu.memory_space<vmem>>, vector<16xf32>,
      %swap3A_108 = arith.index_cast %scan3A_61 : i32 to index
      %swap3A_109 = arith.constant 240 : index
      %swap3A_110 = tpu.vector_load %arg16[%swap3A_108, %swap3A_109] {strides = array<i32>} : memref<64x640xf32, #tpu.memory_space<vmem>>, vector<16xf32>,
      tpu.vector_store %arg16[%swap3A_108, %swap3A_109], %broadcast_in_dim3A_1 {strides = array<i32>} : memref<64x640xf32, #tpu.memory_space<vmem>>, vector<16xf32>,
      %swap3A_111 = arith.index_cast %scan3A_61 : i32 to index
      %swap3A_112 = arith.constant 256 : index
      %swap3A_113 = tpu.vector_load %arg16[%swap3A_111, %swap3A_112] {strides = array<i32>} : memref<64x640xf32, #tpu.memory_space<vmem>>, vector<16xf32>,
      tpu.vector_store %arg16[%swap3A_111, %swap3A_112], %broadcast_in_dim3A_1 {strides = array<i32>} : memref<64x640xf32, #tpu.memory_space<vmem>>, vector<16xf32>,
      %swap3A_114 = arith.index_cast %scan3A_61 : i32 to index
      %swap3A_115 = arith.constant 272 : index
      %swap3A_116 = tpu.vector_load %arg16[%swap3A_114, %swap3A_115] {strides = array<i32>} : memref<64x640xf32, #tpu.memory_space<vmem>>, vector<16xf32>,
      tpu.vector_store %arg16[%swap3A_114, %swap3A_115], %broadcast_in_dim3A_1 {strides = array<i32>} : memref<64x640xf32, #tpu.memory_space<vmem>>, vector<16xf32>,
      %swap3A_117 = arith.index_cast %scan3A_61 : i32 to index
      %swap3A_118 = arith.constant 288 : index
      %swap3A_119 = tpu.vector_load %arg16[%swap3A_117, %swap3A_118] {strides = array<i32>} : memref<64x640xf32, #tpu.memory_space<vmem>>, vector<16xf32>,
      tpu.vector_store %arg16[%swap3A_117, %swap3A_118], %broadcast_in_dim3A_1 {strides = array<i32>} : memref<64x640xf32, #tpu.memory_space<vmem>>, vector<16xf32>,
      %swap3A_120 = arith.index_cast %scan3A_61 : i32 to index
      %swap3A_121 = arith.constant 304 : index
      %swap3A_122 = tpu.vector_load %arg16[%swap3A_120, %swap3A_121] {strides = array<i32>} : memref<64x640xf32, #tpu.memory_space<vmem>>, vector<16xf32>,
      tpu.vector_store %arg16[%swap3A_120, %swap3A_121], %broadcast_in_dim3A_1 {strides = array<i32>} : memref<64x640xf32, #tpu.memory_space<vmem>>, vector<16xf32>,
      %swap3A_123 = arith.index_cast %scan3A_61 : i32 to index
      %swap3A_124 = arith.constant 320 : index
      %swap3A_125 = tpu.vector_load %arg16[%swap3A_123, %swap3A_124] {strides = array<i32>} : memref<64x640xf32, #tpu.memory_space<vmem>>, vector<16xf32>,
      tpu.vector_store %arg16[%swap3A_123, %swap3A_124], %broadcast_in_dim3A_1 {strides = array<i32>} : memref<64x640xf32, #tpu.memory_space<vmem>>, vector<16xf32>,
      %swap3A_126 = arith.index_cast %scan3A_61 : i32 to index
      %swap3A_127 = arith.constant 336 : index
      %swap3A_128 = tpu.vector_load %arg16[%swap3A_126, %swap3A_127] {strides = array<i32>} : memref<64x640xf32, #tpu.memory_space<vmem>>, vector<16xf32>,
      tpu.vector_store %arg16[%swap3A_126, %swap3A_127], %broadcast_in_dim3A_1 {strides = array<i32>} : memref<64x640xf32, #tpu.memory_space<vmem>>, vector<16xf32>,
      %swap3A_129 = arith.index_cast %scan3A_61 : i32 to index
      %swap3A_130 = arith.constant 352 : index
      %swap3A_131 = tpu.vector_load %arg16[%swap3A_129, %swap3A_130] {strides = array<i32>} : memref<64x640xf32, #tpu.memory_space<vmem>>, vector<16xf32>,
      tpu.vector_store %arg16[%swap3A_129, %swap3A_130], %broadcast_in_dim3A_1 {strides = array<i32>} : memref<64x640xf32, #tpu.memory_space<vmem>>, vector<16xf32>,
      %swap3A_132 = arith.index_cast %scan3A_61 : i32 to index
      %swap3A_133 = arith.constant 368 : index
      %swap3A_134 = tpu.vector_load %arg16[%swap3A_132, %swap3A_133] {strides = array<i32>} : memref<64x640xf32, #tpu.memory_space<vmem>>, vector<16xf32>,
      tpu.vector_store %arg16[%swap3A_132, %swap3A_133], %broadcast_in_dim3A_1 {strides = array<i32>} : memref<64x640xf32, #tpu.memory_space<vmem>>, vector<16xf32>,
      %swap3A_135 = arith.index_cast %scan3A_61 : i32 to index
      %swap3A_136 = arith.constant 384 : index
      %swap3A_137 = tpu.vector_load %arg16[%swap3A_135, %swap3A_136] {strides = array<i32>} : memref<64x640xf32, #tpu.memory_space<vmem>>, vector<16xf32>,
      tpu.vector_store %arg16[%swap3A_135, %swap3A_136], %broadcast_in_dim3A_1 {strides = array<i32>} : memref<64x640xf32, #tpu.memory_space<vmem>>, vector<16xf32>,
      %swap3A_138 = arith.index_cast %scan3A_61 : i32 to index
      %swap3A_139 = arith.constant 400 : index
      %swap3A_140 = tpu.vector_load %arg16[%swap3A_138, %swap3A_139] {strides = array<i32>} : memref<64x640xf32, #tpu.memory_space<vmem>>, vector<16xf32>,
      tpu.vector_store %arg16[%swap3A_138, %swap3A_139], %broadcast_in_dim3A_1 {strides = array<i32>} : memref<64x640xf32, #tpu.memory_space<vmem>>, vector<16xf32>,
      %swap3A_141 = arith.index_cast %scan3A_61 : i32 to index
      %swap3A_142 = arith.constant 416 : index
      %swap3A_143 = tpu.vector_load %arg16[%swap3A_141, %swap3A_142] {strides = array<i32>} : memref<64x640xf32, #tpu.memory_space<vmem>>, vector<16xf32>,
      tpu.vector_store %arg16[%swap3A_141, %swap3A_142], %broadcast_in_dim3A_1 {strides = array<i32>} : memref<64x640xf32, #tpu.memory_space<vmem>>, vector<16xf32>,
      %swap3A_144 = arith.index_cast %scan3A_61 : i32 to index
      %swap3A_145 = arith.constant 432 : index
      %swap3A_146 = tpu.vector_load %arg16[%swap3A_144, %swap3A_145] {strides = array<i32>} : memref<64x640xf32, #tpu.memory_space<vmem>>, vector<16xf32>,
      tpu.vector_store %arg16[%swap3A_144, %swap3A_145], %broadcast_in_dim3A_1 {strides = array<i32>} : memref<64x640xf32, #tpu.memory_space<vmem>>, vector<16xf32>,
      %swap3A_147 = arith.index_cast %scan3A_61 : i32 to index
      %swap3A_148 = arith.constant 448 : index
      %swap3A_149 = tpu.vector_load %arg16[%swap3A_147, %swap3A_148] {strides = array<i32>} : memref<64x640xf32, #tpu.memory_space<vmem>>, vector<16xf32>,
      tpu.vector_store %arg16[%swap3A_147, %swap3A_148], %broadcast_in_dim3A_1 {strides = array<i32>} : memref<64x640xf32, #tpu.memory_space<vmem>>, vector<16xf32>,
      %swap3A_150 = arith.index_cast %scan3A_61 : i32 to index
      %swap3A_151 = arith.constant 464 : index
      %swap3A_152 = tpu.vector_load %arg16[%swap3A_150, %swap3A_151] {strides = array<i32>} : memref<64x640xf32, #tpu.memory_space<vmem>>, vector<16xf32>,
      tpu.vector_store %arg16[%swap3A_150, %swap3A_151], %broadcast_in_dim3A_1 {strides = array<i32>} : memref<64x640xf32, #tpu.memory_space<vmem>>, vector<16xf32>,
      %swap3A_153 = arith.index_cast %scan3A_61 : i32 to index
      %swap3A_154 = arith.constant 480 : index
      %swap3A_155 = tpu.vector_load %arg16[%swap3A_153, %swap3A_154] {strides = array<i32>} : memref<64x640xf32, #tpu.memory_space<vmem>>, vector<16xf32>,
      tpu.vector_store %arg16[%swap3A_153, %swap3A_154], %broadcast_in_dim3A_1 {strides = array<i32>} : memref<64x640xf32, #tpu.memory_space<vmem>>, vector<16xf32>,
      %swap3A_156 = arith.index_cast %scan3A_61 : i32 to index
      %swap3A_157 = arith.constant 496 : index
      %swap3A_158 = tpu.vector_load %arg16[%swap3A_156, %swap3A_157] {strides = array<i32>} : memref<64x640xf32, #tpu.memory_space<vmem>>, vector<16xf32>,
      tpu.vector_store %arg16[%swap3A_156, %swap3A_157], %broadcast_in_dim3A_1 {strides = array<i32>} : memref<64x640xf32, #tpu.memory_space<vmem>>, vector<16xf32>,
      %swap3A_159 = arith.index_cast %scan3A_61 : i32 to index
      %swap3A_160 = arith.constant 512 : index
      %swap3A_161 = tpu.vector_load %arg16[%swap3A_159, %swap3A_160] {strides = array<i32>} : memref<64x640xf32, #tpu.memory_space<vmem>>, vector<16xf32>,
      tpu.vector_store %arg16[%swap3A_159, %swap3A_160], %broadcast_in_dim3A_1 {strides = array<i32>} : memref<64x640xf32, #tpu.memory_space<vmem>>, vector<16xf32>,
      %swap3A_162 = arith.index_cast %scan3A_61 : i32 to index
      %swap3A_163 = arith.constant 528 : index
      %swap3A_164 = tpu.vector_load %arg16[%swap3A_162, %swap3A_163] {strides = array<i32>} : memref<64x640xf32, #tpu.memory_space<vmem>>, vector<16xf32>,
      tpu.vector_store %arg16[%swap3A_162, %swap3A_163], %broadcast_in_dim3A_1 {strides = array<i32>} : memref<64x640xf32, #tpu.memory_space<vmem>>, vector<16xf32>,
      %swap3A_165 = arith.index_cast %scan3A_61 : i32 to index
      %swap3A_166 = arith.constant 544 : index
      %swap3A_167 = tpu.vector_load %arg16[%swap3A_165, %swap3A_166] {strides = array<i32>} : memref<64x640xf32, #tpu.memory_space<vmem>>, vector<16xf32>,
      tpu.vector_store %arg16[%swap3A_165, %swap3A_166], %broadcast_in_dim3A_1 {strides = array<i32>} : memref<64x640xf32, #tpu.memory_space<vmem>>, vector<16xf32>,
      %swap3A_168 = arith.index_cast %scan3A_61 : i32 to index
      %swap3A_169 = arith.constant 560 : index
      %swap3A_170 = tpu.vector_load %arg16[%swap3A_168, %swap3A_169] {strides = array<i32>} : memref<64x640xf32, #tpu.memory_space<vmem>>, vector<16xf32>,
      tpu.vector_store %arg16[%swap3A_168, %swap3A_169], %broadcast_in_dim3A_1 {strides = array<i32>} : memref<64x640xf32, #tpu.memory_space<vmem>>, vector<16xf32>,
      %swap3A_171 = arith.index_cast %scan3A_61 : i32 to index
      %swap3A_172 = arith.constant 576 : index
      %swap3A_173 = tpu.vector_load %arg16[%swap3A_171, %swap3A_172] {strides = array<i32>} : memref<64x640xf32, #tpu.memory_space<vmem>>, vector<16xf32>,
      tpu.vector_store %arg16[%swap3A_171, %swap3A_172], %broadcast_in_dim3A_1 {strides = array<i32>} : memref<64x640xf32, #tpu.memory_space<vmem>>, vector<16xf32>,
      %swap3A_174 = arith.index_cast %scan3A_61 : i32 to index
      %swap3A_175 = arith.constant 592 : index
      %swap3A_176 = tpu.vector_load %arg16[%swap3A_174, %swap3A_175] {strides = array<i32>} : memref<64x640xf32, #tpu.memory_space<vmem>>, vector<16xf32>,
      tpu.vector_store %arg16[%swap3A_174, %swap3A_175], %broadcast_in_dim3A_1 {strides = array<i32>} : memref<64x640xf32, #tpu.memory_space<vmem>>, vector<16xf32>,
      %swap3A_177 = arith.index_cast %scan3A_61 : i32 to index
      %swap3A_178 = arith.constant 608 : index
      %swap3A_179 = tpu.vector_load %arg16[%swap3A_177, %swap3A_178] {strides = array<i32>} : memref<64x640xf32, #tpu.memory_space<vmem>>, vector<16xf32>,
      tpu.vector_store %arg16[%swap3A_177, %swap3A_178], %broadcast_in_dim3A_1 {strides = array<i32>} : memref<64x640xf32, #tpu.memory_space<vmem>>, vector<16xf32>,
      %swap3A_180 = arith.index_cast %scan3A_61 : i32 to index
      %swap3A_181 = arith.constant 624 : index
      %swap3A_182 = tpu.vector_load %arg16[%swap3A_180, %swap3A_181] {strides = array<i32>} : memref<64x640xf32, #tpu.memory_space<vmem>>, vector<16xf32>,
      tpu.vector_store %arg16[%swap3A_180, %swap3A_181], %broadcast_in_dim3A_1 {strides = array<i32>} : memref<64x640xf32, #tpu.memory_space<vmem>>, vector<16xf32>,
      %scan3A_183 = arith.constant 0 : i32
      scf.yield %scan3A_183 : i32
    }
    %scan3A_9 = arith.constant 64 : i32
    %scan3A_10 = arith.constant 0 : i32
    %scan3A_11 = arith.constant 0 : i32
    %scan3A_12 = arith.constant 78 : i32
    %scan3A_13 = arith.addi %scan3A_11, %scan3A_12 : i32
    %scan3A_14 = arith.constant 1 : i32
    %scan3A_15 = scf.for %scan3A_61 = %scan3A_11 to %scan3A_13 step %scan3A_14 iter_args(%scan3A_62 = %scan3A_10) -> (i32)  : i32 {
      %mul3A_63 = arith.constant 64 : i32
      %mul3A_64 = arith.muli %scan3A_61, %mul3A_63 : i32
      %add3A_65 = arith.addi %mul3A_0, %mul3A_64 : i32
      "tpu.region"() ({
        %run_scoped3A = tpu.sem_alloc : memref<!tpu.dma_semaphore, #tpu.memory_space<semaphore_mem>>
        %dma_start3A = arith.constant 0 : i32
        %dma_start3A_67 = arith.constant 0 : i32
        %dma_start3A_68 = tpu.memref_slice %arg6[%arg1, %dma_start3A, %dma_start3A_67] : memref<16x10016x640xf32, #tpu.memory_space<hbm>> -> memref<1x10016x640xf32, #tpu.memory_space<hbm>>
        %dma_start3A_69 = tpu.memref_squeeze %dma_start3A_68 : memref<1x10016x640xf32, #tpu.memory_space<hbm>> -> memref<10016x640xf32, #tpu.memory_space<hbm>>
        %dma_start3A_70 = arith.constant 0 : i32
        %dma_start3A_71 = tpu.memref_slice %dma_start3A_69[%add3A_65, %dma_start3A_70] : memref<10016x640xf32, #tpu.memory_space<hbm>> -> memref<64x640xf32, #tpu.memory_space<hbm>>
        %dma_start3A_72 = arith.constant 0 : i32
        %dma_start3A_73 = arith.constant 0 : i32
        %dma_start3A_74 = tpu.memref_slice %arg6[%arg1, %dma_start3A_72, %dma_start3A_73] : memref<16x10016x640xf32, #tpu.memory_space<hbm>> -> memref<1x10016x640xf32, #tpu.memory_space<hbm>>
        %dma_start3A_75 = tpu.memref_squeeze %dma_start3A_74 : memref<1x10016x640xf32, #tpu.memory_space<hbm>> -> memref<10016x640xf32, #tpu.memory_space<hbm>>
        %dma_start3A_76 = arith.constant 0 : i32
        %dma_start3A_77 = tpu.memref_slice %dma_start3A_75[%add3A_65, %dma_start3A_76] : memref<10016x640xf32, #tpu.memory_space<hbm>> -> memref<64x640xf32, #tpu.memory_space<hbm>>
        tpu.enqueue_dma source(%arg16 : memref<64x640xf32, #tpu.memory_space<vmem>>) target(%dma_start3A_77 : memref<64x640xf32, #tpu.memory_space<hbm>>) target_semaphore(%run_scoped3A : memref<!tpu.dma_semaphore, #tpu.memory_space<semaphore_mem>>)
        %dma_wait3A = arith.constant 0 : i32
        %dma_wait3A_78 = arith.constant 0 : i32
        %dma_wait3A_79 = tpu.memref_slice %arg6[%arg1, %dma_wait3A, %dma_wait3A_78] : memref<16x10016x640xf32, #tpu.memory_space<hbm>> -> memref<1x10016x640xf32, #tpu.memory_space<hbm>>
        %dma_wait3A_80 = tpu.memref_squeeze %dma_wait3A_79 : memref<1x10016x640xf32, #tpu.memory_space<hbm>> -> memref<10016x640xf32, #tpu.memory_space<hbm>>
        %dma_wait3A_81 = arith.constant 0 : i32
        %dma_wait3A_82 = tpu.memref_slice %dma_wait3A_80[%add3A_65, %dma_wait3A_81] : memref<10016x640xf32, #tpu.memory_space<hbm>> -> memref<64x640xf32, #tpu.memory_space<hbm>>
        %dma_wait3A_83 = arith.constant 0 : i32
        %dma_wait3A_84 = arith.constant 0 : i32
        %dma_wait3A_85 = tpu.memref_slice %arg6[%arg1, %dma_wait3A_83, %dma_wait3A_84] : memref<16x10016x640xf32, #tpu.memory_space<hbm>> -> memref<1x10016x640xf32, #tpu.memory_space<hbm>>
        %dma_wait3A_86 = tpu.memref_squeeze %dma_wait3A_85 : memref<1x10016x640xf32, #tpu.memory_space<hbm>> -> memref<10016x640xf32, #tpu.memory_space<hbm>>
        %dma_wait3A_87 = arith.constant 0 : i32
        %dma_wait3A_88 = tpu.memref_slice %dma_wait3A_86[%add3A_65, %dma_wait3A_87] : memref<10016x640xf32, #tpu.memory_space<hbm>> -> memref<64x640xf32, #tpu.memory_space<hbm>>
        tpu.wait_dma2 semaphore(%run_scoped3A : memref<!tpu.dma_semaphore, #tpu.memory_space<semaphore_mem>>) src(%arg16 : memref<64x640xf32, #tpu.memory_space<vmem>>) dst(%dma_wait3A_88 : memref<64x640xf32, #tpu.memory_space<hbm>>)
        tpu.yield
      }) : () -> ()
      %scan3A_66 = arith.constant 0 : i32
      scf.yield %scan3A_66 : i32
    }
    %scan3A_16 = arith.constant 78 : i32
    %eq3A = arith.constant 1 : i32
    %eq3A_17 = arith.cmpi eq, %arg0, %eq3A : i32
    %convert_element_type3A = arith.extui %eq3A_17 : i1 to i32
    %cond3A = arith.constant 0 : i32
    %cond3A_18 = arith.cmpi ne, %convert_element_type3A, %cond3A : i32
    scf.if %cond3A_18 {
      "tpu.region"() ({
        %run_scoped3A = tpu.sem_alloc : memref<!tpu.dma_semaphore, #tpu.memory_space<semaphore_mem>>
        %dma_start3A = arith.constant 0 : i32
        %dma_start3A_61 = arith.constant 0 : i32
        %dma_start3A_62 = tpu.memref_slice %arg16[%dma_start3A, %dma_start3A_61] : memref<64x640xf32, #tpu.memory_space<vmem>> -> memref<16x640xf32, #tpu.memory_space<vmem>>
        %dma_start3A_63 = arith.constant 0 : i32
        %dma_start3A_64 = arith.constant 0 : i32
        %dma_start3A_65 = tpu.memref_slice %arg6[%arg1, %dma_start3A_63, %dma_start3A_64] : memref<16x10016x640xf32, #tpu.memory_space<hbm>> -> memref<1x10016x640xf32, #tpu.memory_space<hbm>>
        %dma_start3A_66 = tpu.memref_squeeze %dma_start3A_65 : memref<1x10016x640xf32, #tpu.memory_space<hbm>> -> memref<10016x640xf32, #tpu.memory_space<hbm>>
        %dma_start3A_67 = arith.constant 10000 : i32
        %dma_start3A_68 = arith.constant 0 : i32
        %dma_start3A_69 = tpu.memref_slice %dma_start3A_66[%dma_start3A_67, %dma_start3A_68] : memref<10016x640xf32, #tpu.memory_space<hbm>> -> memref<16x640xf32, #tpu.memory_space<hbm>>
        %dma_start3A_70 = arith.constant 0 : i32
        %dma_start3A_71 = arith.constant 0 : i32
        %dma_start3A_72 = tpu.memref_slice %arg6[%arg1, %dma_start3A_70, %dma_start3A_71] : memref<16x10016x640xf32, #tpu.memory_space<hbm>> -> memref<1x10016x640xf32, #tpu.memory_space<hbm>>
        %dma_start3A_73 = tpu.memref_squeeze %dma_start3A_72 : memref<1x10016x640xf32, #tpu.memory_space<hbm>> -> memref<10016x640xf32, #tpu.memory_space<hbm>>
        %dma_start3A_74 = arith.constant 10000 : i32
        %dma_start3A_75 = arith.constant 0 : i32
        %dma_start3A_76 = tpu.memref_slice %dma_start3A_73[%dma_start3A_74, %dma_start3A_75] : memref<10016x640xf32, #tpu.memory_space<hbm>> -> memref<16x640xf32, #tpu.memory_space<hbm>>
        %dma_start3A_77 = arith.constant 0 : i32
        %dma_start3A_78 = arith.constant 0 : i32
        %dma_start3A_79 = tpu.memref_slice %arg16[%dma_start3A_77, %dma_start3A_78] : memref<64x640xf32, #tpu.memory_space<vmem>> -> memref<16x640xf32, #tpu.memory_space<vmem>>
        tpu.enqueue_dma source(%dma_start3A_79 : memref<16x640xf32, #tpu.memory_space<vmem>>) target(%dma_start3A_76 : memref<16x640xf32, #tpu.memory_space<hbm>>) target_semaphore(%run_scoped3A : memref<!tpu.dma_semaphore, #tpu.memory_space<semaphore_mem>>)
        %dma_wait3A = arith.constant 0 : i32
        %dma_wait3A_80 = arith.constant 0 : i32
        %dma_wait3A_81 = tpu.memref_slice %arg16[%dma_wait3A, %dma_wait3A_80] : memref<64x640xf32, #tpu.memory_space<vmem>> -> memref<16x640xf32, #tpu.memory_space<vmem>>
        %dma_wait3A_82 = arith.constant 0 : i32
        %dma_wait3A_83 = arith.constant 0 : i32
        %dma_wait3A_84 = tpu.memref_slice %arg6[%arg1, %dma_wait3A_82, %dma_wait3A_83] : memref<16x10016x640xf32, #tpu.memory_space<hbm>> -> memref<1x10016x640xf32, #tpu.memory_space<hbm>>
        %dma_wait3A_85 = tpu.memref_squeeze %dma_wait3A_84 : memref<1x10016x640xf32, #tpu.memory_space<hbm>> -> memref<10016x640xf32, #tpu.memory_space<hbm>>
        %dma_wait3A_86 = arith.constant 10000 : i32
        %dma_wait3A_87 = arith.constant 0 : i32
        %dma_wait3A_88 = tpu.memref_slice %dma_wait3A_85[%dma_wait3A_86, %dma_wait3A_87] : memref<10016x640xf32, #tpu.memory_space<hbm>> -> memref<16x640xf32, #tpu.memory_space<hbm>>
        %dma_wait3A_89 = arith.constant 0 : i32
        %dma_wait3A_90 = arith.constant 0 : i32
        %dma_wait3A_91 = tpu.memref_slice %arg6[%arg1, %dma_wait3A_89, %dma_wait3A_90] : memref<16x10016x640xf32, #tpu.memory_space<hbm>> -> memref<1x10016x640xf32, #tpu.memory_space<hbm>>
        %dma_wait3A_92 = tpu.memref_squeeze %dma_wait3A_91 : memref<1x10016x640xf32, #tpu.memory_space<hbm>> -> memref<10016x640xf32, #tpu.memory_space<hbm>>
        %dma_wait3A_93 = arith.constant 10000 : i32
        %dma_wait3A_94 = arith.constant 0 : i32
        %dma_wait3A_95 = tpu.memref_slice %dma_wait3A_92[%dma_wait3A_93, %dma_wait3A_94] : memref<10016x640xf32, #tpu.memory_space<hbm>> -> memref<16x640xf32, #tpu.memory_space<hbm>>
        %dma_wait3A_96 = arith.constant 0 : i32
        %dma_wait3A_97 = arith.constant 0 : i32
        %dma_wait3A_98 = tpu.memref_slice %arg16[%dma_wait3A_96, %dma_wait3A_97] : memref<64x640xf32, #tpu.memory_space<vmem>> -> memref<16x640xf32, #tpu.memory_space<vmem>>
        tpu.wait_dma2 semaphore(%run_scoped3A : memref<!tpu.dma_semaphore, #tpu.memory_space<semaphore_mem>>) src(%dma_wait3A_98 : memref<16x640xf32, #tpu.memory_space<vmem>>) dst(%dma_wait3A_95 : memref<16x640xf32, #tpu.memory_space<hbm>>)
        tpu.yield
      }) : () -> ()
    } else {
    }
    %scan3A_19 = arith.constant 0 : i32
    %scan3A_20 = arith.constant 0 : i32
    %scan3A_21 = arith.constant 25 : i32
    %scan3A_22 = arith.addi %scan3A_20, %scan3A_21 : i32
    %scan3A_23 = arith.constant 1 : i32
    %scan3A_24 = scf.for %scan3A_61 = %scan3A_20 to %scan3A_22 step %scan3A_23 iter_args(%scan3A_62 = %scan3A_19) -> (i32)  : i32 {
      %mul3A_63 = arith.constant 400 : i32
      %mul3A_64 = arith.muli %scan3A_61, %mul3A_63 : i32
      %add3A_65 = arith.addi %mul3A_3, %mul3A_64 : i32
      "tpu.region"() ({
        %run_scoped3A = tpu.sem_alloc : memref<!tpu.dma_semaphore, #tpu.memory_space<semaphore_mem>>
        %dma_start3A = tpu.memref_slice %arg2[%add3A_65] : memref<160000xi32, #tpu.memory_space<hbm>> -> memref<400xi32, #tpu.memory_space<hbm>>
        %dma_start3A_75 = tpu.memref_slice %arg2[%add3A_65] : memref<160000xi32, #tpu.memory_space<hbm>> -> memref<400xi32, #tpu.memory_space<hbm>>
        tpu.enqueue_dma source(%dma_start3A_75 : memref<400xi32, #tpu.memory_space<hbm>>) target(%arg7 : memref<400xi32, #tpu.memory_space<vmem>>) target_semaphore(%run_scoped3A : memref<!tpu.dma_semaphore, #tpu.memory_space<semaphore_mem>>)
        %dma_wait3A = tpu.memref_slice %arg2[%add3A_65] : memref<160000xi32, #tpu.memory_space<hbm>> -> memref<400xi32, #tpu.memory_space<hbm>>
        %dma_wait3A_76 = tpu.memref_slice %arg2[%add3A_65] : memref<160000xi32, #tpu.memory_space<hbm>> -> memref<400xi32, #tpu.memory_space<hbm>>
        tpu.wait_dma2 semaphore(%run_scoped3A : memref<!tpu.dma_semaphore, #tpu.memory_space<semaphore_mem>>) src(%dma_wait3A_76 : memref<400xi32, #tpu.memory_space<hbm>>) dst(%arg7 : memref<400xi32, #tpu.memory_space<vmem>>)
        tpu.yield
      }) : () -> ()
      %mul3A_66 = arith.constant 400 : i32
      %mul3A_67 = arith.muli %scan3A_61, %mul3A_66 : i32
      %add3A_68 = arith.addi %mul3A_3, %mul3A_67 : i32
      "tpu.region"() ({
        %run_scoped3A = tpu.sem_alloc : memref<!tpu.dma_semaphore, #tpu.memory_space<semaphore_mem>>
        %dma_start3A = tpu.memref_slice %arg3[%add3A_68] : memref<160000xi32, #tpu.memory_space<hbm>> -> memref<400xi32, #tpu.memory_space<hbm>>
        %dma_start3A_75 = tpu.memref_slice %arg3[%add3A_68] : memref<160000xi32, #tpu.memory_space<hbm>> -> memref<400xi32, #tpu.memory_space<hbm>>
        tpu.enqueue_dma source(%dma_start3A_75 : memref<400xi32, #tpu.memory_space<hbm>>) target(%arg8 : memref<400xi32, #tpu.memory_space<vmem>>) target_semaphore(%run_scoped3A : memref<!tpu.dma_semaphore, #tpu.memory_space<semaphore_mem>>)
        %dma_wait3A = tpu.memref_slice %arg3[%add3A_68] : memref<160000xi32, #tpu.memory_space<hbm>> -> memref<400xi32, #tpu.memory_space<hbm>>
        %dma_wait3A_76 = tpu.memref_slice %arg3[%add3A_68] : memref<160000xi32, #tpu.memory_space<hbm>> -> memref<400xi32, #tpu.memory_space<hbm>>
        tpu.wait_dma2 semaphore(%run_scoped3A : memref<!tpu.dma_semaphore, #tpu.memory_space<semaphore_mem>>) src(%dma_wait3A_76 : memref<400xi32, #tpu.memory_space<hbm>>) dst(%arg8 : memref<400xi32, #tpu.memory_space<vmem>>)
        tpu.yield
      }) : () -> ()
      %scan3A_69 = arith.constant 0 : i32
      %scan3A_70 = arith.constant 25 : i32
      %scan3A_71 = arith.addi %scan3A_69, %scan3A_70 : i32
      %scan3A_72 = arith.constant 1 : i32
      %scan3A_73 = scf.for %scan3A_75 = %scan3A_69 to %scan3A_71 step %scan3A_72 iter_args(%scan3A_76 = %scan3A_62) -> (i32)  : i32 {
        %mul3A_77 = arith.constant 16 : i32
        %mul3A_78 = arith.muli %scan3A_75, %mul3A_77 : i32
        %get3A = arith.index_cast %mul3A_78 : i32 to index
        %get3A_79 = tpu.vector_load %arg7[%get3A] {strides = array<i32>} : memref<400xi32, #tpu.memory_space<vmem>>, vector<16xi32>,
        %mul3A_80 = arith.constant 16 : i32
        %mul3A_81 = arith.muli %scan3A_75, %mul3A_80 : i32
        %get3A_82 = arith.index_cast %mul3A_81 : i32 to index
        %get3A_83 = tpu.vector_load %arg8[%get3A_82] {strides = array<i32>} : memref<400xi32, #tpu.memory_space<vmem>>, vector<16xi32>,
        %shift_left3A_84 = arith.constant 14 : i32
        %shift_left3A_85 = vector.broadcast %shift_left3A_84 : i32 to vector<16xi32>
        %shift_left3A_86 = arith.shli %get3A_83, %shift_left3A_85 : vector<16xi32>
        %or3A = arith.ori %shift_left3A_86, %get3A_79 : vector<16xi32>
        %ge3A = vector.broadcast %mul3A_0 : i32 to vector<16xi32>
        %ge3A_87 = arith.cmpi sge, %get3A_83, %ge3A : vector<16xi32>
        %add3A_88 = arith.constant 5000 : i32
        %add3A_89 = arith.addi %mul3A_0, %add3A_88 : i32
        %lt3A = vector.broadcast %add3A_89 : i32 to vector<16xi32>
        %lt3A_90 = arith.cmpi slt, %get3A_83, %lt3A : vector<16xi32>
        %and3A = arith.andi %ge3A_87, %lt3A_90 : vector<16xi1>
        %add3A_91 = arith.constant 16 : i32
        %add3A_92 = vector.broadcast %add3A_91 : i32 to vector<16xi32>
        %add3A_93 = arith.addi %iota3A, %add3A_92 : vector<16xi32>
        %select_n3A = arith.select %and3A, %iota3A, %add3A_93 : vector<16xi1>, vector<16xi32>
        %masked_sort3A = arith.constant dense<true> : vector<16xi1>
        %masked_sort3A_94 = arith.constant -2147483648 : i32
        %masked_sort3A_95 = vector.broadcast %masked_sort3A_94 : i32 to vector<16xi32>
        %masked_sort3A_96 = arith.xori %select_n3A, %masked_sort3A_95 : vector<16xi32>
        %masked_sort3A_97, %masked_sort3A_98, %masked_sort3A_99 = tpu.sort %masked_sort3A_96, %or3A masked %masked_sort3A : (vector<16xi32>, vector<16xi32>, vector<16xi1>) -> (vector<16xi1>, vector<16xi32>, vector<16xi32>)
        %masked_sort3A_100 = arith.xori %masked_sort3A_98, %masked_sort3A_95 : vector<16xi32>
        %swap3A_101 = arith.index_cast %scan3A_76 : i32 to index
        %swap3A_102 = tpu.vector_load %arg9[%swap3A_101] {strides = array<i32>} : memref<10064xi32, #tpu.memory_space<vmem>>, vector<16xi32>,
        tpu.vector_store %arg9[%swap3A_101], %masked_sort3A_99 {strides = array<i32>} : memref<10064xi32, #tpu.memory_space<vmem>>, vector<16xi32>,
        %all_reduce_population_count3A = tpu.all_reduce %and3A {dim = 0 : i64, kind = #tpu.reduction_kind<sum>} : vector<16xi1> -> vector<16xi32>
        %slice3A = vector.extract_strided_slice %all_reduce_population_count3A {offsets = [0], sizes = [1], strides = [1]} : vector<16xi32> to vector<1xi32>
        %squeeze3A = vector.extract %slice3A[0] : i32 from vector<1xi32>
        %add3A_103 = arith.addi %scan3A_76, %squeeze3A : i32
        scf.yield %add3A_103 : i32
      }
      %scan3A_74 = arith.constant 25 : i32
      scf.yield %scan3A_73 : i32
    }
    %scan3A_25 = arith.constant 25 : i32
    %add3A = arith.constant 10000 : i32
    %add3A_26 = vector.broadcast %add3A : i32 to vector<16xi32>
    %add3A_27 = arith.addi %iota3A, %add3A_26 : vector<16xi32>
    %shift_left3A = arith.constant 14 : i32
    %shift_left3A_28 = vector.broadcast %shift_left3A : i32 to vector<16xi32>
    %shift_left3A_29 = arith.shli %add3A_27, %shift_left3A_28 : vector<16xi32>
    %add3A_30 = arith.constant 0 : i32
    %add3A_31 = arith.addi %scan3A_24, %add3A_30 : i32
    %swap3A = arith.index_cast %add3A_31 : i32 to index
    %swap3A_32 = tpu.vector_load %arg9[%swap3A] {strides = array<i32>} : memref<10064xi32, #tpu.memory_space<vmem>>, vector<16xi32>,
    tpu.vector_store %arg9[%swap3A], %shift_left3A_29 {strides = array<i32>} : memref<10064xi32, #tpu.memory_space<vmem>>, vector<16xi32>,
    %add3A_33 = arith.constant 16 : i32
    %add3A_34 = arith.addi %scan3A_24, %add3A_33 : i32
    %swap3A_35 = arith.index_cast %add3A_34 : i32 to index
    %swap3A_36 = tpu.vector_load %arg9[%swap3A_35] {strides = array<i32>} : memref<10064xi32, #tpu.memory_space<vmem>>, vector<16xi32>,
    tpu.vector_store %arg9[%swap3A_35], %shift_left3A_29 {strides = array<i32>} : memref<10064xi32, #tpu.memory_space<vmem>>, vector<16xi32>,
    %add3A_37 = arith.constant 32 : i32
    %add3A_38 = arith.addi %scan3A_24, %add3A_37 : i32
    %swap3A_39 = arith.index_cast %add3A_38 : i32 to index
    %swap3A_40 = tpu.vector_load %arg9[%swap3A_39] {strides = array<i32>} : memref<10064xi32, #tpu.memory_space<vmem>>, vector<16xi32>,
    tpu.vector_store %arg9[%swap3A_39], %shift_left3A_29 {strides = array<i32>} : memref<10064xi32, #tpu.memory_space<vmem>>, vector<16xi32>,
    %add3A_41 = arith.constant 48 : i32
    %add3A_42 = arith.addi %scan3A_24, %add3A_41 : i32
    %swap3A_43 = arith.index_cast %add3A_42 : i32 to index
    %swap3A_44 = tpu.vector_load %arg9[%swap3A_43] {strides = array<i32>} : memref<10064xi32, #tpu.memory_space<vmem>>, vector<16xi32>,
    tpu.vector_store %arg9[%swap3A_43], %shift_left3A_29 {strides = array<i32>} : memref<10064xi32, #tpu.memory_space<vmem>>, vector<16xi32>,
    %barrier3A = arith.constant 0 : index
    tpu.barrier barrier_id(%barrier3A)
    %add3A_45 = arith.constant 64 : i32
    %add3A_46 = arith.addi %scan3A_24, %add3A_45 : i32
    %sub3A = arith.constant 1 : i32
    %sub3A_47 = arith.subi %add3A_46, %sub3A : i32
    %shift_right_arithmetic3A = arith.constant 6 : i32
    %shift_right_arithmetic3A_48 = arith.shrsi %sub3A_47, %shift_right_arithmetic3A : i32
    %while3A = arith.constant 0 : i32
    %while3A_49 = arith.constant 0 : i32
    %while3A_50 = arith.subi %shift_right_arithmetic3A_48, %while3A : i32
    %while3A_51 = arith.addi %while3A, %while3A_50 : i32
    %while3A_52 = arith.constant 1 : i32
    %while3A_53 = arith.divsi %while3A_50, %while3A_52 : i32
    %while3A_54 = arith.muli %while3A_53, %while3A_52 : i32
    %while3A_55 = arith.addi %while3A, %while3A_54 : i32
    %while3A_56 = arith.constant 1 : i32
    %while3A_57 = scf.for %while3A_61 = %while3A to %while3A_55 step %while3A_56 iter_args(%while3A_62 = %while3A_49) -> (i32)  : i32 {
      %mul3A_63 = arith.constant 64 : i32
      %mul3A_64 = arith.muli %while3A_61, %mul3A_63 : i32
      %add3A_65 = arith.constant 0 : i32
      %add3A_66 = arith.addi %mul3A_64, %add3A_65 : i32
      %get3A = arith.index_cast %add3A_66 : i32 to index
      %get3A_67 = tpu.vector_load %arg9[%get3A] {strides = array<i32>} : memref<10064xi32, #tpu.memory_space<vmem>>, vector<16xi32>,
      %shift_right_arithmetic3A_68 = arith.constant 14 : i32
      %shift_right_arithmetic3A_69 = vector.broadcast %shift_right_arithmetic3A_68 : i32 to vector<16xi32>
      %shift_right_arithmetic3A_70 = arith.shrsi %get3A_67, %shift_right_arithmetic3A_69 : vector<16xi32>
      %and3A = arith.constant 16383 : i32
      %and3A_71 = vector.broadcast %and3A : i32 to vector<16xi32>
      %and3A_72 = arith.andi %get3A_67, %and3A_71 : vector<16xi32>
      %swap3A_73 = arith.constant 0 : index
      %swap3A_74 = tpu.vector_load %arg10[%swap3A_73] {strides = array<i32>} : memref<64xi32, #tpu.memory_space<vmem>>, vector<16xi32>,
      tpu.vector_store %arg10[%swap3A_73], %and3A_72 {strides = array<i32>} : memref<64xi32, #tpu.memory_space<vmem>>, vector<16xi32>,
      %min3A = arith.constant 9999 : i32
      %min3A_75 = vector.broadcast %min3A : i32 to vector<16xi32>
      %min3A_76 = arith.minsi %shift_right_arithmetic3A_70, %min3A_75 : vector<16xi32>
      %swap3A_77 = arith.constant 0 : index
      %swap3A_78 = tpu.vector_load %arg11[%swap3A_77] {strides = array<i32>} : memref<64xi32, #tpu.memory_space<vmem>>, vector<16xi32>,
      tpu.vector_store %arg11[%swap3A_77], %min3A_76 {strides = array<i32>} : memref<64xi32, #tpu.memory_space<vmem>>, vector<16xi32>,
      %swap3A_79 = arith.constant 0 : index
      %swap3A_80 = tpu.vector_load %arg12[%swap3A_79] {strides = array<i32>} : memref<64xi32, #tpu.memory_space<vmem>>, vector<16xi32>,
      tpu.vector_store %arg12[%swap3A_79], %shift_right_arithmetic3A_70 {strides = array<i32>} : memref<64xi32, #tpu.memory_space<vmem>>, vector<16xi32>,
      %add3A_81 = arith.constant 16 : i32
      %add3A_82 = arith.addi %mul3A_64, %add3A_81 : i32
      %get3A_83 = arith.index_cast %add3A_82 : i32 to index
      %get3A_84 = tpu.vector_load %arg9[%get3A_83] {strides = array<i32>} : memref<10064xi32, #tpu.memory_space<vmem>>, vector<16xi32>,
      %shift_right_arithmetic3A_85 = arith.constant 14 : i32
      %shift_right_arithmetic3A_86 = vector.broadcast %shift_right_arithmetic3A_85 : i32 to vector<16xi32>
      %shift_right_arithmetic3A_87 = arith.shrsi %get3A_84, %shift_right_arithmetic3A_86 : vector<16xi32>
      %and3A_88 = arith.constant 16383 : i32
      %and3A_89 = vector.broadcast %and3A_88 : i32 to vector<16xi32>
      %and3A_90 = arith.andi %get3A_84, %and3A_89 : vector<16xi32>
      %swap3A_91 = arith.constant 16 : index
      %swap3A_92 = tpu.vector_load %arg10[%swap3A_91] {strides = array<i32>} : memref<64xi32, #tpu.memory_space<vmem>>, vector<16xi32>,
      tpu.vector_store %arg10[%swap3A_91], %and3A_90 {strides = array<i32>} : memref<64xi32, #tpu.memory_space<vmem>>, vector<16xi32>,
      %min3A_93 = arith.constant 9999 : i32
      %min3A_94 = vector.broadcast %min3A_93 : i32 to vector<16xi32>
      %min3A_95 = arith.minsi %shift_right_arithmetic3A_87, %min3A_94 : vector<16xi32>
      %swap3A_96 = arith.constant 16 : index
      %swap3A_97 = tpu.vector_load %arg11[%swap3A_96] {strides = array<i32>} : memref<64xi32, #tpu.memory_space<vmem>>, vector<16xi32>,
      tpu.vector_store %arg11[%swap3A_96], %min3A_95 {strides = array<i32>} : memref<64xi32, #tpu.memory_space<vmem>>, vector<16xi32>,
      %swap3A_98 = arith.constant 16 : index
      %swap3A_99 = tpu.vector_load %arg12[%swap3A_98] {strides = array<i32>} : memref<64xi32, #tpu.memory_space<vmem>>, vector<16xi32>,
      tpu.vector_store %arg12[%swap3A_98], %shift_right_arithmetic3A_87 {strides = array<i32>} : memref<64xi32, #tpu.memory_space<vmem>>, vector<16xi32>,
      %add3A_100 = arith.constant 32 : i32
      %add3A_101 = arith.addi %mul3A_64, %add3A_100 : i32
      %get3A_102 = arith.index_cast %add3A_101 : i32 to index
      %get3A_103 = tpu.vector_load %arg9[%get3A_102] {strides = array<i32>} : memref<10064xi32, #tpu.memory_space<vmem>>, vector<16xi32>,
      %shift_right_arithmetic3A_104 = arith.constant 14 : i32
      %shift_right_arithmetic3A_105 = vector.broadcast %shift_right_arithmetic3A_104 : i32 to vector<16xi32>
      %shift_right_arithmetic3A_106 = arith.shrsi %get3A_103, %shift_right_arithmetic3A_105 : vector<16xi32>
      %and3A_107 = arith.constant 16383 : i32
      %and3A_108 = vector.broadcast %and3A_107 : i32 to vector<16xi32>
      %and3A_109 = arith.andi %get3A_103, %and3A_108 : vector<16xi32>
      %swap3A_110 = arith.constant 32 : index
      %swap3A_111 = tpu.vector_load %arg10[%swap3A_110] {strides = array<i32>} : memref<64xi32, #tpu.memory_space<vmem>>, vector<16xi32>,
      tpu.vector_store %arg10[%swap3A_110], %and3A_109 {strides = array<i32>} : memref<64xi32, #tpu.memory_space<vmem>>, vector<16xi32>,
      %min3A_112 = arith.constant 9999 : i32
      %min3A_113 = vector.broadcast %min3A_112 : i32 to vector<16xi32>
      %min3A_114 = arith.minsi %shift_right_arithmetic3A_106, %min3A_113 : vector<16xi32>
      %swap3A_115 = arith.constant 32 : index
      %swap3A_116 = tpu.vector_load %arg11[%swap3A_115] {strides = array<i32>} : memref<64xi32, #tpu.memory_space<vmem>>, vector<16xi32>,
      tpu.vector_store %arg11[%swap3A_115], %min3A_114 {strides = array<i32>} : memref<64xi32, #tpu.memory_space<vmem>>, vector<16xi32>,
      %swap3A_117 = arith.constant 32 : index
      %swap3A_118 = tpu.vector_load %arg12[%swap3A_117] {strides = array<i32>} : memref<64xi32, #tpu.memory_space<vmem>>, vector<16xi32>,
      tpu.vector_store %arg12[%swap3A_117], %shift_right_arithmetic3A_106 {strides = array<i32>} : memref<64xi32, #tpu.memory_space<vmem>>, vector<16xi32>,
      %add3A_119 = arith.constant 48 : i32
      %add3A_120 = arith.addi %mul3A_64, %add3A_119 : i32
      %get3A_121 = arith.index_cast %add3A_120 : i32 to index
      %get3A_122 = tpu.vector_load %arg9[%get3A_121] {strides = array<i32>} : memref<10064xi32, #tpu.memory_space<vmem>>, vector<16xi32>,
      %shift_right_arithmetic3A_123 = arith.constant 14 : i32
      %shift_right_arithmetic3A_124 = vector.broadcast %shift_right_arithmetic3A_123 : i32 to vector<16xi32>
      %shift_right_arithmetic3A_125 = arith.shrsi %get3A_122, %shift_right_arithmetic3A_124 : vector<16xi32>
      %and3A_126 = arith.constant 16383 : i32
      %and3A_127 = vector.broadcast %and3A_126 : i32 to vector<16xi32>
      %and3A_128 = arith.andi %get3A_122, %and3A_127 : vector<16xi32>
      %swap3A_129 = arith.constant 48 : index
      %swap3A_130 = tpu.vector_load %arg10[%swap3A_129] {strides = array<i32>} : memref<64xi32, #tpu.memory_space<vmem>>, vector<16xi32>,
      tpu.vector_store %arg10[%swap3A_129], %and3A_128 {strides = array<i32>} : memref<64xi32, #tpu.memory_space<vmem>>, vector<16xi32>,
      %min3A_131 = arith.constant 9999 : i32
      %min3A_132 = vector.broadcast %min3A_131 : i32 to vector<16xi32>
      %min3A_133 = arith.minsi %shift_right_arithmetic3A_125, %min3A_132 : vector<16xi32>
      %swap3A_134 = arith.constant 48 : index
      %swap3A_135 = tpu.vector_load %arg11[%swap3A_134] {strides = array<i32>} : memref<64xi32, #tpu.memory_space<vmem>>, vector<16xi32>,
      tpu.vector_store %arg11[%swap3A_134], %min3A_133 {strides = array<i32>} : memref<64xi32, #tpu.memory_space<vmem>>, vector<16xi32>,
      %swap3A_136 = arith.constant 48 : index
      %swap3A_137 = tpu.vector_load %arg12[%swap3A_136] {strides = array<i32>} : memref<64xi32, #tpu.memory_space<vmem>>, vector<16xi32>,
      tpu.vector_store %arg12[%swap3A_136], %shift_right_arithmetic3A_125 {strides = array<i32>} : memref<64xi32, #tpu.memory_space<vmem>>, vector<16xi32>,
      %dma_start3A = arith.constant 0 : i32
      %dma_start3A_138 = arith.constant 0 : i32
      %dma_start3A_139 = tpu.memref_slice %arg4[%dma_start3A, %dma_start3A_138] : memref<10000x128xf32, #tpu.memory_space<hbm>> -> memref<10000x128xf32, #tpu.memory_space<hbm>>
      tpu.enqueue_indirect_dma source(%dma_start3A_139 : memref<10000x128xf32, #tpu.memory_space<hbm>>) target(%arg13 : memref<64x128xf32, #tpu.memory_space<vmem>>) offsets(%arg10 : memref<64xi32, #tpu.memory_space<vmem>>) semaphore(%arg17 : memref<!tpu.dma_semaphore, #tpu.memory_space<semaphore_mem>>)
      %dma_wait3A = arith.constant 0 : i32
      %dma_wait3A_140 = arith.constant 0 : i32
      %dma_wait3A_141 = tpu.memref_slice %arg4[%dma_wait3A, %dma_wait3A_140] : memref<10000x128xf32, #tpu.memory_space<hbm>> -> memref<10000x128xf32, #tpu.memory_space<hbm>>
      tpu.wait_indirect_dma semaphore(%arg17 : memref<!tpu.dma_semaphore, #tpu.memory_space<semaphore_mem>>) src(%dma_wait3A_141 : memref<10000x128xf32, #tpu.memory_space<hbm>>) dst(%arg13 : memref<64x128xf32, #tpu.memory_space<vmem>>)
      %dma_start3A_142 = arith.constant 0 : i32
      %dma_start3A_143 = arith.constant 0 : i32
      %dma_start3A_144 = tpu.memref_slice %arg4[%dma_start3A_142, %dma_start3A_143] : memref<10000x128xf32, #tpu.memory_space<hbm>> -> memref<10000x128xf32, #tpu.memory_space<hbm>>
      tpu.enqueue_indirect_dma source(%dma_start3A_144 : memref<10000x128xf32, #tpu.memory_space<hbm>>) target(%arg14 : memref<64x128xf32, #tpu.memory_space<vmem>>) offsets(%arg11 : memref<64xi32, #tpu.memory_space<vmem>>) semaphore(%arg17 : memref<!tpu.dma_semaphore, #tpu.memory_space<semaphore_mem>>)
      %dma_wait3A_145 = arith.constant 0 : i32
      %dma_wait3A_146 = arith.constant 0 : i32
      %dma_wait3A_147 = tpu.memref_slice %arg4[%dma_wait3A_145, %dma_wait3A_146] : memref<10000x128xf32, #tpu.memory_space<hbm>> -> memref<10000x128xf32, #tpu.memory_space<hbm>>
      tpu.wait_indirect_dma semaphore(%arg17 : memref<!tpu.dma_semaphore, #tpu.memory_space<semaphore_mem>>) src(%dma_wait3A_147 : memref<10000x128xf32, #tpu.memory_space<hbm>>) dst(%arg14 : memref<64x128xf32, #tpu.memory_space<vmem>>)
      %dma_start3A_148 = arith.constant 0 : i32
      %dma_start3A_149 = arith.constant 0 : i32
      %dma_start3A_150 = tpu.memref_slice %arg5[%dma_start3A_148, %dma_start3A_149] : memref<10000x512xf32, #tpu.memory_space<hbm>> -> memref<10000x512xf32, #tpu.memory_space<hbm>>
      tpu.enqueue_indirect_dma source(%dma_start3A_150 : memref<10000x512xf32, #tpu.memory_space<hbm>>) target(%arg15 : memref<64x512xf32, #tpu.memory_space<vmem>>) offsets(%arg10 : memref<64xi32, #tpu.memory_space<vmem>>) semaphore(%arg17 : memref<!tpu.dma_semaphore, #tpu.memory_space<semaphore_mem>>)
      %dma_wait3A_151 = arith.constant 0 : i32
      %dma_wait3A_152 = arith.constant 0 : i32
      %dma_wait3A_153 = tpu.memref_slice %arg5[%dma_wait3A_151, %dma_wait3A_152] : memref<10000x512xf32, #tpu.memory_space<hbm>> -> memref<10000x512xf32, #tpu.memory_space<hbm>>
      tpu.wait_indirect_dma semaphore(%arg17 : memref<!tpu.dma_semaphore, #tpu.memory_space<semaphore_mem>>) src(%dma_wait3A_153 : memref<10000x512xf32, #tpu.memory_space<hbm>>) dst(%arg15 : memref<64x512xf32, #tpu.memory_space<vmem>>)
      %scan3A_154 = arith.constant 0 : i32
      %scan3A_155 = arith.constant 0 : i32
      %scan3A_156 = arith.constant 64 : i32
      %scan3A_157 = arith.addi %scan3A_155, %scan3A_156 : i32
      %scan3A_158 = arith.constant 1 : i32
      %scan3A_159 = scf.for %scan3A_162 = %scan3A_155 to %scan3A_157 step %scan3A_158 iter_args(%scan3A_163 = %scan3A_154) -> (i32)  : i32 {
        %get3A_164 = arith.index_cast %scan3A_162 : i32 to index
        %get3A_165 = arith.constant 0 : index
        %get3A_166 = tpu.vector_load %arg13[%get3A_164, %get3A_165] {strides = array<i32>} : memref<64x128xf32, #tpu.memory_space<vmem>>, vector<16xf32>,
        %get3A_167 = arith.index_cast %scan3A_162 : i32 to index
        %get3A_168 = arith.constant 16 : index
        %get3A_169 = tpu.vector_load %arg14[%get3A_167, %get3A_168] {strides = array<i32>} : memref<64x128xf32, #tpu.memory_space<vmem>>, vector<16xf32>,
        %add3A_170 = arith.addf %get3A_166, %get3A_169 : vector<16xf32>
        %mul3A_171 = arith.constant 2.000000e-01 : f32
        %mul3A_172 = vector.broadcast %mul3A_171 : f32 to vector<16xf32>
        %mul3A_173 = arith.mulf %mul3A_172, %add3A_170 : vector<16xf32>
        %max3A = arith.maximumf %add3A_170, %mul3A_173 : vector<16xf32>
        %exp3A = math.exp %max3A : vector<16xf32>
        %swap3A_174 = arith.index_cast %scan3A_162 : i32 to index
        %swap3A_175 = arith.constant 0 : index
        %swap3A_176 = tpu.vector_load %arg16[%swap3A_174, %swap3A_175] {strides = array<i32>} : memref<64x640xf32, #tpu.memory_space<vmem>>, vector<16xf32>,
        tpu.vector_store %arg16[%swap3A_174, %swap3A_175], %exp3A {strides = array<i32>} : memref<64x640xf32, #tpu.memory_space<vmem>>, vector<16xf32>,
        %broadcast_in_dim3A_177 = arith.constant 0 : i32
        %broadcast_in_dim3A_178 = vector.broadcast %broadcast_in_dim3A_177 : i32 to vector<16x1xi32>
        %gather3A = vector.shape_cast %broadcast_in_dim3A_178 : vector<16x1xi32> to vector<16xi32>
        %gather3A_179 = tpu.dynamic_gather %exp3A[%gather3A] in [0] : vector<16xf32>, vector<16xi32> -> vector<16xf32>
        %get3A_180 = arith.index_cast %scan3A_162 : i32 to index
        %get3A_181 = arith.constant 0 : index
        %get3A_182 = tpu.vector_load %arg15[%get3A_180, %get3A_181] {strides = array<i32>} : memref<64x512xf32, #tpu.memory_space<vmem>>, vector<16xf32>,
        %mul3A_183 = arith.mulf %get3A_182, %gather3A_179 : vector<16xf32>
        %swap3A_184 = arith.index_cast %scan3A_162 : i32 to index
        %swap3A_185 = arith.constant 128 : index
        %swap3A_186 = tpu.vector_load %arg16[%swap3A_184, %swap3A_185] {strides = array<i32>} : memref<64x640xf32, #tpu.memory_space<vmem>>, vector<16xf32>,
        tpu.vector_store %arg16[%swap3A_184, %swap3A_185], %mul3A_183 {strides = array<i32>} : memref<64x640xf32, #tpu.memory_space<vmem>>, vector<16xf32>,
        %get3A_187 = arith.index_cast %scan3A_162 : i32 to index
        %get3A_188 = arith.constant 16 : index
        %get3A_189 = tpu.vector_load %arg15[%get3A_187, %get3A_188] {strides = array<i32>} : memref<64x512xf32, #tpu.memory_space<vmem>>, vector<16xf32>,
        %mul3A_190 = arith.mulf %get3A_189, %gather3A_179 : vector<16xf32>
        %swap3A_191 = arith.index_cast %scan3A_162 : i32 to index
        %swap3A_192 = arith.constant 144 : index
        %swap3A_193 = tpu.vector_load %arg16[%swap3A_191, %swap3A_192] {strides = array<i32>} : memref<64x640xf32, #tpu.memory_space<vmem>>, vector<16xf32>,
        tpu.vector_store %arg16[%swap3A_191, %swap3A_192], %mul3A_190 {strides = array<i32>} : memref<64x640xf32, #tpu.memory_space<vmem>>, vector<16xf32>,
        %get3A_194 = arith.index_cast %scan3A_162 : i32 to index
        %get3A_195 = arith.constant 32 : index
        %get3A_196 = tpu.vector_load %arg15[%get3A_194, %get3A_195] {strides = array<i32>} : memref<64x512xf32, #tpu.memory_space<vmem>>, vector<16xf32>,
        %mul3A_197 = arith.mulf %get3A_196, %gather3A_179 : vector<16xf32>
        %swap3A_198 = arith.index_cast %scan3A_162 : i32 to index
        %swap3A_199 = arith.constant 160 : index
        %swap3A_200 = tpu.vector_load %arg16[%swap3A_198, %swap3A_199] {strides = array<i32>} : memref<64x640xf32, #tpu.memory_space<vmem>>, vector<16xf32>,
        tpu.vector_store %arg16[%swap3A_198, %swap3A_199], %mul3A_197 {strides = array<i32>} : memref<64x640xf32, #tpu.memory_space<vmem>>, vector<16xf32>,
        %get3A_201 = arith.index_cast %scan3A_162 : i32 to index
        %get3A_202 = arith.constant 48 : index
        %get3A_203 = tpu.vector_load %arg15[%get3A_201, %get3A_202] {strides = array<i32>} : memref<64x512xf32, #tpu.memory_space<vmem>>, vector<16xf32>,
        %mul3A_204 = arith.mulf %get3A_203, %gather3A_179 : vector<16xf32>
        %swap3A_205 = arith.index_cast %scan3A_162 : i32 to index
        %swap3A_206 = arith.constant 176 : index
        %swap3A_207 = tpu.vector_load %arg16[%swap3A_205, %swap3A_206] {strides = array<i32>} : memref<64x640xf32, #tpu.memory_space<vmem>>, vector<16xf32>,
        tpu.vector_store %arg16[%swap3A_205, %swap3A_206], %mul3A_204 {strides = array<i32>} : memref<64x640xf32, #tpu.memory_space<vmem>>, vector<16xf32>,
        %broadcast_in_dim3A_208 = arith.constant 1 : i32
        %broadcast_in_dim3A_209 = vector.broadcast %broadcast_in_dim3A_208 : i32 to vector<16x1xi32>
        %gather3A_210 = vector.shape_cast %broadcast_in_dim3A_209 : vector<16x1xi32> to vector<16xi32>
        %gather3A_211 = tpu.dynamic_gather %exp3A[%gather3A_210] in [0] : vector<16xf32>, vector<16xi32> -> vector<16xf32>
        %get3A_212 = arith.index_cast %scan3A_162 : i32 to index
        %get3A_213 = arith.constant 64 : index
        %get3A_214 = tpu.vector_load %arg15[%get3A_212, %get3A_213] {strides = array<i32>} : memref<64x512xf32, #tpu.memory_space<vmem>>, vector<16xf32>,
        %mul3A_215 = arith.mulf %get3A_214, %gather3A_211 : vector<16xf32>
        %swap3A_216 = arith.index_cast %scan3A_162 : i32 to index
        %swap3A_217 = arith.constant 192 : index
        %swap3A_218 = tpu.vector_load %arg16[%swap3A_216, %swap3A_217] {strides = array<i32>} : memref<64x640xf32, #tpu.memory_space<vmem>>, vector<16xf32>,
        tpu.vector_store %arg16[%swap3A_216, %swap3A_217], %mul3A_215 {strides = array<i32>} : memref<64x640xf32, #tpu.memory_space<vmem>>, vector<16xf32>,
        %get3A_219 = arith.index_cast %scan3A_162 : i32 to index
        %get3A_220 = arith.constant 80 : index
        %get3A_221 = tpu.vector_load %arg15[%get3A_219, %get3A_220] {strides = array<i32>} : memref<64x512xf32, #tpu.memory_space<vmem>>, vector<16xf32>,
        %mul3A_222 = arith.mulf %get3A_221, %gather3A_211 : vector<16xf32>
        %swap3A_223 = arith.index_cast %scan3A_162 : i32 to index
        %swap3A_224 = arith.constant 208 : index
        %swap3A_225 = tpu.vector_load %arg16[%swap3A_223, %swap3A_224] {strides = array<i32>} : memref<64x640xf32, #tpu.memory_space<vmem>>, vector<16xf32>,
        tpu.vector_store %arg16[%swap3A_223, %swap3A_224], %mul3A_222 {strides = array<i32>} : memref<64x640xf32, #tpu.memory_space<vmem>>, vector<16xf32>,
        %get3A_226 = arith.index_cast %scan3A_162 : i32 to index
        %get3A_227 = arith.constant 96 : index
        %get3A_228 = tpu.vector_load %arg15[%get3A_226, %get3A_227] {strides = array<i32>} : memref<64x512xf32, #tpu.memory_space<vmem>>, vector<16xf32>,
        %mul3A_229 = arith.mulf %get3A_228, %gather3A_211 : vector<16xf32>
        %swap3A_230 = arith.index_cast %scan3A_162 : i32 to index
        %swap3A_231 = arith.constant 224 : index
        %swap3A_232 = tpu.vector_load %arg16[%swap3A_230, %swap3A_231] {strides = array<i32>} : memref<64x640xf32, #tpu.memory_space<vmem>>, vector<16xf32>,
        tpu.vector_store %arg16[%swap3A_230, %swap3A_231], %mul3A_229 {strides = array<i32>} : memref<64x640xf32, #tpu.memory_space<vmem>>, vector<16xf32>,
        %get3A_233 = arith.index_cast %scan3A_162 : i32 to index
        %get3A_234 = arith.constant 112 : index
        %get3A_235 = tpu.vector_load %arg15[%get3A_233, %get3A_234] {strides = array<i32>} : memref<64x512xf32, #tpu.memory_space<vmem>>, vector<16xf32>,
        %mul3A_236 = arith.mulf %get3A_235, %gather3A_211 : vector<16xf32>
        %swap3A_237 = arith.index_cast %scan3A_162 : i32 to index
        %swap3A_238 = arith.constant 240 : index
        %swap3A_239 = tpu.vector_load %arg16[%swap3A_237, %swap3A_238] {strides = array<i32>} : memref<64x640xf32, #tpu.memory_space<vmem>>, vector<16xf32>,
        tpu.vector_store %arg16[%swap3A_237, %swap3A_238], %mul3A_236 {strides = array<i32>} : memref<64x640xf32, #tpu.memory_space<vmem>>, vector<16xf32>,
        %broadcast_in_dim3A_240 = arith.constant 2 : i32
        %broadcast_in_dim3A_241 = vector.broadcast %broadcast_in_dim3A_240 : i32 to vector<16x1xi32>
        %gather3A_242 = vector.shape_cast %broadcast_in_dim3A_241 : vector<16x1xi32> to vector<16xi32>
        %gather3A_243 = tpu.dynamic_gather %exp3A[%gather3A_242] in [0] : vector<16xf32>, vector<16xi32> -> vector<16xf32>
        %get3A_244 = arith.index_cast %scan3A_162 : i32 to index
        %get3A_245 = arith.constant 128 : index
        %get3A_246 = tpu.vector_load %arg15[%get3A_244, %get3A_245] {strides = array<i32>} : memref<64x512xf32, #tpu.memory_space<vmem>>, vector<16xf32>,
        %mul3A_247 = arith.mulf %get3A_246, %gather3A_243 : vector<16xf32>
        %swap3A_248 = arith.index_cast %scan3A_162 : i32 to index
        %swap3A_249 = arith.constant 256 : index
        %swap3A_250 = tpu.vector_load %arg16[%swap3A_248, %swap3A_249] {strides = array<i32>} : memref<64x640xf32, #tpu.memory_space<vmem>>, vector<16xf32>,
        tpu.vector_store %arg16[%swap3A_248, %swap3A_249], %mul3A_247 {strides = array<i32>} : memref<64x640xf32, #tpu.memory_space<vmem>>, vector<16xf32>,
        %get3A_251 = arith.index_cast %scan3A_162 : i32 to index
        %get3A_252 = arith.constant 144 : index
        %get3A_253 = tpu.vector_load %arg15[%get3A_251, %get3A_252] {strides = array<i32>} : memref<64x512xf32, #tpu.memory_space<vmem>>, vector<16xf32>,
        %mul3A_254 = arith.mulf %get3A_253, %gather3A_243 : vector<16xf32>
        %swap3A_255 = arith.index_cast %scan3A_162 : i32 to index
        %swap3A_256 = arith.constant 272 : index
        %swap3A_257 = tpu.vector_load %arg16[%swap3A_255, %swap3A_256] {strides = array<i32>} : memref<64x640xf32, #tpu.memory_space<vmem>>, vector<16xf32>,
        tpu.vector_store %arg16[%swap3A_255, %swap3A_256], %mul3A_254 {strides = array<i32>} : memref<64x640xf32, #tpu.memory_space<vmem>>, vector<16xf32>,
        %get3A_258 = arith.index_cast %scan3A_162 : i32 to index
        %get3A_259 = arith.constant 160 : index
        %get3A_260 = tpu.vector_load %arg15[%get3A_258, %get3A_259] {strides = array<i32>} : memref<64x512xf32, #tpu.memory_space<vmem>>, vector<16xf32>,
        %mul3A_261 = arith.mulf %get3A_260, %gather3A_243 : vector<16xf32>
        %swap3A_262 = arith.index_cast %scan3A_162 : i32 to index
        %swap3A_263 = arith.constant 288 : index
        %swap3A_264 = tpu.vector_load %arg16[%swap3A_262, %swap3A_263] {strides = array<i32>} : memref<64x640xf32, #tpu.memory_space<vmem>>, vector<16xf32>,
        tpu.vector_store %arg16[%swap3A_262, %swap3A_263], %mul3A_261 {strides = array<i32>} : memref<64x640xf32, #tpu.memory_space<vmem>>, vector<16xf32>,
        %get3A_265 = arith.index_cast %scan3A_162 : i32 to index
        %get3A_266 = arith.constant 176 : index
        %get3A_267 = tpu.vector_load %arg15[%get3A_265, %get3A_266] {strides = array<i32>} : memref<64x512xf32, #tpu.memory_space<vmem>>, vector<16xf32>,
        %mul3A_268 = arith.mulf %get3A_267, %gather3A_243 : vector<16xf32>
        %swap3A_269 = arith.index_cast %scan3A_162 : i32 to index
        %swap3A_270 = arith.constant 304 : index
        %swap3A_271 = tpu.vector_load %arg16[%swap3A_269, %swap3A_270] {strides = array<i32>} : memref<64x640xf32, #tpu.memory_space<vmem>>, vector<16xf32>,
        tpu.vector_store %arg16[%swap3A_269, %swap3A_270], %mul3A_268 {strides = array<i32>} : memref<64x640xf32, #tpu.memory_space<vmem>>, vector<16xf32>,
        %broadcast_in_dim3A_272 = arith.constant 3 : i32
        %broadcast_in_dim3A_273 = vector.broadcast %broadcast_in_dim3A_272 : i32 to vector<16x1xi32>
        %gather3A_274 = vector.shape_cast %broadcast_in_dim3A_273 : vector<16x1xi32> to vector<16xi32>
        %gather3A_275 = tpu.dynamic_gather %exp3A[%gather3A_274] in [0] : vector<16xf32>, vector<16xi32> -> vector<16xf32>
        %get3A_276 = arith.index_cast %scan3A_162 : i32 to index
        %get3A_277 = arith.constant 192 : index
        %get3A_278 = tpu.vector_load %arg15[%get3A_276, %get3A_277] {strides = array<i32>} : memref<64x512xf32, #tpu.memory_space<vmem>>, vector<16xf32>,
        %mul3A_279 = arith.mulf %get3A_278, %gather3A_275 : vector<16xf32>
        %swap3A_280 = arith.index_cast %scan3A_162 : i32 to index
        %swap3A_281 = arith.constant 320 : index
        %swap3A_282 = tpu.vector_load %arg16[%swap3A_280, %swap3A_281] {strides = array<i32>} : memref<64x640xf32, #tpu.memory_space<vmem>>, vector<16xf32>,
        tpu.vector_store %arg16[%swap3A_280, %swap3A_281], %mul3A_279 {strides = array<i32>} : memref<64x640xf32, #tpu.memory_space<vmem>>, vector<16xf32>,
        %get3A_283 = arith.index_cast %scan3A_162 : i32 to index
        %get3A_284 = arith.constant 208 : index
        %get3A_285 = tpu.vector_load %arg15[%get3A_283, %get3A_284] {strides = array<i32>} : memref<64x512xf32, #tpu.memory_space<vmem>>, vector<16xf32>,
        %mul3A_286 = arith.mulf %get3A_285, %gather3A_275 : vector<16xf32>
        %swap3A_287 = arith.index_cast %scan3A_162 : i32 to index
        %swap3A_288 = arith.constant 336 : index
        %swap3A_289 = tpu.vector_load %arg16[%swap3A_287, %swap3A_288] {strides = array<i32>} : memref<64x640xf32, #tpu.memory_space<vmem>>, vector<16xf32>,
        tpu.vector_store %arg16[%swap3A_287, %swap3A_288], %mul3A_286 {strides = array<i32>} : memref<64x640xf32, #tpu.memory_space<vmem>>, vector<16xf32>,
        %get3A_290 = arith.index_cast %scan3A_162 : i32 to index
        %get3A_291 = arith.constant 224 : index
        %get3A_292 = tpu.vector_load %arg15[%get3A_290, %get3A_291] {strides = array<i32>} : memref<64x512xf32, #tpu.memory_space<vmem>>, vector<16xf32>,
        %mul3A_293 = arith.mulf %get3A_292, %gather3A_275 : vector<16xf32>
        %swap3A_294 = arith.index_cast %scan3A_162 : i32 to index
        %swap3A_295 = arith.constant 352 : index
        %swap3A_296 = tpu.vector_load %arg16[%swap3A_294, %swap3A_295] {strides = array<i32>} : memref<64x640xf32, #tpu.memory_space<vmem>>, vector<16xf32>,
        tpu.vector_store %arg16[%swap3A_294, %swap3A_295], %mul3A_293 {strides = array<i32>} : memref<64x640xf32, #tpu.memory_space<vmem>>, vector<16xf32>,
        %get3A_297 = arith.index_cast %scan3A_162 : i32 to index
        %get3A_298 = arith.constant 240 : index
        %get3A_299 = tpu.vector_load %arg15[%get3A_297, %get3A_298] {strides = array<i32>} : memref<64x512xf32, #tpu.memory_space<vmem>>, vector<16xf32>,
        %mul3A_300 = arith.mulf %get3A_299, %gather3A_275 : vector<16xf32>
        %swap3A_301 = arith.index_cast %scan3A_162 : i32 to index
        %swap3A_302 = arith.constant 368 : index
        %swap3A_303 = tpu.vector_load %arg16[%swap3A_301, %swap3A_302] {strides = array<i32>} : memref<64x640xf32, #tpu.memory_space<vmem>>, vector<16xf32>,
        tpu.vector_store %arg16[%swap3A_301, %swap3A_302], %mul3A_300 {strides = array<i32>} : memref<64x640xf32, #tpu.memory_space<vmem>>, vector<16xf32>,
        %broadcast_in_dim3A_304 = arith.constant 4 : i32
        %broadcast_in_dim3A_305 = vector.broadcast %broadcast_in_dim3A_304 : i32 to vector<16x1xi32>
        %gather3A_306 = vector.shape_cast %broadcast_in_dim3A_305 : vector<16x1xi32> to vector<16xi32>
        %gather3A_307 = tpu.dynamic_gather %exp3A[%gather3A_306] in [0] : vector<16xf32>, vector<16xi32> -> vector<16xf32>
        %get3A_308 = arith.index_cast %scan3A_162 : i32 to index
        %get3A_309 = arith.constant 256 : index
        %get3A_310 = tpu.vector_load %arg15[%get3A_308, %get3A_309] {strides = array<i32>} : memref<64x512xf32, #tpu.memory_space<vmem>>, vector<16xf32>,
        %mul3A_311 = arith.mulf %get3A_310, %gather3A_307 : vector<16xf32>
        %swap3A_312 = arith.index_cast %scan3A_162 : i32 to index
        %swap3A_313 = arith.constant 384 : index
        %swap3A_314 = tpu.vector_load %arg16[%swap3A_312, %swap3A_313] {strides = array<i32>} : memref<64x640xf32, #tpu.memory_space<vmem>>, vector<16xf32>,
        tpu.vector_store %arg16[%swap3A_312, %swap3A_313], %mul3A_311 {strides = array<i32>} : memref<64x640xf32, #tpu.memory_space<vmem>>, vector<16xf32>,
        %get3A_315 = arith.index_cast %scan3A_162 : i32 to index
        %get3A_316 = arith.constant 272 : index
        %get3A_317 = tpu.vector_load %arg15[%get3A_315, %get3A_316] {strides = array<i32>} : memref<64x512xf32, #tpu.memory_space<vmem>>, vector<16xf32>,
        %mul3A_318 = arith.mulf %get3A_317, %gather3A_307 : vector<16xf32>
        %swap3A_319 = arith.index_cast %scan3A_162 : i32 to index
        %swap3A_320 = arith.constant 400 : index
        %swap3A_321 = tpu.vector_load %arg16[%swap3A_319, %swap3A_320] {strides = array<i32>} : memref<64x640xf32, #tpu.memory_space<vmem>>, vector<16xf32>,
        tpu.vector_store %arg16[%swap3A_319, %swap3A_320], %mul3A_318 {strides = array<i32>} : memref<64x640xf32, #tpu.memory_space<vmem>>, vector<16xf32>,
        %get3A_322 = arith.index_cast %scan3A_162 : i32 to index
        %get3A_323 = arith.constant 288 : index
        %get3A_324 = tpu.vector_load %arg15[%get3A_322, %get3A_323] {strides = array<i32>} : memref<64x512xf32, #tpu.memory_space<vmem>>, vector<16xf32>,
        %mul3A_325 = arith.mulf %get3A_324, %gather3A_307 : vector<16xf32>
        %swap3A_326 = arith.index_cast %scan3A_162 : i32 to index
        %swap3A_327 = arith.constant 416 : index
        %swap3A_328 = tpu.vector_load %arg16[%swap3A_326, %swap3A_327] {strides = array<i32>} : memref<64x640xf32, #tpu.memory_space<vmem>>, vector<16xf32>,
        tpu.vector_store %arg16[%swap3A_326, %swap3A_327], %mul3A_325 {strides = array<i32>} : memref<64x640xf32, #tpu.memory_space<vmem>>, vector<16xf32>,
        %get3A_329 = arith.index_cast %scan3A_162 : i32 to index
        %get3A_330 = arith.constant 304 : index
        %get3A_331 = tpu.vector_load %arg15[%get3A_329, %get3A_330] {strides = array<i32>} : memref<64x512xf32, #tpu.memory_space<vmem>>, vector<16xf32>,
        %mul3A_332 = arith.mulf %get3A_331, %gather3A_307 : vector<16xf32>
        %swap3A_333 = arith.index_cast %scan3A_162 : i32 to index
        %swap3A_334 = arith.constant 432 : index
        %swap3A_335 = tpu.vector_load %arg16[%swap3A_333, %swap3A_334] {strides = array<i32>} : memref<64x640xf32, #tpu.memory_space<vmem>>, vector<16xf32>,
        tpu.vector_store %arg16[%swap3A_333, %swap3A_334], %mul3A_332 {strides = array<i32>} : memref<64x640xf32, #tpu.memory_space<vmem>>, vector<16xf32>,
        %broadcast_in_dim3A_336 = arith.constant 5 : i32
        %broadcast_in_dim3A_337 = vector.broadcast %broadcast_in_dim3A_336 : i32 to vector<16x1xi32>
        %gather3A_338 = vector.shape_cast %broadcast_in_dim3A_337 : vector<16x1xi32> to vector<16xi32>
        %gather3A_339 = tpu.dynamic_gather %exp3A[%gather3A_338] in [0] : vector<16xf32>, vector<16xi32> -> vector<16xf32>
        %get3A_340 = arith.index_cast %scan3A_162 : i32 to index
        %get3A_341 = arith.constant 320 : index
        %get3A_342 = tpu.vector_load %arg15[%get3A_340, %get3A_341] {strides = array<i32>} : memref<64x512xf32, #tpu.memory_space<vmem>>, vector<16xf32>,
        %mul3A_343 = arith.mulf %get3A_342, %gather3A_339 : vector<16xf32>
        %swap3A_344 = arith.index_cast %scan3A_162 : i32 to index
        %swap3A_345 = arith.constant 448 : index
        %swap3A_346 = tpu.vector_load %arg16[%swap3A_344, %swap3A_345] {strides = array<i32>} : memref<64x640xf32, #tpu.memory_space<vmem>>, vector<16xf32>,
        tpu.vector_store %arg16[%swap3A_344, %swap3A_345], %mul3A_343 {strides = array<i32>} : memref<64x640xf32, #tpu.memory_space<vmem>>, vector<16xf32>,
        %get3A_347 = arith.index_cast %scan3A_162 : i32 to index
        %get3A_348 = arith.constant 336 : index
        %get3A_349 = tpu.vector_load %arg15[%get3A_347, %get3A_348] {strides = array<i32>} : memref<64x512xf32, #tpu.memory_space<vmem>>, vector<16xf32>,
        %mul3A_350 = arith.mulf %get3A_349, %gather3A_339 : vector<16xf32>
        %swap3A_351 = arith.index_cast %scan3A_162 : i32 to index
        %swap3A_352 = arith.constant 464 : index
        %swap3A_353 = tpu.vector_load %arg16[%swap3A_351, %swap3A_352] {strides = array<i32>} : memref<64x640xf32, #tpu.memory_space<vmem>>, vector<16xf32>,
        tpu.vector_store %arg16[%swap3A_351, %swap3A_352], %mul3A_350 {strides = array<i32>} : memref<64x640xf32, #tpu.memory_space<vmem>>, vector<16xf32>,
        %get3A_354 = arith.index_cast %scan3A_162 : i32 to index
        %get3A_355 = arith.constant 352 : index
        %get3A_356 = tpu.vector_load %arg15[%get3A_354, %get3A_355] {strides = array<i32>} : memref<64x512xf32, #tpu.memory_space<vmem>>, vector<16xf32>,
        %mul3A_357 = arith.mulf %get3A_356, %gather3A_339 : vector<16xf32>
        %swap3A_358 = arith.index_cast %scan3A_162 : i32 to index
        %swap3A_359 = arith.constant 480 : index
        %swap3A_360 = tpu.vector_load %arg16[%swap3A_358, %swap3A_359] {strides = array<i32>} : memref<64x640xf32, #tpu.memory_space<vmem>>, vector<16xf32>,
        tpu.vector_store %arg16[%swap3A_358, %swap3A_359], %mul3A_357 {strides = array<i32>} : memref<64x640xf32, #tpu.memory_space<vmem>>, vector<16xf32>,
        %get3A_361 = arith.index_cast %scan3A_162 : i32 to index
        %get3A_362 = arith.constant 368 : index
        %get3A_363 = tpu.vector_load %arg15[%get3A_361, %get3A_362] {strides = array<i32>} : memref<64x512xf32, #tpu.memory_space<vmem>>, vector<16xf32>,
        %mul3A_364 = arith.mulf %get3A_363, %gather3A_339 : vector<16xf32>
        %swap3A_365 = arith.index_cast %scan3A_162 : i32 to index
        %swap3A_366 = arith.constant 496 : index
        %swap3A_367 = tpu.vector_load %arg16[%swap3A_365, %swap3A_366] {strides = array<i32>} : memref<64x640xf32, #tpu.memory_space<vmem>>, vector<16xf32>,
        tpu.vector_store %arg16[%swap3A_365, %swap3A_366], %mul3A_364 {strides = array<i32>} : memref<64x640xf32, #tpu.memory_space<vmem>>, vector<16xf32>,
        %broadcast_in_dim3A_368 = arith.constant 6 : i32
        %broadcast_in_dim3A_369 = vector.broadcast %broadcast_in_dim3A_368 : i32 to vector<16x1xi32>
        %gather3A_370 = vector.shape_cast %broadcast_in_dim3A_369 : vector<16x1xi32> to vector<16xi32>
        %gather3A_371 = tpu.dynamic_gather %exp3A[%gather3A_370] in [0] : vector<16xf32>, vector<16xi32> -> vector<16xf32>
        %get3A_372 = arith.index_cast %scan3A_162 : i32 to index
        %get3A_373 = arith.constant 384 : index
        %get3A_374 = tpu.vector_load %arg15[%get3A_372, %get3A_373] {strides = array<i32>} : memref<64x512xf32, #tpu.memory_space<vmem>>, vector<16xf32>,
        %mul3A_375 = arith.mulf %get3A_374, %gather3A_371 : vector<16xf32>
        %swap3A_376 = arith.index_cast %scan3A_162 : i32 to index
        %swap3A_377 = arith.constant 512 : index
        %swap3A_378 = tpu.vector_load %arg16[%swap3A_376, %swap3A_377] {strides = array<i32>} : memref<64x640xf32, #tpu.memory_space<vmem>>, vector<16xf32>,
        tpu.vector_store %arg16[%swap3A_376, %swap3A_377], %mul3A_375 {strides = array<i32>} : memref<64x640xf32, #tpu.memory_space<vmem>>, vector<16xf32>,
        %get3A_379 = arith.index_cast %scan3A_162 : i32 to index
        %get3A_380 = arith.constant 400 : index
        %get3A_381 = tpu.vector_load %arg15[%get3A_379, %get3A_380] {strides = array<i32>} : memref<64x512xf32, #tpu.memory_space<vmem>>, vector<16xf32>,
        %mul3A_382 = arith.mulf %get3A_381, %gather3A_371 : vector<16xf32>
        %swap3A_383 = arith.index_cast %scan3A_162 : i32 to index
        %swap3A_384 = arith.constant 528 : index
        %swap3A_385 = tpu.vector_load %arg16[%swap3A_383, %swap3A_384] {strides = array<i32>} : memref<64x640xf32, #tpu.memory_space<vmem>>, vector<16xf32>,
        tpu.vector_store %arg16[%swap3A_383, %swap3A_384], %mul3A_382 {strides = array<i32>} : memref<64x640xf32, #tpu.memory_space<vmem>>, vector<16xf32>,
        %get3A_386 = arith.index_cast %scan3A_162 : i32 to index
        %get3A_387 = arith.constant 416 : index
        %get3A_388 = tpu.vector_load %arg15[%get3A_386, %get3A_387] {strides = array<i32>} : memref<64x512xf32, #tpu.memory_space<vmem>>, vector<16xf32>,
        %mul3A_389 = arith.mulf %get3A_388, %gather3A_371 : vector<16xf32>
        %swap3A_390 = arith.index_cast %scan3A_162 : i32 to index
        %swap3A_391 = arith.constant 544 : index
        %swap3A_392 = tpu.vector_load %arg16[%swap3A_390, %swap3A_391] {strides = array<i32>} : memref<64x640xf32, #tpu.memory_space<vmem>>, vector<16xf32>,
        tpu.vector_store %arg16[%swap3A_390, %swap3A_391], %mul3A_389 {strides = array<i32>} : memref<64x640xf32, #tpu.memory_space<vmem>>, vector<16xf32>,
        %get3A_393 = arith.index_cast %scan3A_162 : i32 to index
        %get3A_394 = arith.constant 432 : index
        %get3A_395 = tpu.vector_load %arg15[%get3A_393, %get3A_394] {strides = array<i32>} : memref<64x512xf32, #tpu.memory_space<vmem>>, vector<16xf32>,
        %mul3A_396 = arith.mulf %get3A_395, %gather3A_371 : vector<16xf32>
        %swap3A_397 = arith.index_cast %scan3A_162 : i32 to index
        %swap3A_398 = arith.constant 560 : index
        %swap3A_399 = tpu.vector_load %arg16[%swap3A_397, %swap3A_398] {strides = array<i32>} : memref<64x640xf32, #tpu.memory_space<vmem>>, vector<16xf32>,
        tpu.vector_store %arg16[%swap3A_397, %swap3A_398], %mul3A_396 {strides = array<i32>} : memref<64x640xf32, #tpu.memory_space<vmem>>, vector<16xf32>,
        %broadcast_in_dim3A_400 = arith.constant 7 : i32
        %broadcast_in_dim3A_401 = vector.broadcast %broadcast_in_dim3A_400 : i32 to vector<16x1xi32>
        %gather3A_402 = vector.shape_cast %broadcast_in_dim3A_401 : vector<16x1xi32> to vector<16xi32>
        %gather3A_403 = tpu.dynamic_gather %exp3A[%gather3A_402] in [0] : vector<16xf32>, vector<16xi32> -> vector<16xf32>
        %get3A_404 = arith.index_cast %scan3A_162 : i32 to index
        %get3A_405 = arith.constant 448 : index
        %get3A_406 = tpu.vector_load %arg15[%get3A_404, %get3A_405] {strides = array<i32>} : memref<64x512xf32, #tpu.memory_space<vmem>>, vector<16xf32>,
        %mul3A_407 = arith.mulf %get3A_406, %gather3A_403 : vector<16xf32>
        %swap3A_408 = arith.index_cast %scan3A_162 : i32 to index
        %swap3A_409 = arith.constant 576 : index
        %swap3A_410 = tpu.vector_load %arg16[%swap3A_408, %swap3A_409] {strides = array<i32>} : memref<64x640xf32, #tpu.memory_space<vmem>>, vector<16xf32>,
        tpu.vector_store %arg16[%swap3A_408, %swap3A_409], %mul3A_407 {strides = array<i32>} : memref<64x640xf32, #tpu.memory_space<vmem>>, vector<16xf32>,
        %get3A_411 = arith.index_cast %scan3A_162 : i32 to index
        %get3A_412 = arith.constant 464 : index
        %get3A_413 = tpu.vector_load %arg15[%get3A_411, %get3A_412] {strides = array<i32>} : memref<64x512xf32, #tpu.memory_space<vmem>>, vector<16xf32>,
        %mul3A_414 = arith.mulf %get3A_413, %gather3A_403 : vector<16xf32>
        %swap3A_415 = arith.index_cast %scan3A_162 : i32 to index
        %swap3A_416 = arith.constant 592 : index
        %swap3A_417 = tpu.vector_load %arg16[%swap3A_415, %swap3A_416] {strides = array<i32>} : memref<64x640xf32, #tpu.memory_space<vmem>>, vector<16xf32>,
        tpu.vector_store %arg16[%swap3A_415, %swap3A_416], %mul3A_414 {strides = array<i32>} : memref<64x640xf32, #tpu.memory_space<vmem>>, vector<16xf32>,
        %get3A_418 = arith.index_cast %scan3A_162 : i32 to index
        %get3A_419 = arith.constant 480 : index
        %get3A_420 = tpu.vector_load %arg15[%get3A_418, %get3A_419] {strides = array<i32>} : memref<64x512xf32, #tpu.memory_space<vmem>>, vector<16xf32>,
        %mul3A_421 = arith.mulf %get3A_420, %gather3A_403 : vector<16xf32>
        %swap3A_422 = arith.index_cast %scan3A_162 : i32 to index
        %swap3A_423 = arith.constant 608 : index
        %swap3A_424 = tpu.vector_load %arg16[%swap3A_422, %swap3A_423] {strides = array<i32>} : memref<64x640xf32, #tpu.memory_space<vmem>>, vector<16xf32>,
        tpu.vector_store %arg16[%swap3A_422, %swap3A_423], %mul3A_421 {strides = array<i32>} : memref<64x640xf32, #tpu.memory_space<vmem>>, vector<16xf32>,
        %get3A_425 = arith.index_cast %scan3A_162 : i32 to index
        %get3A_426 = arith.constant 496 : index
        %get3A_427 = tpu.vector_load %arg15[%get3A_425, %get3A_426] {strides = array<i32>} : memref<64x512xf32, #tpu.memory_space<vmem>>, vector<16xf32>,
        %mul3A_428 = arith.mulf %get3A_427, %gather3A_403 : vector<16xf32>
        %swap3A_429 = arith.index_cast %scan3A_162 : i32 to index
        %swap3A_430 = arith.constant 624 : index
        %swap3A_431 = tpu.vector_load %arg16[%swap3A_429, %swap3A_430] {strides = array<i32>} : memref<64x640xf32, #tpu.memory_space<vmem>>, vector<16xf32>,
        tpu.vector_store %arg16[%swap3A_429, %swap3A_430], %mul3A_428 {strides = array<i32>} : memref<64x640xf32, #tpu.memory_space<vmem>>, vector<16xf32>,
        %scan3A_432 = arith.constant 0 : i32
        scf.yield %scan3A_432 : i32
      }
      %scan3A_160 = arith.constant 64 : i32
      "tpu.region"() ({
        %run_scoped3A = tpu.sem_alloc : memref<!tpu.dma_semaphore, #tpu.memory_space<semaphore_mem>>
        %dma_start3A_162 = arith.constant 0 : i32
        %dma_start3A_163 = arith.constant 0 : i32
        %dma_start3A_164 = tpu.memref_slice %arg6[%arg1, %dma_start3A_162, %dma_start3A_163] : memref<16x10016x640xf32, #tpu.memory_space<hbm>> -> memref<1x10016x640xf32, #tpu.memory_space<hbm>>
        %dma_start3A_165 = tpu.memref_squeeze %dma_start3A_164 : memref<1x10016x640xf32, #tpu.memory_space<hbm>> -> memref<10016x640xf32, #tpu.memory_space<hbm>>
        %dma_start3A_166 = arith.constant 0 : i32
        %dma_start3A_167 = arith.constant 0 : i32
        %dma_start3A_168 = tpu.memref_slice %dma_start3A_165[%dma_start3A_166, %dma_start3A_167] : memref<10016x640xf32, #tpu.memory_space<hbm>> -> memref<10016x640xf32, #tpu.memory_space<hbm>>
        tpu.enqueue_indirect_dma source(%arg16 : memref<64x640xf32, #tpu.memory_space<vmem>>) target(%dma_start3A_168 : memref<10016x640xf32, #tpu.memory_space<hbm>>) offsets(%arg12 : memref<64xi32, #tpu.memory_space<vmem>>) semaphore(%run_scoped3A : memref<!tpu.dma_semaphore, #tpu.memory_space<semaphore_mem>>) {add = true}
        %dma_wait3A_169 = arith.constant 0 : i32
        %dma_wait3A_170 = arith.constant 0 : i32
        %dma_wait3A_171 = tpu.memref_slice %arg6[%arg1, %dma_wait3A_169, %dma_wait3A_170] : memref<16x10016x640xf32, #tpu.memory_space<hbm>> -> memref<1x10016x640xf32, #tpu.memory_space<hbm>>
        %dma_wait3A_172 = tpu.memref_squeeze %dma_wait3A_171 : memref<1x10016x640xf32, #tpu.memory_space<hbm>> -> memref<10016x640xf32, #tpu.memory_space<hbm>>
        %dma_wait3A_173 = arith.constant 0 : i32
        %dma_wait3A_174 = arith.constant 0 : i32
        %dma_wait3A_175 = tpu.memref_slice %dma_wait3A_172[%dma_wait3A_173, %dma_wait3A_174] : memref<10016x640xf32, #tpu.memory_space<hbm>> -> memref<10016x640xf32, #tpu.memory_space<hbm>>
        tpu.wait_indirect_dma semaphore(%run_scoped3A : memref<!tpu.dma_semaphore, #tpu.memory_space<semaphore_mem>>) src(%arg16 : memref<64x640xf32, #tpu.memory_space<vmem>>) dst(%dma_wait3A_175 : memref<10016x640xf32, #tpu.memory_space<hbm>>)
        tpu.yield
      }) : () -> ()
      %while3A_161 = arith.constant 0 : i32
      scf.yield %while3A_161 : i32
    }
    %while3A_58 = arith.constant 1 : i32
    %while3A_59 = scf.for %while3A_61 = %while3A_55 to %while3A_51 step %while3A_58 iter_args(%while3A_62 = %while3A_57) -> (i32)  : i32 {
      %mul3A_63 = arith.constant 64 : i32
      %mul3A_64 = arith.muli %while3A_61, %mul3A_63 : i32
      %add3A_65 = arith.constant 0 : i32
      %add3A_66 = arith.addi %mul3A_64, %add3A_65 : i32
      %get3A = arith.index_cast %add3A_66 : i32 to index
      %get3A_67 = tpu.vector_load %arg9[%get3A] {strides = array<i32>} : memref<10064xi32, #tpu.memory_space<vmem>>, vector<16xi32>,
      %shift_right_arithmetic3A_68 = arith.constant 14 : i32
      %shift_right_arithmetic3A_69 = vector.broadcast %shift_right_arithmetic3A_68 : i32 to vector<16xi32>
      %shift_right_arithmetic3A_70 = arith.shrsi %get3A_67, %shift_right_arithmetic3A_69 : vector<16xi32>
      %and3A = arith.constant 16383 : i32
      %and3A_71 = vector.broadcast %and3A : i32 to vector<16xi32>
      %and3A_72 = arith.andi %get3A_67, %and3A_71 : vector<16xi32>
      %swap3A_73 = arith.constant 0 : index
      %swap3A_74 = tpu.vector_load %arg10[%swap3A_73] {strides = array<i32>} : memref<64xi32, #tpu.memory_space<vmem>>, vector<16xi32>,
      tpu.vector_store %arg10[%swap3A_73], %and3A_72 {strides = array<i32>} : memref<64xi32, #tpu.memory_space<vmem>>, vector<16xi32>,
      %min3A = arith.constant 9999 : i32
      %min3A_75 = vector.broadcast %min3A : i32 to vector<16xi32>
      %min3A_76 = arith.minsi %shift_right_arithmetic3A_70, %min3A_75 : vector<16xi32>
      %swap3A_77 = arith.constant 0 : index
      %swap3A_78 = tpu.vector_load %arg11[%swap3A_77] {strides = array<i32>} : memref<64xi32, #tpu.memory_space<vmem>>, vector<16xi32>,
      tpu.vector_store %arg11[%swap3A_77], %min3A_76 {strides = array<i32>} : memref<64xi32, #tpu.memory_space<vmem>>, vector<16xi32>,
      %swap3A_79 = arith.constant 0 : index
      %swap3A_80 = tpu.vector_load %arg12[%swap3A_79] {strides = array<i32>} : memref<64xi32, #tpu.memory_space<vmem>>, vector<16xi32>,
      tpu.vector_store %arg12[%swap3A_79], %shift_right_arithmetic3A_70 {strides = array<i32>} : memref<64xi32, #tpu.memory_space<vmem>>, vector<16xi32>,
      %add3A_81 = arith.constant 16 : i32
      %add3A_82 = arith.addi %mul3A_64, %add3A_81 : i32
      %get3A_83 = arith.index_cast %add3A_82 : i32 to index
      %get3A_84 = tpu.vector_load %arg9[%get3A_83] {strides = array<i32>} : memref<10064xi32, #tpu.memory_space<vmem>>, vector<16xi32>,
      %shift_right_arithmetic3A_85 = arith.constant 14 : i32
      %shift_right_arithmetic3A_86 = vector.broadcast %shift_right_arithmetic3A_85 : i32 to vector<16xi32>
      %shift_right_arithmetic3A_87 = arith.shrsi %get3A_84, %shift_right_arithmetic3A_86 : vector<16xi32>
      %and3A_88 = arith.constant 16383 : i32
      %and3A_89 = vector.broadcast %and3A_88 : i32 to vector<16xi32>
      %and3A_90 = arith.andi %get3A_84, %and3A_89 : vector<16xi32>
      %swap3A_91 = arith.constant 16 : index
      %swap3A_92 = tpu.vector_load %arg10[%swap3A_91] {strides = array<i32>} : memref<64xi32, #tpu.memory_space<vmem>>, vector<16xi32>,
      tpu.vector_store %arg10[%swap3A_91], %and3A_90 {strides = array<i32>} : memref<64xi32, #tpu.memory_space<vmem>>, vector<16xi32>,
      %min3A_93 = arith.constant 9999 : i32
      %min3A_94 = vector.broadcast %min3A_93 : i32 to vector<16xi32>
      %min3A_95 = arith.minsi %shift_right_arithmetic3A_87, %min3A_94 : vector<16xi32>
      %swap3A_96 = arith.constant 16 : index
      %swap3A_97 = tpu.vector_load %arg11[%swap3A_96] {strides = array<i32>} : memref<64xi32, #tpu.memory_space<vmem>>, vector<16xi32>,
      tpu.vector_store %arg11[%swap3A_96], %min3A_95 {strides = array<i32>} : memref<64xi32, #tpu.memory_space<vmem>>, vector<16xi32>,
      %swap3A_98 = arith.constant 16 : index
      %swap3A_99 = tpu.vector_load %arg12[%swap3A_98] {strides = array<i32>} : memref<64xi32, #tpu.memory_space<vmem>>, vector<16xi32>,
      tpu.vector_store %arg12[%swap3A_98], %shift_right_arithmetic3A_87 {strides = array<i32>} : memref<64xi32, #tpu.memory_space<vmem>>, vector<16xi32>,
      %add3A_100 = arith.constant 32 : i32
      %add3A_101 = arith.addi %mul3A_64, %add3A_100 : i32
      %get3A_102 = arith.index_cast %add3A_101 : i32 to index
      %get3A_103 = tpu.vector_load %arg9[%get3A_102] {strides = array<i32>} : memref<10064xi32, #tpu.memory_space<vmem>>, vector<16xi32>,
      %shift_right_arithmetic3A_104 = arith.constant 14 : i32
      %shift_right_arithmetic3A_105 = vector.broadcast %shift_right_arithmetic3A_104 : i32 to vector<16xi32>
      %shift_right_arithmetic3A_106 = arith.shrsi %get3A_103, %shift_right_arithmetic3A_105 : vector<16xi32>
      %and3A_107 = arith.constant 16383 : i32
      %and3A_108 = vector.broadcast %and3A_107 : i32 to vector<16xi32>
      %and3A_109 = arith.andi %get3A_103, %and3A_108 : vector<16xi32>
      %swap3A_110 = arith.constant 32 : index
      %swap3A_111 = tpu.vector_load %arg10[%swap3A_110] {strides = array<i32>} : memref<64xi32, #tpu.memory_space<vmem>>, vector<16xi32>,
      tpu.vector_store %arg10[%swap3A_110], %and3A_109 {strides = array<i32>} : memref<64xi32, #tpu.memory_space<vmem>>, vector<16xi32>,
      %min3A_112 = arith.constant 9999 : i32
      %min3A_113 = vector.broadcast %min3A_112 : i32 to vector<16xi32>
      %min3A_114 = arith.minsi %shift_right_arithmetic3A_106, %min3A_113 : vector<16xi32>
      %swap3A_115 = arith.constant 32 : index
      %swap3A_116 = tpu.vector_load %arg11[%swap3A_115] {strides = array<i32>} : memref<64xi32, #tpu.memory_space<vmem>>, vector<16xi32>,
      tpu.vector_store %arg11[%swap3A_115], %min3A_114 {strides = array<i32>} : memref<64xi32, #tpu.memory_space<vmem>>, vector<16xi32>,
      %swap3A_117 = arith.constant 32 : index
      %swap3A_118 = tpu.vector_load %arg12[%swap3A_117] {strides = array<i32>} : memref<64xi32, #tpu.memory_space<vmem>>, vector<16xi32>,
      tpu.vector_store %arg12[%swap3A_117], %shift_right_arithmetic3A_106 {strides = array<i32>} : memref<64xi32, #tpu.memory_space<vmem>>, vector<16xi32>,
      %add3A_119 = arith.constant 48 : i32
      %add3A_120 = arith.addi %mul3A_64, %add3A_119 : i32
      %get3A_121 = arith.index_cast %add3A_120 : i32 to index
      %get3A_122 = tpu.vector_load %arg9[%get3A_121] {strides = array<i32>} : memref<10064xi32, #tpu.memory_space<vmem>>, vector<16xi32>,
      %shift_right_arithmetic3A_123 = arith.constant 14 : i32
      %shift_right_arithmetic3A_124 = vector.broadcast %shift_right_arithmetic3A_123 : i32 to vector<16xi32>
      %shift_right_arithmetic3A_125 = arith.shrsi %get3A_122, %shift_right_arithmetic3A_124 : vector<16xi32>
      %and3A_126 = arith.constant 16383 : i32
      %and3A_127 = vector.broadcast %and3A_126 : i32 to vector<16xi32>
      %and3A_128 = arith.andi %get3A_122, %and3A_127 : vector<16xi32>
      %swap3A_129 = arith.constant 48 : index
      %swap3A_130 = tpu.vector_load %arg10[%swap3A_129] {strides = array<i32>} : memref<64xi32, #tpu.memory_space<vmem>>, vector<16xi32>,
      tpu.vector_store %arg10[%swap3A_129], %and3A_128 {strides = array<i32>} : memref<64xi32, #tpu.memory_space<vmem>>, vector<16xi32>,
      %min3A_131 = arith.constant 9999 : i32
      %min3A_132 = vector.broadcast %min3A_131 : i32 to vector<16xi32>
      %min3A_133 = arith.minsi %shift_right_arithmetic3A_125, %min3A_132 : vector<16xi32>
      %swap3A_134 = arith.constant 48 : index
      %swap3A_135 = tpu.vector_load %arg11[%swap3A_134] {strides = array<i32>} : memref<64xi32, #tpu.memory_space<vmem>>, vector<16xi32>,
      tpu.vector_store %arg11[%swap3A_134], %min3A_133 {strides = array<i32>} : memref<64xi32, #tpu.memory_space<vmem>>, vector<16xi32>,
      %swap3A_136 = arith.constant 48 : index
      %swap3A_137 = tpu.vector_load %arg12[%swap3A_136] {strides = array<i32>} : memref<64xi32, #tpu.memory_space<vmem>>, vector<16xi32>,
      tpu.vector_store %arg12[%swap3A_136], %shift_right_arithmetic3A_125 {strides = array<i32>} : memref<64xi32, #tpu.memory_space<vmem>>, vector<16xi32>,
      %dma_start3A = arith.constant 0 : i32
      %dma_start3A_138 = arith.constant 0 : i32
      %dma_start3A_139 = tpu.memref_slice %arg4[%dma_start3A, %dma_start3A_138] : memref<10000x128xf32, #tpu.memory_space<hbm>> -> memref<10000x128xf32, #tpu.memory_space<hbm>>
      tpu.enqueue_indirect_dma source(%dma_start3A_139 : memref<10000x128xf32, #tpu.memory_space<hbm>>) target(%arg13 : memref<64x128xf32, #tpu.memory_space<vmem>>) offsets(%arg10 : memref<64xi32, #tpu.memory_space<vmem>>) semaphore(%arg17 : memref<!tpu.dma_semaphore, #tpu.memory_space<semaphore_mem>>)
      %dma_wait3A = arith.constant 0 : i32
      %dma_wait3A_140 = arith.constant 0 : i32
      %dma_wait3A_141 = tpu.memref_slice %arg4[%dma_wait3A, %dma_wait3A_140] : memref<10000x128xf32, #tpu.memory_space<hbm>> -> memref<10000x128xf32, #tpu.memory_space<hbm>>
      tpu.wait_indirect_dma semaphore(%arg17 : memref<!tpu.dma_semaphore, #tpu.memory_space<semaphore_mem>>) src(%dma_wait3A_141 : memref<10000x128xf32, #tpu.memory_space<hbm>>) dst(%arg13 : memref<64x128xf32, #tpu.memory_space<vmem>>)
      %dma_start3A_142 = arith.constant 0 : i32
      %dma_start3A_143 = arith.constant 0 : i32
      %dma_start3A_144 = tpu.memref_slice %arg4[%dma_start3A_142, %dma_start3A_143] : memref<10000x128xf32, #tpu.memory_space<hbm>> -> memref<10000x128xf32, #tpu.memory_space<hbm>>
      tpu.enqueue_indirect_dma source(%dma_start3A_144 : memref<10000x128xf32, #tpu.memory_space<hbm>>) target(%arg14 : memref<64x128xf32, #tpu.memory_space<vmem>>) offsets(%arg11 : memref<64xi32, #tpu.memory_space<vmem>>) semaphore(%arg17 : memref<!tpu.dma_semaphore, #tpu.memory_space<semaphore_mem>>)
      %dma_wait3A_145 = arith.constant 0 : i32
      %dma_wait3A_146 = arith.constant 0 : i32
      %dma_wait3A_147 = tpu.memref_slice %arg4[%dma_wait3A_145, %dma_wait3A_146] : memref<10000x128xf32, #tpu.memory_space<hbm>> -> memref<10000x128xf32, #tpu.memory_space<hbm>>
      tpu.wait_indirect_dma semaphore(%arg17 : memref<!tpu.dma_semaphore, #tpu.memory_space<semaphore_mem>>) src(%dma_wait3A_147 : memref<10000x128xf32, #tpu.memory_space<hbm>>) dst(%arg14 : memref<64x128xf32, #tpu.memory_space<vmem>>)
      %dma_start3A_148 = arith.constant 0 : i32
      %dma_start3A_149 = arith.constant 0 : i32
      %dma_start3A_150 = tpu.memref_slice %arg5[%dma_start3A_148, %dma_start3A_149] : memref<10000x512xf32, #tpu.memory_space<hbm>> -> memref<10000x512xf32, #tpu.memory_space<hbm>>
      tpu.enqueue_indirect_dma source(%dma_start3A_150 : memref<10000x512xf32, #tpu.memory_space<hbm>>) target(%arg15 : memref<64x512xf32, #tpu.memory_space<vmem>>) offsets(%arg10 : memref<64xi32, #tpu.memory_space<vmem>>) semaphore(%arg17 : memref<!tpu.dma_semaphore, #tpu.memory_space<semaphore_mem>>)
      %dma_wait3A_151 = arith.constant 0 : i32
      %dma_wait3A_152 = arith.constant 0 : i32
      %dma_wait3A_153 = tpu.memref_slice %arg5[%dma_wait3A_151, %dma_wait3A_152] : memref<10000x512xf32, #tpu.memory_space<hbm>> -> memref<10000x512xf32, #tpu.memory_space<hbm>>
      tpu.wait_indirect_dma semaphore(%arg17 : memref<!tpu.dma_semaphore, #tpu.memory_space<semaphore_mem>>) src(%dma_wait3A_153 : memref<10000x512xf32, #tpu.memory_space<hbm>>) dst(%arg15 : memref<64x512xf32, #tpu.memory_space<vmem>>)
      %scan3A_154 = arith.constant 0 : i32
      %scan3A_155 = arith.constant 0 : i32
      %scan3A_156 = arith.constant 64 : i32
      %scan3A_157 = arith.addi %scan3A_155, %scan3A_156 : i32
      %scan3A_158 = arith.constant 1 : i32
      %scan3A_159 = scf.for %scan3A_162 = %scan3A_155 to %scan3A_157 step %scan3A_158 iter_args(%scan3A_163 = %scan3A_154) -> (i32)  : i32 {
        %get3A_164 = arith.index_cast %scan3A_162 : i32 to index
        %get3A_165 = arith.constant 0 : index
        %get3A_166 = tpu.vector_load %arg13[%get3A_164, %get3A_165] {strides = array<i32>} : memref<64x128xf32, #tpu.memory_space<vmem>>, vector<16xf32>,
        %get3A_167 = arith.index_cast %scan3A_162 : i32 to index
        %get3A_168 = arith.constant 16 : index
        %get3A_169 = tpu.vector_load %arg14[%get3A_167, %get3A_168] {strides = array<i32>} : memref<64x128xf32, #tpu.memory_space<vmem>>, vector<16xf32>,
        %add3A_170 = arith.addf %get3A_166, %get3A_169 : vector<16xf32>
        %mul3A_171 = arith.constant 2.000000e-01 : f32
        %mul3A_172 = vector.broadcast %mul3A_171 : f32 to vector<16xf32>
        %mul3A_173 = arith.mulf %mul3A_172, %add3A_170 : vector<16xf32>
        %max3A = arith.maximumf %add3A_170, %mul3A_173 : vector<16xf32>
        %exp3A = math.exp %max3A : vector<16xf32>
        %swap3A_174 = arith.index_cast %scan3A_162 : i32 to index
        %swap3A_175 = arith.constant 0 : index
        %swap3A_176 = tpu.vector_load %arg16[%swap3A_174, %swap3A_175] {strides = array<i32>} : memref<64x640xf32, #tpu.memory_space<vmem>>, vector<16xf32>,
        tpu.vector_store %arg16[%swap3A_174, %swap3A_175], %exp3A {strides = array<i32>} : memref<64x640xf32, #tpu.memory_space<vmem>>, vector<16xf32>,
        %broadcast_in_dim3A_177 = arith.constant 0 : i32
        %broadcast_in_dim3A_178 = vector.broadcast %broadcast_in_dim3A_177 : i32 to vector<16x1xi32>
        %gather3A = vector.shape_cast %broadcast_in_dim3A_178 : vector<16x1xi32> to vector<16xi32>
        %gather3A_179 = tpu.dynamic_gather %exp3A[%gather3A] in [0] : vector<16xf32>, vector<16xi32> -> vector<16xf32>
        %get3A_180 = arith.index_cast %scan3A_162 : i32 to index
        %get3A_181 = arith.constant 0 : index
        %get3A_182 = tpu.vector_load %arg15[%get3A_180, %get3A_181] {strides = array<i32>} : memref<64x512xf32, #tpu.memory_space<vmem>>, vector<16xf32>,
        %mul3A_183 = arith.mulf %get3A_182, %gather3A_179 : vector<16xf32>
        %swap3A_184 = arith.index_cast %scan3A_162 : i32 to index
        %swap3A_185 = arith.constant 128 : index
        %swap3A_186 = tpu.vector_load %arg16[%swap3A_184, %swap3A_185] {strides = array<i32>} : memref<64x640xf32, #tpu.memory_space<vmem>>, vector<16xf32>,
        tpu.vector_store %arg16[%swap3A_184, %swap3A_185], %mul3A_183 {strides = array<i32>} : memref<64x640xf32, #tpu.memory_space<vmem>>, vector<16xf32>,
        %get3A_187 = arith.index_cast %scan3A_162 : i32 to index
        %get3A_188 = arith.constant 16 : index
        %get3A_189 = tpu.vector_load %arg15[%get3A_187, %get3A_188] {strides = array<i32>} : memref<64x512xf32, #tpu.memory_space<vmem>>, vector<16xf32>,
        %mul3A_190 = arith.mulf %get3A_189, %gather3A_179 : vector<16xf32>
        %swap3A_191 = arith.index_cast %scan3A_162 : i32 to index
        %swap3A_192 = arith.constant 144 : index
        %swap3A_193 = tpu.vector_load %arg16[%swap3A_191, %swap3A_192] {strides = array<i32>} : memref<64x640xf32, #tpu.memory_space<vmem>>, vector<16xf32>,
        tpu.vector_store %arg16[%swap3A_191, %swap3A_192], %mul3A_190 {strides = array<i32>} : memref<64x640xf32, #tpu.memory_space<vmem>>, vector<16xf32>,
        %get3A_194 = arith.index_cast %scan3A_162 : i32 to index
        %get3A_195 = arith.constant 32 : index
        %get3A_196 = tpu.vector_load %arg15[%get3A_194, %get3A_195] {strides = array<i32>} : memref<64x512xf32, #tpu.memory_space<vmem>>, vector<16xf32>,
        %mul3A_197 = arith.mulf %get3A_196, %gather3A_179 : vector<16xf32>
        %swap3A_198 = arith.index_cast %scan3A_162 : i32 to index
        %swap3A_199 = arith.constant 160 : index
        %swap3A_200 = tpu.vector_load %arg16[%swap3A_198, %swap3A_199] {strides = array<i32>} : memref<64x640xf32, #tpu.memory_space<vmem>>, vector<16xf32>,
        tpu.vector_store %arg16[%swap3A_198, %swap3A_199], %mul3A_197 {strides = array<i32>} : memref<64x640xf32, #tpu.memory_space<vmem>>, vector<16xf32>,
        %get3A_201 = arith.index_cast %scan3A_162 : i32 to index
        %get3A_202 = arith.constant 48 : index
        %get3A_203 = tpu.vector_load %arg15[%get3A_201, %get3A_202] {strides = array<i32>} : memref<64x512xf32, #tpu.memory_space<vmem>>, vector<16xf32>,
        %mul3A_204 = arith.mulf %get3A_203, %gather3A_179 : vector<16xf32>
        %swap3A_205 = arith.index_cast %scan3A_162 : i32 to index
        %swap3A_206 = arith.constant 176 : index
        %swap3A_207 = tpu.vector_load %arg16[%swap3A_205, %swap3A_206] {strides = array<i32>} : memref<64x640xf32, #tpu.memory_space<vmem>>, vector<16xf32>,
        tpu.vector_store %arg16[%swap3A_205, %swap3A_206], %mul3A_204 {strides = array<i32>} : memref<64x640xf32, #tpu.memory_space<vmem>>, vector<16xf32>,
        %broadcast_in_dim3A_208 = arith.constant 1 : i32
        %broadcast_in_dim3A_209 = vector.broadcast %broadcast_in_dim3A_208 : i32 to vector<16x1xi32>
        %gather3A_210 = vector.shape_cast %broadcast_in_dim3A_209 : vector<16x1xi32> to vector<16xi32>
        %gather3A_211 = tpu.dynamic_gather %exp3A[%gather3A_210] in [0] : vector<16xf32>, vector<16xi32> -> vector<16xf32>
        %get3A_212 = arith.index_cast %scan3A_162 : i32 to index
        %get3A_213 = arith.constant 64 : index
        %get3A_214 = tpu.vector_load %arg15[%get3A_212, %get3A_213] {strides = array<i32>} : memref<64x512xf32, #tpu.memory_space<vmem>>, vector<16xf32>,
        %mul3A_215 = arith.mulf %get3A_214, %gather3A_211 : vector<16xf32>
        %swap3A_216 = arith.index_cast %scan3A_162 : i32 to index
        %swap3A_217 = arith.constant 192 : index
        %swap3A_218 = tpu.vector_load %arg16[%swap3A_216, %swap3A_217] {strides = array<i32>} : memref<64x640xf32, #tpu.memory_space<vmem>>, vector<16xf32>,
        tpu.vector_store %arg16[%swap3A_216, %swap3A_217], %mul3A_215 {strides = array<i32>} : memref<64x640xf32, #tpu.memory_space<vmem>>, vector<16xf32>,
        %get3A_219 = arith.index_cast %scan3A_162 : i32 to index
        %get3A_220 = arith.constant 80 : index
        %get3A_221 = tpu.vector_load %arg15[%get3A_219, %get3A_220] {strides = array<i32>} : memref<64x512xf32, #tpu.memory_space<vmem>>, vector<16xf32>,
        %mul3A_222 = arith.mulf %get3A_221, %gather3A_211 : vector<16xf32>
        %swap3A_223 = arith.index_cast %scan3A_162 : i32 to index
        %swap3A_224 = arith.constant 208 : index
        %swap3A_225 = tpu.vector_load %arg16[%swap3A_223, %swap3A_224] {strides = array<i32>} : memref<64x640xf32, #tpu.memory_space<vmem>>, vector<16xf32>,
        tpu.vector_store %arg16[%swap3A_223, %swap3A_224], %mul3A_222 {strides = array<i32>} : memref<64x640xf32, #tpu.memory_space<vmem>>, vector<16xf32>,
        %get3A_226 = arith.index_cast %scan3A_162 : i32 to index
        %get3A_227 = arith.constant 96 : index
        %get3A_228 = tpu.vector_load %arg15[%get3A_226, %get3A_227] {strides = array<i32>} : memref<64x512xf32, #tpu.memory_space<vmem>>, vector<16xf32>,
        %mul3A_229 = arith.mulf %get3A_228, %gather3A_211 : vector<16xf32>
        %swap3A_230 = arith.index_cast %scan3A_162 : i32 to index
        %swap3A_231 = arith.constant 224 : index
        %swap3A_232 = tpu.vector_load %arg16[%swap3A_230, %swap3A_231] {strides = array<i32>} : memref<64x640xf32, #tpu.memory_space<vmem>>, vector<16xf32>,
        tpu.vector_store %arg16[%swap3A_230, %swap3A_231], %mul3A_229 {strides = array<i32>} : memref<64x640xf32, #tpu.memory_space<vmem>>, vector<16xf32>,
        %get3A_233 = arith.index_cast %scan3A_162 : i32 to index
        %get3A_234 = arith.constant 112 : index
        %get3A_235 = tpu.vector_load %arg15[%get3A_233, %get3A_234] {strides = array<i32>} : memref<64x512xf32, #tpu.memory_space<vmem>>, vector<16xf32>,
        %mul3A_236 = arith.mulf %get3A_235, %gather3A_211 : vector<16xf32>
        %swap3A_237 = arith.index_cast %scan3A_162 : i32 to index
        %swap3A_238 = arith.constant 240 : index
        %swap3A_239 = tpu.vector_load %arg16[%swap3A_237, %swap3A_238] {strides = array<i32>} : memref<64x640xf32, #tpu.memory_space<vmem>>, vector<16xf32>,
        tpu.vector_store %arg16[%swap3A_237, %swap3A_238], %mul3A_236 {strides = array<i32>} : memref<64x640xf32, #tpu.memory_space<vmem>>, vector<16xf32>,
        %broadcast_in_dim3A_240 = arith.constant 2 : i32
        %broadcast_in_dim3A_241 = vector.broadcast %broadcast_in_dim3A_240 : i32 to vector<16x1xi32>
        %gather3A_242 = vector.shape_cast %broadcast_in_dim3A_241 : vector<16x1xi32> to vector<16xi32>
        %gather3A_243 = tpu.dynamic_gather %exp3A[%gather3A_242] in [0] : vector<16xf32>, vector<16xi32> -> vector<16xf32>
        %get3A_244 = arith.index_cast %scan3A_162 : i32 to index
        %get3A_245 = arith.constant 128 : index
        %get3A_246 = tpu.vector_load %arg15[%get3A_244, %get3A_245] {strides = array<i32>} : memref<64x512xf32, #tpu.memory_space<vmem>>, vector<16xf32>,
        %mul3A_247 = arith.mulf %get3A_246, %gather3A_243 : vector<16xf32>
        %swap3A_248 = arith.index_cast %scan3A_162 : i32 to index
        %swap3A_249 = arith.constant 256 : index
        %swap3A_250 = tpu.vector_load %arg16[%swap3A_248, %swap3A_249] {strides = array<i32>} : memref<64x640xf32, #tpu.memory_space<vmem>>, vector<16xf32>,
        tpu.vector_store %arg16[%swap3A_248, %swap3A_249], %mul3A_247 {strides = array<i32>} : memref<64x640xf32, #tpu.memory_space<vmem>>, vector<16xf32>,
        %get3A_251 = arith.index_cast %scan3A_162 : i32 to index
        %get3A_252 = arith.constant 144 : index
        %get3A_253 = tpu.vector_load %arg15[%get3A_251, %get3A_252] {strides = array<i32>} : memref<64x512xf32, #tpu.memory_space<vmem>>, vector<16xf32>,
        %mul3A_254 = arith.mulf %get3A_253, %gather3A_243 : vector<16xf32>
        %swap3A_255 = arith.index_cast %scan3A_162 : i32 to index
        %swap3A_256 = arith.constant 272 : index
        %swap3A_257 = tpu.vector_load %arg16[%swap3A_255, %swap3A_256] {strides = array<i32>} : memref<64x640xf32, #tpu.memory_space<vmem>>, vector<16xf32>,
        tpu.vector_store %arg16[%swap3A_255, %swap3A_256], %mul3A_254 {strides = array<i32>} : memref<64x640xf32, #tpu.memory_space<vmem>>, vector<16xf32>,
        %get3A_258 = arith.index_cast %scan3A_162 : i32 to index
        %get3A_259 = arith.constant 160 : index
        %get3A_260 = tpu.vector_load %arg15[%get3A_258, %get3A_259] {strides = array<i32>} : memref<64x512xf32, #tpu.memory_space<vmem>>, vector<16xf32>,
        %mul3A_261 = arith.mulf %get3A_260, %gather3A_243 : vector<16xf32>
        %swap3A_262 = arith.index_cast %scan3A_162 : i32 to index
        %swap3A_263 = arith.constant 288 : index
        %swap3A_264 = tpu.vector_load %arg16[%swap3A_262, %swap3A_263] {strides = array<i32>} : memref<64x640xf32, #tpu.memory_space<vmem>>, vector<16xf32>,
        tpu.vector_store %arg16[%swap3A_262, %swap3A_263], %mul3A_261 {strides = array<i32>} : memref<64x640xf32, #tpu.memory_space<vmem>>, vector<16xf32>,
        %get3A_265 = arith.index_cast %scan3A_162 : i32 to index
        %get3A_266 = arith.constant 176 : index
        %get3A_267 = tpu.vector_load %arg15[%get3A_265, %get3A_266] {strides = array<i32>} : memref<64x512xf32, #tpu.memory_space<vmem>>, vector<16xf32>,
        %mul3A_268 = arith.mulf %get3A_267, %gather3A_243 : vector<16xf32>
        %swap3A_269 = arith.index_cast %scan3A_162 : i32 to index
        %swap3A_270 = arith.constant 304 : index
        %swap3A_271 = tpu.vector_load %arg16[%swap3A_269, %swap3A_270] {strides = array<i32>} : memref<64x640xf32, #tpu.memory_space<vmem>>, vector<16xf32>,
        tpu.vector_store %arg16[%swap3A_269, %swap3A_270], %mul3A_268 {strides = array<i32>} : memref<64x640xf32, #tpu.memory_space<vmem>>, vector<16xf32>,
        %broadcast_in_dim3A_272 = arith.constant 3 : i32
        %broadcast_in_dim3A_273 = vector.broadcast %broadcast_in_dim3A_272 : i32 to vector<16x1xi32>
        %gather3A_274 = vector.shape_cast %broadcast_in_dim3A_273 : vector<16x1xi32> to vector<16xi32>
        %gather3A_275 = tpu.dynamic_gather %exp3A[%gather3A_274] in [0] : vector<16xf32>, vector<16xi32> -> vector<16xf32>
        %get3A_276 = arith.index_cast %scan3A_162 : i32 to index
        %get3A_277 = arith.constant 192 : index
        %get3A_278 = tpu.vector_load %arg15[%get3A_276, %get3A_277] {strides = array<i32>} : memref<64x512xf32, #tpu.memory_space<vmem>>, vector<16xf32>,
        %mul3A_279 = arith.mulf %get3A_278, %gather3A_275 : vector<16xf32>
        %swap3A_280 = arith.index_cast %scan3A_162 : i32 to index
        %swap3A_281 = arith.constant 320 : index
        %swap3A_282 = tpu.vector_load %arg16[%swap3A_280, %swap3A_281] {strides = array<i32>} : memref<64x640xf32, #tpu.memory_space<vmem>>, vector<16xf32>,
        tpu.vector_store %arg16[%swap3A_280, %swap3A_281], %mul3A_279 {strides = array<i32>} : memref<64x640xf32, #tpu.memory_space<vmem>>, vector<16xf32>,
        %get3A_283 = arith.index_cast %scan3A_162 : i32 to index
        %get3A_284 = arith.constant 208 : index
        %get3A_285 = tpu.vector_load %arg15[%get3A_283, %get3A_284] {strides = array<i32>} : memref<64x512xf32, #tpu.memory_space<vmem>>, vector<16xf32>,
        %mul3A_286 = arith.mulf %get3A_285, %gather3A_275 : vector<16xf32>
        %swap3A_287 = arith.index_cast %scan3A_162 : i32 to index
        %swap3A_288 = arith.constant 336 : index
        %swap3A_289 = tpu.vector_load %arg16[%swap3A_287, %swap3A_288] {strides = array<i32>} : memref<64x640xf32, #tpu.memory_space<vmem>>, vector<16xf32>,
        tpu.vector_store %arg16[%swap3A_287, %swap3A_288], %mul3A_286 {strides = array<i32>} : memref<64x640xf32, #tpu.memory_space<vmem>>, vector<16xf32>,
        %get3A_290 = arith.index_cast %scan3A_162 : i32 to index
        %get3A_291 = arith.constant 224 : index
        %get3A_292 = tpu.vector_load %arg15[%get3A_290, %get3A_291] {strides = array<i32>} : memref<64x512xf32, #tpu.memory_space<vmem>>, vector<16xf32>,
        %mul3A_293 = arith.mulf %get3A_292, %gather3A_275 : vector<16xf32>
        %swap3A_294 = arith.index_cast %scan3A_162 : i32 to index
        %swap3A_295 = arith.constant 352 : index
        %swap3A_296 = tpu.vector_load %arg16[%swap3A_294, %swap3A_295] {strides = array<i32>} : memref<64x640xf32, #tpu.memory_space<vmem>>, vector<16xf32>,
        tpu.vector_store %arg16[%swap3A_294, %swap3A_295], %mul3A_293 {strides = array<i32>} : memref<64x640xf32, #tpu.memory_space<vmem>>, vector<16xf32>,
        %get3A_297 = arith.index_cast %scan3A_162 : i32 to index
        %get3A_298 = arith.constant 240 : index
        %get3A_299 = tpu.vector_load %arg15[%get3A_297, %get3A_298] {strides = array<i32>} : memref<64x512xf32, #tpu.memory_space<vmem>>, vector<16xf32>,
        %mul3A_300 = arith.mulf %get3A_299, %gather3A_275 : vector<16xf32>
        %swap3A_301 = arith.index_cast %scan3A_162 : i32 to index
        %swap3A_302 = arith.constant 368 : index
        %swap3A_303 = tpu.vector_load %arg16[%swap3A_301, %swap3A_302] {strides = array<i32>} : memref<64x640xf32, #tpu.memory_space<vmem>>, vector<16xf32>,
        tpu.vector_store %arg16[%swap3A_301, %swap3A_302], %mul3A_300 {strides = array<i32>} : memref<64x640xf32, #tpu.memory_space<vmem>>, vector<16xf32>,
        %broadcast_in_dim3A_304 = arith.constant 4 : i32
        %broadcast_in_dim3A_305 = vector.broadcast %broadcast_in_dim3A_304 : i32 to vector<16x1xi32>
        %gather3A_306 = vector.shape_cast %broadcast_in_dim3A_305 : vector<16x1xi32> to vector<16xi32>
        %gather3A_307 = tpu.dynamic_gather %exp3A[%gather3A_306] in [0] : vector<16xf32>, vector<16xi32> -> vector<16xf32>
        %get3A_308 = arith.index_cast %scan3A_162 : i32 to index
        %get3A_309 = arith.constant 256 : index
        %get3A_310 = tpu.vector_load %arg15[%get3A_308, %get3A_309] {strides = array<i32>} : memref<64x512xf32, #tpu.memory_space<vmem>>, vector<16xf32>,
        %mul3A_311 = arith.mulf %get3A_310, %gather3A_307 : vector<16xf32>
        %swap3A_312 = arith.index_cast %scan3A_162 : i32 to index
        %swap3A_313 = arith.constant 384 : index
        %swap3A_314 = tpu.vector_load %arg16[%swap3A_312, %swap3A_313] {strides = array<i32>} : memref<64x640xf32, #tpu.memory_space<vmem>>, vector<16xf32>,
        tpu.vector_store %arg16[%swap3A_312, %swap3A_313], %mul3A_311 {strides = array<i32>} : memref<64x640xf32, #tpu.memory_space<vmem>>, vector<16xf32>,
        %get3A_315 = arith.index_cast %scan3A_162 : i32 to index
        %get3A_316 = arith.constant 272 : index
        %get3A_317 = tpu.vector_load %arg15[%get3A_315, %get3A_316] {strides = array<i32>} : memref<64x512xf32, #tpu.memory_space<vmem>>, vector<16xf32>,
        %mul3A_318 = arith.mulf %get3A_317, %gather3A_307 : vector<16xf32>
        %swap3A_319 = arith.index_cast %scan3A_162 : i32 to index
        %swap3A_320 = arith.constant 400 : index
        %swap3A_321 = tpu.vector_load %arg16[%swap3A_319, %swap3A_320] {strides = array<i32>} : memref<64x640xf32, #tpu.memory_space<vmem>>, vector<16xf32>,
        tpu.vector_store %arg16[%swap3A_319, %swap3A_320], %mul3A_318 {strides = array<i32>} : memref<64x640xf32, #tpu.memory_space<vmem>>, vector<16xf32>,
        %get3A_322 = arith.index_cast %scan3A_162 : i32 to index
        %get3A_323 = arith.constant 288 : index
        %get3A_324 = tpu.vector_load %arg15[%get3A_322, %get3A_323] {strides = array<i32>} : memref<64x512xf32, #tpu.memory_space<vmem>>, vector<16xf32>,
        %mul3A_325 = arith.mulf %get3A_324, %gather3A_307 : vector<16xf32>
        %swap3A_326 = arith.index_cast %scan3A_162 : i32 to index
        %swap3A_327 = arith.constant 416 : index
        %swap3A_328 = tpu.vector_load %arg16[%swap3A_326, %swap3A_327] {strides = array<i32>} : memref<64x640xf32, #tpu.memory_space<vmem>>, vector<16xf32>,
        tpu.vector_store %arg16[%swap3A_326, %swap3A_327], %mul3A_325 {strides = array<i32>} : memref<64x640xf32, #tpu.memory_space<vmem>>, vector<16xf32>,
        %get3A_329 = arith.index_cast %scan3A_162 : i32 to index
        %get3A_330 = arith.constant 304 : index
        %get3A_331 = tpu.vector_load %arg15[%get3A_329, %get3A_330] {strides = array<i32>} : memref<64x512xf32, #tpu.memory_space<vmem>>, vector<16xf32>,
        %mul3A_332 = arith.mulf %get3A_331, %gather3A_307 : vector<16xf32>
        %swap3A_333 = arith.index_cast %scan3A_162 : i32 to index
        %swap3A_334 = arith.constant 432 : index
        %swap3A_335 = tpu.vector_load %arg16[%swap3A_333, %swap3A_334] {strides = array<i32>} : memref<64x640xf32, #tpu.memory_space<vmem>>, vector<16xf32>,
        tpu.vector_store %arg16[%swap3A_333, %swap3A_334], %mul3A_332 {strides = array<i32>} : memref<64x640xf32, #tpu.memory_space<vmem>>, vector<16xf32>,
        %broadcast_in_dim3A_336 = arith.constant 5 : i32
        %broadcast_in_dim3A_337 = vector.broadcast %broadcast_in_dim3A_336 : i32 to vector<16x1xi32>
        %gather3A_338 = vector.shape_cast %broadcast_in_dim3A_337 : vector<16x1xi32> to vector<16xi32>
        %gather3A_339 = tpu.dynamic_gather %exp3A[%gather3A_338] in [0] : vector<16xf32>, vector<16xi32> -> vector<16xf32>
        %get3A_340 = arith.index_cast %scan3A_162 : i32 to index
        %get3A_341 = arith.constant 320 : index
        %get3A_342 = tpu.vector_load %arg15[%get3A_340, %get3A_341] {strides = array<i32>} : memref<64x512xf32, #tpu.memory_space<vmem>>, vector<16xf32>,
        %mul3A_343 = arith.mulf %get3A_342, %gather3A_339 : vector<16xf32>
        %swap3A_344 = arith.index_cast %scan3A_162 : i32 to index
        %swap3A_345 = arith.constant 448 : index
        %swap3A_346 = tpu.vector_load %arg16[%swap3A_344, %swap3A_345] {strides = array<i32>} : memref<64x640xf32, #tpu.memory_space<vmem>>, vector<16xf32>,
        tpu.vector_store %arg16[%swap3A_344, %swap3A_345], %mul3A_343 {strides = array<i32>} : memref<64x640xf32, #tpu.memory_space<vmem>>, vector<16xf32>,
        %get3A_347 = arith.index_cast %scan3A_162 : i32 to index
        %get3A_348 = arith.constant 336 : index
        %get3A_349 = tpu.vector_load %arg15[%get3A_347, %get3A_348] {strides = array<i32>} : memref<64x512xf32, #tpu.memory_space<vmem>>, vector<16xf32>,
        %mul3A_350 = arith.mulf %get3A_349, %gather3A_339 : vector<16xf32>
        %swap3A_351 = arith.index_cast %scan3A_162 : i32 to index
        %swap3A_352 = arith.constant 464 : index
        %swap3A_353 = tpu.vector_load %arg16[%swap3A_351, %swap3A_352] {strides = array<i32>} : memref<64x640xf32, #tpu.memory_space<vmem>>, vector<16xf32>,
        tpu.vector_store %arg16[%swap3A_351, %swap3A_352], %mul3A_350 {strides = array<i32>} : memref<64x640xf32, #tpu.memory_space<vmem>>, vector<16xf32>,
        %get3A_354 = arith.index_cast %scan3A_162 : i32 to index
        %get3A_355 = arith.constant 352 : index
        %get3A_356 = tpu.vector_load %arg15[%get3A_354, %get3A_355] {strides = array<i32>} : memref<64x512xf32, #tpu.memory_space<vmem>>, vector<16xf32>,
        %mul3A_357 = arith.mulf %get3A_356, %gather3A_339 : vector<16xf32>
        %swap3A_358 = arith.index_cast %scan3A_162 : i32 to index
        %swap3A_359 = arith.constant 480 : index
        %swap3A_360 = tpu.vector_load %arg16[%swap3A_358, %swap3A_359] {strides = array<i32>} : memref<64x640xf32, #tpu.memory_space<vmem>>, vector<16xf32>,
        tpu.vector_store %arg16[%swap3A_358, %swap3A_359], %mul3A_357 {strides = array<i32>} : memref<64x640xf32, #tpu.memory_space<vmem>>, vector<16xf32>,
        %get3A_361 = arith.index_cast %scan3A_162 : i32 to index
        %get3A_362 = arith.constant 368 : index
        %get3A_363 = tpu.vector_load %arg15[%get3A_361, %get3A_362] {strides = array<i32>} : memref<64x512xf32, #tpu.memory_space<vmem>>, vector<16xf32>,
        %mul3A_364 = arith.mulf %get3A_363, %gather3A_339 : vector<16xf32>
        %swap3A_365 = arith.index_cast %scan3A_162 : i32 to index
        %swap3A_366 = arith.constant 496 : index
        %swap3A_367 = tpu.vector_load %arg16[%swap3A_365, %swap3A_366] {strides = array<i32>} : memref<64x640xf32, #tpu.memory_space<vmem>>, vector<16xf32>,
        tpu.vector_store %arg16[%swap3A_365, %swap3A_366], %mul3A_364 {strides = array<i32>} : memref<64x640xf32, #tpu.memory_space<vmem>>, vector<16xf32>,
        %broadcast_in_dim3A_368 = arith.constant 6 : i32
        %broadcast_in_dim3A_369 = vector.broadcast %broadcast_in_dim3A_368 : i32 to vector<16x1xi32>
        %gather3A_370 = vector.shape_cast %broadcast_in_dim3A_369 : vector<16x1xi32> to vector<16xi32>
        %gather3A_371 = tpu.dynamic_gather %exp3A[%gather3A_370] in [0] : vector<16xf32>, vector<16xi32> -> vector<16xf32>
        %get3A_372 = arith.index_cast %scan3A_162 : i32 to index
        %get3A_373 = arith.constant 384 : index
        %get3A_374 = tpu.vector_load %arg15[%get3A_372, %get3A_373] {strides = array<i32>} : memref<64x512xf32, #tpu.memory_space<vmem>>, vector<16xf32>,
        %mul3A_375 = arith.mulf %get3A_374, %gather3A_371 : vector<16xf32>
        %swap3A_376 = arith.index_cast %scan3A_162 : i32 to index
        %swap3A_377 = arith.constant 512 : index
        %swap3A_378 = tpu.vector_load %arg16[%swap3A_376, %swap3A_377] {strides = array<i32>} : memref<64x640xf32, #tpu.memory_space<vmem>>, vector<16xf32>,
        tpu.vector_store %arg16[%swap3A_376, %swap3A_377], %mul3A_375 {strides = array<i32>} : memref<64x640xf32, #tpu.memory_space<vmem>>, vector<16xf32>,
        %get3A_379 = arith.index_cast %scan3A_162 : i32 to index
        %get3A_380 = arith.constant 400 : index
        %get3A_381 = tpu.vector_load %arg15[%get3A_379, %get3A_380] {strides = array<i32>} : memref<64x512xf32, #tpu.memory_space<vmem>>, vector<16xf32>,
        %mul3A_382 = arith.mulf %get3A_381, %gather3A_371 : vector<16xf32>
        %swap3A_383 = arith.index_cast %scan3A_162 : i32 to index
        %swap3A_384 = arith.constant 528 : index
        %swap3A_385 = tpu.vector_load %arg16[%swap3A_383, %swap3A_384] {strides = array<i32>} : memref<64x640xf32, #tpu.memory_space<vmem>>, vector<16xf32>,
        tpu.vector_store %arg16[%swap3A_383, %swap3A_384], %mul3A_382 {strides = array<i32>} : memref<64x640xf32, #tpu.memory_space<vmem>>, vector<16xf32>,
        %get3A_386 = arith.index_cast %scan3A_162 : i32 to index
        %get3A_387 = arith.constant 416 : index
        %get3A_388 = tpu.vector_load %arg15[%get3A_386, %get3A_387] {strides = array<i32>} : memref<64x512xf32, #tpu.memory_space<vmem>>, vector<16xf32>,
        %mul3A_389 = arith.mulf %get3A_388, %gather3A_371 : vector<16xf32>
        %swap3A_390 = arith.index_cast %scan3A_162 : i32 to index
        %swap3A_391 = arith.constant 544 : index
        %swap3A_392 = tpu.vector_load %arg16[%swap3A_390, %swap3A_391] {strides = array<i32>} : memref<64x640xf32, #tpu.memory_space<vmem>>, vector<16xf32>,
        tpu.vector_store %arg16[%swap3A_390, %swap3A_391], %mul3A_389 {strides = array<i32>} : memref<64x640xf32, #tpu.memory_space<vmem>>, vector<16xf32>,
        %get3A_393 = arith.index_cast %scan3A_162 : i32 to index
        %get3A_394 = arith.constant 432 : index
        %get3A_395 = tpu.vector_load %arg15[%get3A_393, %get3A_394] {strides = array<i32>} : memref<64x512xf32, #tpu.memory_space<vmem>>, vector<16xf32>,
        %mul3A_396 = arith.mulf %get3A_395, %gather3A_371 : vector<16xf32>
        %swap3A_397 = arith.index_cast %scan3A_162 : i32 to index
        %swap3A_398 = arith.constant 560 : index
        %swap3A_399 = tpu.vector_load %arg16[%swap3A_397, %swap3A_398] {strides = array<i32>} : memref<64x640xf32, #tpu.memory_space<vmem>>, vector<16xf32>,
        tpu.vector_store %arg16[%swap3A_397, %swap3A_398], %mul3A_396 {strides = array<i32>} : memref<64x640xf32, #tpu.memory_space<vmem>>, vector<16xf32>,
        %broadcast_in_dim3A_400 = arith.constant 7 : i32
        %broadcast_in_dim3A_401 = vector.broadcast %broadcast_in_dim3A_400 : i32 to vector<16x1xi32>
        %gather3A_402 = vector.shape_cast %broadcast_in_dim3A_401 : vector<16x1xi32> to vector<16xi32>
        %gather3A_403 = tpu.dynamic_gather %exp3A[%gather3A_402] in [0] : vector<16xf32>, vector<16xi32> -> vector<16xf32>
        %get3A_404 = arith.index_cast %scan3A_162 : i32 to index
        %get3A_405 = arith.constant 448 : index
        %get3A_406 = tpu.vector_load %arg15[%get3A_404, %get3A_405] {strides = array<i32>} : memref<64x512xf32, #tpu.memory_space<vmem>>, vector<16xf32>,
        %mul3A_407 = arith.mulf %get3A_406, %gather3A_403 : vector<16xf32>
        %swap3A_408 = arith.index_cast %scan3A_162 : i32 to index
        %swap3A_409 = arith.constant 576 : index
        %swap3A_410 = tpu.vector_load %arg16[%swap3A_408, %swap3A_409] {strides = array<i32>} : memref<64x640xf32, #tpu.memory_space<vmem>>, vector<16xf32>,
        tpu.vector_store %arg16[%swap3A_408, %swap3A_409], %mul3A_407 {strides = array<i32>} : memref<64x640xf32, #tpu.memory_space<vmem>>, vector<16xf32>,
        %get3A_411 = arith.index_cast %scan3A_162 : i32 to index
        %get3A_412 = arith.constant 464 : index
        %get3A_413 = tpu.vector_load %arg15[%get3A_411, %get3A_412] {strides = array<i32>} : memref<64x512xf32, #tpu.memory_space<vmem>>, vector<16xf32>,
        %mul3A_414 = arith.mulf %get3A_413, %gather3A_403 : vector<16xf32>
        %swap3A_415 = arith.index_cast %scan3A_162 : i32 to index
        %swap3A_416 = arith.constant 592 : index
        %swap3A_417 = tpu.vector_load %arg16[%swap3A_415, %swap3A_416] {strides = array<i32>} : memref<64x640xf32, #tpu.memory_space<vmem>>, vector<16xf32>,
        tpu.vector_store %arg16[%swap3A_415, %swap3A_416], %mul3A_414 {strides = array<i32>} : memref<64x640xf32, #tpu.memory_space<vmem>>, vector<16xf32>,
        %get3A_418 = arith.index_cast %scan3A_162 : i32 to index
        %get3A_419 = arith.constant 480 : index
        %get3A_420 = tpu.vector_load %arg15[%get3A_418, %get3A_419] {strides = array<i32>} : memref<64x512xf32, #tpu.memory_space<vmem>>, vector<16xf32>,
        %mul3A_421 = arith.mulf %get3A_420, %gather3A_403 : vector<16xf32>
        %swap3A_422 = arith.index_cast %scan3A_162 : i32 to index
        %swap3A_423 = arith.constant 608 : index
        %swap3A_424 = tpu.vector_load %arg16[%swap3A_422, %swap3A_423] {strides = array<i32>} : memref<64x640xf32, #tpu.memory_space<vmem>>, vector<16xf32>,
        tpu.vector_store %arg16[%swap3A_422, %swap3A_423], %mul3A_421 {strides = array<i32>} : memref<64x640xf32, #tpu.memory_space<vmem>>, vector<16xf32>,
        %get3A_425 = arith.index_cast %scan3A_162 : i32 to index
        %get3A_426 = arith.constant 496 : index
        %get3A_427 = tpu.vector_load %arg15[%get3A_425, %get3A_426] {strides = array<i32>} : memref<64x512xf32, #tpu.memory_space<vmem>>, vector<16xf32>,
        %mul3A_428 = arith.mulf %get3A_427, %gather3A_403 : vector<16xf32>
        %swap3A_429 = arith.index_cast %scan3A_162 : i32 to index
        %swap3A_430 = arith.constant 624 : index
        %swap3A_431 = tpu.vector_load %arg16[%swap3A_429, %swap3A_430] {strides = array<i32>} : memref<64x640xf32, #tpu.memory_space<vmem>>, vector<16xf32>,
        tpu.vector_store %arg16[%swap3A_429, %swap3A_430], %mul3A_428 {strides = array<i32>} : memref<64x640xf32, #tpu.memory_space<vmem>>, vector<16xf32>,
        %scan3A_432 = arith.constant 0 : i32
        scf.yield %scan3A_432 : i32
      }
      %scan3A_160 = arith.constant 64 : i32
      "tpu.region"() ({
        %run_scoped3A = tpu.sem_alloc : memref<!tpu.dma_semaphore, #tpu.memory_space<semaphore_mem>>
        %dma_start3A_162 = arith.constant 0 : i32
        %dma_start3A_163 = arith.constant 0 : i32
        %dma_start3A_164 = tpu.memref_slice %arg6[%arg1, %dma_start3A_162, %dma_start3A_163] : memref<16x10016x640xf32, #tpu.memory_space<hbm>> -> memref<1x10016x640xf32, #tpu.memory_space<hbm>>
        %dma_start3A_165 = tpu.memref_squeeze %dma_start3A_164 : memref<1x10016x640xf32, #tpu.memory_space<hbm>> -> memref<10016x640xf32, #tpu.memory_space<hbm>>
        %dma_start3A_166 = arith.constant 0 : i32
        %dma_start3A_167 = arith.constant 0 : i32
        %dma_start3A_168 = tpu.memref_slice %dma_start3A_165[%dma_start3A_166, %dma_start3A_167] : memref<10016x640xf32, #tpu.memory_space<hbm>> -> memref<10016x640xf32, #tpu.memory_space<hbm>>
        tpu.enqueue_indirect_dma source(%arg16 : memref<64x640xf32, #tpu.memory_space<vmem>>) target(%dma_start3A_168 : memref<10016x640xf32, #tpu.memory_space<hbm>>) offsets(%arg12 : memref<64xi32, #tpu.memory_space<vmem>>) semaphore(%run_scoped3A : memref<!tpu.dma_semaphore, #tpu.memory_space<semaphore_mem>>) {add = true}
        %dma_wait3A_169 = arith.constant 0 : i32
        %dma_wait3A_170 = arith.constant 0 : i32
        %dma_wait3A_171 = tpu.memref_slice %arg6[%arg1, %dma_wait3A_169, %dma_wait3A_170] : memref<16x10016x640xf32, #tpu.memory_space<hbm>> -> memref<1x10016x640xf32, #tpu.memory_space<hbm>>
        %dma_wait3A_172 = tpu.memref_squeeze %dma_wait3A_171 : memref<1x10016x640xf32, #tpu.memory_space<hbm>> -> memref<10016x640xf32, #tpu.memory_space<hbm>>
        %dma_wait3A_173 = arith.constant 0 : i32
        %dma_wait3A_174 = arith.constant 0 : i32
        %dma_wait3A_175 = tpu.memref_slice %dma_wait3A_172[%dma_wait3A_173, %dma_wait3A_174] : memref<10016x640xf32, #tpu.memory_space<hbm>> -> memref<10016x640xf32, #tpu.memory_space<hbm>>
        tpu.wait_indirect_dma semaphore(%run_scoped3A : memref<!tpu.dma_semaphore, #tpu.memory_space<semaphore_mem>>) src(%arg16 : memref<64x640xf32, #tpu.memory_space<vmem>>) dst(%dma_wait3A_175 : memref<10016x640xf32, #tpu.memory_space<hbm>>)
        tpu.yield
      }) : () -> ()
      %while3A_161 = arith.constant 0 : i32
      scf.yield %while3A_161 : i32
    }
    %barrier3A_60 = arith.constant 0 : index
    tpu.barrier barrier_id(%barrier3A_60)
    return
  }
}

module attributes {stable_mosaic.version = 14 : i64} {
  func.func @_proj_body(%arg0: i32, %arg1: memref<200x256xf32, #tpu.memory_space<vmem>>, %arg2: memref<256x512xf32, #tpu.memory_space<vmem>>, %arg3: memref<1x256xf32, #tpu.memory_space<vmem>>, %arg4: memref<512x128xf32, #tpu.memory_space<vmem>>, %arg5: memref<200x512xf32, #tpu.memory_space<vmem>>, %arg6: memref<200x128xf32, #tpu.memory_space<vmem>>) attributes {dimension_semantics = [#tpu.dimension_semantics<arbitrary>], iteration_bounds = array<i64: 50>, scalar_prefetch = 0 : i64, scratch_operands = 0 : i64, tpu.core_type = #tpu.core_type<tc>, window_params = [{transform_indices = @transform_0, window_bounds = array<i64: 200, 256>}, {pipeline_mode = #tpu.pipeline_mode<synchronous>, transform_indices = @transform_1, window_bounds = array<i64: 256, 512>}, {pipeline_mode = #tpu.pipeline_mode<synchronous>, transform_indices = @transform_2, window_bounds = array<i64: 1, 256>}, {pipeline_mode = #tpu.pipeline_mode<synchronous>, transform_indices = @transform_3, window_bounds = array<i64: 512, 128>}, {transform_indices = @transform_4, window_bounds = array<i64: 200, 512>}, {transform_indices = @transform_5, window_bounds = array<i64: 200, 128>}]} {
    %get3A = arith.constant 0 : index
    %get3A_0 = arith.constant 0 : index
    %get3A_1 = vector.load %arg1[%get3A, %get3A_0] : memref<200x256xf32, #tpu.memory_space<vmem>>, vector<200x256xf32>
    %get3A_2 = arith.constant 0 : index
    %get3A_3 = arith.constant 0 : index
    %get3A_4 = vector.load %arg2[%get3A_2, %get3A_3] : memref<256x512xf32, #tpu.memory_space<vmem>>, vector<256x512xf32>
    %dot_general3A = arith.constant dense<0.000000e+00> : vector<200x512xf32>
    %dot_general3A_5 = tpu.matmul %get3A_1, %get3A_4, %dot_general3A {dimension_numbers = #tpu.dot_dimension_numbers<[1], [0], [0], [1], [0, 0, 1, 1], [], []>, precision = #tpu.contract_precision<fp32>, transpose_lhs_hint = false} : vector<200x256xf32>, vector<256x512xf32>, vector<200x512xf32> -> vector<200x512xf32>
    %swap3A = arith.constant 0 : index
    %swap3A_6 = arith.constant 0 : index
    %swap3A_7 = vector.load %arg5[%swap3A, %swap3A_6] : memref<200x512xf32, #tpu.memory_space<vmem>>, vector<200x512xf32>
    tpu.vector_store %arg5[%swap3A, %swap3A_6], %dot_general3A_5 {strides = array<i32>} : memref<200x512xf32, #tpu.memory_space<vmem>>, vector<200x512xf32>,
    %get3A_8 = arith.constant 0 : index
    %get3A_9 = arith.constant 0 : index
    %get3A_10 = vector.load %arg4[%get3A_8, %get3A_9] : memref<512x128xf32, #tpu.memory_space<vmem>>, vector<512x128xf32>
    %dot_general3A_11 = arith.constant dense<0.000000e+00> : vector<200x128xf32>
    %dot_general3A_12 = tpu.matmul %dot_general3A_5, %get3A_10, %dot_general3A_11 {dimension_numbers = #tpu.dot_dimension_numbers<[1], [0], [0], [1], [0, 0, 1, 1], [], []>, precision = #tpu.contract_precision<fp32>, transpose_lhs_hint = false} : vector<200x512xf32>, vector<512x128xf32>, vector<200x128xf32> -> vector<200x128xf32>
    %swap3A_13 = arith.constant 0 : index
    %swap3A_14 = arith.constant 0 : index
    %swap3A_15 = vector.load %arg6[%swap3A_13, %swap3A_14] : memref<200x128xf32, #tpu.memory_space<vmem>>, vector<200x128xf32>
    tpu.vector_store %arg6[%swap3A_13, %swap3A_14], %dot_general3A_12 {strides = array<i32>} : memref<200x128xf32, #tpu.memory_space<vmem>>, vector<200x128xf32>,
    return
  }
  func.func @transform_0(%arg0: i32) -> (i32, i32) {
    %c0_i32 = arith.constant 0 : i32
    %c0_i32_0 = arith.constant 0 : i32
    return %arg0, %c0_i32 : i32, i32
  }
  func.func @transform_1(%arg0: i32) -> (i32, i32) {
    %c0_i32 = arith.constant 0 : i32
    %c0_i32_0 = arith.constant 0 : i32
    %c0_i32_1 = arith.constant 0 : i32
    return %c0_i32, %c0_i32_0 : i32, i32
  }
  func.func @transform_2(%arg0: i32) -> (i32, i32) {
    %c0_i32 = arith.constant 0 : i32
    %c0_i32_0 = arith.constant 0 : i32
    %c0_i32_1 = arith.constant 0 : i32
    return %c0_i32, %c0_i32_0 : i32, i32
  }
  func.func @transform_3(%arg0: i32) -> (i32, i32) {
    %c0_i32 = arith.constant 0 : i32
    %c0_i32_0 = arith.constant 0 : i32
    %c0_i32_1 = arith.constant 0 : i32
    return %c0_i32, %c0_i32_0 : i32, i32
  }
  func.func @transform_4(%arg0: i32) -> (i32, i32) {
    %c0_i32 = arith.constant 0 : i32
    %c0_i32_0 = arith.constant 0 : i32
    return %arg0, %c0_i32 : i32, i32
  }
  func.func @transform_5(%arg0: i32) -> (i32, i32) {
    %c0_i32 = arith.constant 0 : i32
    %c0_i32_0 = arith.constant 0 : i32
    return %arg0, %c0_i32 : i32, i32
  }
}

module attributes {stable_mosaic.version = 14 : i64} {
  func.func @_proj2_body(%arg0: i32, %arg1: i32, %arg2: memref<1x200x640xf32, #tpu.memory_space<vmem>>, %arg3: memref<512x512xf32, #tpu.memory_space<vmem>>, %arg4: memref<1x512xf32, #tpu.memory_space<vmem>>, %arg5: memref<512x128xf32, #tpu.memory_space<vmem>>, %arg6: memref<16x512xf32, #tpu.memory_space<vmem>>, %arg7: memref<200x512xf32, #tpu.memory_space<vmem>>, %arg8: memref<200x128xf32, #tpu.memory_space<vmem>>, %arg9: memref<200x640xf32, #tpu.memory_space<vmem>>) attributes {dimension_semantics = [#tpu.dimension_semantics<arbitrary>, #tpu.dimension_semantics<arbitrary>], iteration_bounds = array<i64: 50, 16>, scalar_prefetch = 0 : i64, scratch_operands = 1 : i64, tpu.core_type = #tpu.core_type<tc>, window_params = [{transform_indices = @transform_0, window_bounds = array<i64: 1, 200, 640>}, {pipeline_mode = #tpu.pipeline_mode<synchronous>, transform_indices = @transform_1, window_bounds = array<i64: 512, 512>}, {pipeline_mode = #tpu.pipeline_mode<synchronous>, transform_indices = @transform_2, window_bounds = array<i64: 1, 512>}, {pipeline_mode = #tpu.pipeline_mode<synchronous>, transform_indices = @transform_3, window_bounds = array<i64: 512, 128>}, {pipeline_mode = #tpu.pipeline_mode<synchronous>, transform_indices = @transform_4, window_bounds = array<i64: 16, 512>}, {transform_indices = @transform_5, window_bounds = array<i64: 200, 512>}, {transform_indices = @transform_6, window_bounds = array<i64: 200, 128>}]} {
    %eq3A = arith.constant 0 : i32
    %eq3A_0 = arith.cmpi eq, %arg1, %eq3A : i32
    %convert_element_type3A = arith.extui %eq3A_0 : i1 to i32
    %cond3A = arith.constant 0 : i32
    %cond3A_1 = arith.cmpi ne, %convert_element_type3A, %cond3A : i32
    scf.if %cond3A_1 {
      %get3A = arith.constant 0 : index
      %get3A_11 = arith.constant 0 : index
      %get3A_12 = arith.constant 0 : index
      %get3A_13 = vector.load %arg2[%get3A, %get3A_11, %get3A_12] : memref<1x200x640xf32, #tpu.memory_space<vmem>>, vector<1x200x640xf32>
      %get3A_14 = vector.shape_cast %get3A_13 : vector<1x200x640xf32> to vector<200x640xf32>
      %swap3A = arith.constant 0 : index
      %swap3A_15 = arith.constant 0 : index
      %swap3A_16 = vector.load %arg9[%swap3A, %swap3A_15] : memref<200x640xf32, #tpu.memory_space<vmem>>, vector<200x640xf32>
      tpu.vector_store %arg9[%swap3A, %swap3A_15], %get3A_14 {strides = array<i32>} : memref<200x640xf32, #tpu.memory_space<vmem>>, vector<200x640xf32>,
    } else {
    }
    %gt3A = arith.constant 0 : i32
    %gt3A_2 = arith.cmpi sgt, %arg1, %gt3A : i32
    %convert_element_type3A_3 = arith.extui %gt3A_2 : i1 to i32
    %cond3A_4 = arith.constant 0 : i32
    %cond3A_5 = arith.cmpi ne, %convert_element_type3A_3, %cond3A_4 : i32
    scf.if %cond3A_5 {
      %get3A = arith.constant 0 : index
      %get3A_11 = arith.constant 0 : index
      %get3A_12 = vector.load %arg9[%get3A, %get3A_11] : memref<200x640xf32, #tpu.memory_space<vmem>>, vector<200x640xf32>
      %get3A_13 = arith.constant 0 : index
      %get3A_14 = arith.constant 0 : index
      %get3A_15 = arith.constant 0 : index
      %get3A_16 = vector.load %arg2[%get3A_13, %get3A_14, %get3A_15] : memref<1x200x640xf32, #tpu.memory_space<vmem>>, vector<1x200x640xf32>
      %get3A_17 = vector.shape_cast %get3A_16 : vector<1x200x640xf32> to vector<200x640xf32>
      %add3A = arith.addf %get3A_12, %get3A_17 : vector<200x640xf32>
      %swap3A = arith.constant 0 : index
      %swap3A_18 = arith.constant 0 : index
      %swap3A_19 = vector.load %arg9[%swap3A, %swap3A_18] : memref<200x640xf32, #tpu.memory_space<vmem>>, vector<200x640xf32>
      tpu.vector_store %arg9[%swap3A, %swap3A_18], %add3A {strides = array<i32>} : memref<200x640xf32, #tpu.memory_space<vmem>>, vector<200x640xf32>,
    } else {
    }
    %eq3A_6 = arith.constant 15 : i32
    %eq3A_7 = arith.cmpi eq, %arg1, %eq3A_6 : i32
    %convert_element_type3A_8 = arith.extui %eq3A_7 : i1 to i32
    %cond3A_9 = arith.constant 0 : i32
    %cond3A_10 = arith.cmpi ne, %convert_element_type3A_8, %cond3A_9 : i32
    scf.if %cond3A_10 {
      %get3A = arith.constant 0 : index
      %get3A_11 = arith.constant 0 : index
      %get3A_12 = vector.load %arg9[%get3A, %get3A_11] : memref<200x640xf32, #tpu.memory_space<vmem>>, vector<200x640xf32>
      %slice3A = vector.extract_strided_slice %get3A_12 {offsets = [0, 0], sizes = [200, 16], strides = [1, 1]} : vector<200x640xf32> to vector<200x16xf32>
      %get3A_13 = arith.constant 0 : index
      %get3A_14 = arith.constant 0 : index
      %get3A_15 = vector.load %arg6[%get3A_13, %get3A_14] : memref<16x512xf32, #tpu.memory_space<vmem>>, vector<16x512xf32>
      %dot_general3A = arith.constant dense<0.000000e+00> : vector<200x512xf32>
      %dot_general3A_16 = tpu.matmul %slice3A, %get3A_15, %dot_general3A {dimension_numbers = #tpu.dot_dimension_numbers<[1], [0], [0], [1], [0, 0, 1, 1], [], []>, precision = #tpu.contract_precision<fp32>, transpose_lhs_hint = false} : vector<200x16xf32>, vector<16x512xf32>, vector<200x512xf32> -> vector<200x512xf32>
      %add3A = arith.constant 9.99999971E-10 : f32
      %add3A_17 = vector.broadcast %add3A : f32 to vector<200x512xf32>
      %add3A_18 = arith.addf %dot_general3A_16, %add3A_17 : vector<200x512xf32>
      %slice3A_19 = vector.extract_strided_slice %get3A_12 {offsets = [0, 128], sizes = [200, 512], strides = [1, 1]} : vector<200x640xf32> to vector<200x512xf32>
      %div3A = arith.divf %slice3A_19, %add3A_18 : vector<200x512xf32>
      %get3A_20 = arith.constant 0 : index
      %get3A_21 = arith.constant 0 : index
      %get3A_22 = vector.load %arg4[%get3A_20, %get3A_21] : memref<1x512xf32, #tpu.memory_space<vmem>>, vector<1x512xf32>
      %add3A_23 = vector.broadcast %get3A_22 : vector<1x512xf32> to vector<200x512xf32>
      %add3A_24 = arith.addf %div3A, %add3A_23 : vector<200x512xf32>
      %max3A = arith.constant 0.000000e+00 : f32
      %max3A_25 = vector.broadcast %max3A : f32 to vector<200x512xf32>
      %max3A_26 = arith.maximumf %add3A_24, %max3A_25 : vector<200x512xf32>
      %get3A_27 = arith.constant 0 : index
      %get3A_28 = arith.constant 0 : index
      %get3A_29 = vector.load %arg3[%get3A_27, %get3A_28] : memref<512x512xf32, #tpu.memory_space<vmem>>, vector<512x512xf32>
      %dot_general3A_30 = arith.constant dense<0.000000e+00> : vector<200x512xf32>
      %dot_general3A_31 = tpu.matmul %max3A_26, %get3A_29, %dot_general3A_30 {dimension_numbers = #tpu.dot_dimension_numbers<[1], [0], [0], [1], [0, 0, 1, 1], [], []>, precision = #tpu.contract_precision<fp32>, transpose_lhs_hint = false} : vector<200x512xf32>, vector<512x512xf32>, vector<200x512xf32> -> vector<200x512xf32>
      %swap3A = arith.constant 0 : index
      %swap3A_32 = arith.constant 0 : index
      %swap3A_33 = vector.load %arg7[%swap3A, %swap3A_32] : memref<200x512xf32, #tpu.memory_space<vmem>>, vector<200x512xf32>
      tpu.vector_store %arg7[%swap3A, %swap3A_32], %dot_general3A_31 {strides = array<i32>} : memref<200x512xf32, #tpu.memory_space<vmem>>, vector<200x512xf32>,
      %get3A_34 = arith.constant 0 : index
      %get3A_35 = arith.constant 0 : index
      %get3A_36 = vector.load %arg5[%get3A_34, %get3A_35] : memref<512x128xf32, #tpu.memory_space<vmem>>, vector<512x128xf32>
      %dot_general3A_37 = arith.constant dense<0.000000e+00> : vector<200x128xf32>
      %dot_general3A_38 = tpu.matmul %dot_general3A_31, %get3A_36, %dot_general3A_37 {dimension_numbers = #tpu.dot_dimension_numbers<[1], [0], [0], [1], [0, 0, 1, 1], [], []>, precision = #tpu.contract_precision<fp32>, transpose_lhs_hint = false} : vector<200x512xf32>, vector<512x128xf32>, vector<200x128xf32> -> vector<200x128xf32>
      %swap3A_39 = arith.constant 0 : index
      %swap3A_40 = arith.constant 0 : index
      %swap3A_41 = vector.load %arg8[%swap3A_39, %swap3A_40] : memref<200x128xf32, #tpu.memory_space<vmem>>, vector<200x128xf32>
      tpu.vector_store %arg8[%swap3A_39, %swap3A_40], %dot_general3A_38 {strides = array<i32>} : memref<200x128xf32, #tpu.memory_space<vmem>>, vector<200x128xf32>,
    } else {
    }
    return
  }
  func.func @transform_0(%arg0: i32, %arg1: i32) -> (i32, i32, i32) {
    %c0_i32 = arith.constant 0 : i32
    %c0_i32_0 = arith.constant 0 : i32
    return %arg1, %arg0, %c0_i32 : i32, i32, i32
  }
  func.func @transform_1(%arg0: i32, %arg1: i32) -> (i32, i32) {
    %c0_i32 = arith.constant 0 : i32
    %c0_i32_0 = arith.constant 0 : i32
    %c0_i32_1 = arith.constant 0 : i32
    return %c0_i32, %c0_i32_0 : i32, i32
  }
  func.func @transform_2(%arg0: i32, %arg1: i32) -> (i32, i32) {
    %c0_i32 = arith.constant 0 : i32
    %c0_i32_0 = arith.constant 0 : i32
    %c0_i32_1 = arith.constant 0 : i32
    return %c0_i32, %c0_i32_0 : i32, i32
  }
  func.func @transform_3(%arg0: i32, %arg1: i32) -> (i32, i32) {
    %c0_i32 = arith.constant 0 : i32
    %c0_i32_0 = arith.constant 0 : i32
    %c0_i32_1 = arith.constant 0 : i32
    return %c0_i32, %c0_i32_0 : i32, i32
  }
  func.func @transform_4(%arg0: i32, %arg1: i32) -> (i32, i32) {
    %c0_i32 = arith.constant 0 : i32
    %c0_i32_0 = arith.constant 0 : i32
    %c0_i32_1 = arith.constant 0 : i32
    return %c0_i32, %c0_i32_0 : i32, i32
  }
  func.func @transform_5(%arg0: i32, %arg1: i32) -> (i32, i32) {
    %c0_i32 = arith.constant 0 : i32
    %c0_i32_0 = arith.constant 0 : i32
    return %arg0, %c0_i32 : i32, i32
  }
  func.func @transform_6(%arg0: i32, %arg1: i32) -> (i32, i32) {
    %c0_i32 = arith.constant 0 : i32
    %c0_i32_0 = arith.constant 0 : i32
    return %arg0, %c0_i32 : i32, i32
  }
}

module attributes {stable_mosaic.version = 14 : i64} {
  func.func @_pool_body(%arg0: i32, %arg1: i32, %arg2: memref<1x200x640xf32, #tpu.memory_space<vmem>>, %arg3: memref<16x512xf32, #tpu.memory_space<vmem>>, %arg4: memref<1x512xf32, #tpu.memory_space<vmem>>, %arg5: memref<512x10xf32, #tpu.memory_space<vmem>>, %arg6: memref<1x10xf32, #tpu.memory_space<vmem>>, %arg7: memref<1x10xf32, #tpu.memory_space<vmem>>, %arg8: memref<1x512xf32, #tpu.memory_space<vmem>>, %arg9: memref<200x640xf32, #tpu.memory_space<vmem>>) attributes {dimension_semantics = [#tpu.dimension_semantics<arbitrary>, #tpu.dimension_semantics<arbitrary>], iteration_bounds = array<i64: 50, 16>, scalar_prefetch = 0 : i64, scratch_operands = 2 : i64, tpu.core_type = #tpu.core_type<tc>, window_params = [{transform_indices = @transform_0, window_bounds = array<i64: 1, 200, 640>}, {pipeline_mode = #tpu.pipeline_mode<synchronous>, transform_indices = @transform_1, window_bounds = array<i64: 16, 512>}, {pipeline_mode = #tpu.pipeline_mode<synchronous>, transform_indices = @transform_2, window_bounds = array<i64: 1, 512>}, {pipeline_mode = #tpu.pipeline_mode<synchronous>, transform_indices = @transform_3, window_bounds = array<i64: 512, 10>}, {pipeline_mode = #tpu.pipeline_mode<synchronous>, transform_indices = @transform_4, window_bounds = array<i64: 1, 10>}, {pipeline_mode = #tpu.pipeline_mode<synchronous>, transform_indices = @transform_5, window_bounds = array<i64: 1, 10>}]} {
    %eq3A = arith.constant 0 : i32
    %eq3A_0 = arith.cmpi eq, %arg0, %eq3A : i32
    %convert_element_type3A = arith.extui %eq3A_0 : i1 to i32
    %cond3A = arith.constant 0 : i32
    %cond3A_1 = arith.cmpi ne, %convert_element_type3A, %cond3A : i32
    scf.if %cond3A_1 {
      %eq3A_23 = arith.constant 0 : i32
      %eq3A_24 = arith.cmpi eq, %arg1, %eq3A_23 : i32
      %broadcast_in_dim3A = arith.constant 0.000000e+00 : f32
      %broadcast_in_dim3A_25 = vector.broadcast %broadcast_in_dim3A : f32 to vector<1x512xf32>
      %get3A = arith.constant 0 : index
      %get3A_26 = arith.constant 0 : index
      %get3A_27 = vector.load %arg8[%get3A, %get3A_26] : memref<1x512xf32, #tpu.memory_space<vmem>>, vector<1x512xf32>
      %select_n3A = arith.select %eq3A_24, %broadcast_in_dim3A_25, %get3A_27 : vector<1x512xf32>
      %swap3A = arith.constant 0 : index
      %swap3A_28 = arith.constant 0 : index
      %swap3A_29 = vector.load %arg8[%swap3A, %swap3A_28] : memref<1x512xf32, #tpu.memory_space<vmem>>, vector<1x512xf32>
      tpu.vector_store %arg8[%swap3A, %swap3A_28], %select_n3A {strides = array<i32>} : memref<1x512xf32, #tpu.memory_space<vmem>>, vector<1x512xf32>,
    } else {
    }
    %eq3A_2 = arith.constant 0 : i32
    %eq3A_3 = arith.cmpi eq, %arg1, %eq3A_2 : i32
    %convert_element_type3A_4 = arith.extui %eq3A_3 : i1 to i32
    %cond3A_5 = arith.constant 0 : i32
    %cond3A_6 = arith.cmpi ne, %convert_element_type3A_4, %cond3A_5 : i32
    scf.if %cond3A_6 {
      %get3A = arith.constant 0 : index
      %get3A_23 = arith.constant 0 : index
      %get3A_24 = arith.constant 0 : index
      %get3A_25 = vector.load %arg2[%get3A, %get3A_23, %get3A_24] : memref<1x200x640xf32, #tpu.memory_space<vmem>>, vector<1x200x640xf32>
      %get3A_26 = vector.shape_cast %get3A_25 : vector<1x200x640xf32> to vector<200x640xf32>
      %swap3A = arith.constant 0 : index
      %swap3A_27 = arith.constant 0 : index
      %swap3A_28 = vector.load %arg9[%swap3A, %swap3A_27] : memref<200x640xf32, #tpu.memory_space<vmem>>, vector<200x640xf32>
      tpu.vector_store %arg9[%swap3A, %swap3A_27], %get3A_26 {strides = array<i32>} : memref<200x640xf32, #tpu.memory_space<vmem>>, vector<200x640xf32>,
    } else {
    }
    %gt3A = arith.constant 0 : i32
    %gt3A_7 = arith.cmpi sgt, %arg1, %gt3A : i32
    %convert_element_type3A_8 = arith.extui %gt3A_7 : i1 to i32
    %cond3A_9 = arith.constant 0 : i32
    %cond3A_10 = arith.cmpi ne, %convert_element_type3A_8, %cond3A_9 : i32
    scf.if %cond3A_10 {
      %get3A = arith.constant 0 : index
      %get3A_23 = arith.constant 0 : index
      %get3A_24 = vector.load %arg9[%get3A, %get3A_23] : memref<200x640xf32, #tpu.memory_space<vmem>>, vector<200x640xf32>
      %get3A_25 = arith.constant 0 : index
      %get3A_26 = arith.constant 0 : index
      %get3A_27 = arith.constant 0 : index
      %get3A_28 = vector.load %arg2[%get3A_25, %get3A_26, %get3A_27] : memref<1x200x640xf32, #tpu.memory_space<vmem>>, vector<1x200x640xf32>
      %get3A_29 = vector.shape_cast %get3A_28 : vector<1x200x640xf32> to vector<200x640xf32>
      %add3A = arith.addf %get3A_24, %get3A_29 : vector<200x640xf32>
      %swap3A = arith.constant 0 : index
      %swap3A_30 = arith.constant 0 : index
      %swap3A_31 = vector.load %arg9[%swap3A, %swap3A_30] : memref<200x640xf32, #tpu.memory_space<vmem>>, vector<200x640xf32>
      tpu.vector_store %arg9[%swap3A, %swap3A_30], %add3A {strides = array<i32>} : memref<200x640xf32, #tpu.memory_space<vmem>>, vector<200x640xf32>,
    } else {
    }
    %eq3A_11 = arith.constant 15 : i32
    %eq3A_12 = arith.cmpi eq, %arg1, %eq3A_11 : i32
    %convert_element_type3A_13 = arith.extui %eq3A_12 : i1 to i32
    %cond3A_14 = arith.constant 0 : i32
    %cond3A_15 = arith.cmpi ne, %convert_element_type3A_13, %cond3A_14 : i32
    scf.if %cond3A_15 {
      %get3A = arith.constant 0 : index
      %get3A_23 = arith.constant 0 : index
      %get3A_24 = vector.load %arg9[%get3A, %get3A_23] : memref<200x640xf32, #tpu.memory_space<vmem>>, vector<200x640xf32>
      %slice3A = vector.extract_strided_slice %get3A_24 {offsets = [0, 0], sizes = [200, 16], strides = [1, 1]} : vector<200x640xf32> to vector<200x16xf32>
      %get3A_25 = arith.constant 0 : index
      %get3A_26 = arith.constant 0 : index
      %get3A_27 = vector.load %arg3[%get3A_25, %get3A_26] : memref<16x512xf32, #tpu.memory_space<vmem>>, vector<16x512xf32>
      %dot_general3A = arith.constant dense<0.000000e+00> : vector<200x512xf32>
      %dot_general3A_28 = tpu.matmul %slice3A, %get3A_27, %dot_general3A {dimension_numbers = #tpu.dot_dimension_numbers<[1], [0], [0], [1], [0, 0, 1, 1], [], []>, precision = #tpu.contract_precision<fp32>, transpose_lhs_hint = false} : vector<200x16xf32>, vector<16x512xf32>, vector<200x512xf32> -> vector<200x512xf32>
      %add3A = arith.constant 9.99999971E-10 : f32
      %add3A_29 = vector.broadcast %add3A : f32 to vector<200x512xf32>
      %add3A_30 = arith.addf %dot_general3A_28, %add3A_29 : vector<200x512xf32>
      %slice3A_31 = vector.extract_strided_slice %get3A_24 {offsets = [0, 128], sizes = [200, 512], strides = [1, 1]} : vector<200x640xf32> to vector<200x512xf32>
      %div3A = arith.divf %slice3A_31, %add3A_30 : vector<200x512xf32>
      %get3A_32 = arith.constant 0 : index
      %get3A_33 = arith.constant 0 : index
      %get3A_34 = vector.load %arg4[%get3A_32, %get3A_33] : memref<1x512xf32, #tpu.memory_space<vmem>>, vector<1x512xf32>
      %add3A_35 = vector.broadcast %get3A_34 : vector<1x512xf32> to vector<200x512xf32>
      %add3A_36 = arith.addf %div3A, %add3A_35 : vector<200x512xf32>
      %max3A = arith.constant 0.000000e+00 : f32
      %max3A_37 = vector.broadcast %max3A : f32 to vector<200x512xf32>
      %max3A_38 = arith.maximumf %add3A_36, %max3A_37 : vector<200x512xf32>
      %get3A_39 = arith.constant 0 : index
      %get3A_40 = arith.constant 0 : index
      %get3A_41 = vector.load %arg8[%get3A_39, %get3A_40] : memref<1x512xf32, #tpu.memory_space<vmem>>, vector<1x512xf32>
      %reduce_sum3A = arith.constant dense<0.000000e+00> : vector<512xf32>
      %reduce_sum3A_42 = vector.multi_reduction <add>, %max3A_38, %reduce_sum3A [0] : vector<200x512xf32> to vector<512xf32>
      %broadcast_in_dim3A = vector.shape_cast %reduce_sum3A_42 : vector<512xf32> to vector<1x512xf32>
      %add3A_43 = arith.addf %get3A_41, %broadcast_in_dim3A : vector<1x512xf32>
      %swap3A = arith.constant 0 : index
      %swap3A_44 = arith.constant 0 : index
      %swap3A_45 = vector.load %arg8[%swap3A, %swap3A_44] : memref<1x512xf32, #tpu.memory_space<vmem>>, vector<1x512xf32>
      tpu.vector_store %arg8[%swap3A, %swap3A_44], %add3A_43 {strides = array<i32>} : memref<1x512xf32, #tpu.memory_space<vmem>>, vector<1x512xf32>,
    } else {
    }
    %eq3A_16 = arith.constant 49 : i32
    %eq3A_17 = arith.cmpi eq, %arg0, %eq3A_16 : i32
    %eq3A_18 = arith.constant 15 : i32
    %eq3A_19 = arith.cmpi eq, %arg1, %eq3A_18 : i32
    %and3A = arith.andi %eq3A_17, %eq3A_19 : i1
    %convert_element_type3A_20 = arith.extui %and3A : i1 to i32
    %cond3A_21 = arith.constant 0 : i32
    %cond3A_22 = arith.cmpi ne, %convert_element_type3A_20, %cond3A_21 : i32
    scf.if %cond3A_22 {
      %get3A = arith.constant 0 : index
      %get3A_23 = arith.constant 0 : index
      %get3A_24 = vector.load %arg8[%get3A, %get3A_23] : memref<1x512xf32, #tpu.memory_space<vmem>>, vector<1x512xf32>
      %mul3A = arith.constant 9.99999974E-5 : f32
      %mul3A_25 = vector.broadcast %mul3A : f32 to vector<1x512xf32>
      %mul3A_26 = arith.mulf %get3A_24, %mul3A_25 : vector<1x512xf32>
      %get3A_27 = arith.constant 0 : index
      %get3A_28 = arith.constant 0 : index
      %get3A_29 = vector.load %arg5[%get3A_27, %get3A_28] : memref<512x10xf32, #tpu.memory_space<vmem>>, vector<512x10xf32>
      %dot_general3A = arith.constant dense<0.000000e+00> : vector<1x10xf32>
      %dot_general3A_30 = tpu.matmul %mul3A_26, %get3A_29, %dot_general3A {dimension_numbers = #tpu.dot_dimension_numbers<[1], [0], [0], [1], [0, 0, 1, 1], [], []>, precision = #tpu.contract_precision<fp32>, transpose_lhs_hint = false} : vector<1x512xf32>, vector<512x10xf32>, vector<1x10xf32> -> vector<1x10xf32>
      %get3A_31 = arith.constant 0 : index
      %get3A_32 = arith.constant 0 : index
      %get3A_33 = vector.load %arg6[%get3A_31, %get3A_32] : memref<1x10xf32, #tpu.memory_space<vmem>>, vector<1x10xf32>
      %add3A = arith.addf %dot_general3A_30, %get3A_33 : vector<1x10xf32>
      %reduce_max3A = arith.constant dense<0xFF800000> : vector<1xf32>
      %reduce_max3A_34 = vector.multi_reduction <maximumf>, %add3A, %reduce_max3A [1] : vector<1x10xf32> to vector<1xf32>
      %broadcast_in_dim3A = vector.shape_cast %reduce_max3A_34 : vector<1xf32> to vector<1x1xf32>
      %sub3A = vector.broadcast %broadcast_in_dim3A : vector<1x1xf32> to vector<1x10xf32>
      %sub3A_35 = arith.subf %add3A, %sub3A : vector<1x10xf32>
      %exp3A = math.exp %sub3A_35 : vector<1x10xf32>
      %reduce_sum3A = arith.constant dense<0.000000e+00> : vector<1xf32>
      %reduce_sum3A_36 = vector.multi_reduction <add>, %exp3A, %reduce_sum3A [1] : vector<1x10xf32> to vector<1xf32>
      %broadcast_in_dim3A_37 = vector.shape_cast %reduce_sum3A_36 : vector<1xf32> to vector<1x1xf32>
      %log3A = math.log %broadcast_in_dim3A_37 : vector<1x1xf32>
      %sub3A_38 = vector.broadcast %log3A : vector<1x1xf32> to vector<1x10xf32>
      %sub3A_39 = arith.subf %sub3A_35, %sub3A_38 : vector<1x10xf32>
      %swap3A = arith.constant 0 : index
      %swap3A_40 = arith.constant 0 : index
      %swap3A_41 = vector.load %arg7[%swap3A, %swap3A_40] : memref<1x10xf32, #tpu.memory_space<vmem>>, vector<1x10xf32>
      tpu.vector_store %arg7[%swap3A, %swap3A_40], %sub3A_39 {strides = array<i32>} : memref<1x10xf32, #tpu.memory_space<vmem>>, vector<1x10xf32>,
    } else {
    }
    return
  }
  func.func @transform_0(%arg0: i32, %arg1: i32) -> (i32, i32, i32) {
    %c0_i32 = arith.constant 0 : i32
    %c0_i32_0 = arith.constant 0 : i32
    return %arg1, %arg0, %c0_i32 : i32, i32, i32
  }
  func.func @transform_1(%arg0: i32, %arg1: i32) -> (i32, i32) {
    %c0_i32 = arith.constant 0 : i32
    %c0_i32_0 = arith.constant 0 : i32
    %c0_i32_1 = arith.constant 0 : i32
    return %c0_i32, %c0_i32_0 : i32, i32
  }
  func.func @transform_2(%arg0: i32, %arg1: i32) -> (i32, i32) {
    %c0_i32 = arith.constant 0 : i32
    %c0_i32_0 = arith.constant 0 : i32
    %c0_i32_1 = arith.constant 0 : i32
    return %c0_i32, %c0_i32_0 : i32, i32
  }
  func.func @transform_3(%arg0: i32, %arg1: i32) -> (i32, i32) {
    %c0_i32 = arith.constant 0 : i32
    %c0_i32_0 = arith.constant 0 : i32
    %c0_i32_1 = arith.constant 0 : i32
    return %c0_i32, %c0_i32_0 : i32, i32
  }
  func.func @transform_4(%arg0: i32, %arg1: i32) -> (i32, i32) {
    %c0_i32 = arith.constant 0 : i32
    %c0_i32_0 = arith.constant 0 : i32
    %c0_i32_1 = arith.constant 0 : i32
    return %c0_i32, %c0_i32_0 : i32, i32
  }
  func.func @transform_5(%arg0: i32, %arg1: i32) -> (i32, i32) {
    %c0_i32 = arith.constant 0 : i32
    %c0_i32_0 = arith.constant 0 : i32
    %c0_i32_1 = arith.constant 0 : i32
    return %c0_i32, %c0_i32_0 : i32, i32
  }
}

</mosaic_0001>

<sc_bundles>
// kernel: kernel.10.cloned.1.call-start
scs
__scs_entry_jumppad:
0x0: {  	(pc) =	sbr.rel $0x88, $3  }
0x1: {  	(tag) =	ssettag $0x0;
	lr =	simm.s32 $0x1  }
0x2: {  	[smem:$0x3F95] =	sst lr;
	_ =	strace $0xD0000000  }
0x3: {  	_ = 	snop  }
0x4: {  	_ = 	snop  }
0x5: {  	_ = 	snop  }
0x6: {  	_ = 	snop  }
0x7: {  	_ = 	snop  }
__scs_overlays_trampoline_lowered:
0x8: {  	[smem:$0x3FA4] =	sst s0  }
0x9: {  	[smem:$0x3FA5] =	sst s1  }
0xa: {  	[smem:$0x3FA6] =	sst s2  }
0xb: {  	[smem:$0x3FA7] =	sst s3  }
0xc: {  	[smem:$0x3FA8] =	sst s4  }
0xd: {  	[smem:$0x3FA9] =	sst s5  }
0xe: {  	[smem:$0x3FAA] =	sst s6  }
0xf: {  	[smem:$0x3FAB] =	sst s7  }
0x10: {  	[smem:$0x3FAC] =	sst s8  }
0x11: {  	[smem:$0x3FAD] =	sst s9;
	s0 =	simm.s32 @!p0 $0x0  }
0x12: {  	s1 =	sld [smem:$0x3F93];
	s0 =	simm.s32 @p0 $0x1  }
0x13: {  	[smem:$0x3FAE] =	sst s0;
	s0 =	simm.s32 @!p1 $0x0  }
0x14: {  	s2 =	sld [smem:$0x3F92];
	s0 =	simm.s32 @p1 $0x1  }
0x15: {  	[smem:$0x3FAF] =	sst s0;
	s0 =	simm.s32 @!p2 $0x0  }
0x16: {  	s3 =	sld [smem:$0x3FDB];
	s0 =	simm.s32 @p2 $0x1  }
0x17: {  	s4 =	simm.s32 $0x1BF5;
	[smem:$0x3FB1] =	sst s0  }
0x18: {  	s0 =	sld [smem:$0x3F94];
	_ =	swait.ge [sflag:s4], $0x0  }
0x19: {  	s7 =	sld [smem:$0x3F95]  }
0x1a: {  	s8 =	sadd.s32 $0xFFFFE003, lr  }
0x1b: {  	s9 =	sadd.s32 $0xFFFFFEF7, lr;
	s5 =	simm.s32 $0xFFFFFFFF;
	p2 =	slt.u32 s8, $0xFFFFF086  }
0x1c: {  	p1 =	slt.u32 s9, $0xF7A;
	s5 =	simm.s32 @!p2 $0x0  }
0x1d: {  	s5 =	simm.s32 @p1 $0x1;
	p0 =	seq.s32 s7, s2  }
0x1e: {  	s7 =	smul.u32 @!p0 $0xF7A, s2;
	p2 =	seq.s32 @!p0 s5, $0x0  }
0x1f: {  	s9 =	smul.u32 $0xF7A, s1;
	s8 =	simm.s32 @!p0 $0x1BF5;
	p2 =	por !p2, p0  }
0x20: {  	[sflag:s8] =	ssyncset.s32 @!p0 $0xFFFFF086;
	s6 =	sadd.s32 @!p0 s3, s7;
	s7 =	simm.s32 @!p0 $0x108  }
0x21: {  	s3 =	sadd.s32 s3, s9;
	s6 =	sadd.s32 @!p0 $0x88, s6;
	s7 =	simm.s32 @p2 $0x1082  }
0x22: {  	[simem:s7], [sflag:s8] =	dma.local @!p0 [hbm:s6], $0xF7A  }
0x23: {  	s9 =	sor.u32 $0xD0000000, s2;
	s6 =	simm.s32 $0x108;
	_ =	swait.ge @!p0 [sflag:s8], $0x0  }
0x24: {  	s3 =	sadd.s32 $0x88, s3;
	s6 =	simm.s32 @!p1 $0x1082;
	[sflag:s4] =	ssyncset.s32 $0xFFFFF086  }
0x25: {  	[simem:s6], [sflag:s4] =	dma.local [hbm:s3], $0xF7A  }
0x26: {  	[smem:$0x3F95] =	sst s1;
	(tag) =	ssettag s2;
	_ =	strace s9  }
0x27: {  	s1 =	sld [smem:$0x3FA5]  }
0x28: {  	s2 =	sld [smem:$0x3FA6]  }
0x29: {  	s4 =	sld [smem:$0x3FA8]  }
0x2a: {  	p0 =	seq.s32 s5, $0x0;
	s5 =	sld [smem:$0x3FA9]  }
0x2b: {  	s6 =	sld [smem:$0x3FAA]  }
0x2c: {  	s7 =	sld [smem:$0x3FAB]  }
0x2d: {  	s3 =	simm.s32 $0x108;
	s8 =	sld [smem:$0x3FAC]  }
0x2e: {  	s3 =	simm.s32 @!p0 $0x1082;
	s9 =	sld [smem:$0x3FAD]  }
0x2f: {  	lr =	sadd.s32 s0, s3;
	s0 =	sld [smem:$0x3FA4]  }
0x30: {  	s3 =	sld [smem:$0x3FA7]  }
0x31: {  	[smem:$0x3FB0] =	sst s10  }
0x32: {  	s10 =	sld [smem:$0x3FAE];
	_ =	sdelay $0x3  }
0x33: {  	p0 =	seq.s32 s10, $0x1;
	s10 =	sld [smem:$0x3FB0];
	_ =	sdelay $0x3  }
0x34: {  	[smem:$0x3FB0] =	sst s10  }
0x35: {  	s10 =	sld [smem:$0x3FAF];
	_ =	sdelay $0x3  }
0x36: {  	p1 =	seq.s32 s10, $0x1;
	s10 =	sld [smem:$0x3FB0];
	_ =	sdelay $0x3  }
0x37: {  	[smem:$0x3FB0] =	sst s10  }
0x38: {  	s10 =	sld [smem:$0x3FB1]  }
0x39: {  	_ = 	snop;
	(pc) =	sbr.ind lr, $3  }
0x3a: {  	_ = 	snop  }
0x3b: {  	_ = 	snop  }
0x3c: {  	p2 =	seq.s32 s10, $0x1;
	s10 =	sld [smem:$0x3FB0]  }
0x3d: {  	_ =	shalt  }
0x3e: {  	_ =	shalt  }
0x3f: {  	_ =	shalt  }
0x40: {  	_ =	shalt  }
0x41: {  	_ =	shalt  }
0x42: {  	_ =	shalt  }
0x43: {  	_ =	shalt  }
0x44: {  	_ =	shalt  }
0x45: {  	_ =	shalt  }
0x46: {  	_ =	shalt  }
0x47: {  	_ =	shalt  }
0x48: {  	_ =	shalt  }
0x49: {  	_ =	shalt  }
0x4a: {  	_ =	shalt  }
0x4b: {  	_ =	shalt  }
0x4c: {  	_ =	shalt  }
0x4d: {  	_ =	shalt  }
0x4e: {  	_ =	shalt  }
0x4f: {  	_ =	shalt  }
0x50: {  	_ =	shalt  }
0x51: {  	_ =	shalt  }
0x52: {  	_ =	shalt  }
0x53: {  	_ =	shalt  }
0x54: {  	_ =	shalt  }
0x55: {  	_ =	shalt  }
0x56: {  	_ =	shalt  }
0x57: {  	_ =	shalt  }
0x58: {  	_ =	shalt  }
0x59: {  	_ =	shalt  }
0x5a: {  	_ =	shalt  }
0x5b: {  	_ =	shalt  }
0x5c: {  	_ =	shalt  }
0x5d: {  	_ =	shalt  }
0x5e: {  	_ =	shalt  }
0x5f: {  	_ =	shalt  }
0x60: {  	_ =	shalt  }
0x61: {  	_ =	shalt  }
0x62: {  	_ =	shalt  }
0x63: {  	_ =	shalt  }
0x64: {  	_ =	shalt  }
0x65: {  	_ =	shalt  }
0x66: {  	_ =	shalt  }
0x67: {  	_ =	shalt  }
0x68: {  	_ =	shalt  }
0x69: {  	_ =	shalt  }
0x6a: {  	_ =	shalt  }
0x6b: {  	_ =	shalt  }
0x6c: {  	_ =	shalt  }
0x6d: {  	_ =	shalt  }
0x6e: {  	_ =	shalt  }
0x6f: {  	_ =	shalt  }
0x70: {  	_ =	shalt  }
0x71: {  	_ =	shalt  }
0x72: {  	_ =	shalt  }
0x73: {  	_ =	shalt  }
0x74: {  	_ =	shalt  }
0x75: {  	_ =	shalt  }
0x76: {  	_ =	shalt  }
0x77: {  	_ =	shalt  }
0x78: {  	_ =	shalt  }
0x79: {  	_ =	shalt  }
0x7a: {  	_ =	shalt  }
0x7b: {  	_ =	shalt  }
0x7c: {  	_ =	shalt  }
0x7d: {  	_ =	shalt  }
0x7e: {  	_ =	shalt  }
0x7f: {  	_ =	shalt  }
0x80: {  	_ =	shalt  }
0x81: {  	_ =	shalt  }
0x82: {  	_ =	shalt  }
0x83: {  	_ =	shalt  }
0x84: {  	_ =	shalt  }
0x85: {  	_ =	shalt  }
0x86: {  	_ =	shalt  }
0x87: {  	_ =	shalt  }
.Lfunc_end0:
.L_simem_size_0:
called_computation.1_lowered:
.L_overlay_start_0:
0x88: {  	s2 =	sld [smem:$0x3FD9]  }
0x89: {  	s3 =	sld [smem:$0x3FFE];
	_ =	sdelay $0x1  }
0x8a: {  	s1 =	srdreg.scid  }
0x8b: {  	s0 =	sand.u32 $0x1, s1  }
0x8c: {  	s16 =	sshll.u32 s0, $0xA;
	s2 =	sadd.s32 s3, s2  }
0x8d: {  	s2 =	sadd.s32 s2, s16  }
0x8e: {  	[smem:$0x3FBC] =	sst s2  }
0x8f: {  	_ = 	snop  }
0x90: {  	(tm) =	ssettm $0x1  }
0x91: {  	s17 =	sld [smem:$0x3FFB];
	_ =	sdelay $0x3  }
0x92: {  	_ =	strace s17  }
0x93: {  	s2 =	sld [smem:$0x3FFC];
	_ =	sdelay $0x3  }
0x94: {  	_ =	strace s2  }
0x95: {  	s2 =	sld [smem:$0x3FFD];
	_ =	sdelay $0x3  }
0x96: {  	_ =	strace s2  }
0x97: {  	_ =	strace $0x8FFFFFFF  }
0x98: {  	s18 =	sld [smem:$0x3FDB];
	_ =	sdelay $0x1  }
0x99: {  	s19 =	simm.s32 $_scs_section_size  }
0x9a: {  	s4 =	simm.s32 $_size__tile_overlayer_lowered;
	s5 =	simm.s32 $_tile_overlayer_lowered  }
0x9b: {  	s22 =	simm.s32 $0x1BFF;
	s21 =	sshll.u32 s5, $0x1;
	s2 =	sadd.s32 s19, s18  }
0x9c: {  	s6 =	simm.s32 $0x0;
	s20 =	sshll.u32 s4, $0x1;
	s4 =	sadd.s32 s21, s2  }
0x9d: {  	[timem:s6], [sflag:s22] =	dma.local [hbm:s4], s20  }
0x9e: {  	_ =	swait.ge [sflag:s22], s20  }
0x9f: {  	s3 =	ssub.s32 $0x0, s20;
	[sflag:s22] =	ssyncset.done $0x0  }
0xa0: {  	[sflag:s22] =	ssyncadd.s32 s3;
	_ =	sdelay $0x1  }
0xa1: {  	s23 =	simm.s32 $0x1B8B  }
0xa2: {  	_ =	swait.ge [sflag:s23], $0x1  }
0xa3: {  	[sflag:s23] =	ssyncset.done $0x0  }
0xa4: {  	s25 =	simm.s32 $0x1B8E;
	s24 =	sld [smem:$0x3FFE];
	[sflag:s23] =	ssyncadd.s32 $0xFFFFFFFF  }
0xa5: {  	s26 =	simm.s32 $execute0_lowered;
	[smem:$0x3FD2] =	sst s25  }
0xa6: {  	s4 =	sshll.u32 s26, $0x1;
	_ =	strace $0x80000049;
	[dreg:$0x1] =	wrdreg $0xFFFFFFFF  }
0xa7: {  	s28 =	simm.s32 $_size_execute0_lowered;
	s2 =	sadd.s32 s2, s4;
	[dreg:$0x0] =	wrdreg $0x0  }
0xa8: {  	s4 =	sshll.u32 s28, $0x1;
	[dreg:$0x2] =	wrdreg s2  }
0xa9: {  	[dreg:$0x3] =	wrdreg s4  }
0xaa: {  	[dreg:$0x4] =	wrdreg $0xC0  }
0xab: {  	_ =	task [dreg:s6], $0x5FFFF  }
0xac: {  	[dreg:$0x1] =	wrdreg $0xFFFFFFFF  }
0xad: {  	[dreg:$0x0] =	wrdreg $0x60  }
0xae: {  	[dreg:$0x2] =	wrdreg s24  }
0xaf: {  	[dreg:$0x3] =	wrdreg $0x9  }
0xb0: {  	_ =	task.clear_ibuf [dreg:s6], $0x4FFFF;
	_ =	strace $0x90000049  }
0xb1: {  	s29 =	simm.s32 $0x9;
	_ =	strace $0x8000004B  }
0xb2: {  	_ =	swait.ge [sflag:s29], $0x1  }
0xb3: {  	[sflag:s29] =	ssyncadd.s32 $0xFFFFFFFF  }
0xb4: {  	_ =	strace $0x9000004B  }
0xb5: {  	_ =	sfence  }
0xb6: {  	s30 =	sld [smem:$0x0];
	_ =	sdelay $0x2  }
0xb7: {  	s31 =	sshll.u32 s1, $0xD;
	s1 =	sshrl.u32 s1, $0x2  }
0xb8: {  	s3 =	sand.u32 $0x4000, s31;
	s1 =	sadd.s32 s1, s30  }
0xb9: {  	s0 =	sor.u32 s3, s0;
	s1 =	sshll.u32 s1, $0x11  }
0xba: {  	s0 =	sor.u32 s1, s0  }
0xbb: {  	s0 =	sadd.s32 $0x8F2B, s0  }
0xbc: {  	[sflag:s0] =	ssyncadd.remote.s32 $0x1  }
0xbd: {  	_ =	sfence.sel $0xFFFF  }
0xbe: {  	[dreg:$0x0] =	wrdreg $0xFFFFFFFF;
	(pc) =	sbr.abs _section_cstart, $3  }
0xbf: {  	[dreg:$0x1] =	wrdreg $0xFFFFFFFF  }
0xc0: {  	_ =	task.clear_ibuf [dreg:s6], $0x2FFFF;
	_ =	strace $0x9FFFFFFF  }
0xc1: {  	(tm) =	ssettm $0x7FFFFFFF  }
tec
execute0_lowered:
.L_overlay_start_1:
0x0: {  	(tag) =	ssettag $0x1  }
0x1: {  	s0 =	rddreg [dreg:$0x0];
	s2 =	simm.s32 $0x0  }
0x2: {  	s9 =	stileid.u32;
	s1 =	srdreg.scid;
	s15 =	simm.s32 $0xED00  }
0x3: {  	s16 =	simm.s32 $0x2;
	s17 =	simm.s32 $0x200;
	s18 =	simm.s32 $0x40  }
0x4: {  	s20 =	simm.s32 $0x1;
	s29 =	simm.s32 $0x17500;
	s30 =	simm.s32 $0x17900  }
0x5: {  	s31 =	simm.s32 $0x18100;
	[smem:$0x7FF] =	sst s2;
	s3 =	sadd.s32 $0x6A00, s0  }
0x6: {  	s4 =	sadd.s32 $0x1A00, s0;
	s7 =	smul.u32 $0xC3A00, s9;
	s1 =	sand.u32 $0x1, s1  }
0x7: {  	v8 =	vlaneseq.u32;
	s5 =	sadd.s32 $0xA7E00, s0;
	s6 =	sadd.s32 $0xBA00, s0;
	s11 =	smul.u32 $0x1388, s1  }
0x8: {  	v3 =	vimm.f32 $0.0e+00;
	vm0 =	vmmov $0xffff;
	v9 =	vimm.s32 $0x0;
	_ =	strace $0x8000004A;
	s8 =	ssub.s32 $0x2, s1;
	s26 =	smul.u32 $0x61A80, s1  }
0x9: {  	v10 =	vimm.s32 $0x1;
	v11 =	vimm.s32 $0x2;
	v12 =	vimm.s32 $0x3;
	p0 =	seq.s32 s1, $0x0;
	s10 =	sadd.s32 s7, s0;
	s7 =	smul.u32 $0x2710, s9  }
.Ltmp0:
0xa: {  	v13 =	vimm.s32 $0x4;
	v14 =	vimm.s32 $0x5;
	v15 =	vimm.s32 $0x6;
	s25 =	sshrl.u32 s8, $0x1;
	s9 =	sadd.s32 $0xBB00, s0;
	(pc) =	sbr.rel .LBB2_1-.Ltmp0, $4  }
0xb: {  	v16 =	vimm.s32 $0x7;
	vm1 =	vmmov $0xff;
	v0 =	vor.u32 $0x80000010, v8;
	s0 =	simm.s32 $0x18900;
	s12 =	ssub.s32 s8, s25;
	s8 =	sadd.s32 $0xCF000, s10  }
0xc: {  	v5 =	vmul.u32 $0x4000, v8;
	v4 =	vor.u32 $0x80000000, v8;
	v7 =	vshrl.u32 v8, $0x3;
	s19 =	sadd.s32 $0x1388, s11;
	s28 =	sadd.s32 $0x192500, s10;
	s13 =	sadd.s32 $0xCF200, s10  }
0xd: {  	v6 =	vand.u32 $0x7, v8;
	v8 =	vor.u32 $0x8, v8;
	v7 =	vmul.u32 $0x8, v7;
	s12 =	smax.u32 s12, $0x1;
	[dreg:$0x3] =	wrdreg s28;
	s14 =	sadd.s32 s26, s8  }
0xe: {  	v5 =	vor.u32 $0x9C40000, v5;
	v1 =	vmov s11;
	v2 =	vmov s19;
	[dreg:$0x2] =	wrdreg s12;
	s12 =	sadd.s32 $0xCF100, s10;
	s10 =	simm.s32 $0x0  }
.LBB2_13:
0xf: {  	s10 =	rddreg [dreg:$0x4]  }
0x10: {  	s1 =	rddreg [dreg:$0x2];
	s10 =	sadd.s32 $0x1, s10  }
0x11: {  	p1 =	sne.s32 s10, s1  }
.Ltmp1:
0x12: {  	_ = 	snop;
	(pc) =	sbr.rel @!p1 .LBB2_14-.Ltmp1, $2  }
0x13: {  	_ =	sdelay $0x1  }
0x14: {  	[bflag:$0x0] =	sbarrier.arrive $0xFFFF;
	_ =	sdelay $0x1  }
.LBB2_1:
0x15: {  	s1 =	simm.s32 $0x0  }
0x16: {  	s1 =	smul.u32 $0x5000, s1;
	_ =	sdelay $0x1  }
0x17: {  	s28 =	sand.u32 $0x380, s2;
	s1 =	sshra.s32 s1, $0x2  }
0x18: {  	s1 =	sor.u32 s28, s1  }
0x19: {  	[tilespmem:s1+$0xFD70] =	vst v3  }
0x1a: {  	[tilespmem:s1+$0xED00] =	vst v3  }
0x1b: {  	[tilespmem:s1+$0xED10] =	vst v3  }
0x1c: {  	[tilespmem:s1+$0xED20] =	vst v3  }
0x1d: {  	[tilespmem:s1+$0xED30] =	vst v3  }
0x1e: {  	[tilespmem:s1+$0xED40] =	vst v3  }
0x1f: {  	[tilespmem:s1+$0xED50] =	vst v3  }
0x20: {  	[tilespmem:s1+$0xED60] =	vst v3  }
0x21: {  	[tilespmem:s1+$0xED70] =	vst v3  }
0x22: {  	[tilespmem:s1+$0xF100] =	vst v3  }
0x23: {  	[tilespmem:s1+$0xF110] =	vst v3  }
0x24: {  	[tilespmem:s1+$0xF120] =	vst v3  }
0x25: {  	[tilespmem:s1+$0xF130] =	vst v3  }
0x26: {  	[tilespmem:s1+$0xF140] =	vst v3  }
0x27: {  	[tilespmem:s1+$0xF150] =	vst v3  }
0x28: {  	[tilespmem:s1+$0xF160] =	vst v3  }
0x29: {  	[tilespmem:s1+$0xF170] =	vst v3  }
0x2a: {  	[tilespmem:s1+$0xF500] =	vst v3  }
0x2b: {  	[tilespmem:s1+$0xF510] =	vst v3  }
0x2c: {  	[tilespmem:s1+$0xF520] =	vst v3  }
0x2d: {  	[tilespmem:s1+$0xF530] =	vst v3  }
0x2e: {  	[tilespmem:s1+$0xF540] =	vst v3  }
0x2f: {  	[tilespmem:s1+$0xF550] =	vst v3  }
0x30: {  	[tilespmem:s1+$0xF560] =	vst v3  }
0x31: {  	[tilespmem:s1+$0xF570] =	vst v3  }
0x32: {  	[tilespmem:s1+$0xF900] =	vst v3  }
0x33: {  	[tilespmem:s1+$0xF910] =	vst v3  }
0x34: {  	[tilespmem:s1+$0xF920] =	vst v3  }
0x35: {  	[tilespmem:s1+$0xF930] =	vst v3  }
0x36: {  	[tilespmem:s1+$0xF940] =	vst v3  }
0x37: {  	[tilespmem:s1+$0xF950] =	vst v3  }
0x38: {  	[tilespmem:s1+$0xF960] =	vst v3  }
0x39: {  	[tilespmem:s1+$0xF970] =	vst v3  }
0x3a: {  	[tilespmem:s1+$0xFD00] =	vst v3  }
0x3b: {  	[dreg:$0x4] =	wrdreg s10;
	[tilespmem:s1+$0xFD10] =	vst v3  }
0x3c: {  	s19 =	simm.s32 $0x0;
	s11 =	simm.s32 $0x2;
	s10 =	simm.s32 $0x0;
	[tilespmem:s1+$0xFD20] =	vst v3  }
.LBB2_2:
0x3d: {  	p1 =	sne.s32 s11, $0x3F;
	s19 =	smul.u32 $0x5000, s19;
	[tilespmem:s1+$0xFD30] =	vst v3  }
0x3e: {  	s10 =	sadd.s32 $0x80, s10;
	[tilespmem:s1+$0xFD40] =	vst v3  }
0x3f: {  	s21 =	sand.u32 $0x380, s10;
	s19 =	sshra.s32 s19, $0x2;
	[tilespmem:s1+$0xFD50] =	vst v3  }
0x40: {  	[tilespmem:s1+$0xFD60] =	vst v3;
	s1 =	sor.u32 s21, s19  }
0x41: {  	[tilespmem:s1+$0xFD70] =	vst v3  }
0x42: {  	[tilespmem:s1+$0xED00] =	vst v3  }
0x43: {  	[tilespmem:s1+$0xED10] =	vst v3  }
0x44: {  	[tilespmem:s1+$0xED20] =	vst v3  }
0x45: {  	[tilespmem:s1+$0xED30] =	vst v3  }
0x46: {  	[tilespmem:s1+$0xED40] =	vst v3  }
0x47: {  	[tilespmem:s1+$0xED50] =	vst v3  }
0x48: {  	[tilespmem:s1+$0xED60] =	vst v3  }
0x49: {  	[tilespmem:s1+$0xED70] =	vst v3  }
0x4a: {  	[tilespmem:s1+$0xF100] =	vst v3  }
0x4b: {  	[tilespmem:s1+$0xF110] =	vst v3  }
0x4c: {  	[tilespmem:s1+$0xF120] =	vst v3  }
0x4d: {  	[tilespmem:s1+$0xF130] =	vst v3  }
0x4e: {  	[tilespmem:s1+$0xF140] =	vst v3  }
0x4f: {  	[tilespmem:s1+$0xF150] =	vst v3  }
0x50: {  	[tilespmem:s1+$0xF160] =	vst v3  }
0x51: {  	[tilespmem:s1+$0xF170] =	vst v3  }
0x52: {  	[tilespmem:s1+$0xF500] =	vst v3  }
0x53: {  	[tilespmem:s1+$0xF510] =	vst v3  }
0x54: {  	[tilespmem:s1+$0xF520] =	vst v3  }
0x55: {  	[tilespmem:s1+$0xF530] =	vst v3  }
0x56: {  	[tilespmem:s1+$0xF540] =	vst v3  }
0x57: {  	[tilespmem:s1+$0xF550] =	vst v3  }
0x58: {  	[tilespmem:s1+$0xF560] =	vst v3  }
0x59: {  	[tilespmem:s1+$0xF570] =	vst v3  }
0x5a: {  	[tilespmem:s1+$0xF900] =	vst v3  }
0x5b: {  	[tilespmem:s1+$0xF910] =	vst v3  }
0x5c: {  	[tilespmem:s1+$0xF920] =	vst v3  }
0x5d: {  	[tilespmem:s1+$0xF930] =	vst v3  }
0x5e: {  	[tilespmem:s1+$0xF940] =	vst v3  }
0x5f: {  	[tilespmem:s1+$0xF950] =	vst v3  }
.Ltmp2:
0x60: {  	[tilespmem:s1+$0xF960] =	vst v3;
	(pc) =	sbr.rel @p1 .LBB2_2-.Ltmp2, $4  }
0x61: {  	[tilespmem:s1+$0xF970] =	vst v3  }
0x62: {  	[tilespmem:s1+$0xFD00] =	vst v3  }
0x63: {  	[tilespmem:s1+$0xFD10] =	vst v3  }
0x64: {  	s19 =	sshrl.u32 s11, $0x3;
	s11 =	sadd.s32 $0x1, s11;
	[tilespmem:s1+$0xFD20] =	vst v3  }
0x65: {  	s11 =	smul.u32 $0x5000, s19;
	[tilespmem:s1+$0xFD30] =	vst v3  }
0x66: {  	[tilespmem:s1+$0xFD40] =	vst v3;
	s10 =	sadd.s32 $0x80, s10  }
0x67: {  	[tilespmem:s1+$0xFD50] =	vst v3;
	s10 =	sand.u32 $0x380, s10;
	s11 =	sshra.s32 s11, $0x2  }
0x68: {  	[tilespmem:s1+$0xFD60] =	vst v3;
	s10 =	sor.u32 s10, s11  }
0x69: {  	[tilespmem:s10+$0xFD70] =	vst v3  }
0x6a: {  	[tilespmem:s10+$0xED00] =	vst v3  }
0x6b: {  	[tilespmem:s10+$0xED10] =	vst v3  }
0x6c: {  	[tilespmem:s10+$0xED20] =	vst v3  }
0x6d: {  	[tilespmem:s10+$0xED30] =	vst v3  }
0x6e: {  	[tilespmem:s10+$0xED40] =	vst v3  }
0x6f: {  	[tilespmem:s10+$0xED50] =	vst v3  }
0x70: {  	[tilespmem:s10+$0xED60] =	vst v3  }
0x71: {  	[tilespmem:s10+$0xED70] =	vst v3  }
0x72: {  	[tilespmem:s10+$0xF100] =	vst v3  }
0x73: {  	[tilespmem:s10+$0xF110] =	vst v3  }
0x74: {  	[tilespmem:s10+$0xF120] =	vst v3  }
0x75: {  	[tilespmem:s10+$0xF130] =	vst v3  }
0x76: {  	[tilespmem:s10+$0xF140] =	vst v3  }
0x77: {  	[tilespmem:s10+$0xF150] =	vst v3  }
0x78: {  	[tilespmem:s10+$0xF160] =	vst v3  }
0x79: {  	[tilespmem:s10+$0xF170] =	vst v3  }
0x7a: {  	[tilespmem:s10+$0xF500] =	vst v3  }
0x7b: {  	[tilespmem:s10+$0xF510] =	vst v3  }
0x7c: {  	[tilespmem:s10+$0xF520] =	vst v3  }
0x7d: {  	[tilespmem:s10+$0xF530] =	vst v3  }
0x7e: {  	[tilespmem:s10+$0xF540] =	vst v3  }
0x7f: {  	[tilespmem:s10+$0xF550] =	vst v3  }
0x80: {  	[tilespmem:s10+$0xF560] =	vst v3  }
0x81: {  	[tilespmem:s10+$0xF570] =	vst v3  }
0x82: {  	[tilespmem:s10+$0xF900] =	vst v3  }
0x83: {  	[tilespmem:s10+$0xF910] =	vst v3  }
0x84: {  	[tilespmem:s10+$0xF920] =	vst v3  }
0x85: {  	[tilespmem:s10+$0xF930] =	vst v3  }
0x86: {  	[tilespmem:s10+$0xF940] =	vst v3  }
0x87: {  	[tilespmem:s10+$0xF950] =	vst v3  }
0x88: {  	[tilespmem:s10+$0xF960] =	vst v3  }
0x89: {  	[tilespmem:s10+$0xF970] =	vst v3  }
0x8a: {  	[tilespmem:s10+$0xFD00] =	vst v3  }
0x8b: {  	[tilespmem:s10+$0xFD10] =	vst v3  }
0x8c: {  	[tilespmem:s10+$0xFD20] =	vst v3  }
0x8d: {  	[tilespmem:s10+$0xFD30] =	vst v3  }
0x8e: {  	[tilespmem:s10+$0xFD40] =	vst v3  }
0x8f: {  	[tilespmem:s10+$0xFD50] =	vst v3  }
0x90: {  	s28 =	sadd.s32 $0x0, s14;
	[tilespmem:s10+$0xFD60] =	vst v3  }
0x91: {  	[hbm4b:s28+s2] =	stream.linear.scatter [tilespmem:s15], [sflag:$0x2], $0xA000, $0x38;
	[tilespmem:$0x18D00] =	vst v63  }
0x92: {  	_ =	swait.ge [sflag:s16], $0xA000  }
0x93: {  	s1 =	simm.s32 $0x1400;
	[sflag:s16] =	ssyncset.done $0x0  }
.LBB2_4:
0x94: {  	s10 =	sadd.s32 s1, s14;
	[sflag:s16] =	ssyncadd.s32 $0xFFFF6000;
	p1 =	sne.s32 s1, $0x60400  }
0x95: {  	[hbm4b:s10+s2] =	stream.linear.scatter [tilespmem:s15], [sflag:$0x2], $0xA000, $0x38;
	[tilespmem:$0x18D00] =	vst v63  }
.Ltmp3:
0x96: {  	_ = 	snop;
	(pc) =	sbr.rel @p1 .LBB2_4-.Ltmp3, $4  }
0x97: {  	_ = 	snop  }
0x98: {  	s1 =	sadd.s32 $0x1400, s1  }
0x99: {  	_ =	swait.ge [sflag:s16], $0xA000  }
0x9a: {  	[sflag:s16] =	ssyncset.done $0x0  }
0x9b: {  	[sflag:s16] =	ssyncadd.s32 $0xFFFF6000  }
0x9c: {  	s1 =	simm.s32 @!p0 $0x0;
	s10 =	simm.s32 @!p0 $0xED00;
	s11 =	rddreg [dreg:$0x3]  }
0x9d: {  	[hbm4b:s11+s1] =	stream.linear.scatter @!p0 [tilespmem:s10], [sflag:$0x2], $0x2800, $0x38;
	[tilespmem:$0x18D00] =	vst v63  }
0x9e: {  	s1 =	simm.s32 @!p0 $0x2  }
0x9f: {  	_ =	swait.ge @!p0 [sflag:s1], $0x2800  }
0xa0: {  	s10 =	simm.s32 $0x0;
	[sflag:s1] =	ssyncset.done @!p0 $0x0  }
0xa1: {  	s11 =	simm.s32 $0x0;
	[sflag:s1] =	ssyncadd.s32 @!p0 $0xFFFFD800;
	s1 =	simm.s32 $0x0  }
.LBB2_6:
0xa2: {  	s19 =	smul.u32 $0x190, s11;
	_ =	sdelay $0x1  }
0xa3: {  	s19 =	sadd.s32 s7, s19  }
0xa4: {  	s19 =	sshrl.u32 s19, $0x3  }
0xa5: {  	s21 =	sadd.s32 s3, s19  }
0xa6: {  	[tilespmem:s1], [sflag:$0x2] =	stream.linear.gather [hbm4b:s21+s1], $0x190, $0x38;
	[tilespmem:$0x18D00] =	vst v63  }
0xa7: {  	_ =	swait.ge [sflag:s16], $0x190  }
0xa8: {  	[sflag:s16] =	ssyncset.done $0x0  }
0xa9: {  	s19 =	sadd.s32 s4, s19;
	[sflag:s16] =	ssyncadd.s32 $0xFFFFFE70  }
0xaa: {  	[tilespmem:s17], [sflag:$0x2] =	stream.linear.gather [hbm4b:s19+s1], $0x190, $0x38;
	[tilespmem:$0x18D00] =	vst v63  }
0xab: {  	_ =	swait.ge [sflag:s16], $0x190  }
0xac: {  	[sflag:s16] =	ssyncset.done $0x0  }
0xad: {  	s28 =	simm.s32 $0x0;
	[sflag:s16] =	ssyncadd.s32 $0xFFFFFE70  }
0xae: {  	v17 =	vld [tilespmem:s28+$0x200];
	_ =	sdelay $0x1  }
0xaf: {  	v18 =	vld [tilespmem:s28+$0x0];
	_ =	sdelay $0x2  }
0xb0: {  	vm2 =	vge.s32 v17, v1;
	vm3 =	vlt.s32 v17, v2  }
0xb1: {  	v17 =	vshll.u32 v17, $0xE;
	vm2 =	vmand vm2, vm3  }
0xb2: {  	v17 =	vor.u32 v18, v17;
	v19 =	vmpcnt.ones.xlane vm2;
	v18 =	vsel vm2, v4, v0  }
0xb3: {  	(xrf1) =	vsort.ascd.msk.u32 $0xffff, v18, v17  }
0xb4: {  	(v2sf) =	vpush v19, $0x0;
	_ =	sdelay $0xb  }
0xb5: {  	s21 =	simm.s32 $0x80;
	s19 =	simm.s32 $0x40  }
.LBB2_7:
0xb6: {  	p1 =	sne.s32 s21, $0x600;
	_, v17, _ =	vpop (xrf1)  }
0xb7: {  	s22 =	sshra.s32 s19, $0x2;
	s19 =	smov.u32 s21;
	[tilespmem:s10+$0x400] =	vst v17  }
0xb8: {  	v17 =	vld [tilespmem:s22+$0x200];
	s23 =	spop (v2sf)  }
0xb9: {  	s10 =	sadd.s32 s10, s23  }
0xba: {  	v18 =	vld [tilespmem:s22+$0x0];
	_ =	sdelay $0x2  }
0xbb: {  	vm2 =	vge.s32 v17, v1;
	vm3 =	vlt.s32 v17, v2  }
0xbc: {  	v17 =	vshll.u32 v17, $0xE;
	vm2 =	vmand vm2, vm3  }
0xbd: {  	v17 =	vor.u32 v18, v17;
	v18 =	vsel vm2, v4, v0;
	v19 =	vmpcnt.ones.xlane vm2  }
0xbe: {  	(xrf1) =	vsort.ascd.msk.u32 $0xffff, v18, v17  }
0xbf: {  	(v2sf) =	vpush v19, $0x0;
	_ =	sdelay $0x7  }
.Ltmp4:
0xc0: {  	(pc) =	sbr.rel @p1 .LBB2_7-.Ltmp4, $2  }
0xc1: {  	_ =	sdelay $0x2  }
0xc2: {  	s21 =	sadd.s32 $0x40, s21  }
0xc3: {  	_, v17, _ =	vpop (xrf1)  }
0xc4: {  	s19 =	sshra.s32 s19, $0x2;
	[tilespmem:s10+$0x400] =	vst v17  }
0xc5: {  	v17 =	vld [tilespmem:s19+$0x200];
	_ =	sdelay $0x3  }
0xc6: {  	v18 =	vld [tilespmem:s19+$0x0]  }
0xc7: {  	vm2 =	vge.s32 v17, v1;
	vm3 =	vlt.s32 v17, v2  }
0xc8: {  	vm2 =	vmand vm2, vm3  }
0xc9: {  	v19 =	vmpcnt.ones.xlane vm2  }
0xca: {  	v17 =	vshll.u32 v17, $0xE  }
0xcb: {  	v17 =	vor.u32 v18, v17;
	v18 =	vsel vm2, v4, v0;
	(v2sf) =	vpush v19, $0x0  }
0xcc: {  	(xrf1) =	vsort.ascd.msk.u32 $0xffff, v18, v17;
	_ =	sdelay $0x8  }
0xcd: {  	s11 =	sadd.s32 $0x1, s11  }
0xce: {  	p1 =	sne.s32 s11, $0x19  }
.Ltmp5:
0xcf: {  	_ = 	snop;
	(pc) =	sbr.rel @p1 .LBB2_6-.Ltmp5, $4  }
0xd0: {  	_ = 	snop  }
0xd1: {  	s25 =	spop (v2sf)  }
0xd2: {  	s26 =	sadd.s32 s10, s25;
	_, v17, _ =	vpop (xrf1);
	s28 =	spop (v2sf)  }
0xd3: {  	[tilespmem:s26+$0x400] =	vst v17;
	s10 =	sadd.s32 s26, s28  }
0xd4: {  	s1 =	sadd.s32 $0x3F, s10  }
0xd5: {  	s1 =	sshra.s32 s1, $0x6  }
0xd6: {  	[tilespmem:s10+$0x400] =	vst v5;
	p1 =	slt.s32 s1, $0x1  }
.Ltmp6:
0xd7: {  	[tilespmem:s10+$0x410] =	vst v5;
	(pc) =	sbr.rel @p1 .LBB2_13-.Ltmp6, $4  }
0xd8: {  	[tilespmem:s10+$0x420] =	vst v5  }
0xd9: {  	[tilespmem:s10+$0x430] =	vst v5  }
0xda: {  	[bflag:$0x0] =	sbarrier.arrive $0xFFFF  }
0xdb: {  	s10 =	simm.s32 $0x0;
	s11 =	simm.s32 $0x0  }
.LBB2_10:
0xdc: {  	s19 =	sshll.u32 s11, $0x8  }
0xdd: {  	s19 =	sshra.s32 s19, $0x2  }
0xde: {  	v17 =	vld [tilespmem:s19+$0x400];
	_ =	sdelay $0x4  }
0xdf: {  	v18 =	vshra.s32 v17, $0xE;
	v17 =	vand.u32 $0x3FFF, v17  }
0xe0: {  	vm2 =	vlt.s32 v18, $0x270F;
	[tilespmem:$0x2B80] =	vst v17  }
0xe1: {  	[tilespmem:$0x2C80] =	vst v18;
	v17 =	vnsel vm2, $0x270F, v18  }
0xe2: {  	[tilespmem:$0x2C00] =	vst v17  }
0xe3: {  	v17 =	vld [tilespmem:s19+$0x410];
	_ =	sdelay $0x4  }
0xe4: {  	v18 =	vshra.s32 v17, $0xE;
	v17 =	vand.u32 $0x3FFF, v17  }
0xe5: {  	vm2 =	vlt.s32 v18, $0x270F;
	[tilespmem:$0x2B90] =	vst v17  }
0xe6: {  	[tilespmem:$0x2C90] =	vst v18;
	v17 =	vnsel vm2, $0x270F, v18  }
0xe7: {  	[tilespmem:$0x2C10] =	vst v17  }
0xe8: {  	v17 =	vld [tilespmem:s19+$0x420];
	_ =	sdelay $0x4  }
0xe9: {  	v18 =	vshra.s32 v17, $0xE;
	v17 =	vand.u32 $0x3FFF, v17  }
0xea: {  	vm2 =	vlt.s32 v18, $0x270F;
	[tilespmem:$0x2BA0] =	vst v17  }
0xeb: {  	[tilespmem:$0x2CA0] =	vst v18;
	v17 =	vnsel vm2, $0x270F, v18  }
0xec: {  	[tilespmem:$0x2C20] =	vst v17  }
0xed: {  	v17 =	vld [tilespmem:s19+$0x430];
	_ =	sdelay $0x4  }
0xee: {  	v18 =	vshra.s32 v17, $0xE;
	v17 =	vand.u32 $0x3FFF, v17  }
0xef: {  	vm2 =	vlt.s32 v18, $0x270F;
	[tilespmem:$0x2BB0] =	vst v17  }
0xf0: {  	[tilespmem:$0x2CB0] =	vst v18;
	v17 =	vnsel vm2, $0x270F, v18  }
0xf1: {  	s21 =	simm.s32 $0x2B80;
	s19 =	simm.s32 $0x2D00;
	[tilespmem:$0x2C30] =	vst v17  }
0xf2: {  	[tilespmem:s19], [sflag:$0x1] =	stream.indirect.gather [hbm4b:s5+s18], $0x80, s21, s18, $0xb8;
	[tilespmem:$0x18D00] =	vst v63  }
0xf3: {  	_ =	swait.ge [sflag:s20], $0x2000  }
0xf4: {  	[sflag:s20] =	ssyncset.done $0x0  }
0xf5: {  	s28 =	simm.s32 $0x2C00;
	s22 =	simm.s32 $0x4D00;
	[sflag:s20] =	ssyncadd.s32 $0xFFFFE000  }
0xf6: {  	[tilespmem:s22], [sflag:$0x1] =	stream.indirect.gather [hbm4b:s5+s18], $0x80, s28, s18, $0xb8;
	[tilespmem:$0x18D00] =	vst v63  }
0xf7: {  	_ =	swait.ge [sflag:s20], $0x2000  }
0xf8: {  	[sflag:s20] =	ssyncset.done $0x0  }
0xf9: {  	[sflag:s20] =	ssyncadd.s32 $0xFFFFE000  }
0xfa: {  	v17 =	vld [tilespmem:$0x2B80];
	_ =	sdelay $0x4  }
0xfb: {  	v18 =	vshll.u32 v17, $0x2  }
0xfc: {  	v17 =	vand.u32 $0x7, v17;
	v18 =	vand.u32 $0xFFFFFFE0, v18  }
0xfd: {  	v17 =	vor.u32 v17, v18  }
0xfe: {  	v18 =	vperm.xlane v17, v6;
	_ =	sdelay $0x1  }
0xff: {  	v18 =	vadd.s32 v7, v18;
	_ =	sdelay $0x1  }
0x100: {  	v17 =	vperm.xlane v17, v8;
	_ =	sdelay $0x1  }
0x101: {  	s23 =	simm.s32 $0x6D00;
	v17 =	vadd.s32 v7, v17  }
0x102: {  	[tilespmem:s23], [sflag:$0x1] =	stream.indirect_vreg.gather [hbm4b:s6+s10], $0x80, v18, vm0, $0xb8;
	[tilespmem:$0x18D00] =	vst v63  }
0x103: {  	s24 =	simm.s32 $0x7500  }
0x104: {  	[tilespmem:s24], [sflag:$0x1] =	stream.indirect_vreg.gather [hbm4b:s9+s10], $0x80, v18, vm0, $0xb8;
	[tilespmem:$0x18D00] =	vst v63  }
0x105: {  	s25 =	simm.s32 $0x7D00  }
0x106: {  	[tilespmem:s25], [sflag:$0x1] =	stream.indirect_vreg.gather [hbm4b:s6+s10], $0x80, v17, vm0, $0xb8;
	[tilespmem:$0x18D00] =	vst v63  }
0x107: {  	s26 =	simm.s32 $0x8500  }
0x108: {  	[tilespmem:s26], [sflag:$0x1] =	stream.indirect_vreg.gather [hbm4b:s9+s10], $0x80, v17, vm0, $0xb8;
	[tilespmem:$0x18D00] =	vst v63  }
0x109: {  	v17 =	vld [tilespmem:$0x2B90];
	_ =	sdelay $0x4  }
0x10a: {  	v18 =	vshll.u32 v17, $0x2  }
0x10b: {  	v17 =	vand.u32 $0x7, v17;
	v18 =	vand.u32 $0xFFFFFFE0, v18  }
0x10c: {  	v17 =	vor.u32 v17, v18  }
0x10d: {  	v18 =	vperm.xlane v17, v6;
	_ =	sdelay $0x1  }
0x10e: {  	v18 =	vadd.s32 v7, v18;
	_ =	sdelay $0x1  }
0x10f: {  	v17 =	vperm.xlane v17, v8;
	_ =	sdelay $0x1  }
0x110: {  	s28 =	simm.s32 $0x8D00;
	v17 =	vadd.s32 v7, v17  }
0x111: {  	[tilespmem:s28], [sflag:$0x1] =	stream.indirect_vreg.gather [hbm4b:s6+s10], $0x80, v18, vm0, $0xb8;
	[tilespmem:$0x18D00] =	vst v63  }
0x112: {  	s22 =	simm.s32 $0x9500  }
0x113: {  	[tilespmem:s22], [sflag:$0x1] =	stream.indirect_vreg.gather [hbm4b:s9+s10], $0x80, v18, vm0, $0xb8;
	[tilespmem:$0x18D00] =	vst v63  }
0x114: {  	s23 =	simm.s32 $0x9D00  }
0x115: {  	[tilespmem:s23], [sflag:$0x1] =	stream.indirect_vreg.gather [hbm4b:s6+s10], $0x80, v17, vm0, $0xb8;
	[tilespmem:$0x18D00] =	vst v63  }
0x116: {  	s24 =	simm.s32 $0xA500  }
0x117: {  	[tilespmem:s24], [sflag:$0x1] =	stream.indirect_vreg.gather [hbm4b:s9+s10], $0x80, v17, vm0, $0xb8;
	[tilespmem:$0x18D00] =	vst v63  }
0x118: {  	v17 =	vld [tilespmem:$0x2BA0];
	_ =	sdelay $0x4  }
0x119: {  	v18 =	vshll.u32 v17, $0x2  }
0x11a: {  	v17 =	vand.u32 $0x7, v17;
	v18 =	vand.u32 $0xFFFFFFE0, v18  }
0x11b: {  	v17 =	vor.u32 v17, v18  }
0x11c: {  	v18 =	vperm.xlane v17, v6;
	_ =	sdelay $0x1  }
0x11d: {  	v18 =	vadd.s32 v7, v18;
	_ =	sdelay $0x1  }
0x11e: {  	v17 =	vperm.xlane v17, v8;
	_ =	sdelay $0x1  }
0x11f: {  	s25 =	simm.s32 $0xAD00;
	v17 =	vadd.s32 v7, v17  }
0x120: {  	[tilespmem:s25], [sflag:$0x1] =	stream.indirect_vreg.gather [hbm4b:s6+s10], $0x80, v18, vm0, $0xb8;
	[tilespmem:$0x18D00] =	vst v63  }
0x121: {  	s26 =	simm.s32 $0xB500  }
0x122: {  	[tilespmem:s26], [sflag:$0x1] =	stream.indirect_vreg.gather [hbm4b:s9+s10], $0x80, v18, vm0, $0xb8;
	[tilespmem:$0x18D00] =	vst v63  }
0x123: {  	s28 =	simm.s32 $0xBD00  }
0x124: {  	[tilespmem:s28], [sflag:$0x1] =	stream.indirect_vreg.gather [hbm4b:s6+s10], $0x80, v17, vm0, $0xb8;
	[tilespmem:$0x18D00] =	vst v63  }
0x125: {  	s22 =	simm.s32 $0xC500  }
0x126: {  	[tilespmem:s22], [sflag:$0x1] =	stream.indirect_vreg.gather [hbm4b:s9+s10], $0x80, v17, vm0, $0xb8;
	[tilespmem:$0x18D00] =	vst v63  }
0x127: {  	v17 =	vld [tilespmem:$0x2BB0];
	_ =	sdelay $0x4  }
0x128: {  	v18 =	vshll.u32 v17, $0x2  }
0x129: {  	v17 =	vand.u32 $0x7, v17;
	v18 =	vand.u32 $0xFFFFFFE0, v18  }
0x12a: {  	v17 =	vor.u32 v17, v18  }
0x12b: {  	v18 =	vperm.xlane v17, v6;
	_ =	sdelay $0x1  }
0x12c: {  	v18 =	vadd.s32 v7, v18;
	_ =	sdelay $0x1  }
0x12d: {  	v17 =	vperm.xlane v17, v8;
	_ =	sdelay $0x1  }
0x12e: {  	s23 =	simm.s32 $0xCD00;
	v17 =	vadd.s32 v7, v17  }
0x12f: {  	[tilespmem:s23], [sflag:$0x1] =	stream.indirect_vreg.gather [hbm4b:s6+s10], $0x80, v18, vm0, $0xb8;
	[tilespmem:$0x18D00] =	vst v63  }
0x130: {  	s24 =	simm.s32 $0xD500  }
0x131: {  	[tilespmem:s24], [sflag:$0x1] =	stream.indirect_vreg.gather [hbm4b:s9+s10], $0x80, v18, vm0, $0xb8;
	[tilespmem:$0x18D00] =	vst v63  }
0x132: {  	s25 =	simm.s32 $0xDD00  }
0x133: {  	[tilespmem:s25], [sflag:$0x1] =	stream.indirect_vreg.gather [hbm4b:s6+s10], $0x80, v17, vm0, $0xb8;
	[tilespmem:$0x18D00] =	vst v63  }
0x134: {  	s26 =	simm.s32 $0xE500  }
0x135: {  	[tilespmem:s26], [sflag:$0x1] =	stream.indirect_vreg.gather [hbm4b:s9+s10], $0x80, v17, vm0, $0xb8;
	[tilespmem:$0x18D00] =	vst v63  }
0x136: {  	_ =	swait.ge [sflag:s20], $0x8000  }
0x137: {  	[sflag:s20] =	ssyncset.done $0x0  }
0x138: {  	[sflag:s20] =	ssyncadd.s32 $0xFFFF8000  }
0x139: {  	s21 =	simm.s32 $0x4D10;
	v17 =	vld [tilespmem:s19+$0x0]  }
0x13a: {  	v18 =	vld [tilespmem:s21+$0x0];
	_ =	sdelay $0x4  }
0x13b: {  	v17 =	vadd.f32 v18, v17;
	_ =	sdelay $0x1  }
0x13c: {  	v18 =	vmul.f32 $2.000000030e-01, v17;
	_ =	sdelay $0x1  }
0x13d: {  	v17 =	vmax.f32 v17, v18  }
0x13e: {  	v17 =	vmul.f32 $1.442695020e+00, v17;
	_ =	sdelay $0x1  }
0x13f: {  	(erf) = vpow2.f32 v17;
	_ =	sdelay $0x4  }
0x140: {  	s28 =	simm.s32 $0x0  }
0x141: {  	s22 =	smul.u32 $0x5000, s28;
	_ =	sdelay $0x1  }
0x142: {  	s22 =	sshra.s32 s22, $0x2;
	s23 =	sand.u32 $0x380, s10;
	s24 =	simm.s32 $0x0  }
0x143: {  	s22 =	sor.u32 s23, s22;
	s24 =	sand.u32 $0x3FFFF000, s24;
	v17 =	vpop (erf)  }
0x144: {  	s23 =	sor.u32 s23, s24;
	[tilespmem:s22+$0xED00] =	vst v17  }
0x145: {  	v18 =	vld [tilespmem:s23+$0x6D00];
	_ =	sdelay $0x2  }
0x146: {  	v19 =	vperm.xlane v17, v9;
	_ =	sdelay $0x1  }
0x147: {  	v18 =	vmul.f32 v18, v19;
	_ =	sdelay $0x1  }
0x148: {  	[tilespmem:s22+$0xF100] =	vst v18  }
0x149: {  	v18 =	vld [tilespmem:s23+$0x6D10];
	_ =	sdelay $0x4  }
0x14a: {  	v18 =	vmul.f32 v18, v19;
	_ =	sdelay $0x1  }
0x14b: {  	[tilespmem:s22+$0xF110] =	vst v18  }
0x14c: {  	v18 =	vld [tilespmem:s23+$0x6D20];
	_ =	sdelay $0x4  }
0x14d: {  	v18 =	vmul.f32 v18, v19;
	_ =	sdelay $0x1  }
0x14e: {  	[tilespmem:s22+$0xF120] =	vst v18  }
0x14f: {  	v18 =	vld [tilespmem:s23+$0x6D30];
	_ =	sdelay $0x4  }
0x150: {  	v18 =	vmul.f32 v18, v19;
	_ =	sdelay $0x1  }
0x151: {  	[tilespmem:s22+$0xF130] =	vst v18  }
0x152: {  	v18 =	vld [tilespmem:s23+$0x6D40];
	_ =	sdelay $0x2  }
0x153: {  	v19 =	vperm.xlane v17, v10;
	_ =	sdelay $0x1  }
0x154: {  	v18 =	vmul.f32 v18, v19;
	_ =	sdelay $0x1  }
0x155: {  	[tilespmem:s22+$0xF140] =	vst v18  }
0x156: {  	v18 =	vld [tilespmem:s23+$0x6D50];
	_ =	sdelay $0x4  }
0x157: {  	v18 =	vmul.f32 v18, v19;
	_ =	sdelay $0x1  }
0x158: {  	[tilespmem:s22+$0xF150] =	vst v18  }
0x159: {  	v18 =	vld [tilespmem:s23+$0x6D60];
	_ =	sdelay $0x4  }
0x15a: {  	v18 =	vmul.f32 v18, v19;
	_ =	sdelay $0x1  }
0x15b: {  	[tilespmem:s22+$0xF160] =	vst v18  }
0x15c: {  	v18 =	vld [tilespmem:s23+$0x6D70];
	_ =	sdelay $0x4  }
0x15d: {  	v18 =	vmul.f32 v18, v19;
	_ =	sdelay $0x1  }
0x15e: {  	[tilespmem:s22+$0xF170] =	vst v18  }
0x15f: {  	v18 =	vld [tilespmem:s23+$0x7100];
	_ =	sdelay $0x2  }
0x160: {  	v19 =	vperm.xlane v17, v11;
	_ =	sdelay $0x1  }
0x161: {  	v18 =	vmul.f32 v18, v19;
	_ =	sdelay $0x1  }
0x162: {  	[tilespmem:s22+$0xF500] =	vst v18  }
0x163: {  	v18 =	vld [tilespmem:s23+$0x7110];
	_ =	sdelay $0x4  }
0x164: {  	v18 =	vmul.f32 v18, v19;
	_ =	sdelay $0x1  }
0x165: {  	[tilespmem:s22+$0xF510] =	vst v18  }
0x166: {  	v18 =	vld [tilespmem:s23+$0x7120];
	_ =	sdelay $0x4  }
0x167: {  	v18 =	vmul.f32 v18, v19;
	_ =	sdelay $0x1  }
0x168: {  	[tilespmem:s22+$0xF520] =	vst v18  }
0x169: {  	v18 =	vld [tilespmem:s23+$0x7130];
	_ =	sdelay $0x4  }
0x16a: {  	v18 =	vmul.f32 v18, v19;
	_ =	sdelay $0x1  }
0x16b: {  	[tilespmem:s22+$0xF530] =	vst v18  }
0x16c: {  	v18 =	vld [tilespmem:s23+$0x7140];
	_ =	sdelay $0x2  }
0x16d: {  	v19 =	vperm.xlane v17, v12;
	_ =	sdelay $0x1  }
0x16e: {  	v18 =	vmul.f32 v18, v19;
	_ =	sdelay $0x1  }
0x16f: {  	[tilespmem:s22+$0xF540] =	vst v18  }
0x170: {  	v18 =	vld [tilespmem:s23+$0x7150];
	_ =	sdelay $0x4  }
0x171: {  	v18 =	vmul.f32 v18, v19;
	_ =	sdelay $0x1  }
0x172: {  	[tilespmem:s22+$0xF550] =	vst v18  }
0x173: {  	v18 =	vld [tilespmem:s23+$0x7160];
	_ =	sdelay $0x4  }
0x174: {  	v18 =	vmul.f32 v18, v19;
	_ =	sdelay $0x1  }
0x175: {  	[tilespmem:s22+$0xF560] =	vst v18  }
0x176: {  	v18 =	vld [tilespmem:s23+$0x7170];
	_ =	sdelay $0x4  }
0x177: {  	v18 =	vmul.f32 v18, v19;
	_ =	sdelay $0x1  }
0x178: {  	[tilespmem:s22+$0xF570] =	vst v18  }
0x179: {  	v18 =	vld [tilespmem:s23+$0x7500];
	_ =	sdelay $0x2  }
0x17a: {  	v19 =	vperm.xlane v17, v13;
	_ =	sdelay $0x1  }
0x17b: {  	v18 =	vmul.f32 v18, v19;
	_ =	sdelay $0x1  }
0x17c: {  	[tilespmem:s22+$0xF900] =	vst v18  }
0x17d: {  	v18 =	vld [tilespmem:s23+$0x7510];
	_ =	sdelay $0x4  }
0x17e: {  	v18 =	vmul.f32 v18, v19;
	_ =	sdelay $0x1  }
0x17f: {  	[tilespmem:s22+$0xF910] =	vst v18  }
0x180: {  	v18 =	vld [tilespmem:s23+$0x7520];
	_ =	sdelay $0x4  }
0x181: {  	v18 =	vmul.f32 v18, v19;
	_ =	sdelay $0x1  }
0x182: {  	[tilespmem:s22+$0xF920] =	vst v18  }
0x183: {  	v18 =	vld [tilespmem:s23+$0x7530];
	_ =	sdelay $0x4  }
0x184: {  	v18 =	vmul.f32 v18, v19;
	_ =	sdelay $0x1  }
0x185: {  	[tilespmem:s22+$0xF930] =	vst v18  }
0x186: {  	v18 =	vld [tilespmem:s23+$0x7540];
	_ =	sdelay $0x2  }
0x187: {  	v19 =	vperm.xlane v17, v14;
	_ =	sdelay $0x1  }
0x188: {  	v18 =	vmul.f32 v18, v19;
	_ =	sdelay $0x1  }
0x189: {  	[tilespmem:s22+$0xF940] =	vst v18  }
0x18a: {  	v18 =	vld [tilespmem:s23+$0x7550];
	_ =	sdelay $0x4  }
0x18b: {  	v18 =	vmul.f32 v18, v19;
	_ =	sdelay $0x1  }
0x18c: {  	[tilespmem:s22+$0xF950] =	vst v18  }
0x18d: {  	v18 =	vld [tilespmem:s23+$0x7560];
	_ =	sdelay $0x4  }
0x18e: {  	v18 =	vmul.f32 v18, v19;
	_ =	sdelay $0x1  }
0x18f: {  	[tilespmem:s22+$0xF960] =	vst v18  }
0x190: {  	v18 =	vld [tilespmem:s23+$0x7570];
	_ =	sdelay $0x4  }
0x191: {  	v18 =	vmul.f32 v18, v19;
	_ =	sdelay $0x1  }
0x192: {  	[tilespmem:s22+$0xF970] =	vst v18  }
0x193: {  	v18 =	vld [tilespmem:s23+$0x7900];
	_ =	sdelay $0x2  }
0x194: {  	v19 =	vperm.xlane v17, v15;
	_ =	sdelay $0x1  }
0x195: {  	v18 =	vmul.f32 v18, v19;
	_ =	sdelay $0x1  }
0x196: {  	[tilespmem:s22+$0xFD00] =	vst v18  }
0x197: {  	v18 =	vld [tilespmem:s23+$0x7910];
	_ =	sdelay $0x4  }
0x198: {  	v18 =	vmul.f32 v18, v19;
	_ =	sdelay $0x1  }
0x199: {  	[tilespmem:s22+$0xFD10] =	vst v18  }
0x19a: {  	v18 =	vld [tilespmem:s23+$0x7920];
	_ =	sdelay $0x4  }
0x19b: {  	v18 =	vmul.f32 v18, v19;
	_ =	sdelay $0x1  }
0x19c: {  	[tilespmem:s22+$0xFD20] =	vst v18  }
0x19d: {  	v18 =	vld [tilespmem:s23+$0x7930];
	_ =	sdelay $0x4  }
0x19e: {  	v18 =	vmul.f32 v18, v19;
	_ =	sdelay $0x1  }
0x19f: {  	[tilespmem:s22+$0xFD30] =	vst v18  }
0x1a0: {  	v18 =	vld [tilespmem:s23+$0x7940];
	_ =	sdelay $0x2  }
0x1a1: {  	v17 =	vperm.xlane v17, v16;
	_ =	sdelay $0x1  }
0x1a2: {  	v18 =	vmul.f32 v18, v17;
	_ =	sdelay $0x1  }
0x1a3: {  	[tilespmem:s22+$0xFD40] =	vst v18  }
0x1a4: {  	v18 =	vld [tilespmem:s23+$0x7950];
	_ =	sdelay $0x4  }
0x1a5: {  	v18 =	vmul.f32 v18, v17;
	_ =	sdelay $0x1  }
0x1a6: {  	[tilespmem:s22+$0xFD50] =	vst v18  }
0x1a7: {  	v18 =	vld [tilespmem:s23+$0x7960];
	_ =	sdelay $0x4  }
0x1a8: {  	v18 =	vmul.f32 v18, v17;
	_ =	sdelay $0x1  }
0x1a9: {  	[tilespmem:s22+$0xFD60] =	vst v18  }
0x1aa: {  	v18 =	vld [tilespmem:s23+$0x7970];
	_ =	sdelay $0x4  }
0x1ab: {  	s24 =	simm.s32 $0x0;
	s23 =	simm.s32 $0x1;
	v17 =	vmul.f32 v18, v17  }
.LBB2_11:
0x1ac: {  	_ = 	snop  }
0x1ad: {  	s24 =	sadd.s32 $0x80, s24;
	s21 =	sadd.s32 $0x80, s21;
	s19 =	sadd.s32 $0x80, s19;
	[tilespmem:s22+$0xFD70] =	vst v17  }
0x1ae: {  	p1 =	sne.s32 s23, $0x3F;
	s22 =	smov.u32 s23;
	s23 =	sadd.s32 $0x1, s23;
	v17 =	vld [tilespmem:s19+$0x0]  }
0x1af: {  	v18 =	vld [tilespmem:s21+$0x0];
	_ =	sdelay $0x4  }
0x1b0: {  	v17 =	vadd.f32 v18, v17;
	_ =	sdelay $0x1  }
0x1b1: {  	v18 =	vmul.f32 $2.000000030e-01, v17;
	_ =	sdelay $0x1  }
0x1b2: {  	v17 =	vmax.f32 v17, v18  }
0x1b3: {  	v17 =	vmul.f32 $1.442695020e+00, v17;
	_ =	sdelay $0x1  }
0x1b4: {  	(erf) = vpow2.f32 v17;
	_ =	sdelay $0x4  }
0x1b5: {  	s25 =	sshrl.u32 s22, $0x3  }
0x1b6: {  	s25 =	smul.u32 $0x5000, s25;
	_ =	sdelay $0x1  }
0x1b7: {  	s26 =	sand.u32 $0x380, s24;
	s28 =	sshll.u32 s22, $0x9;
	s25 =	sshra.s32 s25, $0x2  }
0x1b8: {  	s22 =	sor.u32 s26, s25;
	s25 =	sand.u32 $0x3FFFF000, s28;
	v17 =	vpop (erf)  }
0x1b9: {  	s25 =	sor.u32 s26, s25;
	[tilespmem:s22+$0xED00] =	vst v17  }
0x1ba: {  	v18 =	vld [tilespmem:s25+$0x6D00];
	_ =	sdelay $0x2  }
0x1bb: {  	v19 =	vperm.xlane v17, v9;
	_ =	sdelay $0x1  }
0x1bc: {  	v18 =	vmul.f32 v18, v19;
	_ =	sdelay $0x1  }
0x1bd: {  	[tilespmem:s22+$0xF100] =	vst v18  }
0x1be: {  	v18 =	vld [tilespmem:s25+$0x6D10];
	_ =	sdelay $0x4  }
0x1bf: {  	v18 =	vmul.f32 v18, v19;
	_ =	sdelay $0x1  }
0x1c0: {  	[tilespmem:s22+$0xF110] =	vst v18  }
0x1c1: {  	v18 =	vld [tilespmem:s25+$0x6D20];
	_ =	sdelay $0x4  }
0x1c2: {  	v18 =	vmul.f32 v18, v19;
	_ =	sdelay $0x1  }
0x1c3: {  	[tilespmem:s22+$0xF120] =	vst v18  }
0x1c4: {  	v18 =	vld [tilespmem:s25+$0x6D30];
	_ =	sdelay $0x4  }
0x1c5: {  	v18 =	vmul.f32 v18, v19;
	_ =	sdelay $0x1  }
0x1c6: {  	[tilespmem:s22+$0xF130] =	vst v18  }
0x1c7: {  	v18 =	vld [tilespmem:s25+$0x6D40];
	_ =	sdelay $0x2  }
0x1c8: {  	v19 =	vperm.xlane v17, v10;
	_ =	sdelay $0x1  }
0x1c9: {  	v18 =	vmul.f32 v18, v19;
	_ =	sdelay $0x1  }
0x1ca: {  	[tilespmem:s22+$0xF140] =	vst v18  }
0x1cb: {  	v18 =	vld [tilespmem:s25+$0x6D50];
	_ =	sdelay $0x4  }
0x1cc: {  	v18 =	vmul.f32 v18, v19;
	_ =	sdelay $0x1  }
0x1cd: {  	[tilespmem:s22+$0xF150] =	vst v18  }
0x1ce: {  	v18 =	vld [tilespmem:s25+$0x6D60];
	_ =	sdelay $0x4  }
0x1cf: {  	v18 =	vmul.f32 v18, v19;
	_ =	sdelay $0x1  }
0x1d0: {  	[tilespmem:s22+$0xF160] =	vst v18  }
0x1d1: {  	v18 =	vld [tilespmem:s25+$0x6D70];
	_ =	sdelay $0x4  }
0x1d2: {  	v18 =	vmul.f32 v18, v19;
	_ =	sdelay $0x1  }
0x1d3: {  	[tilespmem:s22+$0xF170] =	vst v18  }
0x1d4: {  	v18 =	vld [tilespmem:s25+$0x7100];
	_ =	sdelay $0x2  }
0x1d5: {  	v19 =	vperm.xlane v17, v11;
	_ =	sdelay $0x1  }
0x1d6: {  	v18 =	vmul.f32 v18, v19;
	_ =	sdelay $0x1  }
0x1d7: {  	[tilespmem:s22+$0xF500] =	vst v18  }
0x1d8: {  	v18 =	vld [tilespmem:s25+$0x7110];
	_ =	sdelay $0x4  }
0x1d9: {  	v18 =	vmul.f32 v18, v19;
	_ =	sdelay $0x1  }
0x1da: {  	[tilespmem:s22+$0xF510] =	vst v18  }
0x1db: {  	v18 =	vld [tilespmem:s25+$0x7120];
	_ =	sdelay $0x4  }
0x1dc: {  	v18 =	vmul.f32 v18, v19;
	_ =	sdelay $0x1  }
0x1dd: {  	[tilespmem:s22+$0xF520] =	vst v18  }
0x1de: {  	v18 =	vld [tilespmem:s25+$0x7130];
	_ =	sdelay $0x4  }
0x1df: {  	v18 =	vmul.f32 v18, v19;
	_ =	sdelay $0x1  }
0x1e0: {  	[tilespmem:s22+$0xF530] =	vst v18  }
0x1e1: {  	v18 =	vld [tilespmem:s25+$0x7140];
	_ =	sdelay $0x2  }
0x1e2: {  	v19 =	vperm.xlane v17, v12;
	_ =	sdelay $0x1  }
0x1e3: {  	v18 =	vmul.f32 v18, v19;
	_ =	sdelay $0x1  }
0x1e4: {  	[tilespmem:s22+$0xF540] =	vst v18  }
0x1e5: {  	v18 =	vld [tilespmem:s25+$0x7150];
	_ =	sdelay $0x4  }
0x1e6: {  	v18 =	vmul.f32 v18, v19;
	_ =	sdelay $0x1  }
0x1e7: {  	[tilespmem:s22+$0xF550] =	vst v18  }
0x1e8: {  	v18 =	vld [tilespmem:s25+$0x7160];
	_ =	sdelay $0x4  }
0x1e9: {  	v18 =	vmul.f32 v18, v19;
	_ =	sdelay $0x1  }
0x1ea: {  	[tilespmem:s22+$0xF560] =	vst v18  }
0x1eb: {  	v18 =	vld [tilespmem:s25+$0x7170];
	_ =	sdelay $0x4  }
0x1ec: {  	v18 =	vmul.f32 v18, v19;
	_ =	sdelay $0x1  }
0x1ed: {  	[tilespmem:s22+$0xF570] =	vst v18  }
0x1ee: {  	v18 =	vld [tilespmem:s25+$0x7500];
	_ =	sdelay $0x2  }
0x1ef: {  	v19 =	vperm.xlane v17, v13;
	_ =	sdelay $0x1  }
0x1f0: {  	v18 =	vmul.f32 v18, v19;
	_ =	sdelay $0x1  }
0x1f1: {  	[tilespmem:s22+$0xF900] =	vst v18  }
0x1f2: {  	v18 =	vld [tilespmem:s25+$0x7510];
	_ =	sdelay $0x4  }
0x1f3: {  	v18 =	vmul.f32 v18, v19;
	_ =	sdelay $0x1  }
0x1f4: {  	[tilespmem:s22+$0xF910] =	vst v18  }
0x1f5: {  	v18 =	vld [tilespmem:s25+$0x7520];
	_ =	sdelay $0x4  }
0x1f6: {  	v18 =	vmul.f32 v18, v19;
	_ =	sdelay $0x1  }
0x1f7: {  	[tilespmem:s22+$0xF920] =	vst v18  }
0x1f8: {  	v18 =	vld [tilespmem:s25+$0x7530];
	_ =	sdelay $0x4  }
0x1f9: {  	v18 =	vmul.f32 v18, v19;
	_ =	sdelay $0x1  }
0x1fa: {  	[tilespmem:s22+$0xF930] =	vst v18  }
0x1fb: {  	v18 =	vld [tilespmem:s25+$0x7540];
	_ =	sdelay $0x2  }
0x1fc: {  	v19 =	vperm.xlane v17, v14;
	_ =	sdelay $0x1  }
0x1fd: {  	v18 =	vmul.f32 v18, v19;
	_ =	sdelay $0x1  }
0x1fe: {  	[tilespmem:s22+$0xF940] =	vst v18  }
0x1ff: {  	v18 =	vld [tilespmem:s25+$0x7550];
	_ =	sdelay $0x4  }
0x200: {  	v18 =	vmul.f32 v18, v19;
	_ =	sdelay $0x1  }
0x201: {  	[tilespmem:s22+$0xF950] =	vst v18  }
0x202: {  	v18 =	vld [tilespmem:s25+$0x7560];
	_ =	sdelay $0x4  }
0x203: {  	v18 =	vmul.f32 v18, v19;
	_ =	sdelay $0x1  }
0x204: {  	[tilespmem:s22+$0xF960] =	vst v18  }
0x205: {  	v18 =	vld [tilespmem:s25+$0x7570];
	_ =	sdelay $0x4  }
0x206: {  	v18 =	vmul.f32 v18, v19;
	_ =	sdelay $0x1  }
0x207: {  	[tilespmem:s22+$0xF970] =	vst v18  }
0x208: {  	v18 =	vld [tilespmem:s25+$0x7900];
	_ =	sdelay $0x2  }
0x209: {  	v19 =	vperm.xlane v17, v15;
	_ =	sdelay $0x1  }
0x20a: {  	v18 =	vmul.f32 v18, v19;
	_ =	sdelay $0x1  }
0x20b: {  	[tilespmem:s22+$0xFD00] =	vst v18  }
0x20c: {  	v18 =	vld [tilespmem:s25+$0x7910];
	_ =	sdelay $0x4  }
0x20d: {  	v18 =	vmul.f32 v18, v19;
	_ =	sdelay $0x1  }
0x20e: {  	[tilespmem:s22+$0xFD10] =	vst v18  }
0x20f: {  	v18 =	vld [tilespmem:s25+$0x7920];
	_ =	sdelay $0x4  }
0x210: {  	v18 =	vmul.f32 v18, v19;
	_ =	sdelay $0x1  }
0x211: {  	[tilespmem:s22+$0xFD20] =	vst v18  }
0x212: {  	v18 =	vld [tilespmem:s25+$0x7930];
	_ =	sdelay $0x4  }
0x213: {  	v18 =	vmul.f32 v18, v19;
	_ =	sdelay $0x1  }
0x214: {  	[tilespmem:s22+$0xFD30] =	vst v18  }
0x215: {  	v18 =	vld [tilespmem:s25+$0x7940];
	_ =	sdelay $0x2  }
0x216: {  	v17 =	vperm.xlane v17, v16;
	_ =	sdelay $0x1  }
0x217: {  	v18 =	vmul.f32 v18, v17;
	_ =	sdelay $0x1  }
0x218: {  	[tilespmem:s22+$0xFD40] =	vst v18  }
0x219: {  	v18 =	vld [tilespmem:s25+$0x7950];
	_ =	sdelay $0x4  }
0x21a: {  	v18 =	vmul.f32 v18, v17;
	_ =	sdelay $0x1  }
0x21b: {  	[tilespmem:s22+$0xFD50] =	vst v18  }
0x21c: {  	v18 =	vld [tilespmem:s25+$0x7960];
	_ =	sdelay $0x4  }
0x21d: {  	v18 =	vmul.f32 v18, v17;
	_ =	sdelay $0x1  }
0x21e: {  	[tilespmem:s22+$0xFD60] =	vst v18  }
0x21f: {  	v18 =	vld [tilespmem:s25+$0x7970]  }
.Ltmp7:
0x220: {  	(pc) =	sbr.rel @p1 .LBB2_11-.Ltmp7, $2  }
0x221: {  	_ =	sdelay $0x2  }
0x222: {  	v17 =	vmul.f32 v18, v17  }
0x223: {  	_ = 	snop  }
0x224: {  	[tilespmem:s22+$0xFD70] =	vst v17  }
0x225: {  	v17 =	vld [tilespmem:$0x2C80];
	_ =	sdelay $0x4  }
0x226: {  	v18 =	vshrl.u32 v17, $0x3  }
0x227: {  	v18 =	vmul.u32 $0x28, v18  }
0x228: {  	v17 =	vand.u32 $0x7, v17  }
0x229: {  	v17 =	vor.u32 v17, v18  }
0x22a: {  	v18 =	vperm.xlane v17, v6;
	_ =	sdelay $0x1  }
0x22b: {  	v18 =	vadd.s32 v7, v18;
	_ =	sdelay $0x3  }
0x22c: {  	v17 =	vperm.xlane v17, v8  }
0x22d: {  	[hbm4b:s8+s2] =	stream.indirect_vreg.scatter [tilespmem:s15], [sflag:$0x2], $0x80, v18, vm0, $0xb8;
	[tilespmem:$0x18D00] =	vst v63  }
0x22e: {  	s19 =	simm.s32 $0xF500;
	v17 =	vadd.s32 v7, v17  }
0x22f: {  	[hbm4b:s12+s2] =	stream.indirect_vreg.scatter [tilespmem:s19], [sflag:$0x2], $0x80, v18, vm0, $0xb8;
	[tilespmem:$0x18D00] =	vst v63  }
0x230: {  	s24 =	simm.s32 $0xFD00  }
0x231: {  	[hbm4b:s13+s2] =	stream.indirect_vreg.scatter [tilespmem:s24], [sflag:$0x2], $0x80, v18, vm1, $0xb8;
	[tilespmem:$0x18D00] =	vst v63  }
0x232: {  	s25 =	simm.s32 $0x10100  }
0x233: {  	[hbm4b:s8+s2] =	stream.indirect_vreg.scatter [tilespmem:s25], [sflag:$0x2], $0x80, v17, vm0, $0xb8;
	[tilespmem:$0x18D00] =	vst v63  }
0x234: {  	s26 =	simm.s32 $0x10900  }
0x235: {  	[hbm4b:s12+s2] =	stream.indirect_vreg.scatter [tilespmem:s26], [sflag:$0x2], $0x80, v17, vm0, $0xb8;
	[tilespmem:$0x18D00] =	vst v63  }
0x236: {  	s28 =	simm.s32 $0x11100  }
0x237: {  	[hbm4b:s13+s2] =	stream.indirect_vreg.scatter [tilespmem:s28], [sflag:$0x2], $0x80, v17, vm1, $0xb8;
	[tilespmem:$0x18D00] =	vst v63  }
0x238: {  	v17 =	vld [tilespmem:$0x2C90];
	_ =	sdelay $0x4  }
0x239: {  	v18 =	vshrl.u32 v17, $0x3  }
0x23a: {  	v18 =	vmul.u32 $0x28, v18  }
0x23b: {  	v17 =	vand.u32 $0x7, v17  }
0x23c: {  	v17 =	vor.u32 v17, v18  }
0x23d: {  	v18 =	vperm.xlane v17, v6;
	_ =	sdelay $0x1  }
0x23e: {  	v18 =	vadd.s32 v7, v18;
	_ =	sdelay $0x3  }
0x23f: {  	s21 =	simm.s32 $0x11500;
	v17 =	vperm.xlane v17, v8  }
0x240: {  	[hbm4b:s8+s2] =	stream.indirect_vreg.scatter [tilespmem:s21], [sflag:$0x2], $0x80, v18, vm0, $0xb8;
	[tilespmem:$0x18D00] =	vst v63  }
0x241: {  	s22 =	simm.s32 $0x11D00;
	v17 =	vadd.s32 v7, v17  }
0x242: {  	[hbm4b:s12+s2] =	stream.indirect_vreg.scatter [tilespmem:s22], [sflag:$0x2], $0x80, v18, vm0, $0xb8;
	[tilespmem:$0x18D00] =	vst v63  }
0x243: {  	s23 =	simm.s32 $0x12500  }
0x244: {  	[hbm4b:s13+s2] =	stream.indirect_vreg.scatter [tilespmem:s23], [sflag:$0x2], $0x80, v18, vm1, $0xb8;
	[tilespmem:$0x18D00] =	vst v63  }
0x245: {  	s24 =	simm.s32 $0x12900  }
0x246: {  	[hbm4b:s8+s2] =	stream.indirect_vreg.scatter [tilespmem:s24], [sflag:$0x2], $0x80, v17, vm0, $0xb8;
	[tilespmem:$0x18D00] =	vst v63  }
0x247: {  	s25 =	simm.s32 $0x13100  }
0x248: {  	[hbm4b:s12+s2] =	stream.indirect_vreg.scatter [tilespmem:s25], [sflag:$0x2], $0x80, v17, vm0, $0xb8;
	[tilespmem:$0x18D00] =	vst v63  }
0x249: {  	s26 =	simm.s32 $0x13900  }
0x24a: {  	[hbm4b:s13+s2] =	stream.indirect_vreg.scatter [tilespmem:s26], [sflag:$0x2], $0x80, v17, vm1, $0xb8;
	[tilespmem:$0x18D00] =	vst v63  }
0x24b: {  	v17 =	vld [tilespmem:$0x2CA0];
	_ =	sdelay $0x4  }
0x24c: {  	v18 =	vshrl.u32 v17, $0x3  }
0x24d: {  	v18 =	vmul.u32 $0x28, v18  }
0x24e: {  	v17 =	vand.u32 $0x7, v17  }
0x24f: {  	v17 =	vor.u32 v17, v18  }
0x250: {  	v18 =	vperm.xlane v17, v6;
	_ =	sdelay $0x1  }
0x251: {  	v18 =	vadd.s32 v7, v18;
	_ =	sdelay $0x3  }
0x252: {  	s28 =	simm.s32 $0x13D00;
	v17 =	vperm.xlane v17, v8  }
0x253: {  	[hbm4b:s8+s2] =	stream.indirect_vreg.scatter [tilespmem:s28], [sflag:$0x2], $0x80, v18, vm0, $0xb8;
	[tilespmem:$0x18D00] =	vst v63  }
0x254: {  	s21 =	simm.s32 $0x14500;
	v17 =	vadd.s32 v7, v17  }
0x255: {  	[hbm4b:s12+s2] =	stream.indirect_vreg.scatter [tilespmem:s21], [sflag:$0x2], $0x80, v18, vm0, $0xb8;
	[tilespmem:$0x18D00] =	vst v63  }
0x256: {  	s22 =	simm.s32 $0x14D00  }
0x257: {  	[hbm4b:s13+s2] =	stream.indirect_vreg.scatter [tilespmem:s22], [sflag:$0x2], $0x80, v18, vm1, $0xb8;
	[tilespmem:$0x18D00] =	vst v63  }
0x258: {  	s23 =	simm.s32 $0x15100  }
0x259: {  	[hbm4b:s8+s2] =	stream.indirect_vreg.scatter [tilespmem:s23], [sflag:$0x2], $0x80, v17, vm0, $0xb8;
	[tilespmem:$0x18D00] =	vst v63  }
0x25a: {  	s24 =	simm.s32 $0x15900  }
0x25b: {  	[hbm4b:s12+s2] =	stream.indirect_vreg.scatter [tilespmem:s24], [sflag:$0x2], $0x80, v17, vm0, $0xb8;
	[tilespmem:$0x18D00] =	vst v63  }
0x25c: {  	s25 =	simm.s32 $0x16100  }
0x25d: {  	[hbm4b:s13+s2] =	stream.indirect_vreg.scatter [tilespmem:s25], [sflag:$0x2], $0x80, v17, vm1, $0xb8;
	[tilespmem:$0x18D00] =	vst v63  }
0x25e: {  	v17 =	vld [tilespmem:$0x2CB0];
	_ =	sdelay $0x4  }
0x25f: {  	v18 =	vshrl.u32 v17, $0x3  }
0x260: {  	v18 =	vmul.u32 $0x28, v18  }
0x261: {  	v17 =	vand.u32 $0x7, v17  }
0x262: {  	v17 =	vor.u32 v17, v18  }
0x263: {  	v18 =	vperm.xlane v17, v6;
	_ =	sdelay $0x1  }
0x264: {  	v18 =	vadd.s32 v7, v18;
	_ =	sdelay $0x3  }
0x265: {  	s26 =	simm.s32 $0x16500;
	v17 =	vperm.xlane v17, v8  }
0x266: {  	[hbm4b:s8+s2] =	stream.indirect_vreg.scatter [tilespmem:s26], [sflag:$0x2], $0x80, v18, vm0, $0xb8;
	[tilespmem:$0x18D00] =	vst v63  }
0x267: {  	s28 =	simm.s32 $0x16D00;
	v17 =	vadd.s32 v7, v17  }
0x268: {  	[hbm4b:s12+s2] =	stream.indirect_vreg.scatter [tilespmem:s28], [sflag:$0x2], $0x80, v18, vm0, $0xb8;
	[tilespmem:$0x18D00] =	vst v63  }
0x269: {  	_ = 	snop  }
0x26a: {  	[hbm4b:s13+s2] =	stream.indirect_vreg.scatter [tilespmem:s29], [sflag:$0x2], $0x80, v18, vm1, $0xb8;
	[tilespmem:$0x18D00] =	vst v63  }
0x26b: {  	_ = 	snop  }
0x26c: {  	[hbm4b:s8+s2] =	stream.indirect_vreg.scatter [tilespmem:s30], [sflag:$0x2], $0x80, v17, vm0, $0xb8;
	[tilespmem:$0x18D00] =	vst v63  }
0x26d: {  	s11 =	sadd.s32 $0x1, s11  }
0x26e: {  	[hbm4b:s12+s2] =	stream.indirect_vreg.scatter [tilespmem:s31], [sflag:$0x2], $0x80, v17, vm0, $0xb8;
	[tilespmem:$0x18D00] =	vst v63  }
0x26f: {  	p1 =	sne.s32 s11, s1  }
0x270: {  	[hbm4b:s13+s2] =	stream.indirect_vreg.scatter [tilespmem:s0], [sflag:$0x2], $0x80, v17, vm1, $0xb8;
	[tilespmem:$0x18D00] =	vst v63  }
.Ltmp8:
0x271: {  	_ = 	snop;
	(pc) =	sbr.rel @p1 .LBB2_10-.Ltmp8, $4  }
.Ltmp9:
0x272: {  	_ = 	snop;
	(pc) =	sbr.rel @!p1 .LBB2_13-.Ltmp9, $4  }
0x273: {  	_ =	swait.ge [sflag:s16], $0xA000  }
0x274: {  	[sflag:s16] =	ssyncset.done $0x0  }
0x275: {  	[sflag:s16] =	ssyncadd.s32 $0xFFFF6000  }
0x276: {  	_ = 	snop  }
.LBB2_14:
0x277: {  	_ =	sfence.sel $0x180000  }
0x278: {  	[bflag:$0x0] =	sbarrier.arrive $0xFFFF  }
0x279: {  	_ =	strace $0x9000004A  }
0x27a: {  	s0 =	stileid.u32;
	[bflag:$0x2] =	sbarrier.arrive $0xFFFF  }
0x27b: {  	p0 =	sne.s32 s0, $0x0;
	s0 =	rddreg [dreg:$0x1]  }
0x27c: {  	s0 =	sadd.s32 @!p0 $0x100000, s0  }
0x27d: {  	[sflag:s0] =	ssyncadd.tile.s32 @!p0 $0x1;
	_ =	shalt  }
.Lfunc_end2:
_tile_overlayer_lowered:
.L_overlay_start_2:
0x27e: {  	(tag) =	ssettag $0x2  }
0x27f: {  	s0 =	rddreg [dreg:$0x0];
	s2 =	stileid.u32  }
0x280: {  	s1 =	rddreg [dreg:$0x1];
	p0 =	sne.s32 s2, $0x0  }
0x281: {  	s3 =	rddreg [dreg:$0x2];
	[bflag:$0x3] =	sbarrier.arrive $0xFFFF;
	s2 =	simm.s32 @!p0 $0x1C02  }
0x282: {  	[timem:s3], [sflag:s2] =	dma.local @!p0 [hbm:s0], s1  }
0x283: {  	s0 =	simm.s32 @!p0 $0x2  }
0x284: {  	_ =	swait.ge @!p0 [sflag:s0], s1  }
0x285: {  	s1 =	ssub.s32 @!p0 $0x0, s1;
	[sflag:s0] =	ssyncset.done @!p0 $0x0  }
0x286: {  	[sflag:s0] =	ssyncadd.s32 @!p0 s1  }
0x287: {  	[bflag:$0x3] =	sbarrier.arrive $0xFFFF  }
0x288: {  	_ =	shalt  }

// kernel: kernel.7.cloned.1.call-start
scs
__scs_entry_jumppad:
0x0: {  	(pc) =	sbr.rel $0x88, $3  }
0x1: {  	(tag) =	ssettag $0x0;
	lr =	simm.s32 $0x1  }
0x2: {  	[smem:$0x3F95] =	sst lr;
	_ =	strace $0xD0000000  }
0x3: {  	_ = 	snop  }
0x4: {  	_ = 	snop  }
0x5: {  	_ = 	snop  }
0x6: {  	_ = 	snop  }
0x7: {  	_ = 	snop  }
__scs_overlays_trampoline_lowered:
0x8: {  	[smem:$0x3FA4] =	sst s0  }
0x9: {  	[smem:$0x3FA5] =	sst s1  }
0xa: {  	[smem:$0x3FA6] =	sst s2  }
0xb: {  	[smem:$0x3FA7] =	sst s3  }
0xc: {  	[smem:$0x3FA8] =	sst s4  }
0xd: {  	[smem:$0x3FA9] =	sst s5  }
0xe: {  	[smem:$0x3FAA] =	sst s6  }
0xf: {  	[smem:$0x3FAB] =	sst s7  }
0x10: {  	[smem:$0x3FAC] =	sst s8  }
0x11: {  	[smem:$0x3FAD] =	sst s9;
	s0 =	simm.s32 @!p0 $0x0  }
0x12: {  	s1 =	sld [smem:$0x3F93];
	s0 =	simm.s32 @p0 $0x1  }
0x13: {  	[smem:$0x3FAE] =	sst s0;
	s0 =	simm.s32 @!p1 $0x0  }
0x14: {  	s2 =	sld [smem:$0x3F92];
	s0 =	simm.s32 @p1 $0x1  }
0x15: {  	[smem:$0x3FAF] =	sst s0;
	s0 =	simm.s32 @!p2 $0x0  }
0x16: {  	s3 =	sld [smem:$0x3FDB];
	s0 =	simm.s32 @p2 $0x1  }
0x17: {  	s4 =	simm.s32 $0x1BF5;
	[smem:$0x3FB1] =	sst s0  }
0x18: {  	s0 =	sld [smem:$0x3F94];
	_ =	swait.ge [sflag:s4], $0x0  }
0x19: {  	s7 =	sld [smem:$0x3F95]  }
0x1a: {  	s8 =	sadd.s32 $0xFFFFE003, lr  }
0x1b: {  	s9 =	sadd.s32 $0xFFFFFEF7, lr;
	s5 =	simm.s32 $0xFFFFFFFF;
	p2 =	slt.u32 s8, $0xFFFFF086  }
0x1c: {  	p1 =	slt.u32 s9, $0xF7A;
	s5 =	simm.s32 @!p2 $0x0  }
0x1d: {  	s5 =	simm.s32 @p1 $0x1;
	p0 =	seq.s32 s7, s2  }
0x1e: {  	s7 =	smul.u32 @!p0 $0xF7A, s2;
	p2 =	seq.s32 @!p0 s5, $0x0  }
0x1f: {  	s9 =	smul.u32 $0xF7A, s1;
	s8 =	simm.s32 @!p0 $0x1BF5;
	p2 =	por !p2, p0  }
0x20: {  	[sflag:s8] =	ssyncset.s32 @!p0 $0xFFFFF086;
	s6 =	sadd.s32 @!p0 s3, s7;
	s7 =	simm.s32 @!p0 $0x108  }
0x21: {  	s3 =	sadd.s32 s3, s9;
	s6 =	sadd.s32 @!p0 $0x88, s6;
	s7 =	simm.s32 @p2 $0x1082  }
0x22: {  	[simem:s7], [sflag:s8] =	dma.local @!p0 [hbm:s6], $0xF7A  }
0x23: {  	s9 =	sor.u32 $0xD0000000, s2;
	s6 =	simm.s32 $0x108;
	_ =	swait.ge @!p0 [sflag:s8], $0x0  }
0x24: {  	s3 =	sadd.s32 $0x88, s3;
	s6 =	simm.s32 @!p1 $0x1082;
	[sflag:s4] =	ssyncset.s32 $0xFFFFF086  }
0x25: {  	[simem:s6], [sflag:s4] =	dma.local [hbm:s3], $0xF7A  }
0x26: {  	[smem:$0x3F95] =	sst s1;
	(tag) =	ssettag s2;
	_ =	strace s9  }
0x27: {  	s1 =	sld [smem:$0x3FA5]  }
0x28: {  	s2 =	sld [smem:$0x3FA6]  }
0x29: {  	s4 =	sld [smem:$0x3FA8]  }
0x2a: {  	p0 =	seq.s32 s5, $0x0;
	s5 =	sld [smem:$0x3FA9]  }
0x2b: {  	s6 =	sld [smem:$0x3FAA]  }
0x2c: {  	s7 =	sld [smem:$0x3FAB]  }
0x2d: {  	s3 =	simm.s32 $0x108;
	s8 =	sld [smem:$0x3FAC]  }
0x2e: {  	s3 =	simm.s32 @!p0 $0x1082;
	s9 =	sld [smem:$0x3FAD]  }
0x2f: {  	lr =	sadd.s32 s0, s3;
	s0 =	sld [smem:$0x3FA4]  }
0x30: {  	s3 =	sld [smem:$0x3FA7]  }
0x31: {  	[smem:$0x3FB0] =	sst s10  }
0x32: {  	s10 =	sld [smem:$0x3FAE];
	_ =	sdelay $0x3  }
0x33: {  	p0 =	seq.s32 s10, $0x1;
	s10 =	sld [smem:$0x3FB0];
	_ =	sdelay $0x3  }
0x34: {  	[smem:$0x3FB0] =	sst s10  }
0x35: {  	s10 =	sld [smem:$0x3FAF];
	_ =	sdelay $0x3  }
0x36: {  	p1 =	seq.s32 s10, $0x1;
	s10 =	sld [smem:$0x3FB0];
	_ =	sdelay $0x3  }
0x37: {  	[smem:$0x3FB0] =	sst s10  }
0x38: {  	s10 =	sld [smem:$0x3FB1]  }
0x39: {  	_ = 	snop;
	(pc) =	sbr.ind lr, $3  }
0x3a: {  	_ = 	snop  }
0x3b: {  	_ = 	snop  }
0x3c: {  	p2 =	seq.s32 s10, $0x1;
	s10 =	sld [smem:$0x3FB0]  }
0x3d: {  	_ =	shalt  }
0x3e: {  	_ =	shalt  }
0x3f: {  	_ =	shalt  }
0x40: {  	_ =	shalt  }
0x41: {  	_ =	shalt  }
0x42: {  	_ =	shalt  }
0x43: {  	_ =	shalt  }
0x44: {  	_ =	shalt  }
0x45: {  	_ =	shalt  }
0x46: {  	_ =	shalt  }
0x47: {  	_ =	shalt  }
0x48: {  	_ =	shalt  }
0x49: {  	_ =	shalt  }
0x4a: {  	_ =	shalt  }
0x4b: {  	_ =	shalt  }
0x4c: {  	_ =	shalt  }
0x4d: {  	_ =	shalt  }
0x4e: {  	_ =	shalt  }
0x4f: {  	_ =	shalt  }
0x50: {  	_ =	shalt  }
0x51: {  	_ =	shalt  }
0x52: {  	_ =	shalt  }
0x53: {  	_ =	shalt  }
0x54: {  	_ =	shalt  }
0x55: {  	_ =	shalt  }
0x56: {  	_ =	shalt  }
0x57: {  	_ =	shalt  }
0x58: {  	_ =	shalt  }
0x59: {  	_ =	shalt  }
0x5a: {  	_ =	shalt  }
0x5b: {  	_ =	shalt  }
0x5c: {  	_ =	shalt  }
0x5d: {  	_ =	shalt  }
0x5e: {  	_ =	shalt  }
0x5f: {  	_ =	shalt  }
0x60: {  	_ =	shalt  }
0x61: {  	_ =	shalt  }
0x62: {  	_ =	shalt  }
0x63: {  	_ =	shalt  }
0x64: {  	_ =	shalt  }
0x65: {  	_ =	shalt  }
0x66: {  	_ =	shalt  }
0x67: {  	_ =	shalt  }
0x68: {  	_ =	shalt  }
0x69: {  	_ =	shalt  }
0x6a: {  	_ =	shalt  }
0x6b: {  	_ =	shalt  }
0x6c: {  	_ =	shalt  }
0x6d: {  	_ =	shalt  }
0x6e: {  	_ =	shalt  }
0x6f: {  	_ =	shalt  }
0x70: {  	_ =	shalt  }
0x71: {  	_ =	shalt  }
0x72: {  	_ =	shalt  }
0x73: {  	_ =	shalt  }
0x74: {  	_ =	shalt  }
0x75: {  	_ =	shalt  }
0x76: {  	_ =	shalt  }
0x77: {  	_ =	shalt  }
0x78: {  	_ =	shalt  }
0x79: {  	_ =	shalt  }
0x7a: {  	_ =	shalt  }
0x7b: {  	_ =	shalt  }
0x7c: {  	_ =	shalt  }
0x7d: {  	_ =	shalt  }
0x7e: {  	_ =	shalt  }
0x7f: {  	_ =	shalt  }
0x80: {  	_ =	shalt  }
0x81: {  	_ =	shalt  }
0x82: {  	_ =	shalt  }
0x83: {  	_ =	shalt  }
0x84: {  	_ =	shalt  }
0x85: {  	_ =	shalt  }
0x86: {  	_ =	shalt  }
0x87: {  	_ =	shalt  }
.Lfunc_end0:
.L_simem_size_0:
called_computation_lowered:
.L_overlay_start_0:
0x88: {  	s2 =	sld [smem:$0x3FD9]  }
0x89: {  	s3 =	sld [smem:$0x3FFE];
	_ =	sdelay $0x1  }
0x8a: {  	s1 =	srdreg.scid  }
0x8b: {  	s0 =	sand.u32 $0x1, s1  }
0x8c: {  	s16 =	sshll.u32 s0, $0xA;
	s2 =	sadd.s32 s3, s2  }
0x8d: {  	s2 =	sadd.s32 s2, s16  }
0x8e: {  	[smem:$0x3FBC] =	sst s2  }
0x8f: {  	_ = 	snop  }
0x90: {  	(tm) =	ssettm $0x1  }
0x91: {  	s17 =	sld [smem:$0x3FFB];
	_ =	sdelay $0x3  }
0x92: {  	_ =	strace s17  }
0x93: {  	s2 =	sld [smem:$0x3FFC];
	_ =	sdelay $0x3  }
0x94: {  	_ =	strace s2  }
0x95: {  	s2 =	sld [smem:$0x3FFD];
	_ =	sdelay $0x3  }
0x96: {  	_ =	strace s2  }
0x97: {  	_ =	strace $0x8FFFFFFF  }
0x98: {  	s18 =	sld [smem:$0x3FDB];
	_ =	sdelay $0x1  }
0x99: {  	s19 =	simm.s32 $_scs_section_size  }
0x9a: {  	s4 =	simm.s32 $_size__tile_overlayer_lowered;
	s5 =	simm.s32 $_tile_overlayer_lowered  }
0x9b: {  	s22 =	simm.s32 $0x1BFF;
	s21 =	sshll.u32 s5, $0x1;
	s2 =	sadd.s32 s19, s18  }
0x9c: {  	s6 =	simm.s32 $0x0;
	s20 =	sshll.u32 s4, $0x1;
	s4 =	sadd.s32 s21, s2  }
0x9d: {  	[timem:s6], [sflag:s22] =	dma.local [hbm:s4], s20  }
0x9e: {  	_ =	swait.ge [sflag:s22], s20  }
0x9f: {  	s3 =	ssub.s32 $0x0, s20;
	[sflag:s22] =	ssyncset.done $0x0  }
0xa0: {  	[sflag:s22] =	ssyncadd.s32 s3;
	_ =	sdelay $0x1  }
0xa1: {  	s23 =	simm.s32 $0x1B8B  }
0xa2: {  	_ =	swait.ge [sflag:s23], $0x1  }
0xa3: {  	[sflag:s23] =	ssyncset.done $0x0  }
0xa4: {  	s25 =	simm.s32 $0x1B8E;
	s24 =	sld [smem:$0x3FFE];
	[sflag:s23] =	ssyncadd.s32 $0xFFFFFFFF  }
0xa5: {  	s26 =	simm.s32 $execute0_lowered;
	[smem:$0x3FD2] =	sst s25  }
0xa6: {  	s4 =	sshll.u32 s26, $0x1;
	_ =	strace $0x80000046;
	[dreg:$0x1] =	wrdreg $0xFFFFFFFF  }
0xa7: {  	s28 =	simm.s32 $_size_execute0_lowered;
	s2 =	sadd.s32 s2, s4;
	[dreg:$0x0] =	wrdreg $0x0  }
0xa8: {  	s4 =	sshll.u32 s28, $0x1;
	[dreg:$0x2] =	wrdreg s2  }
0xa9: {  	[dreg:$0x3] =	wrdreg s4  }
0xaa: {  	[dreg:$0x4] =	wrdreg $0xC0  }
0xab: {  	_ =	task [dreg:s6], $0x5FFFF  }
0xac: {  	[dreg:$0x1] =	wrdreg $0xFFFFFFFF  }
0xad: {  	[dreg:$0x0] =	wrdreg $0x60  }
0xae: {  	[dreg:$0x2] =	wrdreg s24  }
0xaf: {  	[dreg:$0x3] =	wrdreg $0x9  }
0xb0: {  	_ =	task.clear_ibuf [dreg:s6], $0x4FFFF;
	_ =	strace $0x90000046  }
0xb1: {  	s29 =	simm.s32 $0x9;
	_ =	strace $0x80000048  }
0xb2: {  	_ =	swait.ge [sflag:s29], $0x1  }
0xb3: {  	[sflag:s29] =	ssyncadd.s32 $0xFFFFFFFF  }
0xb4: {  	_ =	strace $0x90000048  }
0xb5: {  	_ =	sfence  }
0xb6: {  	s30 =	sld [smem:$0x0];
	_ =	sdelay $0x2  }
0xb7: {  	s31 =	sshll.u32 s1, $0xD;
	s1 =	sshrl.u32 s1, $0x2  }
0xb8: {  	s3 =	sand.u32 $0x4000, s31;
	s1 =	sadd.s32 s1, s30  }
0xb9: {  	s0 =	sor.u32 s3, s0;
	s1 =	sshll.u32 s1, $0x11  }
0xba: {  	s0 =	sor.u32 s1, s0  }
0xbb: {  	s0 =	sadd.s32 $0x8F2B, s0  }
0xbc: {  	[sflag:s0] =	ssyncadd.remote.s32 $0x1  }
0xbd: {  	_ =	sfence.sel $0xFFFF  }
0xbe: {  	[dreg:$0x0] =	wrdreg $0xFFFFFFFF;
	(pc) =	sbr.abs _section_cstart, $3  }
0xbf: {  	[dreg:$0x1] =	wrdreg $0xFFFFFFFF  }
0xc0: {  	_ =	task.clear_ibuf [dreg:s6], $0x2FFFF;
	_ =	strace $0x9FFFFFFF  }
0xc1: {  	(tm) =	ssettm $0x7FFFFFFF  }
tec
execute0_lowered:
.L_overlay_start_1:
0x0: {  	(tag) =	ssettag $0x1  }
0x1: {  	s0 =	rddreg [dreg:$0x0];
	s2 =	simm.s32 $0x0  }
0x2: {  	s9 =	stileid.u32;
	s1 =	srdreg.scid;
	s15 =	simm.s32 $0xED00  }
0x3: {  	s16 =	simm.s32 $0x2;
	s17 =	simm.s32 $0x200;
	s18 =	simm.s32 $0x40  }
0x4: {  	s20 =	simm.s32 $0x1;
	s29 =	simm.s32 $0x17500;
	s30 =	simm.s32 $0x17900  }
0x5: {  	s31 =	simm.s32 $0x18100;
	[smem:$0x7FF] =	sst s2;
	s3 =	sadd.s32 $0x6A00, s0  }
0x6: {  	s4 =	sadd.s32 $0x1A00, s0;
	s7 =	smul.u32 $0xC3A00, s9;
	s1 =	sand.u32 $0x1, s1  }
0x7: {  	v8 =	vlaneseq.u32;
	s5 =	sadd.s32 $0xA9E00, s0;
	s6 =	sadd.s32 $0xDA00, s0;
	s11 =	smul.u32 $0x1388, s1  }
0x8: {  	v3 =	vimm.f32 $0.0e+00;
	vm0 =	vmmov $0xffff;
	v9 =	vimm.s32 $0x0;
	_ =	strace $0x80000047;
	s8 =	ssub.s32 $0x2, s1;
	s26 =	smul.u32 $0x61A80, s1  }
0x9: {  	v10 =	vimm.s32 $0x1;
	v11 =	vimm.s32 $0x2;
	v12 =	vimm.s32 $0x3;
	p0 =	seq.s32 s1, $0x0;
	s10 =	sadd.s32 s7, s0;
	s7 =	smul.u32 $0x2710, s9  }
.Ltmp0:
0xa: {  	v13 =	vimm.s32 $0x4;
	v14 =	vimm.s32 $0x5;
	v15 =	vimm.s32 $0x6;
	s25 =	sshrl.u32 s8, $0x1;
	s9 =	sadd.s32 $0xDB00, s0;
	(pc) =	sbr.rel .LBB2_1-.Ltmp0, $4  }
0xb: {  	v16 =	vimm.s32 $0x7;
	vm1 =	vmmov $0xff;
	v0 =	vor.u32 $0x80000010, v8;
	s0 =	simm.s32 $0x18900;
	s12 =	ssub.s32 s8, s25;
	s8 =	sadd.s32 $0xD1000, s10  }
0xc: {  	v5 =	vmul.u32 $0x4000, v8;
	v4 =	vor.u32 $0x80000000, v8;
	v7 =	vshrl.u32 v8, $0x3;
	s19 =	sadd.s32 $0x1388, s11;
	s28 =	sadd.s32 $0x194500, s10;
	s13 =	sadd.s32 $0xD1200, s10  }
0xd: {  	v6 =	vand.u32 $0x7, v8;
	v8 =	vor.u32 $0x8, v8;
	v7 =	vmul.u32 $0x8, v7;
	s12 =	smax.u32 s12, $0x1;
	[dreg:$0x3] =	wrdreg s28;
	s14 =	sadd.s32 s26, s8  }
0xe: {  	v5 =	vor.u32 $0x9C40000, v5;
	v1 =	vmov s11;
	v2 =	vmov s19;
	[dreg:$0x2] =	wrdreg s12;
	s12 =	sadd.s32 $0xD1100, s10;
	s10 =	simm.s32 $0x0  }
.LBB2_13:
0xf: {  	s10 =	rddreg [dreg:$0x4]  }
0x10: {  	s1 =	rddreg [dreg:$0x2];
	s10 =	sadd.s32 $0x1, s10  }
0x11: {  	p1 =	sne.s32 s10, s1  }
.Ltmp1:
0x12: {  	_ = 	snop;
	(pc) =	sbr.rel @!p1 .LBB2_14-.Ltmp1, $2  }
0x13: {  	_ =	sdelay $0x1  }
0x14: {  	[bflag:$0x0] =	sbarrier.arrive $0xFFFF;
	_ =	sdelay $0x1  }
.LBB2_1:
0x15: {  	s1 =	simm.s32 $0x0  }
0x16: {  	s1 =	smul.u32 $0x5000, s1;
	_ =	sdelay $0x1  }
0x17: {  	s28 =	sand.u32 $0x380, s2;
	s1 =	sshra.s32 s1, $0x2  }
0x18: {  	s1 =	sor.u32 s28, s1  }
0x19: {  	[tilespmem:s1+$0xFD70] =	vst v3  }
0x1a: {  	[tilespmem:s1+$0xED00] =	vst v3  }
0x1b: {  	[tilespmem:s1+$0xED10] =	vst v3  }
0x1c: {  	[tilespmem:s1+$0xED20] =	vst v3  }
0x1d: {  	[tilespmem:s1+$0xED30] =	vst v3  }
0x1e: {  	[tilespmem:s1+$0xED40] =	vst v3  }
0x1f: {  	[tilespmem:s1+$0xED50] =	vst v3  }
0x20: {  	[tilespmem:s1+$0xED60] =	vst v3  }
0x21: {  	[tilespmem:s1+$0xED70] =	vst v3  }
0x22: {  	[tilespmem:s1+$0xF100] =	vst v3  }
0x23: {  	[tilespmem:s1+$0xF110] =	vst v3  }
0x24: {  	[tilespmem:s1+$0xF120] =	vst v3  }
0x25: {  	[tilespmem:s1+$0xF130] =	vst v3  }
0x26: {  	[tilespmem:s1+$0xF140] =	vst v3  }
0x27: {  	[tilespmem:s1+$0xF150] =	vst v3  }
0x28: {  	[tilespmem:s1+$0xF160] =	vst v3  }
0x29: {  	[tilespmem:s1+$0xF170] =	vst v3  }
0x2a: {  	[tilespmem:s1+$0xF500] =	vst v3  }
0x2b: {  	[tilespmem:s1+$0xF510] =	vst v3  }
0x2c: {  	[tilespmem:s1+$0xF520] =	vst v3  }
0x2d: {  	[tilespmem:s1+$0xF530] =	vst v3  }
0x2e: {  	[tilespmem:s1+$0xF540] =	vst v3  }
0x2f: {  	[tilespmem:s1+$0xF550] =	vst v3  }
0x30: {  	[tilespmem:s1+$0xF560] =	vst v3  }
0x31: {  	[tilespmem:s1+$0xF570] =	vst v3  }
0x32: {  	[tilespmem:s1+$0xF900] =	vst v3  }
0x33: {  	[tilespmem:s1+$0xF910] =	vst v3  }
0x34: {  	[tilespmem:s1+$0xF920] =	vst v3  }
0x35: {  	[tilespmem:s1+$0xF930] =	vst v3  }
0x36: {  	[tilespmem:s1+$0xF940] =	vst v3  }
0x37: {  	[tilespmem:s1+$0xF950] =	vst v3  }
0x38: {  	[tilespmem:s1+$0xF960] =	vst v3  }
0x39: {  	[tilespmem:s1+$0xF970] =	vst v3  }
0x3a: {  	[tilespmem:s1+$0xFD00] =	vst v3  }
0x3b: {  	[dreg:$0x4] =	wrdreg s10;
	[tilespmem:s1+$0xFD10] =	vst v3  }
0x3c: {  	s19 =	simm.s32 $0x0;
	s11 =	simm.s32 $0x2;
	s10 =	simm.s32 $0x0;
	[tilespmem:s1+$0xFD20] =	vst v3  }
.LBB2_2:
0x3d: {  	p1 =	sne.s32 s11, $0x3F;
	s19 =	smul.u32 $0x5000, s19;
	[tilespmem:s1+$0xFD30] =	vst v3  }
0x3e: {  	s10 =	sadd.s32 $0x80, s10;
	[tilespmem:s1+$0xFD40] =	vst v3  }
0x3f: {  	s21 =	sand.u32 $0x380, s10;
	s19 =	sshra.s32 s19, $0x2;
	[tilespmem:s1+$0xFD50] =	vst v3  }
0x40: {  	[tilespmem:s1+$0xFD60] =	vst v3;
	s1 =	sor.u32 s21, s19  }
0x41: {  	[tilespmem:s1+$0xFD70] =	vst v3  }
0x42: {  	[tilespmem:s1+$0xED00] =	vst v3  }
0x43: {  	[tilespmem:s1+$0xED10] =	vst v3  }
0x44: {  	[tilespmem:s1+$0xED20] =	vst v3  }
0x45: {  	[tilespmem:s1+$0xED30] =	vst v3  }
0x46: {  	[tilespmem:s1+$0xED40] =	vst v3  }
0x47: {  	[tilespmem:s1+$0xED50] =	vst v3  }
0x48: {  	[tilespmem:s1+$0xED60] =	vst v3  }
0x49: {  	[tilespmem:s1+$0xED70] =	vst v3  }
0x4a: {  	[tilespmem:s1+$0xF100] =	vst v3  }
0x4b: {  	[tilespmem:s1+$0xF110] =	vst v3  }
0x4c: {  	[tilespmem:s1+$0xF120] =	vst v3  }
0x4d: {  	[tilespmem:s1+$0xF130] =	vst v3  }
0x4e: {  	[tilespmem:s1+$0xF140] =	vst v3  }
0x4f: {  	[tilespmem:s1+$0xF150] =	vst v3  }
0x50: {  	[tilespmem:s1+$0xF160] =	vst v3  }
0x51: {  	[tilespmem:s1+$0xF170] =	vst v3  }
0x52: {  	[tilespmem:s1+$0xF500] =	vst v3  }
0x53: {  	[tilespmem:s1+$0xF510] =	vst v3  }
0x54: {  	[tilespmem:s1+$0xF520] =	vst v3  }
0x55: {  	[tilespmem:s1+$0xF530] =	vst v3  }
0x56: {  	[tilespmem:s1+$0xF540] =	vst v3  }
0x57: {  	[tilespmem:s1+$0xF550] =	vst v3  }
0x58: {  	[tilespmem:s1+$0xF560] =	vst v3  }
0x59: {  	[tilespmem:s1+$0xF570] =	vst v3  }
0x5a: {  	[tilespmem:s1+$0xF900] =	vst v3  }
0x5b: {  	[tilespmem:s1+$0xF910] =	vst v3  }
0x5c: {  	[tilespmem:s1+$0xF920] =	vst v3  }
0x5d: {  	[tilespmem:s1+$0xF930] =	vst v3  }
0x5e: {  	[tilespmem:s1+$0xF940] =	vst v3  }
0x5f: {  	[tilespmem:s1+$0xF950] =	vst v3  }
.Ltmp2:
0x60: {  	[tilespmem:s1+$0xF960] =	vst v3;
	(pc) =	sbr.rel @p1 .LBB2_2-.Ltmp2, $4  }
0x61: {  	[tilespmem:s1+$0xF970] =	vst v3  }
0x62: {  	[tilespmem:s1+$0xFD00] =	vst v3  }
0x63: {  	[tilespmem:s1+$0xFD10] =	vst v3  }
0x64: {  	s19 =	sshrl.u32 s11, $0x3;
	s11 =	sadd.s32 $0x1, s11;
	[tilespmem:s1+$0xFD20] =	vst v3  }
0x65: {  	s11 =	smul.u32 $0x5000, s19;
	[tilespmem:s1+$0xFD30] =	vst v3  }
0x66: {  	[tilespmem:s1+$0xFD40] =	vst v3;
	s10 =	sadd.s32 $0x80, s10  }
0x67: {  	[tilespmem:s1+$0xFD50] =	vst v3;
	s10 =	sand.u32 $0x380, s10;
	s11 =	sshra.s32 s11, $0x2  }
0x68: {  	[tilespmem:s1+$0xFD60] =	vst v3;
	s10 =	sor.u32 s10, s11  }
0x69: {  	[tilespmem:s10+$0xFD70] =	vst v3  }
0x6a: {  	[tilespmem:s10+$0xED00] =	vst v3  }
0x6b: {  	[tilespmem:s10+$0xED10] =	vst v3  }
0x6c: {  	[tilespmem:s10+$0xED20] =	vst v3  }
0x6d: {  	[tilespmem:s10+$0xED30] =	vst v3  }
0x6e: {  	[tilespmem:s10+$0xED40] =	vst v3  }
0x6f: {  	[tilespmem:s10+$0xED50] =	vst v3  }
0x70: {  	[tilespmem:s10+$0xED60] =	vst v3  }
0x71: {  	[tilespmem:s10+$0xED70] =	vst v3  }
0x72: {  	[tilespmem:s10+$0xF100] =	vst v3  }
0x73: {  	[tilespmem:s10+$0xF110] =	vst v3  }
0x74: {  	[tilespmem:s10+$0xF120] =	vst v3  }
0x75: {  	[tilespmem:s10+$0xF130] =	vst v3  }
0x76: {  	[tilespmem:s10+$0xF140] =	vst v3  }
0x77: {  	[tilespmem:s10+$0xF150] =	vst v3  }
0x78: {  	[tilespmem:s10+$0xF160] =	vst v3  }
0x79: {  	[tilespmem:s10+$0xF170] =	vst v3  }
0x7a: {  	[tilespmem:s10+$0xF500] =	vst v3  }
0x7b: {  	[tilespmem:s10+$0xF510] =	vst v3  }
0x7c: {  	[tilespmem:s10+$0xF520] =	vst v3  }
0x7d: {  	[tilespmem:s10+$0xF530] =	vst v3  }
0x7e: {  	[tilespmem:s10+$0xF540] =	vst v3  }
0x7f: {  	[tilespmem:s10+$0xF550] =	vst v3  }
0x80: {  	[tilespmem:s10+$0xF560] =	vst v3  }
0x81: {  	[tilespmem:s10+$0xF570] =	vst v3  }
0x82: {  	[tilespmem:s10+$0xF900] =	vst v3  }
0x83: {  	[tilespmem:s10+$0xF910] =	vst v3  }
0x84: {  	[tilespmem:s10+$0xF920] =	vst v3  }
0x85: {  	[tilespmem:s10+$0xF930] =	vst v3  }
0x86: {  	[tilespmem:s10+$0xF940] =	vst v3  }
0x87: {  	[tilespmem:s10+$0xF950] =	vst v3  }
0x88: {  	[tilespmem:s10+$0xF960] =	vst v3  }
0x89: {  	[tilespmem:s10+$0xF970] =	vst v3  }
0x8a: {  	[tilespmem:s10+$0xFD00] =	vst v3  }
0x8b: {  	[tilespmem:s10+$0xFD10] =	vst v3  }
0x8c: {  	[tilespmem:s10+$0xFD20] =	vst v3  }
0x8d: {  	[tilespmem:s10+$0xFD30] =	vst v3  }
0x8e: {  	[tilespmem:s10+$0xFD40] =	vst v3  }
0x8f: {  	[tilespmem:s10+$0xFD50] =	vst v3  }
0x90: {  	s28 =	sadd.s32 $0x0, s14;
	[tilespmem:s10+$0xFD60] =	vst v3  }
0x91: {  	[hbm4b:s28+s2] =	stream.linear.scatter [tilespmem:s15], [sflag:$0x2], $0xA000, $0x38;
	[tilespmem:$0x18D00] =	vst v63  }
0x92: {  	_ =	swait.ge [sflag:s16], $0xA000  }
0x93: {  	s1 =	simm.s32 $0x1400;
	[sflag:s16] =	ssyncset.done $0x0  }
.LBB2_4:
0x94: {  	s10 =	sadd.s32 s1, s14;
	[sflag:s16] =	ssyncadd.s32 $0xFFFF6000;
	p1 =	sne.s32 s1, $0x60400  }
0x95: {  	[hbm4b:s10+s2] =	stream.linear.scatter [tilespmem:s15], [sflag:$0x2], $0xA000, $0x38;
	[tilespmem:$0x18D00] =	vst v63  }
.Ltmp3:
0x96: {  	_ = 	snop;
	(pc) =	sbr.rel @p1 .LBB2_4-.Ltmp3, $4  }
0x97: {  	_ = 	snop  }
0x98: {  	s1 =	sadd.s32 $0x1400, s1  }
0x99: {  	_ =	swait.ge [sflag:s16], $0xA000  }
0x9a: {  	[sflag:s16] =	ssyncset.done $0x0  }
0x9b: {  	[sflag:s16] =	ssyncadd.s32 $0xFFFF6000  }
0x9c: {  	s1 =	simm.s32 @!p0 $0x0;
	s10 =	simm.s32 @!p0 $0xED00;
	s11 =	rddreg [dreg:$0x3]  }
0x9d: {  	[hbm4b:s11+s1] =	stream.linear.scatter @!p0 [tilespmem:s10], [sflag:$0x2], $0x2800, $0x38;
	[tilespmem:$0x18D00] =	vst v63  }
0x9e: {  	s1 =	simm.s32 @!p0 $0x2  }
0x9f: {  	_ =	swait.ge @!p0 [sflag:s1], $0x2800  }
0xa0: {  	s10 =	simm.s32 $0x0;
	[sflag:s1] =	ssyncset.done @!p0 $0x0  }
0xa1: {  	s11 =	simm.s32 $0x0;
	[sflag:s1] =	ssyncadd.s32 @!p0 $0xFFFFD800;
	s1 =	simm.s32 $0x0  }
.LBB2_6:
0xa2: {  	s19 =	smul.u32 $0x190, s11;
	_ =	sdelay $0x1  }
0xa3: {  	s19 =	sadd.s32 s7, s19  }
0xa4: {  	s19 =	sshrl.u32 s19, $0x3  }
0xa5: {  	s21 =	sadd.s32 s3, s19  }
0xa6: {  	[tilespmem:s1], [sflag:$0x2] =	stream.linear.gather [hbm4b:s21+s1], $0x190, $0x38;
	[tilespmem:$0x18D00] =	vst v63  }
0xa7: {  	_ =	swait.ge [sflag:s16], $0x190  }
0xa8: {  	[sflag:s16] =	ssyncset.done $0x0  }
0xa9: {  	s19 =	sadd.s32 s4, s19;
	[sflag:s16] =	ssyncadd.s32 $0xFFFFFE70  }
0xaa: {  	[tilespmem:s17], [sflag:$0x2] =	stream.linear.gather [hbm4b:s19+s1], $0x190, $0x38;
	[tilespmem:$0x18D00] =	vst v63  }
0xab: {  	_ =	swait.ge [sflag:s16], $0x190  }
0xac: {  	[sflag:s16] =	ssyncset.done $0x0  }
0xad: {  	s28 =	simm.s32 $0x0;
	[sflag:s16] =	ssyncadd.s32 $0xFFFFFE70  }
0xae: {  	v17 =	vld [tilespmem:s28+$0x200];
	_ =	sdelay $0x1  }
0xaf: {  	v18 =	vld [tilespmem:s28+$0x0];
	_ =	sdelay $0x2  }
0xb0: {  	vm2 =	vge.s32 v17, v1;
	vm3 =	vlt.s32 v17, v2  }
0xb1: {  	v17 =	vshll.u32 v17, $0xE;
	vm2 =	vmand vm2, vm3  }
0xb2: {  	v17 =	vor.u32 v18, v17;
	v19 =	vmpcnt.ones.xlane vm2;
	v18 =	vsel vm2, v4, v0  }
0xb3: {  	(xrf1) =	vsort.ascd.msk.u32 $0xffff, v18, v17  }
0xb4: {  	(v2sf) =	vpush v19, $0x0;
	_ =	sdelay $0xb  }
0xb5: {  	s21 =	simm.s32 $0x80;
	s19 =	simm.s32 $0x40  }
.LBB2_7:
0xb6: {  	p1 =	sne.s32 s21, $0x600;
	_, v17, _ =	vpop (xrf1)  }
0xb7: {  	s22 =	sshra.s32 s19, $0x2;
	s19 =	smov.u32 s21;
	[tilespmem:s10+$0x400] =	vst v17  }
0xb8: {  	v17 =	vld [tilespmem:s22+$0x200];
	s23 =	spop (v2sf)  }
0xb9: {  	s10 =	sadd.s32 s10, s23  }
0xba: {  	v18 =	vld [tilespmem:s22+$0x0];
	_ =	sdelay $0x2  }
0xbb: {  	vm2 =	vge.s32 v17, v1;
	vm3 =	vlt.s32 v17, v2  }
0xbc: {  	v17 =	vshll.u32 v17, $0xE;
	vm2 =	vmand vm2, vm3  }
0xbd: {  	v17 =	vor.u32 v18, v17;
	v18 =	vsel vm2, v4, v0;
	v19 =	vmpcnt.ones.xlane vm2  }
0xbe: {  	(xrf1) =	vsort.ascd.msk.u32 $0xffff, v18, v17  }
0xbf: {  	(v2sf) =	vpush v19, $0x0;
	_ =	sdelay $0x7  }
.Ltmp4:
0xc0: {  	(pc) =	sbr.rel @p1 .LBB2_7-.Ltmp4, $2  }
0xc1: {  	_ =	sdelay $0x2  }
0xc2: {  	s21 =	sadd.s32 $0x40, s21  }
0xc3: {  	_, v17, _ =	vpop (xrf1)  }
0xc4: {  	s19 =	sshra.s32 s19, $0x2;
	[tilespmem:s10+$0x400] =	vst v17  }
0xc5: {  	v17 =	vld [tilespmem:s19+$0x200];
	_ =	sdelay $0x3  }
0xc6: {  	v18 =	vld [tilespmem:s19+$0x0]  }
0xc7: {  	vm2 =	vge.s32 v17, v1;
	vm3 =	vlt.s32 v17, v2  }
0xc8: {  	vm2 =	vmand vm2, vm3  }
0xc9: {  	v19 =	vmpcnt.ones.xlane vm2  }
0xca: {  	v17 =	vshll.u32 v17, $0xE  }
0xcb: {  	v17 =	vor.u32 v18, v17;
	v18 =	vsel vm2, v4, v0;
	(v2sf) =	vpush v19, $0x0  }
0xcc: {  	(xrf1) =	vsort.ascd.msk.u32 $0xffff, v18, v17;
	_ =	sdelay $0x8  }
0xcd: {  	s11 =	sadd.s32 $0x1, s11  }
0xce: {  	p1 =	sne.s32 s11, $0x19  }
.Ltmp5:
0xcf: {  	_ = 	snop;
	(pc) =	sbr.rel @p1 .LBB2_6-.Ltmp5, $4  }
0xd0: {  	_ = 	snop  }
0xd1: {  	s25 =	spop (v2sf)  }
0xd2: {  	s26 =	sadd.s32 s10, s25;
	_, v17, _ =	vpop (xrf1);
	s28 =	spop (v2sf)  }
0xd3: {  	[tilespmem:s26+$0x400] =	vst v17;
	s10 =	sadd.s32 s26, s28  }
0xd4: {  	s1 =	sadd.s32 $0x3F, s10  }
0xd5: {  	s1 =	sshra.s32 s1, $0x6  }
0xd6: {  	[tilespmem:s10+$0x400] =	vst v5;
	p1 =	slt.s32 s1, $0x1  }
.Ltmp6:
0xd7: {  	[tilespmem:s10+$0x410] =	vst v5;
	(pc) =	sbr.rel @p1 .LBB2_13-.Ltmp6, $4  }
0xd8: {  	[tilespmem:s10+$0x420] =	vst v5  }
0xd9: {  	[tilespmem:s10+$0x430] =	vst v5  }
0xda: {  	[bflag:$0x0] =	sbarrier.arrive $0xFFFF  }
0xdb: {  	s10 =	simm.s32 $0x0;
	s11 =	simm.s32 $0x0  }
.LBB2_10:
0xdc: {  	s19 =	sshll.u32 s11, $0x8  }
0xdd: {  	s19 =	sshra.s32 s19, $0x2  }
0xde: {  	v17 =	vld [tilespmem:s19+$0x400];
	_ =	sdelay $0x4  }
0xdf: {  	v18 =	vshra.s32 v17, $0xE;
	v17 =	vand.u32 $0x3FFF, v17  }
0xe0: {  	vm2 =	vlt.s32 v18, $0x270F;
	[tilespmem:$0x2B80] =	vst v17  }
0xe1: {  	[tilespmem:$0x2C80] =	vst v18;
	v17 =	vnsel vm2, $0x270F, v18  }
0xe2: {  	[tilespmem:$0x2C00] =	vst v17  }
0xe3: {  	v17 =	vld [tilespmem:s19+$0x410];
	_ =	sdelay $0x4  }
0xe4: {  	v18 =	vshra.s32 v17, $0xE;
	v17 =	vand.u32 $0x3FFF, v17  }
0xe5: {  	vm2 =	vlt.s32 v18, $0x270F;
	[tilespmem:$0x2B90] =	vst v17  }
0xe6: {  	[tilespmem:$0x2C90] =	vst v18;
	v17 =	vnsel vm2, $0x270F, v18  }
0xe7: {  	[tilespmem:$0x2C10] =	vst v17  }
0xe8: {  	v17 =	vld [tilespmem:s19+$0x420];
	_ =	sdelay $0x4  }
0xe9: {  	v18 =	vshra.s32 v17, $0xE;
	v17 =	vand.u32 $0x3FFF, v17  }
0xea: {  	vm2 =	vlt.s32 v18, $0x270F;
	[tilespmem:$0x2BA0] =	vst v17  }
0xeb: {  	[tilespmem:$0x2CA0] =	vst v18;
	v17 =	vnsel vm2, $0x270F, v18  }
0xec: {  	[tilespmem:$0x2C20] =	vst v17  }
0xed: {  	v17 =	vld [tilespmem:s19+$0x430];
	_ =	sdelay $0x4  }
0xee: {  	v18 =	vshra.s32 v17, $0xE;
	v17 =	vand.u32 $0x3FFF, v17  }
0xef: {  	vm2 =	vlt.s32 v18, $0x270F;
	[tilespmem:$0x2BB0] =	vst v17  }
0xf0: {  	[tilespmem:$0x2CB0] =	vst v18;
	v17 =	vnsel vm2, $0x270F, v18  }
0xf1: {  	s21 =	simm.s32 $0x2B80;
	s19 =	simm.s32 $0x2D00;
	[tilespmem:$0x2C30] =	vst v17  }
0xf2: {  	[tilespmem:s19], [sflag:$0x1] =	stream.indirect.gather [hbm4b:s5+s18], $0x80, s21, s18, $0xb8;
	[tilespmem:$0x18D00] =	vst v63  }
0xf3: {  	_ =	swait.ge [sflag:s20], $0x2000  }
0xf4: {  	[sflag:s20] =	ssyncset.done $0x0  }
0xf5: {  	s28 =	simm.s32 $0x2C00;
	s22 =	simm.s32 $0x4D00;
	[sflag:s20] =	ssyncadd.s32 $0xFFFFE000  }
0xf6: {  	[tilespmem:s22], [sflag:$0x1] =	stream.indirect.gather [hbm4b:s5+s18], $0x80, s28, s18, $0xb8;
	[tilespmem:$0x18D00] =	vst v63  }
0xf7: {  	_ =	swait.ge [sflag:s20], $0x2000  }
0xf8: {  	[sflag:s20] =	ssyncset.done $0x0  }
0xf9: {  	[sflag:s20] =	ssyncadd.s32 $0xFFFFE000  }
0xfa: {  	v17 =	vld [tilespmem:$0x2B80];
	_ =	sdelay $0x4  }
0xfb: {  	v18 =	vshll.u32 v17, $0x2  }
0xfc: {  	v17 =	vand.u32 $0x7, v17;
	v18 =	vand.u32 $0xFFFFFFE0, v18  }
0xfd: {  	v17 =	vor.u32 v17, v18  }
0xfe: {  	v18 =	vperm.xlane v17, v6;
	_ =	sdelay $0x1  }
0xff: {  	v18 =	vadd.s32 v7, v18;
	_ =	sdelay $0x1  }
0x100: {  	v17 =	vperm.xlane v17, v8;
	_ =	sdelay $0x1  }
0x101: {  	s23 =	simm.s32 $0x6D00;
	v17 =	vadd.s32 v7, v17  }
0x102: {  	[tilespmem:s23], [sflag:$0x1] =	stream.indirect_vreg.gather [hbm4b:s6+s10], $0x80, v18, vm0, $0xb8;
	[tilespmem:$0x18D00] =	vst v63  }
0x103: {  	s24 =	simm.s32 $0x7500  }
0x104: {  	[tilespmem:s24], [sflag:$0x1] =	stream.indirect_vreg.gather [hbm4b:s9+s10], $0x80, v18, vm0, $0xb8;
	[tilespmem:$0x18D00] =	vst v63  }
0x105: {  	s25 =	simm.s32 $0x7D00  }
0x106: {  	[tilespmem:s25], [sflag:$0x1] =	stream.indirect_vreg.gather [hbm4b:s6+s10], $0x80, v17, vm0, $0xb8;
	[tilespmem:$0x18D00] =	vst v63  }
0x107: {  	s26 =	simm.s32 $0x8500  }
0x108: {  	[tilespmem:s26], [sflag:$0x1] =	stream.indirect_vreg.gather [hbm4b:s9+s10], $0x80, v17, vm0, $0xb8;
	[tilespmem:$0x18D00] =	vst v63  }
0x109: {  	v17 =	vld [tilespmem:$0x2B90];
	_ =	sdelay $0x4  }
0x10a: {  	v18 =	vshll.u32 v17, $0x2  }
0x10b: {  	v17 =	vand.u32 $0x7, v17;
	v18 =	vand.u32 $0xFFFFFFE0, v18  }
0x10c: {  	v17 =	vor.u32 v17, v18  }
0x10d: {  	v18 =	vperm.xlane v17, v6;
	_ =	sdelay $0x1  }
0x10e: {  	v18 =	vadd.s32 v7, v18;
	_ =	sdelay $0x1  }
0x10f: {  	v17 =	vperm.xlane v17, v8;
	_ =	sdelay $0x1  }
0x110: {  	s28 =	simm.s32 $0x8D00;
	v17 =	vadd.s32 v7, v17  }
0x111: {  	[tilespmem:s28], [sflag:$0x1] =	stream.indirect_vreg.gather [hbm4b:s6+s10], $0x80, v18, vm0, $0xb8;
	[tilespmem:$0x18D00] =	vst v63  }
0x112: {  	s22 =	simm.s32 $0x9500  }
0x113: {  	[tilespmem:s22], [sflag:$0x1] =	stream.indirect_vreg.gather [hbm4b:s9+s10], $0x80, v18, vm0, $0xb8;
	[tilespmem:$0x18D00] =	vst v63  }
0x114: {  	s23 =	simm.s32 $0x9D00  }
0x115: {  	[tilespmem:s23], [sflag:$0x1] =	stream.indirect_vreg.gather [hbm4b:s6+s10], $0x80, v17, vm0, $0xb8;
	[tilespmem:$0x18D00] =	vst v63  }
0x116: {  	s24 =	simm.s32 $0xA500  }
0x117: {  	[tilespmem:s24], [sflag:$0x1] =	stream.indirect_vreg.gather [hbm4b:s9+s10], $0x80, v17, vm0, $0xb8;
	[tilespmem:$0x18D00] =	vst v63  }
0x118: {  	v17 =	vld [tilespmem:$0x2BA0];
	_ =	sdelay $0x4  }
0x119: {  	v18 =	vshll.u32 v17, $0x2  }
0x11a: {  	v17 =	vand.u32 $0x7, v17;
	v18 =	vand.u32 $0xFFFFFFE0, v18  }
0x11b: {  	v17 =	vor.u32 v17, v18  }
0x11c: {  	v18 =	vperm.xlane v17, v6;
	_ =	sdelay $0x1  }
0x11d: {  	v18 =	vadd.s32 v7, v18;
	_ =	sdelay $0x1  }
0x11e: {  	v17 =	vperm.xlane v17, v8;
	_ =	sdelay $0x1  }
0x11f: {  	s25 =	simm.s32 $0xAD00;
	v17 =	vadd.s32 v7, v17  }
0x120: {  	[tilespmem:s25], [sflag:$0x1] =	stream.indirect_vreg.gather [hbm4b:s6+s10], $0x80, v18, vm0, $0xb8;
	[tilespmem:$0x18D00] =	vst v63  }
0x121: {  	s26 =	simm.s32 $0xB500  }
0x122: {  	[tilespmem:s26], [sflag:$0x1] =	stream.indirect_vreg.gather [hbm4b:s9+s10], $0x80, v18, vm0, $0xb8;
	[tilespmem:$0x18D00] =	vst v63  }
0x123: {  	s28 =	simm.s32 $0xBD00  }
0x124: {  	[tilespmem:s28], [sflag:$0x1] =	stream.indirect_vreg.gather [hbm4b:s6+s10], $0x80, v17, vm0, $0xb8;
	[tilespmem:$0x18D00] =	vst v63  }
0x125: {  	s22 =	simm.s32 $0xC500  }
0x126: {  	[tilespmem:s22], [sflag:$0x1] =	stream.indirect_vreg.gather [hbm4b:s9+s10], $0x80, v17, vm0, $0xb8;
	[tilespmem:$0x18D00] =	vst v63  }
0x127: {  	v17 =	vld [tilespmem:$0x2BB0];
	_ =	sdelay $0x4  }
0x128: {  	v18 =	vshll.u32 v17, $0x2  }
0x129: {  	v17 =	vand.u32 $0x7, v17;
	v18 =	vand.u32 $0xFFFFFFE0, v18  }
0x12a: {  	v17 =	vor.u32 v17, v18  }
0x12b: {  	v18 =	vperm.xlane v17, v6;
	_ =	sdelay $0x1  }
0x12c: {  	v18 =	vadd.s32 v7, v18;
	_ =	sdelay $0x1  }
0x12d: {  	v17 =	vperm.xlane v17, v8;
	_ =	sdelay $0x1  }
0x12e: {  	s23 =	simm.s32 $0xCD00;
	v17 =	vadd.s32 v7, v17  }
0x12f: {  	[tilespmem:s23], [sflag:$0x1] =	stream.indirect_vreg.gather [hbm4b:s6+s10], $0x80, v18, vm0, $0xb8;
	[tilespmem:$0x18D00] =	vst v63  }
0x130: {  	s24 =	simm.s32 $0xD500  }
0x131: {  	[tilespmem:s24], [sflag:$0x1] =	stream.indirect_vreg.gather [hbm4b:s9+s10], $0x80, v18, vm0, $0xb8;
	[tilespmem:$0x18D00] =	vst v63  }
0x132: {  	s25 =	simm.s32 $0xDD00  }
0x133: {  	[tilespmem:s25], [sflag:$0x1] =	stream.indirect_vreg.gather [hbm4b:s6+s10], $0x80, v17, vm0, $0xb8;
	[tilespmem:$0x18D00] =	vst v63  }
0x134: {  	s26 =	simm.s32 $0xE500  }
0x135: {  	[tilespmem:s26], [sflag:$0x1] =	stream.indirect_vreg.gather [hbm4b:s9+s10], $0x80, v17, vm0, $0xb8;
	[tilespmem:$0x18D00] =	vst v63  }
0x136: {  	_ =	swait.ge [sflag:s20], $0x8000  }
0x137: {  	[sflag:s20] =	ssyncset.done $0x0  }
0x138: {  	[sflag:s20] =	ssyncadd.s32 $0xFFFF8000  }
0x139: {  	s21 =	simm.s32 $0x4D10;
	v17 =	vld [tilespmem:s19+$0x0]  }
0x13a: {  	v18 =	vld [tilespmem:s21+$0x0];
	_ =	sdelay $0x4  }
0x13b: {  	v17 =	vadd.f32 v18, v17;
	_ =	sdelay $0x1  }
0x13c: {  	v18 =	vmul.f32 $2.000000030e-01, v17;
	_ =	sdelay $0x1  }
0x13d: {  	v17 =	vmax.f32 v17, v18  }
0x13e: {  	v17 =	vmul.f32 $1.442695020e+00, v17;
	_ =	sdelay $0x1  }
0x13f: {  	(erf) = vpow2.f32 v17;
	_ =	sdelay $0x4  }
0x140: {  	s28 =	simm.s32 $0x0  }
0x141: {  	s22 =	smul.u32 $0x5000, s28;
	_ =	sdelay $0x1  }
0x142: {  	s22 =	sshra.s32 s22, $0x2;
	s23 =	sand.u32 $0x380, s10;
	s24 =	simm.s32 $0x0  }
0x143: {  	s22 =	sor.u32 s23, s22;
	s24 =	sand.u32 $0x3FFFF000, s24;
	v17 =	vpop (erf)  }
0x144: {  	s23 =	sor.u32 s23, s24;
	[tilespmem:s22+$0xED00] =	vst v17  }
0x145: {  	v18 =	vld [tilespmem:s23+$0x6D00];
	_ =	sdelay $0x2  }
0x146: {  	v19 =	vperm.xlane v17, v9;
	_ =	sdelay $0x1  }
0x147: {  	v18 =	vmul.f32 v18, v19;
	_ =	sdelay $0x1  }
0x148: {  	[tilespmem:s22+$0xF100] =	vst v18  }
0x149: {  	v18 =	vld [tilespmem:s23+$0x6D10];
	_ =	sdelay $0x4  }
0x14a: {  	v18 =	vmul.f32 v18, v19;
	_ =	sdelay $0x1  }
0x14b: {  	[tilespmem:s22+$0xF110] =	vst v18  }
0x14c: {  	v18 =	vld [tilespmem:s23+$0x6D20];
	_ =	sdelay $0x4  }
0x14d: {  	v18 =	vmul.f32 v18, v19;
	_ =	sdelay $0x1  }
0x14e: {  	[tilespmem:s22+$0xF120] =	vst v18  }
0x14f: {  	v18 =	vld [tilespmem:s23+$0x6D30];
	_ =	sdelay $0x4  }
0x150: {  	v18 =	vmul.f32 v18, v19;
	_ =	sdelay $0x1  }
0x151: {  	[tilespmem:s22+$0xF130] =	vst v18  }
0x152: {  	v18 =	vld [tilespmem:s23+$0x6D40];
	_ =	sdelay $0x2  }
0x153: {  	v19 =	vperm.xlane v17, v10;
	_ =	sdelay $0x1  }
0x154: {  	v18 =	vmul.f32 v18, v19;
	_ =	sdelay $0x1  }
0x155: {  	[tilespmem:s22+$0xF140] =	vst v18  }
0x156: {  	v18 =	vld [tilespmem:s23+$0x6D50];
	_ =	sdelay $0x4  }
0x157: {  	v18 =	vmul.f32 v18, v19;
	_ =	sdelay $0x1  }
0x158: {  	[tilespmem:s22+$0xF150] =	vst v18  }
0x159: {  	v18 =	vld [tilespmem:s23+$0x6D60];
	_ =	sdelay $0x4  }
0x15a: {  	v18 =	vmul.f32 v18, v19;
	_ =	sdelay $0x1  }
0x15b: {  	[tilespmem:s22+$0xF160] =	vst v18  }
0x15c: {  	v18 =	vld [tilespmem:s23+$0x6D70];
	_ =	sdelay $0x4  }
0x15d: {  	v18 =	vmul.f32 v18, v19;
	_ =	sdelay $0x1  }
0x15e: {  	[tilespmem:s22+$0xF170] =	vst v18  }
0x15f: {  	v18 =	vld [tilespmem:s23+$0x7100];
	_ =	sdelay $0x2  }
0x160: {  	v19 =	vperm.xlane v17, v11;
	_ =	sdelay $0x1  }
0x161: {  	v18 =	vmul.f32 v18, v19;
	_ =	sdelay $0x1  }
0x162: {  	[tilespmem:s22+$0xF500] =	vst v18  }
0x163: {  	v18 =	vld [tilespmem:s23+$0x7110];
	_ =	sdelay $0x4  }
0x164: {  	v18 =	vmul.f32 v18, v19;
	_ =	sdelay $0x1  }
0x165: {  	[tilespmem:s22+$0xF510] =	vst v18  }
0x166: {  	v18 =	vld [tilespmem:s23+$0x7120];
	_ =	sdelay $0x4  }
0x167: {  	v18 =	vmul.f32 v18, v19;
	_ =	sdelay $0x1  }
0x168: {  	[tilespmem:s22+$0xF520] =	vst v18  }
0x169: {  	v18 =	vld [tilespmem:s23+$0x7130];
	_ =	sdelay $0x4  }
0x16a: {  	v18 =	vmul.f32 v18, v19;
	_ =	sdelay $0x1  }
0x16b: {  	[tilespmem:s22+$0xF530] =	vst v18  }
0x16c: {  	v18 =	vld [tilespmem:s23+$0x7140];
	_ =	sdelay $0x2  }
0x16d: {  	v19 =	vperm.xlane v17, v12;
	_ =	sdelay $0x1  }
0x16e: {  	v18 =	vmul.f32 v18, v19;
	_ =	sdelay $0x1  }
0x16f: {  	[tilespmem:s22+$0xF540] =	vst v18  }
0x170: {  	v18 =	vld [tilespmem:s23+$0x7150];
	_ =	sdelay $0x4  }
0x171: {  	v18 =	vmul.f32 v18, v19;
	_ =	sdelay $0x1  }
0x172: {  	[tilespmem:s22+$0xF550] =	vst v18  }
0x173: {  	v18 =	vld [tilespmem:s23+$0x7160];
	_ =	sdelay $0x4  }
0x174: {  	v18 =	vmul.f32 v18, v19;
	_ =	sdelay $0x1  }
0x175: {  	[tilespmem:s22+$0xF560] =	vst v18  }
0x176: {  	v18 =	vld [tilespmem:s23+$0x7170];
	_ =	sdelay $0x4  }
0x177: {  	v18 =	vmul.f32 v18, v19;
	_ =	sdelay $0x1  }
0x178: {  	[tilespmem:s22+$0xF570] =	vst v18  }
0x179: {  	v18 =	vld [tilespmem:s23+$0x7500];
	_ =	sdelay $0x2  }
0x17a: {  	v19 =	vperm.xlane v17, v13;
	_ =	sdelay $0x1  }
0x17b: {  	v18 =	vmul.f32 v18, v19;
	_ =	sdelay $0x1  }
0x17c: {  	[tilespmem:s22+$0xF900] =	vst v18  }
0x17d: {  	v18 =	vld [tilespmem:s23+$0x7510];
	_ =	sdelay $0x4  }
0x17e: {  	v18 =	vmul.f32 v18, v19;
	_ =	sdelay $0x1  }
0x17f: {  	[tilespmem:s22+$0xF910] =	vst v18  }
0x180: {  	v18 =	vld [tilespmem:s23+$0x7520];
	_ =	sdelay $0x4  }
0x181: {  	v18 =	vmul.f32 v18, v19;
	_ =	sdelay $0x1  }
0x182: {  	[tilespmem:s22+$0xF920] =	vst v18  }
0x183: {  	v18 =	vld [tilespmem:s23+$0x7530];
	_ =	sdelay $0x4  }
0x184: {  	v18 =	vmul.f32 v18, v19;
	_ =	sdelay $0x1  }
0x185: {  	[tilespmem:s22+$0xF930] =	vst v18  }
0x186: {  	v18 =	vld [tilespmem:s23+$0x7540];
	_ =	sdelay $0x2  }
0x187: {  	v19 =	vperm.xlane v17, v14;
	_ =	sdelay $0x1  }
0x188: {  	v18 =	vmul.f32 v18, v19;
	_ =	sdelay $0x1  }
0x189: {  	[tilespmem:s22+$0xF940] =	vst v18  }
0x18a: {  	v18 =	vld [tilespmem:s23+$0x7550];
	_ =	sdelay $0x4  }
0x18b: {  	v18 =	vmul.f32 v18, v19;
	_ =	sdelay $0x1  }
0x18c: {  	[tilespmem:s22+$0xF950] =	vst v18  }
0x18d: {  	v18 =	vld [tilespmem:s23+$0x7560];
	_ =	sdelay $0x4  }
0x18e: {  	v18 =	vmul.f32 v18, v19;
	_ =	sdelay $0x1  }
0x18f: {  	[tilespmem:s22+$0xF960] =	vst v18  }
0x190: {  	v18 =	vld [tilespmem:s23+$0x7570];
	_ =	sdelay $0x4  }
0x191: {  	v18 =	vmul.f32 v18, v19;
	_ =	sdelay $0x1  }
0x192: {  	[tilespmem:s22+$0xF970] =	vst v18  }
0x193: {  	v18 =	vld [tilespmem:s23+$0x7900];
	_ =	sdelay $0x2  }
0x194: {  	v19 =	vperm.xlane v17, v15;
	_ =	sdelay $0x1  }
0x195: {  	v18 =	vmul.f32 v18, v19;
	_ =	sdelay $0x1  }
0x196: {  	[tilespmem:s22+$0xFD00] =	vst v18  }
0x197: {  	v18 =	vld [tilespmem:s23+$0x7910];
	_ =	sdelay $0x4  }
0x198: {  	v18 =	vmul.f32 v18, v19;
	_ =	sdelay $0x1  }
0x199: {  	[tilespmem:s22+$0xFD10] =	vst v18  }
0x19a: {  	v18 =	vld [tilespmem:s23+$0x7920];
	_ =	sdelay $0x4  }
0x19b: {  	v18 =	vmul.f32 v18, v19;
	_ =	sdelay $0x1  }
0x19c: {  	[tilespmem:s22+$0xFD20] =	vst v18  }
0x19d: {  	v18 =	vld [tilespmem:s23+$0x7930];
	_ =	sdelay $0x4  }
0x19e: {  	v18 =	vmul.f32 v18, v19;
	_ =	sdelay $0x1  }
0x19f: {  	[tilespmem:s22+$0xFD30] =	vst v18  }
0x1a0: {  	v18 =	vld [tilespmem:s23+$0x7940];
	_ =	sdelay $0x2  }
0x1a1: {  	v17 =	vperm.xlane v17, v16;
	_ =	sdelay $0x1  }
0x1a2: {  	v18 =	vmul.f32 v18, v17;
	_ =	sdelay $0x1  }
0x1a3: {  	[tilespmem:s22+$0xFD40] =	vst v18  }
0x1a4: {  	v18 =	vld [tilespmem:s23+$0x7950];
	_ =	sdelay $0x4  }
0x1a5: {  	v18 =	vmul.f32 v18, v17;
	_ =	sdelay $0x1  }
0x1a6: {  	[tilespmem:s22+$0xFD50] =	vst v18  }
0x1a7: {  	v18 =	vld [tilespmem:s23+$0x7960];
	_ =	sdelay $0x4  }
0x1a8: {  	v18 =	vmul.f32 v18, v17;
	_ =	sdelay $0x1  }
0x1a9: {  	[tilespmem:s22+$0xFD60] =	vst v18  }
0x1aa: {  	v18 =	vld [tilespmem:s23+$0x7970];
	_ =	sdelay $0x4  }
0x1ab: {  	s24 =	simm.s32 $0x0;
	s23 =	simm.s32 $0x1;
	v17 =	vmul.f32 v18, v17  }
.LBB2_11:
0x1ac: {  	_ = 	snop  }
0x1ad: {  	s24 =	sadd.s32 $0x80, s24;
	s21 =	sadd.s32 $0x80, s21;
	s19 =	sadd.s32 $0x80, s19;
	[tilespmem:s22+$0xFD70] =	vst v17  }
0x1ae: {  	p1 =	sne.s32 s23, $0x3F;
	s22 =	smov.u32 s23;
	s23 =	sadd.s32 $0x1, s23;
	v17 =	vld [tilespmem:s19+$0x0]  }
0x1af: {  	v18 =	vld [tilespmem:s21+$0x0];
	_ =	sdelay $0x4  }
0x1b0: {  	v17 =	vadd.f32 v18, v17;
	_ =	sdelay $0x1  }
0x1b1: {  	v18 =	vmul.f32 $2.000000030e-01, v17;
	_ =	sdelay $0x1  }
0x1b2: {  	v17 =	vmax.f32 v17, v18  }
0x1b3: {  	v17 =	vmul.f32 $1.442695020e+00, v17;
	_ =	sdelay $0x1  }
0x1b4: {  	(erf) = vpow2.f32 v17;
	_ =	sdelay $0x4  }
0x1b5: {  	s25 =	sshrl.u32 s22, $0x3  }
0x1b6: {  	s25 =	smul.u32 $0x5000, s25;
	_ =	sdelay $0x1  }
0x1b7: {  	s26 =	sand.u32 $0x380, s24;
	s28 =	sshll.u32 s22, $0x9;
	s25 =	sshra.s32 s25, $0x2  }
0x1b8: {  	s22 =	sor.u32 s26, s25;
	s25 =	sand.u32 $0x3FFFF000, s28;
	v17 =	vpop (erf)  }
0x1b9: {  	s25 =	sor.u32 s26, s25;
	[tilespmem:s22+$0xED00] =	vst v17  }
0x1ba: {  	v18 =	vld [tilespmem:s25+$0x6D00];
	_ =	sdelay $0x2  }
0x1bb: {  	v19 =	vperm.xlane v17, v9;
	_ =	sdelay $0x1  }
0x1bc: {  	v18 =	vmul.f32 v18, v19;
	_ =	sdelay $0x1  }
0x1bd: {  	[tilespmem:s22+$0xF100] =	vst v18  }
0x1be: {  	v18 =	vld [tilespmem:s25+$0x6D10];
	_ =	sdelay $0x4  }
0x1bf: {  	v18 =	vmul.f32 v18, v19;
	_ =	sdelay $0x1  }
0x1c0: {  	[tilespmem:s22+$0xF110] =	vst v18  }
0x1c1: {  	v18 =	vld [tilespmem:s25+$0x6D20];
	_ =	sdelay $0x4  }
0x1c2: {  	v18 =	vmul.f32 v18, v19;
	_ =	sdelay $0x1  }
0x1c3: {  	[tilespmem:s22+$0xF120] =	vst v18  }
0x1c4: {  	v18 =	vld [tilespmem:s25+$0x6D30];
	_ =	sdelay $0x4  }
0x1c5: {  	v18 =	vmul.f32 v18, v19;
	_ =	sdelay $0x1  }
0x1c6: {  	[tilespmem:s22+$0xF130] =	vst v18  }
0x1c7: {  	v18 =	vld [tilespmem:s25+$0x6D40];
	_ =	sdelay $0x2  }
0x1c8: {  	v19 =	vperm.xlane v17, v10;
	_ =	sdelay $0x1  }
0x1c9: {  	v18 =	vmul.f32 v18, v19;
	_ =	sdelay $0x1  }
0x1ca: {  	[tilespmem:s22+$0xF140] =	vst v18  }
0x1cb: {  	v18 =	vld [tilespmem:s25+$0x6D50];
	_ =	sdelay $0x4  }
0x1cc: {  	v18 =	vmul.f32 v18, v19;
	_ =	sdelay $0x1  }
0x1cd: {  	[tilespmem:s22+$0xF150] =	vst v18  }
0x1ce: {  	v18 =	vld [tilespmem:s25+$0x6D60];
	_ =	sdelay $0x4  }
0x1cf: {  	v18 =	vmul.f32 v18, v19;
	_ =	sdelay $0x1  }
0x1d0: {  	[tilespmem:s22+$0xF160] =	vst v18  }
0x1d1: {  	v18 =	vld [tilespmem:s25+$0x6D70];
	_ =	sdelay $0x4  }
0x1d2: {  	v18 =	vmul.f32 v18, v19;
	_ =	sdelay $0x1  }
0x1d3: {  	[tilespmem:s22+$0xF170] =	vst v18  }
0x1d4: {  	v18 =	vld [tilespmem:s25+$0x7100];
	_ =	sdelay $0x2  }
0x1d5: {  	v19 =	vperm.xlane v17, v11;
	_ =	sdelay $0x1  }
0x1d6: {  	v18 =	vmul.f32 v18, v19;
	_ =	sdelay $0x1  }
0x1d7: {  	[tilespmem:s22+$0xF500] =	vst v18  }
0x1d8: {  	v18 =	vld [tilespmem:s25+$0x7110];
	_ =	sdelay $0x4  }
0x1d9: {  	v18 =	vmul.f32 v18, v19;
	_ =	sdelay $0x1  }
0x1da: {  	[tilespmem:s22+$0xF510] =	vst v18  }
0x1db: {  	v18 =	vld [tilespmem:s25+$0x7120];
	_ =	sdelay $0x4  }
0x1dc: {  	v18 =	vmul.f32 v18, v19;
	_ =	sdelay $0x1  }
0x1dd: {  	[tilespmem:s22+$0xF520] =	vst v18  }
0x1de: {  	v18 =	vld [tilespmem:s25+$0x7130];
	_ =	sdelay $0x4  }
0x1df: {  	v18 =	vmul.f32 v18, v19;
	_ =	sdelay $0x1  }
0x1e0: {  	[tilespmem:s22+$0xF530] =	vst v18  }
0x1e1: {  	v18 =	vld [tilespmem:s25+$0x7140];
	_ =	sdelay $0x2  }
0x1e2: {  	v19 =	vperm.xlane v17, v12;
	_ =	sdelay $0x1  }
0x1e3: {  	v18 =	vmul.f32 v18, v19;
	_ =	sdelay $0x1  }
0x1e4: {  	[tilespmem:s22+$0xF540] =	vst v18  }
0x1e5: {  	v18 =	vld [tilespmem:s25+$0x7150];
	_ =	sdelay $0x4  }
0x1e6: {  	v18 =	vmul.f32 v18, v19;
	_ =	sdelay $0x1  }
0x1e7: {  	[tilespmem:s22+$0xF550] =	vst v18  }
0x1e8: {  	v18 =	vld [tilespmem:s25+$0x7160];
	_ =	sdelay $0x4  }
0x1e9: {  	v18 =	vmul.f32 v18, v19;
	_ =	sdelay $0x1  }
0x1ea: {  	[tilespmem:s22+$0xF560] =	vst v18  }
0x1eb: {  	v18 =	vld [tilespmem:s25+$0x7170];
	_ =	sdelay $0x4  }
0x1ec: {  	v18 =	vmul.f32 v18, v19;
	_ =	sdelay $0x1  }
0x1ed: {  	[tilespmem:s22+$0xF570] =	vst v18  }
0x1ee: {  	v18 =	vld [tilespmem:s25+$0x7500];
	_ =	sdelay $0x2  }
0x1ef: {  	v19 =	vperm.xlane v17, v13;
	_ =	sdelay $0x1  }
0x1f0: {  	v18 =	vmul.f32 v18, v19;
	_ =	sdelay $0x1  }
0x1f1: {  	[tilespmem:s22+$0xF900] =	vst v18  }
0x1f2: {  	v18 =	vld [tilespmem:s25+$0x7510];
	_ =	sdelay $0x4  }
0x1f3: {  	v18 =	vmul.f32 v18, v19;
	_ =	sdelay $0x1  }
0x1f4: {  	[tilespmem:s22+$0xF910] =	vst v18  }
0x1f5: {  	v18 =	vld [tilespmem:s25+$0x7520];
	_ =	sdelay $0x4  }
0x1f6: {  	v18 =	vmul.f32 v18, v19;
	_ =	sdelay $0x1  }
0x1f7: {  	[tilespmem:s22+$0xF920] =	vst v18  }
0x1f8: {  	v18 =	vld [tilespmem:s25+$0x7530];
	_ =	sdelay $0x4  }
0x1f9: {  	v18 =	vmul.f32 v18, v19;
	_ =	sdelay $0x1  }
0x1fa: {  	[tilespmem:s22+$0xF930] =	vst v18  }
0x1fb: {  	v18 =	vld [tilespmem:s25+$0x7540];
	_ =	sdelay $0x2  }
0x1fc: {  	v19 =	vperm.xlane v17, v14;
	_ =	sdelay $0x1  }
0x1fd: {  	v18 =	vmul.f32 v18, v19;
	_ =	sdelay $0x1  }
0x1fe: {  	[tilespmem:s22+$0xF940] =	vst v18  }
0x1ff: {  	v18 =	vld [tilespmem:s25+$0x7550];
	_ =	sdelay $0x4  }
0x200: {  	v18 =	vmul.f32 v18, v19;
	_ =	sdelay $0x1  }
0x201: {  	[tilespmem:s22+$0xF950] =	vst v18  }
0x202: {  	v18 =	vld [tilespmem:s25+$0x7560];
	_ =	sdelay $0x4  }
0x203: {  	v18 =	vmul.f32 v18, v19;
	_ =	sdelay $0x1  }
0x204: {  	[tilespmem:s22+$0xF960] =	vst v18  }
0x205: {  	v18 =	vld [tilespmem:s25+$0x7570];
	_ =	sdelay $0x4  }
0x206: {  	v18 =	vmul.f32 v18, v19;
	_ =	sdelay $0x1  }
0x207: {  	[tilespmem:s22+$0xF970] =	vst v18  }
0x208: {  	v18 =	vld [tilespmem:s25+$0x7900];
	_ =	sdelay $0x2  }
0x209: {  	v19 =	vperm.xlane v17, v15;
	_ =	sdelay $0x1  }
0x20a: {  	v18 =	vmul.f32 v18, v19;
	_ =	sdelay $0x1  }
0x20b: {  	[tilespmem:s22+$0xFD00] =	vst v18  }
0x20c: {  	v18 =	vld [tilespmem:s25+$0x7910];
	_ =	sdelay $0x4  }
0x20d: {  	v18 =	vmul.f32 v18, v19;
	_ =	sdelay $0x1  }
0x20e: {  	[tilespmem:s22+$0xFD10] =	vst v18  }
0x20f: {  	v18 =	vld [tilespmem:s25+$0x7920];
	_ =	sdelay $0x4  }
0x210: {  	v18 =	vmul.f32 v18, v19;
	_ =	sdelay $0x1  }
0x211: {  	[tilespmem:s22+$0xFD20] =	vst v18  }
0x212: {  	v18 =	vld [tilespmem:s25+$0x7930];
	_ =	sdelay $0x4  }
0x213: {  	v18 =	vmul.f32 v18, v19;
	_ =	sdelay $0x1  }
0x214: {  	[tilespmem:s22+$0xFD30] =	vst v18  }
0x215: {  	v18 =	vld [tilespmem:s25+$0x7940];
	_ =	sdelay $0x2  }
0x216: {  	v17 =	vperm.xlane v17, v16;
	_ =	sdelay $0x1  }
0x217: {  	v18 =	vmul.f32 v18, v17;
	_ =	sdelay $0x1  }
0x218: {  	[tilespmem:s22+$0xFD40] =	vst v18  }
0x219: {  	v18 =	vld [tilespmem:s25+$0x7950];
	_ =	sdelay $0x4  }
0x21a: {  	v18 =	vmul.f32 v18, v17;
	_ =	sdelay $0x1  }
0x21b: {  	[tilespmem:s22+$0xFD50] =	vst v18  }
0x21c: {  	v18 =	vld [tilespmem:s25+$0x7960];
	_ =	sdelay $0x4  }
0x21d: {  	v18 =	vmul.f32 v18, v17;
	_ =	sdelay $0x1  }
0x21e: {  	[tilespmem:s22+$0xFD60] =	vst v18  }
0x21f: {  	v18 =	vld [tilespmem:s25+$0x7970]  }
.Ltmp7:
0x220: {  	(pc) =	sbr.rel @p1 .LBB2_11-.Ltmp7, $2  }
0x221: {  	_ =	sdelay $0x2  }
0x222: {  	v17 =	vmul.f32 v18, v17  }
0x223: {  	_ = 	snop  }
0x224: {  	[tilespmem:s22+$0xFD70] =	vst v17  }
0x225: {  	v17 =	vld [tilespmem:$0x2C80];
	_ =	sdelay $0x4  }
0x226: {  	v18 =	vshrl.u32 v17, $0x3  }
0x227: {  	v18 =	vmul.u32 $0x28, v18  }
0x228: {  	v17 =	vand.u32 $0x7, v17  }
0x229: {  	v17 =	vor.u32 v17, v18  }
0x22a: {  	v18 =	vperm.xlane v17, v6;
	_ =	sdelay $0x1  }
0x22b: {  	v18 =	vadd.s32 v7, v18;
	_ =	sdelay $0x3  }
0x22c: {  	v17 =	vperm.xlane v17, v8  }
0x22d: {  	[hbm4b:s8+s2] =	stream.indirect_vreg.scatter [tilespmem:s15], [sflag:$0x2], $0x80, v18, vm0, $0xb8;
	[tilespmem:$0x18D00] =	vst v63  }
0x22e: {  	s19 =	simm.s32 $0xF500;
	v17 =	vadd.s32 v7, v17  }
0x22f: {  	[hbm4b:s12+s2] =	stream.indirect_vreg.scatter [tilespmem:s19], [sflag:$0x2], $0x80, v18, vm0, $0xb8;
	[tilespmem:$0x18D00] =	vst v63  }
0x230: {  	s24 =	simm.s32 $0xFD00  }
0x231: {  	[hbm4b:s13+s2] =	stream.indirect_vreg.scatter [tilespmem:s24], [sflag:$0x2], $0x80, v18, vm1, $0xb8;
	[tilespmem:$0x18D00] =	vst v63  }
0x232: {  	s25 =	simm.s32 $0x10100  }
0x233: {  	[hbm4b:s8+s2] =	stream.indirect_vreg.scatter [tilespmem:s25], [sflag:$0x2], $0x80, v17, vm0, $0xb8;
	[tilespmem:$0x18D00] =	vst v63  }
0x234: {  	s26 =	simm.s32 $0x10900  }
0x235: {  	[hbm4b:s12+s2] =	stream.indirect_vreg.scatter [tilespmem:s26], [sflag:$0x2], $0x80, v17, vm0, $0xb8;
	[tilespmem:$0x18D00] =	vst v63  }
0x236: {  	s28 =	simm.s32 $0x11100  }
0x237: {  	[hbm4b:s13+s2] =	stream.indirect_vreg.scatter [tilespmem:s28], [sflag:$0x2], $0x80, v17, vm1, $0xb8;
	[tilespmem:$0x18D00] =	vst v63  }
0x238: {  	v17 =	vld [tilespmem:$0x2C90];
	_ =	sdelay $0x4  }
0x239: {  	v18 =	vshrl.u32 v17, $0x3  }
0x23a: {  	v18 =	vmul.u32 $0x28, v18  }
0x23b: {  	v17 =	vand.u32 $0x7, v17  }
0x23c: {  	v17 =	vor.u32 v17, v18  }
0x23d: {  	v18 =	vperm.xlane v17, v6;
	_ =	sdelay $0x1  }
0x23e: {  	v18 =	vadd.s32 v7, v18;
	_ =	sdelay $0x3  }
0x23f: {  	s21 =	simm.s32 $0x11500;
	v17 =	vperm.xlane v17, v8  }
0x240: {  	[hbm4b:s8+s2] =	stream.indirect_vreg.scatter [tilespmem:s21], [sflag:$0x2], $0x80, v18, vm0, $0xb8;
	[tilespmem:$0x18D00] =	vst v63  }
0x241: {  	s22 =	simm.s32 $0x11D00;
	v17 =	vadd.s32 v7, v17  }
0x242: {  	[hbm4b:s12+s2] =	stream.indirect_vreg.scatter [tilespmem:s22], [sflag:$0x2], $0x80, v18, vm0, $0xb8;
	[tilespmem:$0x18D00] =	vst v63  }
0x243: {  	s23 =	simm.s32 $0x12500  }
0x244: {  	[hbm4b:s13+s2] =	stream.indirect_vreg.scatter [tilespmem:s23], [sflag:$0x2], $0x80, v18, vm1, $0xb8;
	[tilespmem:$0x18D00] =	vst v63  }
0x245: {  	s24 =	simm.s32 $0x12900  }
0x246: {  	[hbm4b:s8+s2] =	stream.indirect_vreg.scatter [tilespmem:s24], [sflag:$0x2], $0x80, v17, vm0, $0xb8;
	[tilespmem:$0x18D00] =	vst v63  }
0x247: {  	s25 =	simm.s32 $0x13100  }
0x248: {  	[hbm4b:s12+s2] =	stream.indirect_vreg.scatter [tilespmem:s25], [sflag:$0x2], $0x80, v17, vm0, $0xb8;
	[tilespmem:$0x18D00] =	vst v63  }
0x249: {  	s26 =	simm.s32 $0x13900  }
0x24a: {  	[hbm4b:s13+s2] =	stream.indirect_vreg.scatter [tilespmem:s26], [sflag:$0x2], $0x80, v17, vm1, $0xb8;
	[tilespmem:$0x18D00] =	vst v63  }
0x24b: {  	v17 =	vld [tilespmem:$0x2CA0];
	_ =	sdelay $0x4  }
0x24c: {  	v18 =	vshrl.u32 v17, $0x3  }
0x24d: {  	v18 =	vmul.u32 $0x28, v18  }
0x24e: {  	v17 =	vand.u32 $0x7, v17  }
0x24f: {  	v17 =	vor.u32 v17, v18  }
0x250: {  	v18 =	vperm.xlane v17, v6;
	_ =	sdelay $0x1  }
0x251: {  	v18 =	vadd.s32 v7, v18;
	_ =	sdelay $0x3  }
0x252: {  	s28 =	simm.s32 $0x13D00;
	v17 =	vperm.xlane v17, v8  }
0x253: {  	[hbm4b:s8+s2] =	stream.indirect_vreg.scatter [tilespmem:s28], [sflag:$0x2], $0x80, v18, vm0, $0xb8;
	[tilespmem:$0x18D00] =	vst v63  }
0x254: {  	s21 =	simm.s32 $0x14500;
	v17 =	vadd.s32 v7, v17  }
0x255: {  	[hbm4b:s12+s2] =	stream.indirect_vreg.scatter [tilespmem:s21], [sflag:$0x2], $0x80, v18, vm0, $0xb8;
	[tilespmem:$0x18D00] =	vst v63  }
0x256: {  	s22 =	simm.s32 $0x14D00  }
0x257: {  	[hbm4b:s13+s2] =	stream.indirect_vreg.scatter [tilespmem:s22], [sflag:$0x2], $0x80, v18, vm1, $0xb8;
	[tilespmem:$0x18D00] =	vst v63  }
0x258: {  	s23 =	simm.s32 $0x15100  }
0x259: {  	[hbm4b:s8+s2] =	stream.indirect_vreg.scatter [tilespmem:s23], [sflag:$0x2], $0x80, v17, vm0, $0xb8;
	[tilespmem:$0x18D00] =	vst v63  }
0x25a: {  	s24 =	simm.s32 $0x15900  }
0x25b: {  	[hbm4b:s12+s2] =	stream.indirect_vreg.scatter [tilespmem:s24], [sflag:$0x2], $0x80, v17, vm0, $0xb8;
	[tilespmem:$0x18D00] =	vst v63  }
0x25c: {  	s25 =	simm.s32 $0x16100  }
0x25d: {  	[hbm4b:s13+s2] =	stream.indirect_vreg.scatter [tilespmem:s25], [sflag:$0x2], $0x80, v17, vm1, $0xb8;
	[tilespmem:$0x18D00] =	vst v63  }
0x25e: {  	v17 =	vld [tilespmem:$0x2CB0];
	_ =	sdelay $0x4  }
0x25f: {  	v18 =	vshrl.u32 v17, $0x3  }
0x260: {  	v18 =	vmul.u32 $0x28, v18  }
0x261: {  	v17 =	vand.u32 $0x7, v17  }
0x262: {  	v17 =	vor.u32 v17, v18  }
0x263: {  	v18 =	vperm.xlane v17, v6;
	_ =	sdelay $0x1  }
0x264: {  	v18 =	vadd.s32 v7, v18;
	_ =	sdelay $0x3  }
0x265: {  	s26 =	simm.s32 $0x16500;
	v17 =	vperm.xlane v17, v8  }
0x266: {  	[hbm4b:s8+s2] =	stream.indirect_vreg.scatter [tilespmem:s26], [sflag:$0x2], $0x80, v18, vm0, $0xb8;
	[tilespmem:$0x18D00] =	vst v63  }
0x267: {  	s28 =	simm.s32 $0x16D00;
	v17 =	vadd.s32 v7, v17  }
0x268: {  	[hbm4b:s12+s2] =	stream.indirect_vreg.scatter [tilespmem:s28], [sflag:$0x2], $0x80, v18, vm0, $0xb8;
	[tilespmem:$0x18D00] =	vst v63  }
0x269: {  	_ = 	snop  }
0x26a: {  	[hbm4b:s13+s2] =	stream.indirect_vreg.scatter [tilespmem:s29], [sflag:$0x2], $0x80, v18, vm1, $0xb8;
	[tilespmem:$0x18D00] =	vst v63  }
0x26b: {  	_ = 	snop  }
0x26c: {  	[hbm4b:s8+s2] =	stream.indirect_vreg.scatter [tilespmem:s30], [sflag:$0x2], $0x80, v17, vm0, $0xb8;
	[tilespmem:$0x18D00] =	vst v63  }
0x26d: {  	s11 =	sadd.s32 $0x1, s11  }
0x26e: {  	[hbm4b:s12+s2] =	stream.indirect_vreg.scatter [tilespmem:s31], [sflag:$0x2], $0x80, v17, vm0, $0xb8;
	[tilespmem:$0x18D00] =	vst v63  }
0x26f: {  	p1 =	sne.s32 s11, s1  }
0x270: {  	[hbm4b:s13+s2] =	stream.indirect_vreg.scatter [tilespmem:s0], [sflag:$0x2], $0x80, v17, vm1, $0xb8;
	[tilespmem:$0x18D00] =	vst v63  }
.Ltmp8:
0x271: {  	_ = 	snop;
	(pc) =	sbr.rel @p1 .LBB2_10-.Ltmp8, $4  }
.Ltmp9:
0x272: {  	_ = 	snop;
	(pc) =	sbr.rel @!p1 .LBB2_13-.Ltmp9, $4  }
0x273: {  	_ =	swait.ge [sflag:s16], $0xA000  }
0x274: {  	[sflag:s16] =	ssyncset.done $0x0  }
0x275: {  	[sflag:s16] =	ssyncadd.s32 $0xFFFF6000  }
0x276: {  	_ = 	snop  }
.LBB2_14:
0x277: {  	_ =	sfence.sel $0x180000  }
0x278: {  	[bflag:$0x0] =	sbarrier.arrive $0xFFFF  }
0x279: {  	_ =	strace $0x90000047  }
0x27a: {  	s0 =	stileid.u32;
	[bflag:$0x2] =	sbarrier.arrive $0xFFFF  }
0x27b: {  	p0 =	sne.s32 s0, $0x0;
	s0 =	rddreg [dreg:$0x1]  }
0x27c: {  	s0 =	sadd.s32 @!p0 $0x100000, s0  }
0x27d: {  	[sflag:s0] =	ssyncadd.tile.s32 @!p0 $0x1;
	_ =	shalt  }
.Lfunc_end2:
_tile_overlayer_lowered:
.L_overlay_start_2:
0x27e: {  	(tag) =	ssettag $0x2  }
0x27f: {  	s0 =	rddreg [dreg:$0x0];
	s2 =	stileid.u32  }
0x280: {  	s1 =	rddreg [dreg:$0x1];
	p0 =	sne.s32 s2, $0x0  }
0x281: {  	s3 =	rddreg [dreg:$0x2];
	[bflag:$0x3] =	sbarrier.arrive $0xFFFF;
	s2 =	simm.s32 @!p0 $0x1C02  }
0x282: {  	[timem:s3], [sflag:s2] =	dma.local @!p0 [hbm:s0], s1  }
0x283: {  	s0 =	simm.s32 @!p0 $0x2  }
0x284: {  	_ =	swait.ge @!p0 [sflag:s0], s1  }
0x285: {  	s1 =	ssub.s32 @!p0 $0x0, s1;
	[sflag:s0] =	ssyncset.done @!p0 $0x0  }
0x286: {  	[sflag:s0] =	ssyncadd.s32 @!p0 s1  }
0x287: {  	[bflag:$0x3] =	sbarrier.arrive $0xFFFF  }
0x288: {  	_ =	shalt  }

</sc_bundles>
